<compile_context>
chip_gen: v7x
topology: tpu7x:2x2x1
jax: 0.10.2.dev20260603
libtpu: 0.0.44.dev20260713+nightly
codegen_flags: <defaults>
</compile_context>

<pallas_src>
import functools

import jax
import jax.numpy as jnp
from jax import lax
from jax.experimental import pallas as pl
from jax.experimental.pallas import tpu as pltpu
from jax.experimental.pallas import tpu_sc as plsc

N = 10000
D = 128
E = 320000
NC = 2
NS = 16
NW = NC * NS
K = 128
CH = 80
CHP = 16
NPASS = CH // CHP
EPT = E // NW
PPT = CH * K - EPT
RPT = 640
NPAD = NS * RPT

_mesh = plsc.VectorSubcoreMesh(core_axis_name="c", subcore_axis_name="s")


NBLK = NPAD // 128
NFULL = N // 128
NTAIL = N - NFULL * 128


@functools.partial(
    pl.kernel,
    mesh=_mesh,
    out_type=jax.ShapeDtypeStruct((NW, NBLK, 128), jnp.float32),
    scratch_types=[
        pltpu.VMEM((CH, K), jnp.int32),
        pltpu.VMEM((NPAD,), jnp.float32),
    ],
    compiler_params=pltpu.CompilerParams(needs_layout_passes=False),
)
def _deg_kernel(dst_hbm, out_hbm, dst_v, hist_v):
    cid = lax.axis_index("c")
    sid = lax.axis_index("s")
    wid = cid * NS + sid
    pltpu.sync_copy(dst_hbm.at[wid], dst_v)
    zeros = jnp.zeros((16,), jnp.float32)

    def zbody(j, c):
        hist_v[pl.ds(j * 16, 16)] = zeros
        return c

    lax.fori_loop(0, NPAD // 16, zbody, 0)
    ones = jnp.ones((16,), jnp.float32)

    def body(j, c):
        for kk in range(K // 16):
            idx = dst_v[j, pl.ds(kk * 16, 16)]
            plsc.addupdate_scatter(hist_v, [idx], ones)
        return c

    lax.fori_loop(0, CH, body, 0)

    def wbody(j, c):
        pltpu.sync_copy(hist_v.at[pl.ds(j * 128, 128)], out_hbm.at[wid, j])
        return c

    lax.fori_loop(0, NBLK, wbody, 0)


@functools.partial(
    pl.kernel,
    mesh=_mesh,
    out_type=jax.ShapeDtypeStruct((NC, NPAD, D), jnp.float32),
    scratch_types=[
        pltpu.VMEM((CHP, K), jnp.int32),
        pltpu.VMEM((CHP, K), jnp.int32),
        pltpu.VMEM((K, D), jnp.float32),
        pltpu.VMEM((K, D), jnp.float32),
        pltpu.VMEM_SHARED((NPAD, D), jnp.float32),
        pltpu.SemaphoreType.DMA,
        pltpu.SemaphoreType.DMA,
    ],
)
def _agg_kernel(src_hbm, dst_hbm, g_hbm, zero_hbm, out_hbm,
                src_v, dst_v, buf0, buf1, agg_sh, sem0, sem1):
    cid = lax.axis_index("c")
    sid = lax.axis_index("s")
    wid = cid * NS + sid
    row0 = sid * RPT

    @pl.when(cid == 0)
    def _():
        pltpu.sync_copy(g_hbm.at[pl.ds(row0, RPT)],
                        agg_sh.at[pl.ds(row0, RPT)])

    @pl.when(cid != 0)
    def _():
        pltpu.sync_copy(zero_hbm.at[pl.ds(row0, RPT)],
                        agg_sh.at[pl.ds(row0, RPT)])

    plsc.subcore_barrier()

    for p in range(NPASS):
        pltpu.sync_copy(src_hbm.at[wid, pl.ds(p * CHP, CHP)], src_v)
        pltpu.sync_copy(dst_hbm.at[wid, pl.ds(p * CHP, CHP)], dst_v)

        def body(jj, carry):
            j0 = jj * 2
            j1 = j0 + 1
            h0 = pltpu.async_copy(g_hbm.at[src_v.at[j0]], buf0, sem0)
            h1 = pltpu.async_copy(g_hbm.at[src_v.at[j1]], buf1, sem1)
            h0.wait()
            pltpu.sync_copy(buf0, agg_sh.at[dst_v.at[j0]], add=True)
            h1.wait()
            pltpu.sync_copy(buf1, agg_sh.at[dst_v.at[j1]], add=True)
            return carry

        lax.fori_loop(0, CHP // 2, body, 0)
    plsc.subcore_barrier()
    pltpu.sync_copy(agg_sh.at[pl.ds(row0, RPT)],
                    out_hbm.at[cid, pl.ds(row0, RPT)])


def _dis_t(d2):
    deg = jnp.sum(d2, axis=0) + 1.0
    return jnp.transpose(lax.rsqrt(deg))


def _mm_body(x_ref, w_ref, h_ref):
    h_ref[...] = jnp.dot(x_ref[...], w_ref[...],
                         preferred_element_type=jnp.float32)


_mm_tc = pl.pallas_call(
    _mm_body, out_shape=jax.ShapeDtypeStruct((N, D), jnp.float32))


def _scale_body(h_ref, d2_ref, g_ref):
    dis_t = _dis_t(d2_ref[...])
    for c in range(NFULL):
        g_ref[c * 128:(c + 1) * 128, :] = (
            h_ref[c * 128:(c + 1) * 128, :] * dis_t[:, c:c + 1])
    g_ref[NFULL * 128:N, :] = (
        h_ref[NFULL * 128:N, :] * dis_t[:NTAIL, NFULL:NFULL + 1])
    g_ref[N:, :] = jnp.zeros((NPAD - N, D), jnp.float32)


_scale_tc = pl.pallas_call(
    _scale_body, out_shape=jax.ShapeDtypeStruct((NPAD, D), jnp.float32))

_SQRT_HALF = 0.7071067811865476


def _post_body(p_ref, x_ref, d2_ref, b_ref, gam_ref, bet_ref, y_ref):
    dis_t = _dis_t(d2_ref[...])
    for c in range(NFULL):
        sl = slice(c * 128, (c + 1) * 128)
        t = p_ref[0, sl, :] + p_ref[1, sl, :]
        y_ref[sl, :] = t * dis_t[:, c:c + 1] + b_ref[...]
    sl = slice(NFULL * 128, N)
    t = p_ref[0, sl, :] + p_ref[1, sl, :]
    y_ref[sl, :] = t * dis_t[:NTAIL, NFULL:NFULL + 1] + b_ref[...]
    gcn = y_ref[...]
    mu = jnp.mean(gcn, axis=0, keepdims=True)
    cen = gcn - mu
    var = jnp.mean(cen * cen, axis=0, keepdims=True)
    bn = gam_ref[...] * cen * lax.rsqrt(var + 1e-5) + bet_ref[...]
    z = bn + x_ref[...]
    y_ref[...] = 0.5 * z * (1.0 + lax.erf(z * _SQRT_HALF))


_post_tc = pl.pallas_call(
    _post_body, out_shape=jax.ShapeDtypeStruct((N, D), jnp.float32))


def kernel(x, edge_index, W, b, gamma, beta):
    src = edge_index[0].astype(jnp.int32)
    dst = edge_index[1].astype(jnp.int32)
    pad_src = jnp.broadcast_to(jnp.arange(PPT, dtype=jnp.int32) % K, (NW, PPT))
    pad_dst = jnp.broadcast_to(N + jnp.arange(PPT, dtype=jnp.int32) % K,
                               (NW, PPT))
    srcp = jnp.concatenate([src.reshape(NW, EPT), pad_src], axis=1
                           ).reshape(NW, CH, K)
    dstp = jnp.concatenate([dst.reshape(NW, EPT), pad_dst], axis=1
                           ).reshape(NW, CH, K)
    zerosD = jnp.zeros((NPAD, D), jnp.float32)

    d2 = _deg_kernel(dstp)
    h = _mm_tc(x, W)
    g = _scale_tc(h, d2)
    p = _agg_kernel(srcp, dstp, g, zerosD)
    return _post_tc(p, x, d2,
                    b.reshape(1, D), gamma.reshape(1, D), beta.reshape(1, D))

# --- scband reference (transcript-rebuilt; emitter-appended) ---
"""Pipeline reference for scband-gcnblock-83580063580898 (READ-ONLY COPY).

The authoritative reference and input builder live on the scoring server;
editing this copy changes nothing except your own understanding.
"""

import jax, jax.numpy as jnp
import numpy as np

N_NODES = 10000
N_EDGES = 320000
D = 128

def setup_inputs(seed: int = 0) -> dict:
    key = jax.random.key(seed)
    k1, k2, k3, k4 = jax.random.split(key, 4)
    x = jax.random.normal(k1, (N_NODES, D), dtype=jnp.float32)
    edge_index = jax.random.randint(k2, (2, N_EDGES), 0, N_NODES, dtype=jnp.int64)
    # GCNConv linear weight (no bias inside lin; bias added after aggregation, PyG default)
    W = jax.random.normal(k3, (D, D), dtype=jnp.float32) * (1.0 / np.sqrt(D))
    b = jnp.zeros((D,), dtype=jnp.float32)
    # BatchNorm1d affine params
    gamma = jnp.ones((D,), dtype=jnp.float32)
    beta = jnp.zeros((D,), dtype=jnp.float32)
    return {"x": x, "edge_index": edge_index, "W": W, "b": b, "gamma": gamma, "beta": beta}

def reference(x, edge_index, W, b, gamma, beta):
    N = x.shape[0]
    src = edge_index[0]
    dst = edge_index[1]
    # add self-loops (GCNConv default add_self_loops=True)
    loop = jnp.arange(N, dtype=edge_index.dtype)
    src2 = jnp.concatenate([src, loop])
    dst2 = jnp.concatenate([dst, loop])
    # linear transform first (PyG GCNConv: x = self.lin(x))
    h = x @ W
    # symmetric normalization: D^{-1/2} (A+I) D^{-1/2}
    ones = jnp.ones_like(dst2, dtype=h.dtype)
    deg = jax.ops.segment_sum(ones, dst2, num_segments=N)
    deg_inv_sqrt = jnp.where(deg > 0, 1.0 / jnp.sqrt(deg), 0.0)
    norm = deg_inv_sqrt[src2] * deg_inv_sqrt[dst2]
    # gather messages from src, scale, scatter-add to dst
    msg = h[src2] * norm[:, None]
    agg = jax.ops.segment_sum(msg, dst2, num_segments=N)
    gcn_out = agg + b
    # BatchNorm1d (training mode: batch statistics over node dim, biased var)
    mu = jnp.mean(gcn_out, axis=0)
    var = jnp.var(gcn_out, axis=0)
    bn = gamma * (gcn_out - mu) / jnp.sqrt(var + 1e-5) + beta
    # residual: in_c == out_c -> nn.Identity()
    y = jax.nn.gelu(bn + x, approximate=False)
    # dropout is identity in eval / for deterministic reference
    return y

if __name__ == "__main__":
    import jax
    _d = setup_inputs()
    print(jax.jit(kernel)(*tuple(_d.values())))

</pallas_src>

<mosaic_0001>
#map = affine_map<(d0, d1) -> (0, 0, 0)>
#map1 = affine_map<(d0, d1) -> (0, 0)>
module attributes {stable_mosaic.version = 14 : i64} {
  func.func @_agg_kernel(%arg0: i32, %arg1: i32, %arg2: memref<32x80x128xi32, #tpu.memory_space<hbm>>, %arg3: memref<32x80x128xi32, #tpu.memory_space<hbm>>, %arg4: memref<10240x128xf32, #tpu.memory_space<hbm>>, %arg5: memref<10240x128xf32, #tpu.memory_space<hbm>>, %arg6: memref<2x10240x128xf32, #tpu.memory_space<hbm>>, %arg7: memref<16x128xi32, #tpu.memory_space<vmem>>, %arg8: memref<16x128xi32, #tpu.memory_space<vmem>>, %arg9: memref<128x128xf32, #tpu.memory_space<vmem>>, %arg10: memref<128x128xf32, #tpu.memory_space<vmem>>, %arg11: memref<10240x128xf32, #tpu.memory_space<vmem_shared>>, %arg12: memref<!tpu.dma_semaphore, #tpu.memory_space<semaphore_mem>>, %arg13: memref<!tpu.dma_semaphore, #tpu.memory_space<semaphore_mem>>) attributes {dimension_semantics = [#tpu.dimension_semantics<core_parallel>, #tpu.dimension_semantics<subcore_parallel>], iteration_bounds = array<i64: 2, 16>, scalar_prefetch = 0 : i64, scratch_operands = 7 : i64, tpu.core_type = #tpu.core_type<sc_vector_subcore>, window_params = [{transform_indices = #map}, {transform_indices = #map}, {transform_indices = #map1}, {transform_indices = #map1}, {transform_indices = #map}]} {
    %mul3A = arith.constant 16 : i32
    %mul3A_0 = arith.muli %arg0, %mul3A : i32
    %add3A = arith.addi %mul3A_0, %arg1 : i32
    %mul3A_1 = arith.constant 640 : i32
    %mul3A_2 = arith.muli %arg1, %mul3A_1 : i32
    %eq3A = arith.constant 0 : i32
    %eq3A_3 = arith.cmpi eq, %arg0, %eq3A : i32
    %convert_element_type3A = arith.extui %eq3A_3 : i1 to i32
    %cond3A = arith.constant 0 : i32
    %cond3A_4 = arith.cmpi ne, %convert_element_type3A, %cond3A : i32
    scf.if %cond3A_4 {
      "tpu.region"() ({
        %run_scoped3A = tpu.sem_alloc : memref<!tpu.dma_semaphore, #tpu.memory_space<semaphore_mem>>
        %dma_start3A = arith.constant 0 : i32
        %dma_start3A_39 = tpu.memref_slice %arg11[%mul3A_2, %dma_start3A] : memref<10240x128xf32, #tpu.memory_space<vmem_shared>> -> memref<640x128xf32, #tpu.memory_space<vmem_shared>>
        %dma_start3A_40 = arith.constant 0 : i32
        %dma_start3A_41 = tpu.memref_slice %arg4[%mul3A_2, %dma_start3A_40] : memref<10240x128xf32, #tpu.memory_space<hbm>> -> memref<640x128xf32, #tpu.memory_space<hbm>>
        tpu.enqueue_dma source(%dma_start3A_41 : memref<640x128xf32, #tpu.memory_space<hbm>>) target(%dma_start3A_39 : memref<640x128xf32, #tpu.memory_space<vmem_shared>>) target_semaphore(%run_scoped3A : memref<!tpu.dma_semaphore, #tpu.memory_space<semaphore_mem>>)
        %dma_wait3A = arith.constant 0 : i32
        %dma_wait3A_42 = tpu.memref_slice %arg11[%mul3A_2, %dma_wait3A] : memref<10240x128xf32, #tpu.memory_space<vmem_shared>> -> memref<640x128xf32, #tpu.memory_space<vmem_shared>>
        %dma_wait3A_43 = arith.constant 0 : i32
        %dma_wait3A_44 = tpu.memref_slice %arg4[%mul3A_2, %dma_wait3A_43] : memref<10240x128xf32, #tpu.memory_space<hbm>> -> memref<640x128xf32, #tpu.memory_space<hbm>>
        tpu.wait_dma2 semaphore(%run_scoped3A : memref<!tpu.dma_semaphore, #tpu.memory_space<semaphore_mem>>) src(%dma_wait3A_44 : memref<640x128xf32, #tpu.memory_space<hbm>>) dst(%dma_wait3A_42 : memref<640x128xf32, #tpu.memory_space<vmem_shared>>)
        tpu.yield
      }) : () -> ()
    } else {
    }
    %ne3A = arith.constant 0 : i32
    %ne3A_5 = arith.cmpi ne, %arg0, %ne3A : i32
    %convert_element_type3A_6 = arith.extui %ne3A_5 : i1 to i32
    %cond3A_7 = arith.constant 0 : i32
    %cond3A_8 = arith.cmpi ne, %convert_element_type3A_6, %cond3A_7 : i32
    scf.if %cond3A_8 {
      "tpu.region"() ({
        %run_scoped3A = tpu.sem_alloc : memref<!tpu.dma_semaphore, #tpu.memory_space<semaphore_mem>>
        %dma_start3A = arith.constant 0 : i32
        %dma_start3A_39 = tpu.memref_slice %arg11[%mul3A_2, %dma_start3A] : memref<10240x128xf32, #tpu.memory_space<vmem_shared>> -> memref<640x128xf32, #tpu.memory_space<vmem_shared>>
        %dma_start3A_40 = arith.constant 0 : i32
        %dma_start3A_41 = tpu.memref_slice %arg5[%mul3A_2, %dma_start3A_40] : memref<10240x128xf32, #tpu.memory_space<hbm>> -> memref<640x128xf32, #tpu.memory_space<hbm>>
        tpu.enqueue_dma source(%dma_start3A_41 : memref<640x128xf32, #tpu.memory_space<hbm>>) target(%dma_start3A_39 : memref<640x128xf32, #tpu.memory_space<vmem_shared>>) target_semaphore(%run_scoped3A : memref<!tpu.dma_semaphore, #tpu.memory_space<semaphore_mem>>)
        %dma_wait3A = arith.constant 0 : i32
        %dma_wait3A_42 = tpu.memref_slice %arg11[%mul3A_2, %dma_wait3A] : memref<10240x128xf32, #tpu.memory_space<vmem_shared>> -> memref<640x128xf32, #tpu.memory_space<vmem_shared>>
        %dma_wait3A_43 = arith.constant 0 : i32
        %dma_wait3A_44 = tpu.memref_slice %arg5[%mul3A_2, %dma_wait3A_43] : memref<10240x128xf32, #tpu.memory_space<hbm>> -> memref<640x128xf32, #tpu.memory_space<hbm>>
        tpu.wait_dma2 semaphore(%run_scoped3A : memref<!tpu.dma_semaphore, #tpu.memory_space<semaphore_mem>>) src(%dma_wait3A_44 : memref<640x128xf32, #tpu.memory_space<hbm>>) dst(%dma_wait3A_42 : memref<640x128xf32, #tpu.memory_space<vmem_shared>>)
        tpu.yield
      }) : () -> ()
    } else {
    }
    %barrier3A = arith.constant 0 : index
    tpu.barrier barrier_id(%barrier3A)
    "tpu.region"() ({
      %run_scoped3A = tpu.sem_alloc : memref<!tpu.dma_semaphore, #tpu.memory_space<semaphore_mem>>
      %dma_start3A = arith.constant 0 : i32
      %dma_start3A_39 = arith.constant 0 : i32
      %dma_start3A_40 = tpu.memref_slice %arg2[%add3A, %dma_start3A, %dma_start3A_39] : memref<32x80x128xi32, #tpu.memory_space<hbm>> -> memref<1x16x128xi32, #tpu.memory_space<hbm>>
      %dma_start3A_41 = tpu.memref_squeeze %dma_start3A_40 : memref<1x16x128xi32, #tpu.memory_space<hbm>> -> memref<16x128xi32, #tpu.memory_space<hbm>>
      %dma_start3A_42 = arith.constant 0 : i32
      %dma_start3A_43 = arith.constant 0 : i32
      %dma_start3A_44 = tpu.memref_slice %arg2[%add3A, %dma_start3A_42, %dma_start3A_43] : memref<32x80x128xi32, #tpu.memory_space<hbm>> -> memref<1x16x128xi32, #tpu.memory_space<hbm>>
      %dma_start3A_45 = tpu.memref_squeeze %dma_start3A_44 : memref<1x16x128xi32, #tpu.memory_space<hbm>> -> memref<16x128xi32, #tpu.memory_space<hbm>>
      tpu.enqueue_dma source(%dma_start3A_45 : memref<16x128xi32, #tpu.memory_space<hbm>>) target(%arg7 : memref<16x128xi32, #tpu.memory_space<vmem>>) target_semaphore(%run_scoped3A : memref<!tpu.dma_semaphore, #tpu.memory_space<semaphore_mem>>)
      %dma_wait3A = arith.constant 0 : i32
      %dma_wait3A_46 = arith.constant 0 : i32
      %dma_wait3A_47 = tpu.memref_slice %arg2[%add3A, %dma_wait3A, %dma_wait3A_46] : memref<32x80x128xi32, #tpu.memory_space<hbm>> -> memref<1x16x128xi32, #tpu.memory_space<hbm>>
      %dma_wait3A_48 = tpu.memref_squeeze %dma_wait3A_47 : memref<1x16x128xi32, #tpu.memory_space<hbm>> -> memref<16x128xi32, #tpu.memory_space<hbm>>
      %dma_wait3A_49 = arith.constant 0 : i32
      %dma_wait3A_50 = arith.constant 0 : i32
      %dma_wait3A_51 = tpu.memref_slice %arg2[%add3A, %dma_wait3A_49, %dma_wait3A_50] : memref<32x80x128xi32, #tpu.memory_space<hbm>> -> memref<1x16x128xi32, #tpu.memory_space<hbm>>
      %dma_wait3A_52 = tpu.memref_squeeze %dma_wait3A_51 : memref<1x16x128xi32, #tpu.memory_space<hbm>> -> memref<16x128xi32, #tpu.memory_space<hbm>>
      tpu.wait_dma2 semaphore(%run_scoped3A : memref<!tpu.dma_semaphore, #tpu.memory_space<semaphore_mem>>) src(%dma_wait3A_52 : memref<16x128xi32, #tpu.memory_space<hbm>>) dst(%arg7 : memref<16x128xi32, #tpu.memory_space<vmem>>)
      tpu.yield
    }) : () -> ()
    "tpu.region"() ({
      %run_scoped3A = tpu.sem_alloc : memref<!tpu.dma_semaphore, #tpu.memory_space<semaphore_mem>>
      %dma_start3A = arith.constant 0 : i32
      %dma_start3A_39 = arith.constant 0 : i32
      %dma_start3A_40 = tpu.memref_slice %arg3[%add3A, %dma_start3A, %dma_start3A_39] : memref<32x80x128xi32, #tpu.memory_space<hbm>> -> memref<1x16x128xi32, #tpu.memory_space<hbm>>
      %dma_start3A_41 = tpu.memref_squeeze %dma_start3A_40 : memref<1x16x128xi32, #tpu.memory_space<hbm>> -> memref<16x128xi32, #tpu.memory_space<hbm>>
      %dma_start3A_42 = arith.constant 0 : i32
      %dma_start3A_43 = arith.constant 0 : i32
      %dma_start3A_44 = tpu.memref_slice %arg3[%add3A, %dma_start3A_42, %dma_start3A_43] : memref<32x80x128xi32, #tpu.memory_space<hbm>> -> memref<1x16x128xi32, #tpu.memory_space<hbm>>
      %dma_start3A_45 = tpu.memref_squeeze %dma_start3A_44 : memref<1x16x128xi32, #tpu.memory_space<hbm>> -> memref<16x128xi32, #tpu.memory_space<hbm>>
      tpu.enqueue_dma source(%dma_start3A_45 : memref<16x128xi32, #tpu.memory_space<hbm>>) target(%arg8 : memref<16x128xi32, #tpu.memory_space<vmem>>) target_semaphore(%run_scoped3A : memref<!tpu.dma_semaphore, #tpu.memory_space<semaphore_mem>>)
      %dma_wait3A = arith.constant 0 : i32
      %dma_wait3A_46 = arith.constant 0 : i32
      %dma_wait3A_47 = tpu.memref_slice %arg3[%add3A, %dma_wait3A, %dma_wait3A_46] : memref<32x80x128xi32, #tpu.memory_space<hbm>> -> memref<1x16x128xi32, #tpu.memory_space<hbm>>
      %dma_wait3A_48 = tpu.memref_squeeze %dma_wait3A_47 : memref<1x16x128xi32, #tpu.memory_space<hbm>> -> memref<16x128xi32, #tpu.memory_space<hbm>>
      %dma_wait3A_49 = arith.constant 0 : i32
      %dma_wait3A_50 = arith.constant 0 : i32
      %dma_wait3A_51 = tpu.memref_slice %arg3[%add3A, %dma_wait3A_49, %dma_wait3A_50] : memref<32x80x128xi32, #tpu.memory_space<hbm>> -> memref<1x16x128xi32, #tpu.memory_space<hbm>>
      %dma_wait3A_52 = tpu.memref_squeeze %dma_wait3A_51 : memref<1x16x128xi32, #tpu.memory_space<hbm>> -> memref<16x128xi32, #tpu.memory_space<hbm>>
      tpu.wait_dma2 semaphore(%run_scoped3A : memref<!tpu.dma_semaphore, #tpu.memory_space<semaphore_mem>>) src(%dma_wait3A_52 : memref<16x128xi32, #tpu.memory_space<hbm>>) dst(%arg8 : memref<16x128xi32, #tpu.memory_space<vmem>>)
      tpu.yield
    }) : () -> ()
    %scan3A = arith.constant 0 : i32
    %scan3A_9 = arith.constant 0 : i32
    %scan3A_10 = arith.constant 8 : i32
    %scan3A_11 = arith.addi %scan3A_9, %scan3A_10 : i32
    %scan3A_12 = arith.constant 1 : i32
    scf.for %scan3A_39 = %scan3A_9 to %scan3A_11 step %scan3A_12  : i32 {
      %mul3A_40 = arith.constant 2 : i32
      %mul3A_41 = arith.muli %scan3A_39, %mul3A_40 : i32
      %add3A_42 = arith.constant 1 : i32
      %add3A_43 = arith.addi %mul3A_41, %add3A_42 : i32
      %dma_start3A = arith.constant 0 : i32
      %dma_start3A_44 = tpu.memref_slice %arg7[%mul3A_41, %dma_start3A] : memref<16x128xi32, #tpu.memory_space<vmem>> -> memref<1x128xi32, #tpu.memory_space<vmem>>
      %dma_start3A_45 = tpu.memref_squeeze %dma_start3A_44 : memref<1x128xi32, #tpu.memory_space<vmem>> -> memref<128xi32, #tpu.memory_space<vmem>>
      %dma_start3A_46 = arith.constant 0 : i32
      %dma_start3A_47 = arith.constant 0 : i32
      %dma_start3A_48 = tpu.memref_slice %arg4[%dma_start3A_46, %dma_start3A_47] : memref<10240x128xf32, #tpu.memory_space<hbm>> -> memref<10240x128xf32, #tpu.memory_space<hbm>>
      tpu.enqueue_indirect_dma source(%dma_start3A_48 : memref<10240x128xf32, #tpu.memory_space<hbm>>) target(%arg9 : memref<128x128xf32, #tpu.memory_space<vmem>>) offsets(%dma_start3A_45 : memref<128xi32, #tpu.memory_space<vmem>>) semaphore(%arg12 : memref<!tpu.dma_semaphore, #tpu.memory_space<semaphore_mem>>)
      %dma_start3A_49 = arith.constant 0 : i32
      %dma_start3A_50 = tpu.memref_slice %arg7[%add3A_43, %dma_start3A_49] : memref<16x128xi32, #tpu.memory_space<vmem>> -> memref<1x128xi32, #tpu.memory_space<vmem>>
      %dma_start3A_51 = tpu.memref_squeeze %dma_start3A_50 : memref<1x128xi32, #tpu.memory_space<vmem>> -> memref<128xi32, #tpu.memory_space<vmem>>
      %dma_start3A_52 = arith.constant 0 : i32
      %dma_start3A_53 = arith.constant 0 : i32
      %dma_start3A_54 = tpu.memref_slice %arg4[%dma_start3A_52, %dma_start3A_53] : memref<10240x128xf32, #tpu.memory_space<hbm>> -> memref<10240x128xf32, #tpu.memory_space<hbm>>
      tpu.enqueue_indirect_dma source(%dma_start3A_54 : memref<10240x128xf32, #tpu.memory_space<hbm>>) target(%arg10 : memref<128x128xf32, #tpu.memory_space<vmem>>) offsets(%dma_start3A_51 : memref<128xi32, #tpu.memory_space<vmem>>) semaphore(%arg13 : memref<!tpu.dma_semaphore, #tpu.memory_space<semaphore_mem>>)
      %dma_wait3A = arith.constant 0 : i32
      %dma_wait3A_55 = tpu.memref_slice %arg7[%mul3A_41, %dma_wait3A] : memref<16x128xi32, #tpu.memory_space<vmem>> -> memref<1x128xi32, #tpu.memory_space<vmem>>
      %dma_wait3A_56 = tpu.memref_squeeze %dma_wait3A_55 : memref<1x128xi32, #tpu.memory_space<vmem>> -> memref<128xi32, #tpu.memory_space<vmem>>
      %dma_wait3A_57 = arith.constant 0 : i32
      %dma_wait3A_58 = arith.constant 0 : i32
      %dma_wait3A_59 = tpu.memref_slice %arg4[%dma_wait3A_57, %dma_wait3A_58] : memref<10240x128xf32, #tpu.memory_space<hbm>> -> memref<10240x128xf32, #tpu.memory_space<hbm>>
      tpu.wait_indirect_dma semaphore(%arg12 : memref<!tpu.dma_semaphore, #tpu.memory_space<semaphore_mem>>) src(%dma_wait3A_59 : memref<10240x128xf32, #tpu.memory_space<hbm>>) dst(%arg9 : memref<128x128xf32, #tpu.memory_space<vmem>>)
      "tpu.region"() ({
        %run_scoped3A = tpu.sem_alloc : memref<!tpu.dma_semaphore, #tpu.memory_space<semaphore_mem>>
        %dma_start3A_66 = arith.constant 0 : i32
        %dma_start3A_67 = tpu.memref_slice %arg8[%mul3A_41, %dma_start3A_66] : memref<16x128xi32, #tpu.memory_space<vmem>> -> memref<1x128xi32, #tpu.memory_space<vmem>>
        %dma_start3A_68 = tpu.memref_squeeze %dma_start3A_67 : memref<1x128xi32, #tpu.memory_space<vmem>> -> memref<128xi32, #tpu.memory_space<vmem>>
        %dma_start3A_69 = arith.constant 0 : i32
        %dma_start3A_70 = arith.constant 0 : i32
        %dma_start3A_71 = tpu.memref_slice %arg11[%dma_start3A_69, %dma_start3A_70] : memref<10240x128xf32, #tpu.memory_space<vmem_shared>> -> memref<10240x128xf32, #tpu.memory_space<vmem_shared>>
        tpu.enqueue_indirect_dma source(%arg9 : memref<128x128xf32, #tpu.memory_space<vmem>>) target(%dma_start3A_71 : memref<10240x128xf32, #tpu.memory_space<vmem_shared>>) offsets(%dma_start3A_68 : memref<128xi32, #tpu.memory_space<vmem>>) semaphore(%run_scoped3A : memref<!tpu.dma_semaphore, #tpu.memory_space<semaphore_mem>>) {add = true}
        %dma_wait3A_72 = arith.constant 0 : i32
        %dma_wait3A_73 = tpu.memref_slice %arg8[%mul3A_41, %dma_wait3A_72] : memref<16x128xi32, #tpu.memory_space<vmem>> -> memref<1x128xi32, #tpu.memory_space<vmem>>
        %dma_wait3A_74 = tpu.memref_squeeze %dma_wait3A_73 : memref<1x128xi32, #tpu.memory_space<vmem>> -> memref<128xi32, #tpu.memory_space<vmem>>
        %dma_wait3A_75 = arith.constant 0 : i32
        %dma_wait3A_76 = arith.constant 0 : i32
        %dma_wait3A_77 = tpu.memref_slice %arg11[%dma_wait3A_75, %dma_wait3A_76] : memref<10240x128xf32, #tpu.memory_space<vmem_shared>> -> memref<10240x128xf32, #tpu.memory_space<vmem_shared>>
        tpu.wait_indirect_dma semaphore(%run_scoped3A : memref<!tpu.dma_semaphore, #tpu.memory_space<semaphore_mem>>) src(%arg9 : memref<128x128xf32, #tpu.memory_space<vmem>>) dst(%dma_wait3A_77 : memref<10240x128xf32, #tpu.memory_space<vmem_shared>>)
        tpu.yield
      }) : () -> ()
      %dma_wait3A_60 = arith.constant 0 : i32
      %dma_wait3A_61 = tpu.memref_slice %arg7[%add3A_43, %dma_wait3A_60] : memref<16x128xi32, #tpu.memory_space<vmem>> -> memref<1x128xi32, #tpu.memory_space<vmem>>
      %dma_wait3A_62 = tpu.memref_squeeze %dma_wait3A_61 : memref<1x128xi32, #tpu.memory_space<vmem>> -> memref<128xi32, #tpu.memory_space<vmem>>
      %dma_wait3A_63 = arith.constant 0 : i32
      %dma_wait3A_64 = arith.constant 0 : i32
      %dma_wait3A_65 = tpu.memref_slice %arg4[%dma_wait3A_63, %dma_wait3A_64] : memref<10240x128xf32, #tpu.memory_space<hbm>> -> memref<10240x128xf32, #tpu.memory_space<hbm>>
      tpu.wait_indirect_dma semaphore(%arg13 : memref<!tpu.dma_semaphore, #tpu.memory_space<semaphore_mem>>) src(%dma_wait3A_65 : memref<10240x128xf32, #tpu.memory_space<hbm>>) dst(%arg10 : memref<128x128xf32, #tpu.memory_space<vmem>>)
      "tpu.region"() ({
        %run_scoped3A = tpu.sem_alloc : memref<!tpu.dma_semaphore, #tpu.memory_space<semaphore_mem>>
        %dma_start3A_66 = arith.constant 0 : i32
        %dma_start3A_67 = tpu.memref_slice %arg8[%add3A_43, %dma_start3A_66] : memref<16x128xi32, #tpu.memory_space<vmem>> -> memref<1x128xi32, #tpu.memory_space<vmem>>
        %dma_start3A_68 = tpu.memref_squeeze %dma_start3A_67 : memref<1x128xi32, #tpu.memory_space<vmem>> -> memref<128xi32, #tpu.memory_space<vmem>>
        %dma_start3A_69 = arith.constant 0 : i32
        %dma_start3A_70 = arith.constant 0 : i32
        %dma_start3A_71 = tpu.memref_slice %arg11[%dma_start3A_69, %dma_start3A_70] : memref<10240x128xf32, #tpu.memory_space<vmem_shared>> -> memref<10240x128xf32, #tpu.memory_space<vmem_shared>>
        tpu.enqueue_indirect_dma source(%arg10 : memref<128x128xf32, #tpu.memory_space<vmem>>) target(%dma_start3A_71 : memref<10240x128xf32, #tpu.memory_space<vmem_shared>>) offsets(%dma_start3A_68 : memref<128xi32, #tpu.memory_space<vmem>>) semaphore(%run_scoped3A : memref<!tpu.dma_semaphore, #tpu.memory_space<semaphore_mem>>) {add = true}
        %dma_wait3A_72 = arith.constant 0 : i32
        %dma_wait3A_73 = tpu.memref_slice %arg8[%add3A_43, %dma_wait3A_72] : memref<16x128xi32, #tpu.memory_space<vmem>> -> memref<1x128xi32, #tpu.memory_space<vmem>>
        %dma_wait3A_74 = tpu.memref_squeeze %dma_wait3A_73 : memref<1x128xi32, #tpu.memory_space<vmem>> -> memref<128xi32, #tpu.memory_space<vmem>>
        %dma_wait3A_75 = arith.constant 0 : i32
        %dma_wait3A_76 = arith.constant 0 : i32
        %dma_wait3A_77 = tpu.memref_slice %arg11[%dma_wait3A_75, %dma_wait3A_76] : memref<10240x128xf32, #tpu.memory_space<vmem_shared>> -> memref<10240x128xf32, #tpu.memory_space<vmem_shared>>
        tpu.wait_indirect_dma semaphore(%run_scoped3A : memref<!tpu.dma_semaphore, #tpu.memory_space<semaphore_mem>>) src(%arg10 : memref<128x128xf32, #tpu.memory_space<vmem>>) dst(%dma_wait3A_77 : memref<10240x128xf32, #tpu.memory_space<vmem_shared>>)
        tpu.yield
      }) : () -> ()
    }
    %scan3A_13 = arith.constant 8 : i32
    "tpu.region"() ({
      %run_scoped3A = tpu.sem_alloc : memref<!tpu.dma_semaphore, #tpu.memory_space<semaphore_mem>>
      %dma_start3A = arith.constant 16 : i32
      %dma_start3A_39 = arith.constant 0 : i32
      %dma_start3A_40 = tpu.memref_slice %arg2[%add3A, %dma_start3A, %dma_start3A_39] : memref<32x80x128xi32, #tpu.memory_space<hbm>> -> memref<1x16x128xi32, #tpu.memory_space<hbm>>
      %dma_start3A_41 = tpu.memref_squeeze %dma_start3A_40 : memref<1x16x128xi32, #tpu.memory_space<hbm>> -> memref<16x128xi32, #tpu.memory_space<hbm>>
      %dma_start3A_42 = arith.constant 16 : i32
      %dma_start3A_43 = arith.constant 0 : i32
      %dma_start3A_44 = tpu.memref_slice %arg2[%add3A, %dma_start3A_42, %dma_start3A_43] : memref<32x80x128xi32, #tpu.memory_space<hbm>> -> memref<1x16x128xi32, #tpu.memory_space<hbm>>
      %dma_start3A_45 = tpu.memref_squeeze %dma_start3A_44 : memref<1x16x128xi32, #tpu.memory_space<hbm>> -> memref<16x128xi32, #tpu.memory_space<hbm>>
      tpu.enqueue_dma source(%dma_start3A_45 : memref<16x128xi32, #tpu.memory_space<hbm>>) target(%arg7 : memref<16x128xi32, #tpu.memory_space<vmem>>) target_semaphore(%run_scoped3A : memref<!tpu.dma_semaphore, #tpu.memory_space<semaphore_mem>>)
      %dma_wait3A = arith.constant 16 : i32
      %dma_wait3A_46 = arith.constant 0 : i32
      %dma_wait3A_47 = tpu.memref_slice %arg2[%add3A, %dma_wait3A, %dma_wait3A_46] : memref<32x80x128xi32, #tpu.memory_space<hbm>> -> memref<1x16x128xi32, #tpu.memory_space<hbm>>
      %dma_wait3A_48 = tpu.memref_squeeze %dma_wait3A_47 : memref<1x16x128xi32, #tpu.memory_space<hbm>> -> memref<16x128xi32, #tpu.memory_space<hbm>>
      %dma_wait3A_49 = arith.constant 16 : i32
      %dma_wait3A_50 = arith.constant 0 : i32
      %dma_wait3A_51 = tpu.memref_slice %arg2[%add3A, %dma_wait3A_49, %dma_wait3A_50] : memref<32x80x128xi32, #tpu.memory_space<hbm>> -> memref<1x16x128xi32, #tpu.memory_space<hbm>>
      %dma_wait3A_52 = tpu.memref_squeeze %dma_wait3A_51 : memref<1x16x128xi32, #tpu.memory_space<hbm>> -> memref<16x128xi32, #tpu.memory_space<hbm>>
      tpu.wait_dma2 semaphore(%run_scoped3A : memref<!tpu.dma_semaphore, #tpu.memory_space<semaphore_mem>>) src(%dma_wait3A_52 : memref<16x128xi32, #tpu.memory_space<hbm>>) dst(%arg7 : memref<16x128xi32, #tpu.memory_space<vmem>>)
      tpu.yield
    }) : () -> ()
    "tpu.region"() ({
      %run_scoped3A = tpu.sem_alloc : memref<!tpu.dma_semaphore, #tpu.memory_space<semaphore_mem>>
      %dma_start3A = arith.constant 16 : i32
      %dma_start3A_39 = arith.constant 0 : i32
      %dma_start3A_40 = tpu.memref_slice %arg3[%add3A, %dma_start3A, %dma_start3A_39] : memref<32x80x128xi32, #tpu.memory_space<hbm>> -> memref<1x16x128xi32, #tpu.memory_space<hbm>>
      %dma_start3A_41 = tpu.memref_squeeze %dma_start3A_40 : memref<1x16x128xi32, #tpu.memory_space<hbm>> -> memref<16x128xi32, #tpu.memory_space<hbm>>
      %dma_start3A_42 = arith.constant 16 : i32
      %dma_start3A_43 = arith.constant 0 : i32
      %dma_start3A_44 = tpu.memref_slice %arg3[%add3A, %dma_start3A_42, %dma_start3A_43] : memref<32x80x128xi32, #tpu.memory_space<hbm>> -> memref<1x16x128xi32, #tpu.memory_space<hbm>>
      %dma_start3A_45 = tpu.memref_squeeze %dma_start3A_44 : memref<1x16x128xi32, #tpu.memory_space<hbm>> -> memref<16x128xi32, #tpu.memory_space<hbm>>
      tpu.enqueue_dma source(%dma_start3A_45 : memref<16x128xi32, #tpu.memory_space<hbm>>) target(%arg8 : memref<16x128xi32, #tpu.memory_space<vmem>>) target_semaphore(%run_scoped3A : memref<!tpu.dma_semaphore, #tpu.memory_space<semaphore_mem>>)
      %dma_wait3A = arith.constant 16 : i32
      %dma_wait3A_46 = arith.constant 0 : i32
      %dma_wait3A_47 = tpu.memref_slice %arg3[%add3A, %dma_wait3A, %dma_wait3A_46] : memref<32x80x128xi32, #tpu.memory_space<hbm>> -> memref<1x16x128xi32, #tpu.memory_space<hbm>>
      %dma_wait3A_48 = tpu.memref_squeeze %dma_wait3A_47 : memref<1x16x128xi32, #tpu.memory_space<hbm>> -> memref<16x128xi32, #tpu.memory_space<hbm>>
      %dma_wait3A_49 = arith.constant 16 : i32
      %dma_wait3A_50 = arith.constant 0 : i32
      %dma_wait3A_51 = tpu.memref_slice %arg3[%add3A, %dma_wait3A_49, %dma_wait3A_50] : memref<32x80x128xi32, #tpu.memory_space<hbm>> -> memref<1x16x128xi32, #tpu.memory_space<hbm>>
      %dma_wait3A_52 = tpu.memref_squeeze %dma_wait3A_51 : memref<1x16x128xi32, #tpu.memory_space<hbm>> -> memref<16x128xi32, #tpu.memory_space<hbm>>
      tpu.wait_dma2 semaphore(%run_scoped3A : memref<!tpu.dma_semaphore, #tpu.memory_space<semaphore_mem>>) src(%dma_wait3A_52 : memref<16x128xi32, #tpu.memory_space<hbm>>) dst(%arg8 : memref<16x128xi32, #tpu.memory_space<vmem>>)
      tpu.yield
    }) : () -> ()
    %scan3A_14 = arith.constant 0 : i32
    %scan3A_15 = arith.constant 0 : i32
    %scan3A_16 = arith.constant 8 : i32
    %scan3A_17 = arith.addi %scan3A_15, %scan3A_16 : i32
    %scan3A_18 = arith.constant 1 : i32
    scf.for %scan3A_39 = %scan3A_15 to %scan3A_17 step %scan3A_18  : i32 {
      %mul3A_40 = arith.constant 2 : i32
      %mul3A_41 = arith.muli %scan3A_39, %mul3A_40 : i32
      %add3A_42 = arith.constant 1 : i32
      %add3A_43 = arith.addi %mul3A_41, %add3A_42 : i32
      %dma_start3A = arith.constant 0 : i32
      %dma_start3A_44 = tpu.memref_slice %arg7[%mul3A_41, %dma_start3A] : memref<16x128xi32, #tpu.memory_space<vmem>> -> memref<1x128xi32, #tpu.memory_space<vmem>>
      %dma_start3A_45 = tpu.memref_squeeze %dma_start3A_44 : memref<1x128xi32, #tpu.memory_space<vmem>> -> memref<128xi32, #tpu.memory_space<vmem>>
      %dma_start3A_46 = arith.constant 0 : i32
      %dma_start3A_47 = arith.constant 0 : i32
      %dma_start3A_48 = tpu.memref_slice %arg4[%dma_start3A_46, %dma_start3A_47] : memref<10240x128xf32, #tpu.memory_space<hbm>> -> memref<10240x128xf32, #tpu.memory_space<hbm>>
      tpu.enqueue_indirect_dma source(%dma_start3A_48 : memref<10240x128xf32, #tpu.memory_space<hbm>>) target(%arg9 : memref<128x128xf32, #tpu.memory_space<vmem>>) offsets(%dma_start3A_45 : memref<128xi32, #tpu.memory_space<vmem>>) semaphore(%arg12 : memref<!tpu.dma_semaphore, #tpu.memory_space<semaphore_mem>>)
      %dma_start3A_49 = arith.constant 0 : i32
      %dma_start3A_50 = tpu.memref_slice %arg7[%add3A_43, %dma_start3A_49] : memref<16x128xi32, #tpu.memory_space<vmem>> -> memref<1x128xi32, #tpu.memory_space<vmem>>
      %dma_start3A_51 = tpu.memref_squeeze %dma_start3A_50 : memref<1x128xi32, #tpu.memory_space<vmem>> -> memref<128xi32, #tpu.memory_space<vmem>>
      %dma_start3A_52 = arith.constant 0 : i32
      %dma_start3A_53 = arith.constant 0 : i32
      %dma_start3A_54 = tpu.memref_slice %arg4[%dma_start3A_52, %dma_start3A_53] : memref<10240x128xf32, #tpu.memory_space<hbm>> -> memref<10240x128xf32, #tpu.memory_space<hbm>>
      tpu.enqueue_indirect_dma source(%dma_start3A_54 : memref<10240x128xf32, #tpu.memory_space<hbm>>) target(%arg10 : memref<128x128xf32, #tpu.memory_space<vmem>>) offsets(%dma_start3A_51 : memref<128xi32, #tpu.memory_space<vmem>>) semaphore(%arg13 : memref<!tpu.dma_semaphore, #tpu.memory_space<semaphore_mem>>)
      %dma_wait3A = arith.constant 0 : i32
      %dma_wait3A_55 = tpu.memref_slice %arg7[%mul3A_41, %dma_wait3A] : memref<16x128xi32, #tpu.memory_space<vmem>> -> memref<1x128xi32, #tpu.memory_space<vmem>>
      %dma_wait3A_56 = tpu.memref_squeeze %dma_wait3A_55 : memref<1x128xi32, #tpu.memory_space<vmem>> -> memref<128xi32, #tpu.memory_space<vmem>>
      %dma_wait3A_57 = arith.constant 0 : i32
      %dma_wait3A_58 = arith.constant 0 : i32
      %dma_wait3A_59 = tpu.memref_slice %arg4[%dma_wait3A_57, %dma_wait3A_58] : memref<10240x128xf32, #tpu.memory_space<hbm>> -> memref<10240x128xf32, #tpu.memory_space<hbm>>
      tpu.wait_indirect_dma semaphore(%arg12 : memref<!tpu.dma_semaphore, #tpu.memory_space<semaphore_mem>>) src(%dma_wait3A_59 : memref<10240x128xf32, #tpu.memory_space<hbm>>) dst(%arg9 : memref<128x128xf32, #tpu.memory_space<vmem>>)
      "tpu.region"() ({
        %run_scoped3A = tpu.sem_alloc : memref<!tpu.dma_semaphore, #tpu.memory_space<semaphore_mem>>
        %dma_start3A_66 = arith.constant 0 : i32
        %dma_start3A_67 = tpu.memref_slice %arg8[%mul3A_41, %dma_start3A_66] : memref<16x128xi32, #tpu.memory_space<vmem>> -> memref<1x128xi32, #tpu.memory_space<vmem>>
        %dma_start3A_68 = tpu.memref_squeeze %dma_start3A_67 : memref<1x128xi32, #tpu.memory_space<vmem>> -> memref<128xi32, #tpu.memory_space<vmem>>
        %dma_start3A_69 = arith.constant 0 : i32
        %dma_start3A_70 = arith.constant 0 : i32
        %dma_start3A_71 = tpu.memref_slice %arg11[%dma_start3A_69, %dma_start3A_70] : memref<10240x128xf32, #tpu.memory_space<vmem_shared>> -> memref<10240x128xf32, #tpu.memory_space<vmem_shared>>
        tpu.enqueue_indirect_dma source(%arg9 : memref<128x128xf32, #tpu.memory_space<vmem>>) target(%dma_start3A_71 : memref<10240x128xf32, #tpu.memory_space<vmem_shared>>) offsets(%dma_start3A_68 : memref<128xi32, #tpu.memory_space<vmem>>) semaphore(%run_scoped3A : memref<!tpu.dma_semaphore, #tpu.memory_space<semaphore_mem>>) {add = true}
        %dma_wait3A_72 = arith.constant 0 : i32
        %dma_wait3A_73 = tpu.memref_slice %arg8[%mul3A_41, %dma_wait3A_72] : memref<16x128xi32, #tpu.memory_space<vmem>> -> memref<1x128xi32, #tpu.memory_space<vmem>>
        %dma_wait3A_74 = tpu.memref_squeeze %dma_wait3A_73 : memref<1x128xi32, #tpu.memory_space<vmem>> -> memref<128xi32, #tpu.memory_space<vmem>>
        %dma_wait3A_75 = arith.constant 0 : i32
        %dma_wait3A_76 = arith.constant 0 : i32
        %dma_wait3A_77 = tpu.memref_slice %arg11[%dma_wait3A_75, %dma_wait3A_76] : memref<10240x128xf32, #tpu.memory_space<vmem_shared>> -> memref<10240x128xf32, #tpu.memory_space<vmem_shared>>
        tpu.wait_indirect_dma semaphore(%run_scoped3A : memref<!tpu.dma_semaphore, #tpu.memory_space<semaphore_mem>>) src(%arg9 : memref<128x128xf32, #tpu.memory_space<vmem>>) dst(%dma_wait3A_77 : memref<10240x128xf32, #tpu.memory_space<vmem_shared>>)
        tpu.yield
      }) : () -> ()
      %dma_wait3A_60 = arith.constant 0 : i32
      %dma_wait3A_61 = tpu.memref_slice %arg7[%add3A_43, %dma_wait3A_60] : memref<16x128xi32, #tpu.memory_space<vmem>> -> memref<1x128xi32, #tpu.memory_space<vmem>>
      %dma_wait3A_62 = tpu.memref_squeeze %dma_wait3A_61 : memref<1x128xi32, #tpu.memory_space<vmem>> -> memref<128xi32, #tpu.memory_space<vmem>>
      %dma_wait3A_63 = arith.constant 0 : i32
      %dma_wait3A_64 = arith.constant 0 : i32
      %dma_wait3A_65 = tpu.memref_slice %arg4[%dma_wait3A_63, %dma_wait3A_64] : memref<10240x128xf32, #tpu.memory_space<hbm>> -> memref<10240x128xf32, #tpu.memory_space<hbm>>
      tpu.wait_indirect_dma semaphore(%arg13 : memref<!tpu.dma_semaphore, #tpu.memory_space<semaphore_mem>>) src(%dma_wait3A_65 : memref<10240x128xf32, #tpu.memory_space<hbm>>) dst(%arg10 : memref<128x128xf32, #tpu.memory_space<vmem>>)
      "tpu.region"() ({
        %run_scoped3A = tpu.sem_alloc : memref<!tpu.dma_semaphore, #tpu.memory_space<semaphore_mem>>
        %dma_start3A_66 = arith.constant 0 : i32
        %dma_start3A_67 = tpu.memref_slice %arg8[%add3A_43, %dma_start3A_66] : memref<16x128xi32, #tpu.memory_space<vmem>> -> memref<1x128xi32, #tpu.memory_space<vmem>>
        %dma_start3A_68 = tpu.memref_squeeze %dma_start3A_67 : memref<1x128xi32, #tpu.memory_space<vmem>> -> memref<128xi32, #tpu.memory_space<vmem>>
        %dma_start3A_69 = arith.constant 0 : i32
        %dma_start3A_70 = arith.constant 0 : i32
        %dma_start3A_71 = tpu.memref_slice %arg11[%dma_start3A_69, %dma_start3A_70] : memref<10240x128xf32, #tpu.memory_space<vmem_shared>> -> memref<10240x128xf32, #tpu.memory_space<vmem_shared>>
        tpu.enqueue_indirect_dma source(%arg10 : memref<128x128xf32, #tpu.memory_space<vmem>>) target(%dma_start3A_71 : memref<10240x128xf32, #tpu.memory_space<vmem_shared>>) offsets(%dma_start3A_68 : memref<128xi32, #tpu.memory_space<vmem>>) semaphore(%run_scoped3A : memref<!tpu.dma_semaphore, #tpu.memory_space<semaphore_mem>>) {add = true}
        %dma_wait3A_72 = arith.constant 0 : i32
        %dma_wait3A_73 = tpu.memref_slice %arg8[%add3A_43, %dma_wait3A_72] : memref<16x128xi32, #tpu.memory_space<vmem>> -> memref<1x128xi32, #tpu.memory_space<vmem>>
        %dma_wait3A_74 = tpu.memref_squeeze %dma_wait3A_73 : memref<1x128xi32, #tpu.memory_space<vmem>> -> memref<128xi32, #tpu.memory_space<vmem>>
        %dma_wait3A_75 = arith.constant 0 : i32
        %dma_wait3A_76 = arith.constant 0 : i32
        %dma_wait3A_77 = tpu.memref_slice %arg11[%dma_wait3A_75, %dma_wait3A_76] : memref<10240x128xf32, #tpu.memory_space<vmem_shared>> -> memref<10240x128xf32, #tpu.memory_space<vmem_shared>>
        tpu.wait_indirect_dma semaphore(%run_scoped3A : memref<!tpu.dma_semaphore, #tpu.memory_space<semaphore_mem>>) src(%arg10 : memref<128x128xf32, #tpu.memory_space<vmem>>) dst(%dma_wait3A_77 : memref<10240x128xf32, #tpu.memory_space<vmem_shared>>)
        tpu.yield
      }) : () -> ()
    }
    %scan3A_19 = arith.constant 8 : i32
    "tpu.region"() ({
      %run_scoped3A = tpu.sem_alloc : memref<!tpu.dma_semaphore, #tpu.memory_space<semaphore_mem>>
      %dma_start3A = arith.constant 32 : i32
      %dma_start3A_39 = arith.constant 0 : i32
      %dma_start3A_40 = tpu.memref_slice %arg2[%add3A, %dma_start3A, %dma_start3A_39] : memref<32x80x128xi32, #tpu.memory_space<hbm>> -> memref<1x16x128xi32, #tpu.memory_space<hbm>>
      %dma_start3A_41 = tpu.memref_squeeze %dma_start3A_40 : memref<1x16x128xi32, #tpu.memory_space<hbm>> -> memref<16x128xi32, #tpu.memory_space<hbm>>
      %dma_start3A_42 = arith.constant 32 : i32
      %dma_start3A_43 = arith.constant 0 : i32
      %dma_start3A_44 = tpu.memref_slice %arg2[%add3A, %dma_start3A_42, %dma_start3A_43] : memref<32x80x128xi32, #tpu.memory_space<hbm>> -> memref<1x16x128xi32, #tpu.memory_space<hbm>>
      %dma_start3A_45 = tpu.memref_squeeze %dma_start3A_44 : memref<1x16x128xi32, #tpu.memory_space<hbm>> -> memref<16x128xi32, #tpu.memory_space<hbm>>
      tpu.enqueue_dma source(%dma_start3A_45 : memref<16x128xi32, #tpu.memory_space<hbm>>) target(%arg7 : memref<16x128xi32, #tpu.memory_space<vmem>>) target_semaphore(%run_scoped3A : memref<!tpu.dma_semaphore, #tpu.memory_space<semaphore_mem>>)
      %dma_wait3A = arith.constant 32 : i32
      %dma_wait3A_46 = arith.constant 0 : i32
      %dma_wait3A_47 = tpu.memref_slice %arg2[%add3A, %dma_wait3A, %dma_wait3A_46] : memref<32x80x128xi32, #tpu.memory_space<hbm>> -> memref<1x16x128xi32, #tpu.memory_space<hbm>>
      %dma_wait3A_48 = tpu.memref_squeeze %dma_wait3A_47 : memref<1x16x128xi32, #tpu.memory_space<hbm>> -> memref<16x128xi32, #tpu.memory_space<hbm>>
      %dma_wait3A_49 = arith.constant 32 : i32
      %dma_wait3A_50 = arith.constant 0 : i32
      %dma_wait3A_51 = tpu.memref_slice %arg2[%add3A, %dma_wait3A_49, %dma_wait3A_50] : memref<32x80x128xi32, #tpu.memory_space<hbm>> -> memref<1x16x128xi32, #tpu.memory_space<hbm>>
      %dma_wait3A_52 = tpu.memref_squeeze %dma_wait3A_51 : memref<1x16x128xi32, #tpu.memory_space<hbm>> -> memref<16x128xi32, #tpu.memory_space<hbm>>
      tpu.wait_dma2 semaphore(%run_scoped3A : memref<!tpu.dma_semaphore, #tpu.memory_space<semaphore_mem>>) src(%dma_wait3A_52 : memref<16x128xi32, #tpu.memory_space<hbm>>) dst(%arg7 : memref<16x128xi32, #tpu.memory_space<vmem>>)
      tpu.yield
    }) : () -> ()
    "tpu.region"() ({
      %run_scoped3A = tpu.sem_alloc : memref<!tpu.dma_semaphore, #tpu.memory_space<semaphore_mem>>
      %dma_start3A = arith.constant 32 : i32
      %dma_start3A_39 = arith.constant 0 : i32
      %dma_start3A_40 = tpu.memref_slice %arg3[%add3A, %dma_start3A, %dma_start3A_39] : memref<32x80x128xi32, #tpu.memory_space<hbm>> -> memref<1x16x128xi32, #tpu.memory_space<hbm>>
      %dma_start3A_41 = tpu.memref_squeeze %dma_start3A_40 : memref<1x16x128xi32, #tpu.memory_space<hbm>> -> memref<16x128xi32, #tpu.memory_space<hbm>>
      %dma_start3A_42 = arith.constant 32 : i32
      %dma_start3A_43 = arith.constant 0 : i32
      %dma_start3A_44 = tpu.memref_slice %arg3[%add3A, %dma_start3A_42, %dma_start3A_43] : memref<32x80x128xi32, #tpu.memory_space<hbm>> -> memref<1x16x128xi32, #tpu.memory_space<hbm>>
      %dma_start3A_45 = tpu.memref_squeeze %dma_start3A_44 : memref<1x16x128xi32, #tpu.memory_space<hbm>> -> memref<16x128xi32, #tpu.memory_space<hbm>>
      tpu.enqueue_dma source(%dma_start3A_45 : memref<16x128xi32, #tpu.memory_space<hbm>>) target(%arg8 : memref<16x128xi32, #tpu.memory_space<vmem>>) target_semaphore(%run_scoped3A : memref<!tpu.dma_semaphore, #tpu.memory_space<semaphore_mem>>)
      %dma_wait3A = arith.constant 32 : i32
      %dma_wait3A_46 = arith.constant 0 : i32
      %dma_wait3A_47 = tpu.memref_slice %arg3[%add3A, %dma_wait3A, %dma_wait3A_46] : memref<32x80x128xi32, #tpu.memory_space<hbm>> -> memref<1x16x128xi32, #tpu.memory_space<hbm>>
      %dma_wait3A_48 = tpu.memref_squeeze %dma_wait3A_47 : memref<1x16x128xi32, #tpu.memory_space<hbm>> -> memref<16x128xi32, #tpu.memory_space<hbm>>
      %dma_wait3A_49 = arith.constant 32 : i32
      %dma_wait3A_50 = arith.constant 0 : i32
      %dma_wait3A_51 = tpu.memref_slice %arg3[%add3A, %dma_wait3A_49, %dma_wait3A_50] : memref<32x80x128xi32, #tpu.memory_space<hbm>> -> memref<1x16x128xi32, #tpu.memory_space<hbm>>
      %dma_wait3A_52 = tpu.memref_squeeze %dma_wait3A_51 : memref<1x16x128xi32, #tpu.memory_space<hbm>> -> memref<16x128xi32, #tpu.memory_space<hbm>>
      tpu.wait_dma2 semaphore(%run_scoped3A : memref<!tpu.dma_semaphore, #tpu.memory_space<semaphore_mem>>) src(%dma_wait3A_52 : memref<16x128xi32, #tpu.memory_space<hbm>>) dst(%arg8 : memref<16x128xi32, #tpu.memory_space<vmem>>)
      tpu.yield
    }) : () -> ()
    %scan3A_20 = arith.constant 0 : i32
    %scan3A_21 = arith.constant 0 : i32
    %scan3A_22 = arith.constant 8 : i32
    %scan3A_23 = arith.addi %scan3A_21, %scan3A_22 : i32
    %scan3A_24 = arith.constant 1 : i32
    scf.for %scan3A_39 = %scan3A_21 to %scan3A_23 step %scan3A_24  : i32 {
      %mul3A_40 = arith.constant 2 : i32
      %mul3A_41 = arith.muli %scan3A_39, %mul3A_40 : i32
      %add3A_42 = arith.constant 1 : i32
      %add3A_43 = arith.addi %mul3A_41, %add3A_42 : i32
      %dma_start3A = arith.constant 0 : i32
      %dma_start3A_44 = tpu.memref_slice %arg7[%mul3A_41, %dma_start3A] : memref<16x128xi32, #tpu.memory_space<vmem>> -> memref<1x128xi32, #tpu.memory_space<vmem>>
      %dma_start3A_45 = tpu.memref_squeeze %dma_start3A_44 : memref<1x128xi32, #tpu.memory_space<vmem>> -> memref<128xi32, #tpu.memory_space<vmem>>
      %dma_start3A_46 = arith.constant 0 : i32
      %dma_start3A_47 = arith.constant 0 : i32
      %dma_start3A_48 = tpu.memref_slice %arg4[%dma_start3A_46, %dma_start3A_47] : memref<10240x128xf32, #tpu.memory_space<hbm>> -> memref<10240x128xf32, #tpu.memory_space<hbm>>
      tpu.enqueue_indirect_dma source(%dma_start3A_48 : memref<10240x128xf32, #tpu.memory_space<hbm>>) target(%arg9 : memref<128x128xf32, #tpu.memory_space<vmem>>) offsets(%dma_start3A_45 : memref<128xi32, #tpu.memory_space<vmem>>) semaphore(%arg12 : memref<!tpu.dma_semaphore, #tpu.memory_space<semaphore_mem>>)
      %dma_start3A_49 = arith.constant 0 : i32
      %dma_start3A_50 = tpu.memref_slice %arg7[%add3A_43, %dma_start3A_49] : memref<16x128xi32, #tpu.memory_space<vmem>> -> memref<1x128xi32, #tpu.memory_space<vmem>>
      %dma_start3A_51 = tpu.memref_squeeze %dma_start3A_50 : memref<1x128xi32, #tpu.memory_space<vmem>> -> memref<128xi32, #tpu.memory_space<vmem>>
      %dma_start3A_52 = arith.constant 0 : i32
      %dma_start3A_53 = arith.constant 0 : i32
      %dma_start3A_54 = tpu.memref_slice %arg4[%dma_start3A_52, %dma_start3A_53] : memref<10240x128xf32, #tpu.memory_space<hbm>> -> memref<10240x128xf32, #tpu.memory_space<hbm>>
      tpu.enqueue_indirect_dma source(%dma_start3A_54 : memref<10240x128xf32, #tpu.memory_space<hbm>>) target(%arg10 : memref<128x128xf32, #tpu.memory_space<vmem>>) offsets(%dma_start3A_51 : memref<128xi32, #tpu.memory_space<vmem>>) semaphore(%arg13 : memref<!tpu.dma_semaphore, #tpu.memory_space<semaphore_mem>>)
      %dma_wait3A = arith.constant 0 : i32
      %dma_wait3A_55 = tpu.memref_slice %arg7[%mul3A_41, %dma_wait3A] : memref<16x128xi32, #tpu.memory_space<vmem>> -> memref<1x128xi32, #tpu.memory_space<vmem>>
      %dma_wait3A_56 = tpu.memref_squeeze %dma_wait3A_55 : memref<1x128xi32, #tpu.memory_space<vmem>> -> memref<128xi32, #tpu.memory_space<vmem>>
      %dma_wait3A_57 = arith.constant 0 : i32
      %dma_wait3A_58 = arith.constant 0 : i32
      %dma_wait3A_59 = tpu.memref_slice %arg4[%dma_wait3A_57, %dma_wait3A_58] : memref<10240x128xf32, #tpu.memory_space<hbm>> -> memref<10240x128xf32, #tpu.memory_space<hbm>>
      tpu.wait_indirect_dma semaphore(%arg12 : memref<!tpu.dma_semaphore, #tpu.memory_space<semaphore_mem>>) src(%dma_wait3A_59 : memref<10240x128xf32, #tpu.memory_space<hbm>>) dst(%arg9 : memref<128x128xf32, #tpu.memory_space<vmem>>)
      "tpu.region"() ({
        %run_scoped3A = tpu.sem_alloc : memref<!tpu.dma_semaphore, #tpu.memory_space<semaphore_mem>>
        %dma_start3A_66 = arith.constant 0 : i32
        %dma_start3A_67 = tpu.memref_slice %arg8[%mul3A_41, %dma_start3A_66] : memref<16x128xi32, #tpu.memory_space<vmem>> -> memref<1x128xi32, #tpu.memory_space<vmem>>
        %dma_start3A_68 = tpu.memref_squeeze %dma_start3A_67 : memref<1x128xi32, #tpu.memory_space<vmem>> -> memref<128xi32, #tpu.memory_space<vmem>>
        %dma_start3A_69 = arith.constant 0 : i32
        %dma_start3A_70 = arith.constant 0 : i32
        %dma_start3A_71 = tpu.memref_slice %arg11[%dma_start3A_69, %dma_start3A_70] : memref<10240x128xf32, #tpu.memory_space<vmem_shared>> -> memref<10240x128xf32, #tpu.memory_space<vmem_shared>>
        tpu.enqueue_indirect_dma source(%arg9 : memref<128x128xf32, #tpu.memory_space<vmem>>) target(%dma_start3A_71 : memref<10240x128xf32, #tpu.memory_space<vmem_shared>>) offsets(%dma_start3A_68 : memref<128xi32, #tpu.memory_space<vmem>>) semaphore(%run_scoped3A : memref<!tpu.dma_semaphore, #tpu.memory_space<semaphore_mem>>) {add = true}
        %dma_wait3A_72 = arith.constant 0 : i32
        %dma_wait3A_73 = tpu.memref_slice %arg8[%mul3A_41, %dma_wait3A_72] : memref<16x128xi32, #tpu.memory_space<vmem>> -> memref<1x128xi32, #tpu.memory_space<vmem>>
        %dma_wait3A_74 = tpu.memref_squeeze %dma_wait3A_73 : memref<1x128xi32, #tpu.memory_space<vmem>> -> memref<128xi32, #tpu.memory_space<vmem>>
        %dma_wait3A_75 = arith.constant 0 : i32
        %dma_wait3A_76 = arith.constant 0 : i32
        %dma_wait3A_77 = tpu.memref_slice %arg11[%dma_wait3A_75, %dma_wait3A_76] : memref<10240x128xf32, #tpu.memory_space<vmem_shared>> -> memref<10240x128xf32, #tpu.memory_space<vmem_shared>>
        tpu.wait_indirect_dma semaphore(%run_scoped3A : memref<!tpu.dma_semaphore, #tpu.memory_space<semaphore_mem>>) src(%arg9 : memref<128x128xf32, #tpu.memory_space<vmem>>) dst(%dma_wait3A_77 : memref<10240x128xf32, #tpu.memory_space<vmem_shared>>)
        tpu.yield
      }) : () -> ()
      %dma_wait3A_60 = arith.constant 0 : i32
      %dma_wait3A_61 = tpu.memref_slice %arg7[%add3A_43, %dma_wait3A_60] : memref<16x128xi32, #tpu.memory_space<vmem>> -> memref<1x128xi32, #tpu.memory_space<vmem>>
      %dma_wait3A_62 = tpu.memref_squeeze %dma_wait3A_61 : memref<1x128xi32, #tpu.memory_space<vmem>> -> memref<128xi32, #tpu.memory_space<vmem>>
      %dma_wait3A_63 = arith.constant 0 : i32
      %dma_wait3A_64 = arith.constant 0 : i32
      %dma_wait3A_65 = tpu.memref_slice %arg4[%dma_wait3A_63, %dma_wait3A_64] : memref<10240x128xf32, #tpu.memory_space<hbm>> -> memref<10240x128xf32, #tpu.memory_space<hbm>>
      tpu.wait_indirect_dma semaphore(%arg13 : memref<!tpu.dma_semaphore, #tpu.memory_space<semaphore_mem>>) src(%dma_wait3A_65 : memref<10240x128xf32, #tpu.memory_space<hbm>>) dst(%arg10 : memref<128x128xf32, #tpu.memory_space<vmem>>)
      "tpu.region"() ({
        %run_scoped3A = tpu.sem_alloc : memref<!tpu.dma_semaphore, #tpu.memory_space<semaphore_mem>>
        %dma_start3A_66 = arith.constant 0 : i32
        %dma_start3A_67 = tpu.memref_slice %arg8[%add3A_43, %dma_start3A_66] : memref<16x128xi32, #tpu.memory_space<vmem>> -> memref<1x128xi32, #tpu.memory_space<vmem>>
        %dma_start3A_68 = tpu.memref_squeeze %dma_start3A_67 : memref<1x128xi32, #tpu.memory_space<vmem>> -> memref<128xi32, #tpu.memory_space<vmem>>
        %dma_start3A_69 = arith.constant 0 : i32
        %dma_start3A_70 = arith.constant 0 : i32
        %dma_start3A_71 = tpu.memref_slice %arg11[%dma_start3A_69, %dma_start3A_70] : memref<10240x128xf32, #tpu.memory_space<vmem_shared>> -> memref<10240x128xf32, #tpu.memory_space<vmem_shared>>
        tpu.enqueue_indirect_dma source(%arg10 : memref<128x128xf32, #tpu.memory_space<vmem>>) target(%dma_start3A_71 : memref<10240x128xf32, #tpu.memory_space<vmem_shared>>) offsets(%dma_start3A_68 : memref<128xi32, #tpu.memory_space<vmem>>) semaphore(%run_scoped3A : memref<!tpu.dma_semaphore, #tpu.memory_space<semaphore_mem>>) {add = true}
        %dma_wait3A_72 = arith.constant 0 : i32
        %dma_wait3A_73 = tpu.memref_slice %arg8[%add3A_43, %dma_wait3A_72] : memref<16x128xi32, #tpu.memory_space<vmem>> -> memref<1x128xi32, #tpu.memory_space<vmem>>
        %dma_wait3A_74 = tpu.memref_squeeze %dma_wait3A_73 : memref<1x128xi32, #tpu.memory_space<vmem>> -> memref<128xi32, #tpu.memory_space<vmem>>
        %dma_wait3A_75 = arith.constant 0 : i32
        %dma_wait3A_76 = arith.constant 0 : i32
        %dma_wait3A_77 = tpu.memref_slice %arg11[%dma_wait3A_75, %dma_wait3A_76] : memref<10240x128xf32, #tpu.memory_space<vmem_shared>> -> memref<10240x128xf32, #tpu.memory_space<vmem_shared>>
        tpu.wait_indirect_dma semaphore(%run_scoped3A : memref<!tpu.dma_semaphore, #tpu.memory_space<semaphore_mem>>) src(%arg10 : memref<128x128xf32, #tpu.memory_space<vmem>>) dst(%dma_wait3A_77 : memref<10240x128xf32, #tpu.memory_space<vmem_shared>>)
        tpu.yield
      }) : () -> ()
    }
    %scan3A_25 = arith.constant 8 : i32
    "tpu.region"() ({
      %run_scoped3A = tpu.sem_alloc : memref<!tpu.dma_semaphore, #tpu.memory_space<semaphore_mem>>
      %dma_start3A = arith.constant 48 : i32
      %dma_start3A_39 = arith.constant 0 : i32
      %dma_start3A_40 = tpu.memref_slice %arg2[%add3A, %dma_start3A, %dma_start3A_39] : memref<32x80x128xi32, #tpu.memory_space<hbm>> -> memref<1x16x128xi32, #tpu.memory_space<hbm>>
      %dma_start3A_41 = tpu.memref_squeeze %dma_start3A_40 : memref<1x16x128xi32, #tpu.memory_space<hbm>> -> memref<16x128xi32, #tpu.memory_space<hbm>>
      %dma_start3A_42 = arith.constant 48 : i32
      %dma_start3A_43 = arith.constant 0 : i32
      %dma_start3A_44 = tpu.memref_slice %arg2[%add3A, %dma_start3A_42, %dma_start3A_43] : memref<32x80x128xi32, #tpu.memory_space<hbm>> -> memref<1x16x128xi32, #tpu.memory_space<hbm>>
      %dma_start3A_45 = tpu.memref_squeeze %dma_start3A_44 : memref<1x16x128xi32, #tpu.memory_space<hbm>> -> memref<16x128xi32, #tpu.memory_space<hbm>>
      tpu.enqueue_dma source(%dma_start3A_45 : memref<16x128xi32, #tpu.memory_space<hbm>>) target(%arg7 : memref<16x128xi32, #tpu.memory_space<vmem>>) target_semaphore(%run_scoped3A : memref<!tpu.dma_semaphore, #tpu.memory_space<semaphore_mem>>)
      %dma_wait3A = arith.constant 48 : i32
      %dma_wait3A_46 = arith.constant 0 : i32
      %dma_wait3A_47 = tpu.memref_slice %arg2[%add3A, %dma_wait3A, %dma_wait3A_46] : memref<32x80x128xi32, #tpu.memory_space<hbm>> -> memref<1x16x128xi32, #tpu.memory_space<hbm>>
      %dma_wait3A_48 = tpu.memref_squeeze %dma_wait3A_47 : memref<1x16x128xi32, #tpu.memory_space<hbm>> -> memref<16x128xi32, #tpu.memory_space<hbm>>
      %dma_wait3A_49 = arith.constant 48 : i32
      %dma_wait3A_50 = arith.constant 0 : i32
      %dma_wait3A_51 = tpu.memref_slice %arg2[%add3A, %dma_wait3A_49, %dma_wait3A_50] : memref<32x80x128xi32, #tpu.memory_space<hbm>> -> memref<1x16x128xi32, #tpu.memory_space<hbm>>
      %dma_wait3A_52 = tpu.memref_squeeze %dma_wait3A_51 : memref<1x16x128xi32, #tpu.memory_space<hbm>> -> memref<16x128xi32, #tpu.memory_space<hbm>>
      tpu.wait_dma2 semaphore(%run_scoped3A : memref<!tpu.dma_semaphore, #tpu.memory_space<semaphore_mem>>) src(%dma_wait3A_52 : memref<16x128xi32, #tpu.memory_space<hbm>>) dst(%arg7 : memref<16x128xi32, #tpu.memory_space<vmem>>)
      tpu.yield
    }) : () -> ()
    "tpu.region"() ({
      %run_scoped3A = tpu.sem_alloc : memref<!tpu.dma_semaphore, #tpu.memory_space<semaphore_mem>>
      %dma_start3A = arith.constant 48 : i32
      %dma_start3A_39 = arith.constant 0 : i32
      %dma_start3A_40 = tpu.memref_slice %arg3[%add3A, %dma_start3A, %dma_start3A_39] : memref<32x80x128xi32, #tpu.memory_space<hbm>> -> memref<1x16x128xi32, #tpu.memory_space<hbm>>
      %dma_start3A_41 = tpu.memref_squeeze %dma_start3A_40 : memref<1x16x128xi32, #tpu.memory_space<hbm>> -> memref<16x128xi32, #tpu.memory_space<hbm>>
      %dma_start3A_42 = arith.constant 48 : i32
      %dma_start3A_43 = arith.constant 0 : i32
      %dma_start3A_44 = tpu.memref_slice %arg3[%add3A, %dma_start3A_42, %dma_start3A_43] : memref<32x80x128xi32, #tpu.memory_space<hbm>> -> memref<1x16x128xi32, #tpu.memory_space<hbm>>
      %dma_start3A_45 = tpu.memref_squeeze %dma_start3A_44 : memref<1x16x128xi32, #tpu.memory_space<hbm>> -> memref<16x128xi32, #tpu.memory_space<hbm>>
      tpu.enqueue_dma source(%dma_start3A_45 : memref<16x128xi32, #tpu.memory_space<hbm>>) target(%arg8 : memref<16x128xi32, #tpu.memory_space<vmem>>) target_semaphore(%run_scoped3A : memref<!tpu.dma_semaphore, #tpu.memory_space<semaphore_mem>>)
      %dma_wait3A = arith.constant 48 : i32
      %dma_wait3A_46 = arith.constant 0 : i32
      %dma_wait3A_47 = tpu.memref_slice %arg3[%add3A, %dma_wait3A, %dma_wait3A_46] : memref<32x80x128xi32, #tpu.memory_space<hbm>> -> memref<1x16x128xi32, #tpu.memory_space<hbm>>
      %dma_wait3A_48 = tpu.memref_squeeze %dma_wait3A_47 : memref<1x16x128xi32, #tpu.memory_space<hbm>> -> memref<16x128xi32, #tpu.memory_space<hbm>>
      %dma_wait3A_49 = arith.constant 48 : i32
      %dma_wait3A_50 = arith.constant 0 : i32
      %dma_wait3A_51 = tpu.memref_slice %arg3[%add3A, %dma_wait3A_49, %dma_wait3A_50] : memref<32x80x128xi32, #tpu.memory_space<hbm>> -> memref<1x16x128xi32, #tpu.memory_space<hbm>>
      %dma_wait3A_52 = tpu.memref_squeeze %dma_wait3A_51 : memref<1x16x128xi32, #tpu.memory_space<hbm>> -> memref<16x128xi32, #tpu.memory_space<hbm>>
      tpu.wait_dma2 semaphore(%run_scoped3A : memref<!tpu.dma_semaphore, #tpu.memory_space<semaphore_mem>>) src(%dma_wait3A_52 : memref<16x128xi32, #tpu.memory_space<hbm>>) dst(%arg8 : memref<16x128xi32, #tpu.memory_space<vmem>>)
      tpu.yield
    }) : () -> ()
    %scan3A_26 = arith.constant 0 : i32
    %scan3A_27 = arith.constant 0 : i32
    %scan3A_28 = arith.constant 8 : i32
    %scan3A_29 = arith.addi %scan3A_27, %scan3A_28 : i32
    %scan3A_30 = arith.constant 1 : i32
    scf.for %scan3A_39 = %scan3A_27 to %scan3A_29 step %scan3A_30  : i32 {
      %mul3A_40 = arith.constant 2 : i32
      %mul3A_41 = arith.muli %scan3A_39, %mul3A_40 : i32
      %add3A_42 = arith.constant 1 : i32
      %add3A_43 = arith.addi %mul3A_41, %add3A_42 : i32
      %dma_start3A = arith.constant 0 : i32
      %dma_start3A_44 = tpu.memref_slice %arg7[%mul3A_41, %dma_start3A] : memref<16x128xi32, #tpu.memory_space<vmem>> -> memref<1x128xi32, #tpu.memory_space<vmem>>
      %dma_start3A_45 = tpu.memref_squeeze %dma_start3A_44 : memref<1x128xi32, #tpu.memory_space<vmem>> -> memref<128xi32, #tpu.memory_space<vmem>>
      %dma_start3A_46 = arith.constant 0 : i32
      %dma_start3A_47 = arith.constant 0 : i32
      %dma_start3A_48 = tpu.memref_slice %arg4[%dma_start3A_46, %dma_start3A_47] : memref<10240x128xf32, #tpu.memory_space<hbm>> -> memref<10240x128xf32, #tpu.memory_space<hbm>>
      tpu.enqueue_indirect_dma source(%dma_start3A_48 : memref<10240x128xf32, #tpu.memory_space<hbm>>) target(%arg9 : memref<128x128xf32, #tpu.memory_space<vmem>>) offsets(%dma_start3A_45 : memref<128xi32, #tpu.memory_space<vmem>>) semaphore(%arg12 : memref<!tpu.dma_semaphore, #tpu.memory_space<semaphore_mem>>)
      %dma_start3A_49 = arith.constant 0 : i32
      %dma_start3A_50 = tpu.memref_slice %arg7[%add3A_43, %dma_start3A_49] : memref<16x128xi32, #tpu.memory_space<vmem>> -> memref<1x128xi32, #tpu.memory_space<vmem>>
      %dma_start3A_51 = tpu.memref_squeeze %dma_start3A_50 : memref<1x128xi32, #tpu.memory_space<vmem>> -> memref<128xi32, #tpu.memory_space<vmem>>
      %dma_start3A_52 = arith.constant 0 : i32
      %dma_start3A_53 = arith.constant 0 : i32
      %dma_start3A_54 = tpu.memref_slice %arg4[%dma_start3A_52, %dma_start3A_53] : memref<10240x128xf32, #tpu.memory_space<hbm>> -> memref<10240x128xf32, #tpu.memory_space<hbm>>
      tpu.enqueue_indirect_dma source(%dma_start3A_54 : memref<10240x128xf32, #tpu.memory_space<hbm>>) target(%arg10 : memref<128x128xf32, #tpu.memory_space<vmem>>) offsets(%dma_start3A_51 : memref<128xi32, #tpu.memory_space<vmem>>) semaphore(%arg13 : memref<!tpu.dma_semaphore, #tpu.memory_space<semaphore_mem>>)
      %dma_wait3A = arith.constant 0 : i32
      %dma_wait3A_55 = tpu.memref_slice %arg7[%mul3A_41, %dma_wait3A] : memref<16x128xi32, #tpu.memory_space<vmem>> -> memref<1x128xi32, #tpu.memory_space<vmem>>
      %dma_wait3A_56 = tpu.memref_squeeze %dma_wait3A_55 : memref<1x128xi32, #tpu.memory_space<vmem>> -> memref<128xi32, #tpu.memory_space<vmem>>
      %dma_wait3A_57 = arith.constant 0 : i32
      %dma_wait3A_58 = arith.constant 0 : i32
      %dma_wait3A_59 = tpu.memref_slice %arg4[%dma_wait3A_57, %dma_wait3A_58] : memref<10240x128xf32, #tpu.memory_space<hbm>> -> memref<10240x128xf32, #tpu.memory_space<hbm>>
      tpu.wait_indirect_dma semaphore(%arg12 : memref<!tpu.dma_semaphore, #tpu.memory_space<semaphore_mem>>) src(%dma_wait3A_59 : memref<10240x128xf32, #tpu.memory_space<hbm>>) dst(%arg9 : memref<128x128xf32, #tpu.memory_space<vmem>>)
      "tpu.region"() ({
        %run_scoped3A = tpu.sem_alloc : memref<!tpu.dma_semaphore, #tpu.memory_space<semaphore_mem>>
        %dma_start3A_66 = arith.constant 0 : i32
        %dma_start3A_67 = tpu.memref_slice %arg8[%mul3A_41, %dma_start3A_66] : memref<16x128xi32, #tpu.memory_space<vmem>> -> memref<1x128xi32, #tpu.memory_space<vmem>>
        %dma_start3A_68 = tpu.memref_squeeze %dma_start3A_67 : memref<1x128xi32, #tpu.memory_space<vmem>> -> memref<128xi32, #tpu.memory_space<vmem>>
        %dma_start3A_69 = arith.constant 0 : i32
        %dma_start3A_70 = arith.constant 0 : i32
        %dma_start3A_71 = tpu.memref_slice %arg11[%dma_start3A_69, %dma_start3A_70] : memref<10240x128xf32, #tpu.memory_space<vmem_shared>> -> memref<10240x128xf32, #tpu.memory_space<vmem_shared>>
        tpu.enqueue_indirect_dma source(%arg9 : memref<128x128xf32, #tpu.memory_space<vmem>>) target(%dma_start3A_71 : memref<10240x128xf32, #tpu.memory_space<vmem_shared>>) offsets(%dma_start3A_68 : memref<128xi32, #tpu.memory_space<vmem>>) semaphore(%run_scoped3A : memref<!tpu.dma_semaphore, #tpu.memory_space<semaphore_mem>>) {add = true}
        %dma_wait3A_72 = arith.constant 0 : i32
        %dma_wait3A_73 = tpu.memref_slice %arg8[%mul3A_41, %dma_wait3A_72] : memref<16x128xi32, #tpu.memory_space<vmem>> -> memref<1x128xi32, #tpu.memory_space<vmem>>
        %dma_wait3A_74 = tpu.memref_squeeze %dma_wait3A_73 : memref<1x128xi32, #tpu.memory_space<vmem>> -> memref<128xi32, #tpu.memory_space<vmem>>
        %dma_wait3A_75 = arith.constant 0 : i32
        %dma_wait3A_76 = arith.constant 0 : i32
        %dma_wait3A_77 = tpu.memref_slice %arg11[%dma_wait3A_75, %dma_wait3A_76] : memref<10240x128xf32, #tpu.memory_space<vmem_shared>> -> memref<10240x128xf32, #tpu.memory_space<vmem_shared>>
        tpu.wait_indirect_dma semaphore(%run_scoped3A : memref<!tpu.dma_semaphore, #tpu.memory_space<semaphore_mem>>) src(%arg9 : memref<128x128xf32, #tpu.memory_space<vmem>>) dst(%dma_wait3A_77 : memref<10240x128xf32, #tpu.memory_space<vmem_shared>>)
        tpu.yield
      }) : () -> ()
      %dma_wait3A_60 = arith.constant 0 : i32
      %dma_wait3A_61 = tpu.memref_slice %arg7[%add3A_43, %dma_wait3A_60] : memref<16x128xi32, #tpu.memory_space<vmem>> -> memref<1x128xi32, #tpu.memory_space<vmem>>
      %dma_wait3A_62 = tpu.memref_squeeze %dma_wait3A_61 : memref<1x128xi32, #tpu.memory_space<vmem>> -> memref<128xi32, #tpu.memory_space<vmem>>
      %dma_wait3A_63 = arith.constant 0 : i32
      %dma_wait3A_64 = arith.constant 0 : i32
      %dma_wait3A_65 = tpu.memref_slice %arg4[%dma_wait3A_63, %dma_wait3A_64] : memref<10240x128xf32, #tpu.memory_space<hbm>> -> memref<10240x128xf32, #tpu.memory_space<hbm>>
      tpu.wait_indirect_dma semaphore(%arg13 : memref<!tpu.dma_semaphore, #tpu.memory_space<semaphore_mem>>) src(%dma_wait3A_65 : memref<10240x128xf32, #tpu.memory_space<hbm>>) dst(%arg10 : memref<128x128xf32, #tpu.memory_space<vmem>>)
      "tpu.region"() ({
        %run_scoped3A = tpu.sem_alloc : memref<!tpu.dma_semaphore, #tpu.memory_space<semaphore_mem>>
        %dma_start3A_66 = arith.constant 0 : i32
        %dma_start3A_67 = tpu.memref_slice %arg8[%add3A_43, %dma_start3A_66] : memref<16x128xi32, #tpu.memory_space<vmem>> -> memref<1x128xi32, #tpu.memory_space<vmem>>
        %dma_start3A_68 = tpu.memref_squeeze %dma_start3A_67 : memref<1x128xi32, #tpu.memory_space<vmem>> -> memref<128xi32, #tpu.memory_space<vmem>>
        %dma_start3A_69 = arith.constant 0 : i32
        %dma_start3A_70 = arith.constant 0 : i32
        %dma_start3A_71 = tpu.memref_slice %arg11[%dma_start3A_69, %dma_start3A_70] : memref<10240x128xf32, #tpu.memory_space<vmem_shared>> -> memref<10240x128xf32, #tpu.memory_space<vmem_shared>>
        tpu.enqueue_indirect_dma source(%arg10 : memref<128x128xf32, #tpu.memory_space<vmem>>) target(%dma_start3A_71 : memref<10240x128xf32, #tpu.memory_space<vmem_shared>>) offsets(%dma_start3A_68 : memref<128xi32, #tpu.memory_space<vmem>>) semaphore(%run_scoped3A : memref<!tpu.dma_semaphore, #tpu.memory_space<semaphore_mem>>) {add = true}
        %dma_wait3A_72 = arith.constant 0 : i32
        %dma_wait3A_73 = tpu.memref_slice %arg8[%add3A_43, %dma_wait3A_72] : memref<16x128xi32, #tpu.memory_space<vmem>> -> memref<1x128xi32, #tpu.memory_space<vmem>>
        %dma_wait3A_74 = tpu.memref_squeeze %dma_wait3A_73 : memref<1x128xi32, #tpu.memory_space<vmem>> -> memref<128xi32, #tpu.memory_space<vmem>>
        %dma_wait3A_75 = arith.constant 0 : i32
        %dma_wait3A_76 = arith.constant 0 : i32
        %dma_wait3A_77 = tpu.memref_slice %arg11[%dma_wait3A_75, %dma_wait3A_76] : memref<10240x128xf32, #tpu.memory_space<vmem_shared>> -> memref<10240x128xf32, #tpu.memory_space<vmem_shared>>
        tpu.wait_indirect_dma semaphore(%run_scoped3A : memref<!tpu.dma_semaphore, #tpu.memory_space<semaphore_mem>>) src(%arg10 : memref<128x128xf32, #tpu.memory_space<vmem>>) dst(%dma_wait3A_77 : memref<10240x128xf32, #tpu.memory_space<vmem_shared>>)
        tpu.yield
      }) : () -> ()
    }
    %scan3A_31 = arith.constant 8 : i32
    "tpu.region"() ({
      %run_scoped3A = tpu.sem_alloc : memref<!tpu.dma_semaphore, #tpu.memory_space<semaphore_mem>>
      %dma_start3A = arith.constant 64 : i32
      %dma_start3A_39 = arith.constant 0 : i32
      %dma_start3A_40 = tpu.memref_slice %arg2[%add3A, %dma_start3A, %dma_start3A_39] : memref<32x80x128xi32, #tpu.memory_space<hbm>> -> memref<1x16x128xi32, #tpu.memory_space<hbm>>
      %dma_start3A_41 = tpu.memref_squeeze %dma_start3A_40 : memref<1x16x128xi32, #tpu.memory_space<hbm>> -> memref<16x128xi32, #tpu.memory_space<hbm>>
      %dma_start3A_42 = arith.constant 64 : i32
      %dma_start3A_43 = arith.constant 0 : i32
      %dma_start3A_44 = tpu.memref_slice %arg2[%add3A, %dma_start3A_42, %dma_start3A_43] : memref<32x80x128xi32, #tpu.memory_space<hbm>> -> memref<1x16x128xi32, #tpu.memory_space<hbm>>
      %dma_start3A_45 = tpu.memref_squeeze %dma_start3A_44 : memref<1x16x128xi32, #tpu.memory_space<hbm>> -> memref<16x128xi32, #tpu.memory_space<hbm>>
      tpu.enqueue_dma source(%dma_start3A_45 : memref<16x128xi32, #tpu.memory_space<hbm>>) target(%arg7 : memref<16x128xi32, #tpu.memory_space<vmem>>) target_semaphore(%run_scoped3A : memref<!tpu.dma_semaphore, #tpu.memory_space<semaphore_mem>>)
      %dma_wait3A = arith.constant 64 : i32
      %dma_wait3A_46 = arith.constant 0 : i32
      %dma_wait3A_47 = tpu.memref_slice %arg2[%add3A, %dma_wait3A, %dma_wait3A_46] : memref<32x80x128xi32, #tpu.memory_space<hbm>> -> memref<1x16x128xi32, #tpu.memory_space<hbm>>
      %dma_wait3A_48 = tpu.memref_squeeze %dma_wait3A_47 : memref<1x16x128xi32, #tpu.memory_space<hbm>> -> memref<16x128xi32, #tpu.memory_space<hbm>>
      %dma_wait3A_49 = arith.constant 64 : i32
      %dma_wait3A_50 = arith.constant 0 : i32
      %dma_wait3A_51 = tpu.memref_slice %arg2[%add3A, %dma_wait3A_49, %dma_wait3A_50] : memref<32x80x128xi32, #tpu.memory_space<hbm>> -> memref<1x16x128xi32, #tpu.memory_space<hbm>>
      %dma_wait3A_52 = tpu.memref_squeeze %dma_wait3A_51 : memref<1x16x128xi32, #tpu.memory_space<hbm>> -> memref<16x128xi32, #tpu.memory_space<hbm>>
      tpu.wait_dma2 semaphore(%run_scoped3A : memref<!tpu.dma_semaphore, #tpu.memory_space<semaphore_mem>>) src(%dma_wait3A_52 : memref<16x128xi32, #tpu.memory_space<hbm>>) dst(%arg7 : memref<16x128xi32, #tpu.memory_space<vmem>>)
      tpu.yield
    }) : () -> ()
    "tpu.region"() ({
      %run_scoped3A = tpu.sem_alloc : memref<!tpu.dma_semaphore, #tpu.memory_space<semaphore_mem>>
      %dma_start3A = arith.constant 64 : i32
      %dma_start3A_39 = arith.constant 0 : i32
      %dma_start3A_40 = tpu.memref_slice %arg3[%add3A, %dma_start3A, %dma_start3A_39] : memref<32x80x128xi32, #tpu.memory_space<hbm>> -> memref<1x16x128xi32, #tpu.memory_space<hbm>>
      %dma_start3A_41 = tpu.memref_squeeze %dma_start3A_40 : memref<1x16x128xi32, #tpu.memory_space<hbm>> -> memref<16x128xi32, #tpu.memory_space<hbm>>
      %dma_start3A_42 = arith.constant 64 : i32
      %dma_start3A_43 = arith.constant 0 : i32
      %dma_start3A_44 = tpu.memref_slice %arg3[%add3A, %dma_start3A_42, %dma_start3A_43] : memref<32x80x128xi32, #tpu.memory_space<hbm>> -> memref<1x16x128xi32, #tpu.memory_space<hbm>>
      %dma_start3A_45 = tpu.memref_squeeze %dma_start3A_44 : memref<1x16x128xi32, #tpu.memory_space<hbm>> -> memref<16x128xi32, #tpu.memory_space<hbm>>
      tpu.enqueue_dma source(%dma_start3A_45 : memref<16x128xi32, #tpu.memory_space<hbm>>) target(%arg8 : memref<16x128xi32, #tpu.memory_space<vmem>>) target_semaphore(%run_scoped3A : memref<!tpu.dma_semaphore, #tpu.memory_space<semaphore_mem>>)
      %dma_wait3A = arith.constant 64 : i32
      %dma_wait3A_46 = arith.constant 0 : i32
      %dma_wait3A_47 = tpu.memref_slice %arg3[%add3A, %dma_wait3A, %dma_wait3A_46] : memref<32x80x128xi32, #tpu.memory_space<hbm>> -> memref<1x16x128xi32, #tpu.memory_space<hbm>>
      %dma_wait3A_48 = tpu.memref_squeeze %dma_wait3A_47 : memref<1x16x128xi32, #tpu.memory_space<hbm>> -> memref<16x128xi32, #tpu.memory_space<hbm>>
      %dma_wait3A_49 = arith.constant 64 : i32
      %dma_wait3A_50 = arith.constant 0 : i32
      %dma_wait3A_51 = tpu.memref_slice %arg3[%add3A, %dma_wait3A_49, %dma_wait3A_50] : memref<32x80x128xi32, #tpu.memory_space<hbm>> -> memref<1x16x128xi32, #tpu.memory_space<hbm>>
      %dma_wait3A_52 = tpu.memref_squeeze %dma_wait3A_51 : memref<1x16x128xi32, #tpu.memory_space<hbm>> -> memref<16x128xi32, #tpu.memory_space<hbm>>
      tpu.wait_dma2 semaphore(%run_scoped3A : memref<!tpu.dma_semaphore, #tpu.memory_space<semaphore_mem>>) src(%dma_wait3A_52 : memref<16x128xi32, #tpu.memory_space<hbm>>) dst(%arg8 : memref<16x128xi32, #tpu.memory_space<vmem>>)
      tpu.yield
    }) : () -> ()
    %scan3A_32 = arith.constant 0 : i32
    %scan3A_33 = arith.constant 0 : i32
    %scan3A_34 = arith.constant 8 : i32
    %scan3A_35 = arith.addi %scan3A_33, %scan3A_34 : i32
    %scan3A_36 = arith.constant 1 : i32
    scf.for %scan3A_39 = %scan3A_33 to %scan3A_35 step %scan3A_36  : i32 {
      %mul3A_40 = arith.constant 2 : i32
      %mul3A_41 = arith.muli %scan3A_39, %mul3A_40 : i32
      %add3A_42 = arith.constant 1 : i32
      %add3A_43 = arith.addi %mul3A_41, %add3A_42 : i32
      %dma_start3A = arith.constant 0 : i32
      %dma_start3A_44 = tpu.memref_slice %arg7[%mul3A_41, %dma_start3A] : memref<16x128xi32, #tpu.memory_space<vmem>> -> memref<1x128xi32, #tpu.memory_space<vmem>>
      %dma_start3A_45 = tpu.memref_squeeze %dma_start3A_44 : memref<1x128xi32, #tpu.memory_space<vmem>> -> memref<128xi32, #tpu.memory_space<vmem>>
      %dma_start3A_46 = arith.constant 0 : i32
      %dma_start3A_47 = arith.constant 0 : i32
      %dma_start3A_48 = tpu.memref_slice %arg4[%dma_start3A_46, %dma_start3A_47] : memref<10240x128xf32, #tpu.memory_space<hbm>> -> memref<10240x128xf32, #tpu.memory_space<hbm>>
      tpu.enqueue_indirect_dma source(%dma_start3A_48 : memref<10240x128xf32, #tpu.memory_space<hbm>>) target(%arg9 : memref<128x128xf32, #tpu.memory_space<vmem>>) offsets(%dma_start3A_45 : memref<128xi32, #tpu.memory_space<vmem>>) semaphore(%arg12 : memref<!tpu.dma_semaphore, #tpu.memory_space<semaphore_mem>>)
      %dma_start3A_49 = arith.constant 0 : i32
      %dma_start3A_50 = tpu.memref_slice %arg7[%add3A_43, %dma_start3A_49] : memref<16x128xi32, #tpu.memory_space<vmem>> -> memref<1x128xi32, #tpu.memory_space<vmem>>
      %dma_start3A_51 = tpu.memref_squeeze %dma_start3A_50 : memref<1x128xi32, #tpu.memory_space<vmem>> -> memref<128xi32, #tpu.memory_space<vmem>>
      %dma_start3A_52 = arith.constant 0 : i32
      %dma_start3A_53 = arith.constant 0 : i32
      %dma_start3A_54 = tpu.memref_slice %arg4[%dma_start3A_52, %dma_start3A_53] : memref<10240x128xf32, #tpu.memory_space<hbm>> -> memref<10240x128xf32, #tpu.memory_space<hbm>>
      tpu.enqueue_indirect_dma source(%dma_start3A_54 : memref<10240x128xf32, #tpu.memory_space<hbm>>) target(%arg10 : memref<128x128xf32, #tpu.memory_space<vmem>>) offsets(%dma_start3A_51 : memref<128xi32, #tpu.memory_space<vmem>>) semaphore(%arg13 : memref<!tpu.dma_semaphore, #tpu.memory_space<semaphore_mem>>)
      %dma_wait3A = arith.constant 0 : i32
      %dma_wait3A_55 = tpu.memref_slice %arg7[%mul3A_41, %dma_wait3A] : memref<16x128xi32, #tpu.memory_space<vmem>> -> memref<1x128xi32, #tpu.memory_space<vmem>>
      %dma_wait3A_56 = tpu.memref_squeeze %dma_wait3A_55 : memref<1x128xi32, #tpu.memory_space<vmem>> -> memref<128xi32, #tpu.memory_space<vmem>>
      %dma_wait3A_57 = arith.constant 0 : i32
      %dma_wait3A_58 = arith.constant 0 : i32
      %dma_wait3A_59 = tpu.memref_slice %arg4[%dma_wait3A_57, %dma_wait3A_58] : memref<10240x128xf32, #tpu.memory_space<hbm>> -> memref<10240x128xf32, #tpu.memory_space<hbm>>
      tpu.wait_indirect_dma semaphore(%arg12 : memref<!tpu.dma_semaphore, #tpu.memory_space<semaphore_mem>>) src(%dma_wait3A_59 : memref<10240x128xf32, #tpu.memory_space<hbm>>) dst(%arg9 : memref<128x128xf32, #tpu.memory_space<vmem>>)
      "tpu.region"() ({
        %run_scoped3A = tpu.sem_alloc : memref<!tpu.dma_semaphore, #tpu.memory_space<semaphore_mem>>
        %dma_start3A_66 = arith.constant 0 : i32
        %dma_start3A_67 = tpu.memref_slice %arg8[%mul3A_41, %dma_start3A_66] : memref<16x128xi32, #tpu.memory_space<vmem>> -> memref<1x128xi32, #tpu.memory_space<vmem>>
        %dma_start3A_68 = tpu.memref_squeeze %dma_start3A_67 : memref<1x128xi32, #tpu.memory_space<vmem>> -> memref<128xi32, #tpu.memory_space<vmem>>
        %dma_start3A_69 = arith.constant 0 : i32
        %dma_start3A_70 = arith.constant 0 : i32
        %dma_start3A_71 = tpu.memref_slice %arg11[%dma_start3A_69, %dma_start3A_70] : memref<10240x128xf32, #tpu.memory_space<vmem_shared>> -> memref<10240x128xf32, #tpu.memory_space<vmem_shared>>
        tpu.enqueue_indirect_dma source(%arg9 : memref<128x128xf32, #tpu.memory_space<vmem>>) target(%dma_start3A_71 : memref<10240x128xf32, #tpu.memory_space<vmem_shared>>) offsets(%dma_start3A_68 : memref<128xi32, #tpu.memory_space<vmem>>) semaphore(%run_scoped3A : memref<!tpu.dma_semaphore, #tpu.memory_space<semaphore_mem>>) {add = true}
        %dma_wait3A_72 = arith.constant 0 : i32
        %dma_wait3A_73 = tpu.memref_slice %arg8[%mul3A_41, %dma_wait3A_72] : memref<16x128xi32, #tpu.memory_space<vmem>> -> memref<1x128xi32, #tpu.memory_space<vmem>>
        %dma_wait3A_74 = tpu.memref_squeeze %dma_wait3A_73 : memref<1x128xi32, #tpu.memory_space<vmem>> -> memref<128xi32, #tpu.memory_space<vmem>>
        %dma_wait3A_75 = arith.constant 0 : i32
        %dma_wait3A_76 = arith.constant 0 : i32
        %dma_wait3A_77 = tpu.memref_slice %arg11[%dma_wait3A_75, %dma_wait3A_76] : memref<10240x128xf32, #tpu.memory_space<vmem_shared>> -> memref<10240x128xf32, #tpu.memory_space<vmem_shared>>
        tpu.wait_indirect_dma semaphore(%run_scoped3A : memref<!tpu.dma_semaphore, #tpu.memory_space<semaphore_mem>>) src(%arg9 : memref<128x128xf32, #tpu.memory_space<vmem>>) dst(%dma_wait3A_77 : memref<10240x128xf32, #tpu.memory_space<vmem_shared>>)
        tpu.yield
      }) : () -> ()
      %dma_wait3A_60 = arith.constant 0 : i32
      %dma_wait3A_61 = tpu.memref_slice %arg7[%add3A_43, %dma_wait3A_60] : memref<16x128xi32, #tpu.memory_space<vmem>> -> memref<1x128xi32, #tpu.memory_space<vmem>>
      %dma_wait3A_62 = tpu.memref_squeeze %dma_wait3A_61 : memref<1x128xi32, #tpu.memory_space<vmem>> -> memref<128xi32, #tpu.memory_space<vmem>>
      %dma_wait3A_63 = arith.constant 0 : i32
      %dma_wait3A_64 = arith.constant 0 : i32
      %dma_wait3A_65 = tpu.memref_slice %arg4[%dma_wait3A_63, %dma_wait3A_64] : memref<10240x128xf32, #tpu.memory_space<hbm>> -> memref<10240x128xf32, #tpu.memory_space<hbm>>
      tpu.wait_indirect_dma semaphore(%arg13 : memref<!tpu.dma_semaphore, #tpu.memory_space<semaphore_mem>>) src(%dma_wait3A_65 : memref<10240x128xf32, #tpu.memory_space<hbm>>) dst(%arg10 : memref<128x128xf32, #tpu.memory_space<vmem>>)
      "tpu.region"() ({
        %run_scoped3A = tpu.sem_alloc : memref<!tpu.dma_semaphore, #tpu.memory_space<semaphore_mem>>
        %dma_start3A_66 = arith.constant 0 : i32
        %dma_start3A_67 = tpu.memref_slice %arg8[%add3A_43, %dma_start3A_66] : memref<16x128xi32, #tpu.memory_space<vmem>> -> memref<1x128xi32, #tpu.memory_space<vmem>>
        %dma_start3A_68 = tpu.memref_squeeze %dma_start3A_67 : memref<1x128xi32, #tpu.memory_space<vmem>> -> memref<128xi32, #tpu.memory_space<vmem>>
        %dma_start3A_69 = arith.constant 0 : i32
        %dma_start3A_70 = arith.constant 0 : i32
        %dma_start3A_71 = tpu.memref_slice %arg11[%dma_start3A_69, %dma_start3A_70] : memref<10240x128xf32, #tpu.memory_space<vmem_shared>> -> memref<10240x128xf32, #tpu.memory_space<vmem_shared>>
        tpu.enqueue_indirect_dma source(%arg10 : memref<128x128xf32, #tpu.memory_space<vmem>>) target(%dma_start3A_71 : memref<10240x128xf32, #tpu.memory_space<vmem_shared>>) offsets(%dma_start3A_68 : memref<128xi32, #tpu.memory_space<vmem>>) semaphore(%run_scoped3A : memref<!tpu.dma_semaphore, #tpu.memory_space<semaphore_mem>>) {add = true}
        %dma_wait3A_72 = arith.constant 0 : i32
        %dma_wait3A_73 = tpu.memref_slice %arg8[%add3A_43, %dma_wait3A_72] : memref<16x128xi32, #tpu.memory_space<vmem>> -> memref<1x128xi32, #tpu.memory_space<vmem>>
        %dma_wait3A_74 = tpu.memref_squeeze %dma_wait3A_73 : memref<1x128xi32, #tpu.memory_space<vmem>> -> memref<128xi32, #tpu.memory_space<vmem>>
        %dma_wait3A_75 = arith.constant 0 : i32
        %dma_wait3A_76 = arith.constant 0 : i32
        %dma_wait3A_77 = tpu.memref_slice %arg11[%dma_wait3A_75, %dma_wait3A_76] : memref<10240x128xf32, #tpu.memory_space<vmem_shared>> -> memref<10240x128xf32, #tpu.memory_space<vmem_shared>>
        tpu.wait_indirect_dma semaphore(%run_scoped3A : memref<!tpu.dma_semaphore, #tpu.memory_space<semaphore_mem>>) src(%arg10 : memref<128x128xf32, #tpu.memory_space<vmem>>) dst(%dma_wait3A_77 : memref<10240x128xf32, #tpu.memory_space<vmem_shared>>)
        tpu.yield
      }) : () -> ()
    }
    %scan3A_37 = arith.constant 8 : i32
    %barrier3A_38 = arith.constant 0 : index
    tpu.barrier barrier_id(%barrier3A_38)
    "tpu.region"() ({
      %run_scoped3A = tpu.sem_alloc : memref<!tpu.dma_semaphore, #tpu.memory_space<semaphore_mem>>
      %dma_start3A = arith.constant 0 : i32
      %dma_start3A_39 = tpu.memref_slice %arg6[%arg0, %mul3A_2, %dma_start3A] : memref<2x10240x128xf32, #tpu.memory_space<hbm>> -> memref<1x640x128xf32, #tpu.memory_space<hbm>>
      %dma_start3A_40 = tpu.memref_squeeze %dma_start3A_39 : memref<1x640x128xf32, #tpu.memory_space<hbm>> -> memref<640x128xf32, #tpu.memory_space<hbm>>
      %dma_start3A_41 = arith.constant 0 : i32
      %dma_start3A_42 = tpu.memref_slice %arg11[%mul3A_2, %dma_start3A_41] : memref<10240x128xf32, #tpu.memory_space<vmem_shared>> -> memref<640x128xf32, #tpu.memory_space<vmem_shared>>
      tpu.enqueue_dma source(%dma_start3A_42 : memref<640x128xf32, #tpu.memory_space<vmem_shared>>) target(%dma_start3A_40 : memref<640x128xf32, #tpu.memory_space<hbm>>) target_semaphore(%run_scoped3A : memref<!tpu.dma_semaphore, #tpu.memory_space<semaphore_mem>>)
      %dma_wait3A = arith.constant 0 : i32
      %dma_wait3A_43 = tpu.memref_slice %arg6[%arg0, %mul3A_2, %dma_wait3A] : memref<2x10240x128xf32, #tpu.memory_space<hbm>> -> memref<1x640x128xf32, #tpu.memory_space<hbm>>
      %dma_wait3A_44 = tpu.memref_squeeze %dma_wait3A_43 : memref<1x640x128xf32, #tpu.memory_space<hbm>> -> memref<640x128xf32, #tpu.memory_space<hbm>>
      %dma_wait3A_45 = arith.constant 0 : i32
      %dma_wait3A_46 = tpu.memref_slice %arg11[%mul3A_2, %dma_wait3A_45] : memref<10240x128xf32, #tpu.memory_space<vmem_shared>> -> memref<640x128xf32, #tpu.memory_space<vmem_shared>>
      tpu.wait_dma2 semaphore(%run_scoped3A : memref<!tpu.dma_semaphore, #tpu.memory_space<semaphore_mem>>) src(%dma_wait3A_46 : memref<640x128xf32, #tpu.memory_space<vmem_shared>>) dst(%dma_wait3A_44 : memref<640x128xf32, #tpu.memory_space<hbm>>)
      tpu.yield
    }) : () -> ()
    return
  }
}

#map = affine_map<(d0, d1) -> (0, 0, 0)>
module attributes {stable_mosaic.version = 14 : i64} {
  func.func @_deg_kernel(%arg0: i32, %arg1: i32, %arg2: memref<32x80x128xi32, #tpu.memory_space<hbm>>, %arg3: memref<32x80x128xf32, #tpu.memory_space<hbm>>, %arg4: memref<80x128xi32, #tpu.memory_space<vmem>>, %arg5: memref<10240xf32, #tpu.memory_space<vmem>>) attributes {dimension_semantics = [#tpu.dimension_semantics<core_parallel>, #tpu.dimension_semantics<subcore_parallel>], iteration_bounds = array<i64: 2, 16>, scalar_prefetch = 0 : i64, scratch_operands = 2 : i64, tpu.core_type = #tpu.core_type<sc_vector_subcore>, window_params = [{transform_indices = #map}, {transform_indices = #map}]} {
    %mul3A = arith.constant 16 : i32
    %mul3A_0 = arith.muli %arg0, %mul3A : i32
    %add3A = arith.addi %mul3A_0, %arg1 : i32
    "tpu.region"() ({
      %run_scoped3A = tpu.sem_alloc : memref<!tpu.dma_semaphore, #tpu.memory_space<semaphore_mem>>
      %dma_start3A = arith.constant 0 : i32
      %dma_start3A_21 = arith.constant 0 : i32
      %dma_start3A_22 = tpu.memref_slice %arg2[%add3A, %dma_start3A, %dma_start3A_21] : memref<32x80x128xi32, #tpu.memory_space<hbm>> -> memref<1x80x128xi32, #tpu.memory_space<hbm>>
      %dma_start3A_23 = tpu.memref_squeeze %dma_start3A_22 : memref<1x80x128xi32, #tpu.memory_space<hbm>> -> memref<80x128xi32, #tpu.memory_space<hbm>>
      %dma_start3A_24 = arith.constant 0 : i32
      %dma_start3A_25 = arith.constant 0 : i32
      %dma_start3A_26 = tpu.memref_slice %arg2[%add3A, %dma_start3A_24, %dma_start3A_25] : memref<32x80x128xi32, #tpu.memory_space<hbm>> -> memref<1x80x128xi32, #tpu.memory_space<hbm>>
      %dma_start3A_27 = tpu.memref_squeeze %dma_start3A_26 : memref<1x80x128xi32, #tpu.memory_space<hbm>> -> memref<80x128xi32, #tpu.memory_space<hbm>>
      tpu.enqueue_dma source(%dma_start3A_27 : memref<80x128xi32, #tpu.memory_space<hbm>>) target(%arg4 : memref<80x128xi32, #tpu.memory_space<vmem>>) target_semaphore(%run_scoped3A : memref<!tpu.dma_semaphore, #tpu.memory_space<semaphore_mem>>)
      %dma_wait3A = arith.constant 0 : i32
      %dma_wait3A_28 = arith.constant 0 : i32
      %dma_wait3A_29 = tpu.memref_slice %arg2[%add3A, %dma_wait3A, %dma_wait3A_28] : memref<32x80x128xi32, #tpu.memory_space<hbm>> -> memref<1x80x128xi32, #tpu.memory_space<hbm>>
      %dma_wait3A_30 = tpu.memref_squeeze %dma_wait3A_29 : memref<1x80x128xi32, #tpu.memory_space<hbm>> -> memref<80x128xi32, #tpu.memory_space<hbm>>
      %dma_wait3A_31 = arith.constant 0 : i32
      %dma_wait3A_32 = arith.constant 0 : i32
      %dma_wait3A_33 = tpu.memref_slice %arg2[%add3A, %dma_wait3A_31, %dma_wait3A_32] : memref<32x80x128xi32, #tpu.memory_space<hbm>> -> memref<1x80x128xi32, #tpu.memory_space<hbm>>
      %dma_wait3A_34 = tpu.memref_squeeze %dma_wait3A_33 : memref<1x80x128xi32, #tpu.memory_space<hbm>> -> memref<80x128xi32, #tpu.memory_space<hbm>>
      tpu.wait_dma2 semaphore(%run_scoped3A : memref<!tpu.dma_semaphore, #tpu.memory_space<semaphore_mem>>) src(%dma_wait3A_34 : memref<80x128xi32, #tpu.memory_space<hbm>>) dst(%arg4 : memref<80x128xi32, #tpu.memory_space<vmem>>)
      tpu.yield
    }) : () -> ()
    %broadcast_in_dim3A = arith.constant 0.000000e+00 : f32
    %broadcast_in_dim3A_1 = vector.broadcast %broadcast_in_dim3A : f32 to vector<16xf32>
    %scan3A = arith.constant 0 : i32
    %scan3A_2 = arith.constant 0 : i32
    %scan3A_3 = arith.constant 640 : i32
    %scan3A_4 = arith.addi %scan3A_2, %scan3A_3 : i32
    %scan3A_5 = arith.constant 1 : i32
    scf.for %scan3A_21 = %scan3A_2 to %scan3A_4 step %scan3A_5  : i32 {
      %mul3A_22 = arith.constant 16 : i32
      %mul3A_23 = arith.muli %scan3A_21, %mul3A_22 : i32
      %swap3A = arith.index_cast %mul3A_23 : i32 to index
      %swap3A_24 = tpu.vector_load %arg5[%swap3A] {strides = array<i32>} : memref<10240xf32, #tpu.memory_space<vmem>>, vector<16xf32>,
      tpu.vector_store %arg5[%swap3A], %broadcast_in_dim3A_1 {strides = array<i32>} : memref<10240xf32, #tpu.memory_space<vmem>>, vector<16xf32>,
    }
    %scan3A_6 = arith.constant 640 : i32
    %broadcast_in_dim3A_7 = arith.constant 1.000000e+00 : f32
    %broadcast_in_dim3A_8 = vector.broadcast %broadcast_in_dim3A_7 : f32 to vector<16xf32>
    %scan3A_9 = arith.constant 0 : i32
    %scan3A_10 = arith.constant 0 : i32
    %scan3A_11 = arith.constant 80 : i32
    %scan3A_12 = arith.addi %scan3A_10, %scan3A_11 : i32
    %scan3A_13 = arith.constant 1 : i32
    scf.for %scan3A_21 = %scan3A_10 to %scan3A_12 step %scan3A_13  : i32 {
      %get3A = arith.index_cast %scan3A_21 : i32 to index
      %get3A_22 = arith.constant 0 : index
      %get3A_23 = tpu.vector_load %arg4[%get3A, %get3A_22] {strides = array<i32>} : memref<80x128xi32, #tpu.memory_space<vmem>>, vector<16xi32>,
      tpu.vector_store_idx %arg5[%get3A_23], %broadcast_in_dim3A_8 {add = true} : memref<10240xf32, #tpu.memory_space<vmem>>[vector<16xi32>], vector<16xf32>,
      %get3A_24 = arith.index_cast %scan3A_21 : i32 to index
      %get3A_25 = arith.constant 16 : index
      %get3A_26 = tpu.vector_load %arg4[%get3A_24, %get3A_25] {strides = array<i32>} : memref<80x128xi32, #tpu.memory_space<vmem>>, vector<16xi32>,
      tpu.vector_store_idx %arg5[%get3A_26], %broadcast_in_dim3A_8 {add = true} : memref<10240xf32, #tpu.memory_space<vmem>>[vector<16xi32>], vector<16xf32>,
      %get3A_27 = arith.index_cast %scan3A_21 : i32 to index
      %get3A_28 = arith.constant 32 : index
      %get3A_29 = tpu.vector_load %arg4[%get3A_27, %get3A_28] {strides = array<i32>} : memref<80x128xi32, #tpu.memory_space<vmem>>, vector<16xi32>,
      tpu.vector_store_idx %arg5[%get3A_29], %broadcast_in_dim3A_8 {add = true} : memref<10240xf32, #tpu.memory_space<vmem>>[vector<16xi32>], vector<16xf32>,
      %get3A_30 = arith.index_cast %scan3A_21 : i32 to index
      %get3A_31 = arith.constant 48 : index
      %get3A_32 = tpu.vector_load %arg4[%get3A_30, %get3A_31] {strides = array<i32>} : memref<80x128xi32, #tpu.memory_space<vmem>>, vector<16xi32>,
      tpu.vector_store_idx %arg5[%get3A_32], %broadcast_in_dim3A_8 {add = true} : memref<10240xf32, #tpu.memory_space<vmem>>[vector<16xi32>], vector<16xf32>,
      %get3A_33 = arith.index_cast %scan3A_21 : i32 to index
      %get3A_34 = arith.constant 64 : index
      %get3A_35 = tpu.vector_load %arg4[%get3A_33, %get3A_34] {strides = array<i32>} : memref<80x128xi32, #tpu.memory_space<vmem>>, vector<16xi32>,
      tpu.vector_store_idx %arg5[%get3A_35], %broadcast_in_dim3A_8 {add = true} : memref<10240xf32, #tpu.memory_space<vmem>>[vector<16xi32>], vector<16xf32>,
      %get3A_36 = arith.index_cast %scan3A_21 : i32 to index
      %get3A_37 = arith.constant 80 : index
      %get3A_38 = tpu.vector_load %arg4[%get3A_36, %get3A_37] {strides = array<i32>} : memref<80x128xi32, #tpu.memory_space<vmem>>, vector<16xi32>,
      tpu.vector_store_idx %arg5[%get3A_38], %broadcast_in_dim3A_8 {add = true} : memref<10240xf32, #tpu.memory_space<vmem>>[vector<16xi32>], vector<16xf32>,
      %get3A_39 = arith.index_cast %scan3A_21 : i32 to index
      %get3A_40 = arith.constant 96 : index
      %get3A_41 = tpu.vector_load %arg4[%get3A_39, %get3A_40] {strides = array<i32>} : memref<80x128xi32, #tpu.memory_space<vmem>>, vector<16xi32>,
      tpu.vector_store_idx %arg5[%get3A_41], %broadcast_in_dim3A_8 {add = true} : memref<10240xf32, #tpu.memory_space<vmem>>[vector<16xi32>], vector<16xf32>,
      %get3A_42 = arith.index_cast %scan3A_21 : i32 to index
      %get3A_43 = arith.constant 112 : index
      %get3A_44 = tpu.vector_load %arg4[%get3A_42, %get3A_43] {strides = array<i32>} : memref<80x128xi32, #tpu.memory_space<vmem>>, vector<16xi32>,
      tpu.vector_store_idx %arg5[%get3A_44], %broadcast_in_dim3A_8 {add = true} : memref<10240xf32, #tpu.memory_space<vmem>>[vector<16xi32>], vector<16xf32>,
    }
    %scan3A_14 = arith.constant 80 : i32
    %scan3A_15 = arith.constant 0 : i32
    %scan3A_16 = arith.constant 0 : i32
    %scan3A_17 = arith.constant 80 : i32
    %scan3A_18 = arith.addi %scan3A_16, %scan3A_17 : i32
    %scan3A_19 = arith.constant 1 : i32
    scf.for %scan3A_21 = %scan3A_16 to %scan3A_18 step %scan3A_19  : i32 {
      %mul3A_22 = arith.constant 128 : i32
      %mul3A_23 = arith.muli %scan3A_21, %mul3A_22 : i32
      "tpu.region"() ({
        %run_scoped3A = tpu.sem_alloc : memref<!tpu.dma_semaphore, #tpu.memory_space<semaphore_mem>>
        %dma_start3A = tpu.memref_slice %arg5[%mul3A_23] : memref<10240xf32, #tpu.memory_space<vmem>> -> memref<128xf32, #tpu.memory_space<vmem>>
        %dma_start3A_24 = arith.constant 0 : i32
        %dma_start3A_25 = tpu.memref_slice %arg3[%add3A, %scan3A_21, %dma_start3A_24] : memref<32x80x128xf32, #tpu.memory_space<hbm>> -> memref<1x1x128xf32, #tpu.memory_space<hbm>>
        %dma_start3A_26 = tpu.memref_squeeze %dma_start3A_25 : memref<1x1x128xf32, #tpu.memory_space<hbm>> -> memref<128xf32, #tpu.memory_space<hbm>>
        %dma_start3A_27 = arith.constant 0 : i32
        %dma_start3A_28 = tpu.memref_slice %arg3[%add3A, %scan3A_21, %dma_start3A_27] : memref<32x80x128xf32, #tpu.memory_space<hbm>> -> memref<1x1x128xf32, #tpu.memory_space<hbm>>
        %dma_start3A_29 = tpu.memref_squeeze %dma_start3A_28 : memref<1x1x128xf32, #tpu.memory_space<hbm>> -> memref<128xf32, #tpu.memory_space<hbm>>
        %dma_start3A_30 = tpu.memref_slice %arg5[%mul3A_23] : memref<10240xf32, #tpu.memory_space<vmem>> -> memref<128xf32, #tpu.memory_space<vmem>>
        tpu.enqueue_dma source(%dma_start3A_30 : memref<128xf32, #tpu.memory_space<vmem>>) target(%dma_start3A_29 : memref<128xf32, #tpu.memory_space<hbm>>) target_semaphore(%run_scoped3A : memref<!tpu.dma_semaphore, #tpu.memory_space<semaphore_mem>>)
        %dma_wait3A = tpu.memref_slice %arg5[%mul3A_23] : memref<10240xf32, #tpu.memory_space<vmem>> -> memref<128xf32, #tpu.memory_space<vmem>>
        %dma_wait3A_31 = arith.constant 0 : i32
        %dma_wait3A_32 = tpu.memref_slice %arg3[%add3A, %scan3A_21, %dma_wait3A_31] : memref<32x80x128xf32, #tpu.memory_space<hbm>> -> memref<1x1x128xf32, #tpu.memory_space<hbm>>
        %dma_wait3A_33 = tpu.memref_squeeze %dma_wait3A_32 : memref<1x1x128xf32, #tpu.memory_space<hbm>> -> memref<128xf32, #tpu.memory_space<hbm>>
        %dma_wait3A_34 = arith.constant 0 : i32
        %dma_wait3A_35 = tpu.memref_slice %arg3[%add3A, %scan3A_21, %dma_wait3A_34] : memref<32x80x128xf32, #tpu.memory_space<hbm>> -> memref<1x1x128xf32, #tpu.memory_space<hbm>>
        %dma_wait3A_36 = tpu.memref_squeeze %dma_wait3A_35 : memref<1x1x128xf32, #tpu.memory_space<hbm>> -> memref<128xf32, #tpu.memory_space<hbm>>
        %dma_wait3A_37 = tpu.memref_slice %arg5[%mul3A_23] : memref<10240xf32, #tpu.memory_space<vmem>> -> memref<128xf32, #tpu.memory_space<vmem>>
        tpu.wait_dma2 semaphore(%run_scoped3A : memref<!tpu.dma_semaphore, #tpu.memory_space<semaphore_mem>>) src(%dma_wait3A_37 : memref<128xf32, #tpu.memory_space<vmem>>) dst(%dma_wait3A_36 : memref<128xf32, #tpu.memory_space<hbm>>)
        tpu.yield
      }) : () -> ()
    }
    %scan3A_20 = arith.constant 80 : i32
    return
  }
}

module attributes {stable_mosaic.version = 14 : i64} {
  func.func @_mm_body(%arg0: memref<10000x128xf32, #tpu.memory_space<vmem>>, %arg1: memref<128x128xf32, #tpu.memory_space<vmem>>, %arg2: memref<10000x128xf32, #tpu.memory_space<vmem>>) attributes {dimension_semantics = [], scalar_prefetch = 0 : i64, scratch_operands = 0 : i64, tpu.core_type = #tpu.core_type<tc>} {
    %get3A = arith.constant 0 : index
    %get3A_0 = arith.constant 0 : index
    %get3A_1 = vector.load %arg0[%get3A, %get3A_0] : memref<10000x128xf32, #tpu.memory_space<vmem>>, vector<10000x128xf32>
    %get3A_2 = arith.constant 0 : index
    %get3A_3 = arith.constant 0 : index
    %get3A_4 = vector.load %arg1[%get3A_2, %get3A_3] : memref<128x128xf32, #tpu.memory_space<vmem>>, vector<128x128xf32>
    %dot_general3A = arith.constant dense<0.000000e+00> : vector<10000x128xf32>
    %dot_general3A_5 = tpu.matmul %get3A_1, %get3A_4, %dot_general3A {dimension_numbers = #tpu.dot_dimension_numbers<[1], [0], [0], [1], [0, 0, 1, 1], [], []>, transpose_lhs_hint = false} : vector<10000x128xf32>, vector<128x128xf32>, vector<10000x128xf32> -> vector<10000x128xf32>
    %swap3A = arith.constant 0 : index
    %swap3A_6 = arith.constant 0 : index
    %swap3A_7 = vector.load %arg2[%swap3A, %swap3A_6] : memref<10000x128xf32, #tpu.memory_space<vmem>>, vector<10000x128xf32>
    tpu.vector_store %arg2[%swap3A, %swap3A_6], %dot_general3A_5 {strides = array<i32>} : memref<10000x128xf32, #tpu.memory_space<vmem>>, vector<10000x128xf32>,
    return
  }
}

module attributes {stable_mosaic.version = 14 : i64} {
  func.func @_scale_body(%arg0: memref<10000x128xf32, #tpu.memory_space<vmem>>, %arg1: memref<32x80x128xf32, #tpu.memory_space<vmem>>, %arg2: memref<10240x128xf32, #tpu.memory_space<vmem>>) attributes {dimension_semantics = [], scalar_prefetch = 0 : i64, scratch_operands = 0 : i64, tpu.core_type = #tpu.core_type<tc>} {
    %get3A = arith.constant 0 : index
    %get3A_0 = arith.constant 0 : index
    %get3A_1 = arith.constant 0 : index
    %get3A_2 = vector.load %arg1[%get3A, %get3A_0, %get3A_1] : memref<32x80x128xf32, #tpu.memory_space<vmem>>, vector<32x80x128xf32>
    %reduce_sum3A = arith.constant dense<0.000000e+00> : vector<80x128xf32>
    %reduce_sum3A_3 = vector.multi_reduction <add>, %get3A_2, %reduce_sum3A [0] : vector<32x80x128xf32> to vector<80x128xf32>
    %add3A = arith.constant 1.000000e+00 : f32
    %add3A_4 = vector.broadcast %add3A : f32 to vector<80x128xf32>
    %add3A_5 = arith.addf %reduce_sum3A_3, %add3A_4 : vector<80x128xf32>
    %rsqrt3A = math.rsqrt %add3A_5 : vector<80x128xf32>
    %transpose3A = tpu.transpose %rsqrt3A, [1, 0] : vector<80x128xf32> -> vector<128x80xf32>
    %get3A_6 = arith.constant 0 : index
    %get3A_7 = arith.constant 0 : index
    %get3A_8 = vector.load %arg0[%get3A_6, %get3A_7] : memref<10000x128xf32, #tpu.memory_space<vmem>>, vector<128x128xf32>
    %slice3A = vector.extract_strided_slice %transpose3A {offsets = [0, 0], sizes = [128, 1], strides = [1, 1]} : vector<128x80xf32> to vector<128x1xf32>
    %mul3A = vector.broadcast %slice3A : vector<128x1xf32> to vector<128x128xf32>
    %mul3A_9 = arith.mulf %get3A_8, %mul3A : vector<128x128xf32>
    %swap3A = arith.constant 0 : index
    %swap3A_10 = arith.constant 0 : index
    %swap3A_11 = vector.load %arg2[%swap3A, %swap3A_10] : memref<10240x128xf32, #tpu.memory_space<vmem>>, vector<128x128xf32>
    tpu.vector_store %arg2[%swap3A, %swap3A_10], %mul3A_9 {strides = array<i32>} : memref<10240x128xf32, #tpu.memory_space<vmem>>, vector<128x128xf32>,
    %get3A_12 = arith.constant 128 : index
    %get3A_13 = arith.constant 0 : index
    %get3A_14 = vector.load %arg0[%get3A_12, %get3A_13] : memref<10000x128xf32, #tpu.memory_space<vmem>>, vector<128x128xf32>
    %slice3A_15 = vector.extract_strided_slice %transpose3A {offsets = [0, 1], sizes = [128, 1], strides = [1, 1]} : vector<128x80xf32> to vector<128x1xf32>
    %mul3A_16 = vector.broadcast %slice3A_15 : vector<128x1xf32> to vector<128x128xf32>
    %mul3A_17 = arith.mulf %get3A_14, %mul3A_16 : vector<128x128xf32>
    %swap3A_18 = arith.constant 128 : index
    %swap3A_19 = arith.constant 0 : index
    %swap3A_20 = vector.load %arg2[%swap3A_18, %swap3A_19] : memref<10240x128xf32, #tpu.memory_space<vmem>>, vector<128x128xf32>
    tpu.vector_store %arg2[%swap3A_18, %swap3A_19], %mul3A_17 {strides = array<i32>} : memref<10240x128xf32, #tpu.memory_space<vmem>>, vector<128x128xf32>,
    %get3A_21 = arith.constant 256 : index
    %get3A_22 = arith.constant 0 : index
    %get3A_23 = vector.load %arg0[%get3A_21, %get3A_22] : memref<10000x128xf32, #tpu.memory_space<vmem>>, vector<128x128xf32>
    %slice3A_24 = vector.extract_strided_slice %transpose3A {offsets = [0, 2], sizes = [128, 1], strides = [1, 1]} : vector<128x80xf32> to vector<128x1xf32>
    %mul3A_25 = vector.broadcast %slice3A_24 : vector<128x1xf32> to vector<128x128xf32>
    %mul3A_26 = arith.mulf %get3A_23, %mul3A_25 : vector<128x128xf32>
    %swap3A_27 = arith.constant 256 : index
    %swap3A_28 = arith.constant 0 : index
    %swap3A_29 = vector.load %arg2[%swap3A_27, %swap3A_28] : memref<10240x128xf32, #tpu.memory_space<vmem>>, vector<128x128xf32>
    tpu.vector_store %arg2[%swap3A_27, %swap3A_28], %mul3A_26 {strides = array<i32>} : memref<10240x128xf32, #tpu.memory_space<vmem>>, vector<128x128xf32>,
    %get3A_30 = arith.constant 384 : index
    %get3A_31 = arith.constant 0 : index
    %get3A_32 = vector.load %arg0[%get3A_30, %get3A_31] : memref<10000x128xf32, #tpu.memory_space<vmem>>, vector<128x128xf32>
    %slice3A_33 = vector.extract_strided_slice %transpose3A {offsets = [0, 3], sizes = [128, 1], strides = [1, 1]} : vector<128x80xf32> to vector<128x1xf32>
    %mul3A_34 = vector.broadcast %slice3A_33 : vector<128x1xf32> to vector<128x128xf32>
    %mul3A_35 = arith.mulf %get3A_32, %mul3A_34 : vector<128x128xf32>
    %swap3A_36 = arith.constant 384 : index
    %swap3A_37 = arith.constant 0 : index
    %swap3A_38 = vector.load %arg2[%swap3A_36, %swap3A_37] : memref<10240x128xf32, #tpu.memory_space<vmem>>, vector<128x128xf32>
    tpu.vector_store %arg2[%swap3A_36, %swap3A_37], %mul3A_35 {strides = array<i32>} : memref<10240x128xf32, #tpu.memory_space<vmem>>, vector<128x128xf32>,
    %get3A_39 = arith.constant 512 : index
    %get3A_40 = arith.constant 0 : index
    %get3A_41 = vector.load %arg0[%get3A_39, %get3A_40] : memref<10000x128xf32, #tpu.memory_space<vmem>>, vector<128x128xf32>
    %slice3A_42 = vector.extract_strided_slice %transpose3A {offsets = [0, 4], sizes = [128, 1], strides = [1, 1]} : vector<128x80xf32> to vector<128x1xf32>
    %mul3A_43 = vector.broadcast %slice3A_42 : vector<128x1xf32> to vector<128x128xf32>
    %mul3A_44 = arith.mulf %get3A_41, %mul3A_43 : vector<128x128xf32>
    %swap3A_45 = arith.constant 512 : index
    %swap3A_46 = arith.constant 0 : index
    %swap3A_47 = vector.load %arg2[%swap3A_45, %swap3A_46] : memref<10240x128xf32, #tpu.memory_space<vmem>>, vector<128x128xf32>
    tpu.vector_store %arg2[%swap3A_45, %swap3A_46], %mul3A_44 {strides = array<i32>} : memref<10240x128xf32, #tpu.memory_space<vmem>>, vector<128x128xf32>,
    %get3A_48 = arith.constant 640 : index
    %get3A_49 = arith.constant 0 : index
    %get3A_50 = vector.load %arg0[%get3A_48, %get3A_49] : memref<10000x128xf32, #tpu.memory_space<vmem>>, vector<128x128xf32>
    %slice3A_51 = vector.extract_strided_slice %transpose3A {offsets = [0, 5], sizes = [128, 1], strides = [1, 1]} : vector<128x80xf32> to vector<128x1xf32>
    %mul3A_52 = vector.broadcast %slice3A_51 : vector<128x1xf32> to vector<128x128xf32>
    %mul3A_53 = arith.mulf %get3A_50, %mul3A_52 : vector<128x128xf32>
    %swap3A_54 = arith.constant 640 : index
    %swap3A_55 = arith.constant 0 : index
    %swap3A_56 = vector.load %arg2[%swap3A_54, %swap3A_55] : memref<10240x128xf32, #tpu.memory_space<vmem>>, vector<128x128xf32>
    tpu.vector_store %arg2[%swap3A_54, %swap3A_55], %mul3A_53 {strides = array<i32>} : memref<10240x128xf32, #tpu.memory_space<vmem>>, vector<128x128xf32>,
    %get3A_57 = arith.constant 768 : index
    %get3A_58 = arith.constant 0 : index
    %get3A_59 = vector.load %arg0[%get3A_57, %get3A_58] : memref<10000x128xf32, #tpu.memory_space<vmem>>, vector<128x128xf32>
    %slice3A_60 = vector.extract_strided_slice %transpose3A {offsets = [0, 6], sizes = [128, 1], strides = [1, 1]} : vector<128x80xf32> to vector<128x1xf32>
    %mul3A_61 = vector.broadcast %slice3A_60 : vector<128x1xf32> to vector<128x128xf32>
    %mul3A_62 = arith.mulf %get3A_59, %mul3A_61 : vector<128x128xf32>
    %swap3A_63 = arith.constant 768 : index
    %swap3A_64 = arith.constant 0 : index
    %swap3A_65 = vector.load %arg2[%swap3A_63, %swap3A_64] : memref<10240x128xf32, #tpu.memory_space<vmem>>, vector<128x128xf32>
    tpu.vector_store %arg2[%swap3A_63, %swap3A_64], %mul3A_62 {strides = array<i32>} : memref<10240x128xf32, #tpu.memory_space<vmem>>, vector<128x128xf32>,
    %get3A_66 = arith.constant 896 : index
    %get3A_67 = arith.constant 0 : index
    %get3A_68 = vector.load %arg0[%get3A_66, %get3A_67] : memref<10000x128xf32, #tpu.memory_space<vmem>>, vector<128x128xf32>
    %slice3A_69 = vector.extract_strided_slice %transpose3A {offsets = [0, 7], sizes = [128, 1], strides = [1, 1]} : vector<128x80xf32> to vector<128x1xf32>
    %mul3A_70 = vector.broadcast %slice3A_69 : vector<128x1xf32> to vector<128x128xf32>
    %mul3A_71 = arith.mulf %get3A_68, %mul3A_70 : vector<128x128xf32>
    %swap3A_72 = arith.constant 896 : index
    %swap3A_73 = arith.constant 0 : index
    %swap3A_74 = vector.load %arg2[%swap3A_72, %swap3A_73] : memref<10240x128xf32, #tpu.memory_space<vmem>>, vector<128x128xf32>
    tpu.vector_store %arg2[%swap3A_72, %swap3A_73], %mul3A_71 {strides = array<i32>} : memref<10240x128xf32, #tpu.memory_space<vmem>>, vector<128x128xf32>,
    %get3A_75 = arith.constant 1024 : index
    %get3A_76 = arith.constant 0 : index
    %get3A_77 = vector.load %arg0[%get3A_75, %get3A_76] : memref<10000x128xf32, #tpu.memory_space<vmem>>, vector<128x128xf32>
    %slice3A_78 = vector.extract_strided_slice %transpose3A {offsets = [0, 8], sizes = [128, 1], strides = [1, 1]} : vector<128x80xf32> to vector<128x1xf32>
    %mul3A_79 = vector.broadcast %slice3A_78 : vector<128x1xf32> to vector<128x128xf32>
    %mul3A_80 = arith.mulf %get3A_77, %mul3A_79 : vector<128x128xf32>
    %swap3A_81 = arith.constant 1024 : index
    %swap3A_82 = arith.constant 0 : index
    %swap3A_83 = vector.load %arg2[%swap3A_81, %swap3A_82] : memref<10240x128xf32, #tpu.memory_space<vmem>>, vector<128x128xf32>
    tpu.vector_store %arg2[%swap3A_81, %swap3A_82], %mul3A_80 {strides = array<i32>} : memref<10240x128xf32, #tpu.memory_space<vmem>>, vector<128x128xf32>,
    %get3A_84 = arith.constant 1152 : index
    %get3A_85 = arith.constant 0 : index
    %get3A_86 = vector.load %arg0[%get3A_84, %get3A_85] : memref<10000x128xf32, #tpu.memory_space<vmem>>, vector<128x128xf32>
    %slice3A_87 = vector.extract_strided_slice %transpose3A {offsets = [0, 9], sizes = [128, 1], strides = [1, 1]} : vector<128x80xf32> to vector<128x1xf32>
    %mul3A_88 = vector.broadcast %slice3A_87 : vector<128x1xf32> to vector<128x128xf32>
    %mul3A_89 = arith.mulf %get3A_86, %mul3A_88 : vector<128x128xf32>
    %swap3A_90 = arith.constant 1152 : index
    %swap3A_91 = arith.constant 0 : index
    %swap3A_92 = vector.load %arg2[%swap3A_90, %swap3A_91] : memref<10240x128xf32, #tpu.memory_space<vmem>>, vector<128x128xf32>
    tpu.vector_store %arg2[%swap3A_90, %swap3A_91], %mul3A_89 {strides = array<i32>} : memref<10240x128xf32, #tpu.memory_space<vmem>>, vector<128x128xf32>,
    %get3A_93 = arith.constant 1280 : index
    %get3A_94 = arith.constant 0 : index
    %get3A_95 = vector.load %arg0[%get3A_93, %get3A_94] : memref<10000x128xf32, #tpu.memory_space<vmem>>, vector<128x128xf32>
    %slice3A_96 = vector.extract_strided_slice %transpose3A {offsets = [0, 10], sizes = [128, 1], strides = [1, 1]} : vector<128x80xf32> to vector<128x1xf32>
    %mul3A_97 = vector.broadcast %slice3A_96 : vector<128x1xf32> to vector<128x128xf32>
    %mul3A_98 = arith.mulf %get3A_95, %mul3A_97 : vector<128x128xf32>
    %swap3A_99 = arith.constant 1280 : index
    %swap3A_100 = arith.constant 0 : index
    %swap3A_101 = vector.load %arg2[%swap3A_99, %swap3A_100] : memref<10240x128xf32, #tpu.memory_space<vmem>>, vector<128x128xf32>
    tpu.vector_store %arg2[%swap3A_99, %swap3A_100], %mul3A_98 {strides = array<i32>} : memref<10240x128xf32, #tpu.memory_space<vmem>>, vector<128x128xf32>,
    %get3A_102 = arith.constant 1408 : index
    %get3A_103 = arith.constant 0 : index
    %get3A_104 = vector.load %arg0[%get3A_102, %get3A_103] : memref<10000x128xf32, #tpu.memory_space<vmem>>, vector<128x128xf32>
    %slice3A_105 = vector.extract_strided_slice %transpose3A {offsets = [0, 11], sizes = [128, 1], strides = [1, 1]} : vector<128x80xf32> to vector<128x1xf32>
    %mul3A_106 = vector.broadcast %slice3A_105 : vector<128x1xf32> to vector<128x128xf32>
    %mul3A_107 = arith.mulf %get3A_104, %mul3A_106 : vector<128x128xf32>
    %swap3A_108 = arith.constant 1408 : index
    %swap3A_109 = arith.constant 0 : index
    %swap3A_110 = vector.load %arg2[%swap3A_108, %swap3A_109] : memref<10240x128xf32, #tpu.memory_space<vmem>>, vector<128x128xf32>
    tpu.vector_store %arg2[%swap3A_108, %swap3A_109], %mul3A_107 {strides = array<i32>} : memref<10240x128xf32, #tpu.memory_space<vmem>>, vector<128x128xf32>,
    %get3A_111 = arith.constant 1536 : index
    %get3A_112 = arith.constant 0 : index
    %get3A_113 = vector.load %arg0[%get3A_111, %get3A_112] : memref<10000x128xf32, #tpu.memory_space<vmem>>, vector<128x128xf32>
    %slice3A_114 = vector.extract_strided_slice %transpose3A {offsets = [0, 12], sizes = [128, 1], strides = [1, 1]} : vector<128x80xf32> to vector<128x1xf32>
    %mul3A_115 = vector.broadcast %slice3A_114 : vector<128x1xf32> to vector<128x128xf32>
    %mul3A_116 = arith.mulf %get3A_113, %mul3A_115 : vector<128x128xf32>
    %swap3A_117 = arith.constant 1536 : index
    %swap3A_118 = arith.constant 0 : index
    %swap3A_119 = vector.load %arg2[%swap3A_117, %swap3A_118] : memref<10240x128xf32, #tpu.memory_space<vmem>>, vector<128x128xf32>
    tpu.vector_store %arg2[%swap3A_117, %swap3A_118], %mul3A_116 {strides = array<i32>} : memref<10240x128xf32, #tpu.memory_space<vmem>>, vector<128x128xf32>,
    %get3A_120 = arith.constant 1664 : index
    %get3A_121 = arith.constant 0 : index
    %get3A_122 = vector.load %arg0[%get3A_120, %get3A_121] : memref<10000x128xf32, #tpu.memory_space<vmem>>, vector<128x128xf32>
    %slice3A_123 = vector.extract_strided_slice %transpose3A {offsets = [0, 13], sizes = [128, 1], strides = [1, 1]} : vector<128x80xf32> to vector<128x1xf32>
    %mul3A_124 = vector.broadcast %slice3A_123 : vector<128x1xf32> to vector<128x128xf32>
    %mul3A_125 = arith.mulf %get3A_122, %mul3A_124 : vector<128x128xf32>
    %swap3A_126 = arith.constant 1664 : index
    %swap3A_127 = arith.constant 0 : index
    %swap3A_128 = vector.load %arg2[%swap3A_126, %swap3A_127] : memref<10240x128xf32, #tpu.memory_space<vmem>>, vector<128x128xf32>
    tpu.vector_store %arg2[%swap3A_126, %swap3A_127], %mul3A_125 {strides = array<i32>} : memref<10240x128xf32, #tpu.memory_space<vmem>>, vector<128x128xf32>,
    %get3A_129 = arith.constant 1792 : index
    %get3A_130 = arith.constant 0 : index
    %get3A_131 = vector.load %arg0[%get3A_129, %get3A_130] : memref<10000x128xf32, #tpu.memory_space<vmem>>, vector<128x128xf32>
    %slice3A_132 = vector.extract_strided_slice %transpose3A {offsets = [0, 14], sizes = [128, 1], strides = [1, 1]} : vector<128x80xf32> to vector<128x1xf32>
    %mul3A_133 = vector.broadcast %slice3A_132 : vector<128x1xf32> to vector<128x128xf32>
    %mul3A_134 = arith.mulf %get3A_131, %mul3A_133 : vector<128x128xf32>
    %swap3A_135 = arith.constant 1792 : index
    %swap3A_136 = arith.constant 0 : index
    %swap3A_137 = vector.load %arg2[%swap3A_135, %swap3A_136] : memref<10240x128xf32, #tpu.memory_space<vmem>>, vector<128x128xf32>
    tpu.vector_store %arg2[%swap3A_135, %swap3A_136], %mul3A_134 {strides = array<i32>} : memref<10240x128xf32, #tpu.memory_space<vmem>>, vector<128x128xf32>,
    %get3A_138 = arith.constant 1920 : index
    %get3A_139 = arith.constant 0 : index
    %get3A_140 = vector.load %arg0[%get3A_138, %get3A_139] : memref<10000x128xf32, #tpu.memory_space<vmem>>, vector<128x128xf32>
    %slice3A_141 = vector.extract_strided_slice %transpose3A {offsets = [0, 15], sizes = [128, 1], strides = [1, 1]} : vector<128x80xf32> to vector<128x1xf32>
    %mul3A_142 = vector.broadcast %slice3A_141 : vector<128x1xf32> to vector<128x128xf32>
    %mul3A_143 = arith.mulf %get3A_140, %mul3A_142 : vector<128x128xf32>
    %swap3A_144 = arith.constant 1920 : index
    %swap3A_145 = arith.constant 0 : index
    %swap3A_146 = vector.load %arg2[%swap3A_144, %swap3A_145] : memref<10240x128xf32, #tpu.memory_space<vmem>>, vector<128x128xf32>
    tpu.vector_store %arg2[%swap3A_144, %swap3A_145], %mul3A_143 {strides = array<i32>} : memref<10240x128xf32, #tpu.memory_space<vmem>>, vector<128x128xf32>,
    %get3A_147 = arith.constant 2048 : index
    %get3A_148 = arith.constant 0 : index
    %get3A_149 = vector.load %arg0[%get3A_147, %get3A_148] : memref<10000x128xf32, #tpu.memory_space<vmem>>, vector<128x128xf32>
    %slice3A_150 = vector.extract_strided_slice %transpose3A {offsets = [0, 16], sizes = [128, 1], strides = [1, 1]} : vector<128x80xf32> to vector<128x1xf32>
    %mul3A_151 = vector.broadcast %slice3A_150 : vector<128x1xf32> to vector<128x128xf32>
    %mul3A_152 = arith.mulf %get3A_149, %mul3A_151 : vector<128x128xf32>
    %swap3A_153 = arith.constant 2048 : index
    %swap3A_154 = arith.constant 0 : index
    %swap3A_155 = vector.load %arg2[%swap3A_153, %swap3A_154] : memref<10240x128xf32, #tpu.memory_space<vmem>>, vector<128x128xf32>
    tpu.vector_store %arg2[%swap3A_153, %swap3A_154], %mul3A_152 {strides = array<i32>} : memref<10240x128xf32, #tpu.memory_space<vmem>>, vector<128x128xf32>,
    %get3A_156 = arith.constant 2176 : index
    %get3A_157 = arith.constant 0 : index
    %get3A_158 = vector.load %arg0[%get3A_156, %get3A_157] : memref<10000x128xf32, #tpu.memory_space<vmem>>, vector<128x128xf32>
    %slice3A_159 = vector.extract_strided_slice %transpose3A {offsets = [0, 17], sizes = [128, 1], strides = [1, 1]} : vector<128x80xf32> to vector<128x1xf32>
    %mul3A_160 = vector.broadcast %slice3A_159 : vector<128x1xf32> to vector<128x128xf32>
    %mul3A_161 = arith.mulf %get3A_158, %mul3A_160 : vector<128x128xf32>
    %swap3A_162 = arith.constant 2176 : index
    %swap3A_163 = arith.constant 0 : index
    %swap3A_164 = vector.load %arg2[%swap3A_162, %swap3A_163] : memref<10240x128xf32, #tpu.memory_space<vmem>>, vector<128x128xf32>
    tpu.vector_store %arg2[%swap3A_162, %swap3A_163], %mul3A_161 {strides = array<i32>} : memref<10240x128xf32, #tpu.memory_space<vmem>>, vector<128x128xf32>,
    %get3A_165 = arith.constant 2304 : index
    %get3A_166 = arith.constant 0 : index
    %get3A_167 = vector.load %arg0[%get3A_165, %get3A_166] : memref<10000x128xf32, #tpu.memory_space<vmem>>, vector<128x128xf32>
    %slice3A_168 = vector.extract_strided_slice %transpose3A {offsets = [0, 18], sizes = [128, 1], strides = [1, 1]} : vector<128x80xf32> to vector<128x1xf32>
    %mul3A_169 = vector.broadcast %slice3A_168 : vector<128x1xf32> to vector<128x128xf32>
    %mul3A_170 = arith.mulf %get3A_167, %mul3A_169 : vector<128x128xf32>
    %swap3A_171 = arith.constant 2304 : index
    %swap3A_172 = arith.constant 0 : index
    %swap3A_173 = vector.load %arg2[%swap3A_171, %swap3A_172] : memref<10240x128xf32, #tpu.memory_space<vmem>>, vector<128x128xf32>
    tpu.vector_store %arg2[%swap3A_171, %swap3A_172], %mul3A_170 {strides = array<i32>} : memref<10240x128xf32, #tpu.memory_space<vmem>>, vector<128x128xf32>,
    %get3A_174 = arith.constant 2432 : index
    %get3A_175 = arith.constant 0 : index
    %get3A_176 = vector.load %arg0[%get3A_174, %get3A_175] : memref<10000x128xf32, #tpu.memory_space<vmem>>, vector<128x128xf32>
    %slice3A_177 = vector.extract_strided_slice %transpose3A {offsets = [0, 19], sizes = [128, 1], strides = [1, 1]} : vector<128x80xf32> to vector<128x1xf32>
    %mul3A_178 = vector.broadcast %slice3A_177 : vector<128x1xf32> to vector<128x128xf32>
    %mul3A_179 = arith.mulf %get3A_176, %mul3A_178 : vector<128x128xf32>
    %swap3A_180 = arith.constant 2432 : index
    %swap3A_181 = arith.constant 0 : index
    %swap3A_182 = vector.load %arg2[%swap3A_180, %swap3A_181] : memref<10240x128xf32, #tpu.memory_space<vmem>>, vector<128x128xf32>
    tpu.vector_store %arg2[%swap3A_180, %swap3A_181], %mul3A_179 {strides = array<i32>} : memref<10240x128xf32, #tpu.memory_space<vmem>>, vector<128x128xf32>,
    %get3A_183 = arith.constant 2560 : index
    %get3A_184 = arith.constant 0 : index
    %get3A_185 = vector.load %arg0[%get3A_183, %get3A_184] : memref<10000x128xf32, #tpu.memory_space<vmem>>, vector<128x128xf32>
    %slice3A_186 = vector.extract_strided_slice %transpose3A {offsets = [0, 20], sizes = [128, 1], strides = [1, 1]} : vector<128x80xf32> to vector<128x1xf32>
    %mul3A_187 = vector.broadcast %slice3A_186 : vector<128x1xf32> to vector<128x128xf32>
    %mul3A_188 = arith.mulf %get3A_185, %mul3A_187 : vector<128x128xf32>
    %swap3A_189 = arith.constant 2560 : index
    %swap3A_190 = arith.constant 0 : index
    %swap3A_191 = vector.load %arg2[%swap3A_189, %swap3A_190] : memref<10240x128xf32, #tpu.memory_space<vmem>>, vector<128x128xf32>
    tpu.vector_store %arg2[%swap3A_189, %swap3A_190], %mul3A_188 {strides = array<i32>} : memref<10240x128xf32, #tpu.memory_space<vmem>>, vector<128x128xf32>,
    %get3A_192 = arith.constant 2688 : index
    %get3A_193 = arith.constant 0 : index
    %get3A_194 = vector.load %arg0[%get3A_192, %get3A_193] : memref<10000x128xf32, #tpu.memory_space<vmem>>, vector<128x128xf32>
    %slice3A_195 = vector.extract_strided_slice %transpose3A {offsets = [0, 21], sizes = [128, 1], strides = [1, 1]} : vector<128x80xf32> to vector<128x1xf32>
    %mul3A_196 = vector.broadcast %slice3A_195 : vector<128x1xf32> to vector<128x128xf32>
    %mul3A_197 = arith.mulf %get3A_194, %mul3A_196 : vector<128x128xf32>
    %swap3A_198 = arith.constant 2688 : index
    %swap3A_199 = arith.constant 0 : index
    %swap3A_200 = vector.load %arg2[%swap3A_198, %swap3A_199] : memref<10240x128xf32, #tpu.memory_space<vmem>>, vector<128x128xf32>
    tpu.vector_store %arg2[%swap3A_198, %swap3A_199], %mul3A_197 {strides = array<i32>} : memref<10240x128xf32, #tpu.memory_space<vmem>>, vector<128x128xf32>,
    %get3A_201 = arith.constant 2816 : index
    %get3A_202 = arith.constant 0 : index
    %get3A_203 = vector.load %arg0[%get3A_201, %get3A_202] : memref<10000x128xf32, #tpu.memory_space<vmem>>, vector<128x128xf32>
    %slice3A_204 = vector.extract_strided_slice %transpose3A {offsets = [0, 22], sizes = [128, 1], strides = [1, 1]} : vector<128x80xf32> to vector<128x1xf32>
    %mul3A_205 = vector.broadcast %slice3A_204 : vector<128x1xf32> to vector<128x128xf32>
    %mul3A_206 = arith.mulf %get3A_203, %mul3A_205 : vector<128x128xf32>
    %swap3A_207 = arith.constant 2816 : index
    %swap3A_208 = arith.constant 0 : index
    %swap3A_209 = vector.load %arg2[%swap3A_207, %swap3A_208] : memref<10240x128xf32, #tpu.memory_space<vmem>>, vector<128x128xf32>
    tpu.vector_store %arg2[%swap3A_207, %swap3A_208], %mul3A_206 {strides = array<i32>} : memref<10240x128xf32, #tpu.memory_space<vmem>>, vector<128x128xf32>,
    %get3A_210 = arith.constant 2944 : index
    %get3A_211 = arith.constant 0 : index
    %get3A_212 = vector.load %arg0[%get3A_210, %get3A_211] : memref<10000x128xf32, #tpu.memory_space<vmem>>, vector<128x128xf32>
    %slice3A_213 = vector.extract_strided_slice %transpose3A {offsets = [0, 23], sizes = [128, 1], strides = [1, 1]} : vector<128x80xf32> to vector<128x1xf32>
    %mul3A_214 = vector.broadcast %slice3A_213 : vector<128x1xf32> to vector<128x128xf32>
    %mul3A_215 = arith.mulf %get3A_212, %mul3A_214 : vector<128x128xf32>
    %swap3A_216 = arith.constant 2944 : index
    %swap3A_217 = arith.constant 0 : index
    %swap3A_218 = vector.load %arg2[%swap3A_216, %swap3A_217] : memref<10240x128xf32, #tpu.memory_space<vmem>>, vector<128x128xf32>
    tpu.vector_store %arg2[%swap3A_216, %swap3A_217], %mul3A_215 {strides = array<i32>} : memref<10240x128xf32, #tpu.memory_space<vmem>>, vector<128x128xf32>,
    %get3A_219 = arith.constant 3072 : index
    %get3A_220 = arith.constant 0 : index
    %get3A_221 = vector.load %arg0[%get3A_219, %get3A_220] : memref<10000x128xf32, #tpu.memory_space<vmem>>, vector<128x128xf32>
    %slice3A_222 = vector.extract_strided_slice %transpose3A {offsets = [0, 24], sizes = [128, 1], strides = [1, 1]} : vector<128x80xf32> to vector<128x1xf32>
    %mul3A_223 = vector.broadcast %slice3A_222 : vector<128x1xf32> to vector<128x128xf32>
    %mul3A_224 = arith.mulf %get3A_221, %mul3A_223 : vector<128x128xf32>
    %swap3A_225 = arith.constant 3072 : index
    %swap3A_226 = arith.constant 0 : index
    %swap3A_227 = vector.load %arg2[%swap3A_225, %swap3A_226] : memref<10240x128xf32, #tpu.memory_space<vmem>>, vector<128x128xf32>
    tpu.vector_store %arg2[%swap3A_225, %swap3A_226], %mul3A_224 {strides = array<i32>} : memref<10240x128xf32, #tpu.memory_space<vmem>>, vector<128x128xf32>,
    %get3A_228 = arith.constant 3200 : index
    %get3A_229 = arith.constant 0 : index
    %get3A_230 = vector.load %arg0[%get3A_228, %get3A_229] : memref<10000x128xf32, #tpu.memory_space<vmem>>, vector<128x128xf32>
    %slice3A_231 = vector.extract_strided_slice %transpose3A {offsets = [0, 25], sizes = [128, 1], strides = [1, 1]} : vector<128x80xf32> to vector<128x1xf32>
    %mul3A_232 = vector.broadcast %slice3A_231 : vector<128x1xf32> to vector<128x128xf32>
    %mul3A_233 = arith.mulf %get3A_230, %mul3A_232 : vector<128x128xf32>
    %swap3A_234 = arith.constant 3200 : index
    %swap3A_235 = arith.constant 0 : index
    %swap3A_236 = vector.load %arg2[%swap3A_234, %swap3A_235] : memref<10240x128xf32, #tpu.memory_space<vmem>>, vector<128x128xf32>
    tpu.vector_store %arg2[%swap3A_234, %swap3A_235], %mul3A_233 {strides = array<i32>} : memref<10240x128xf32, #tpu.memory_space<vmem>>, vector<128x128xf32>,
    %get3A_237 = arith.constant 3328 : index
    %get3A_238 = arith.constant 0 : index
    %get3A_239 = vector.load %arg0[%get3A_237, %get3A_238] : memref<10000x128xf32, #tpu.memory_space<vmem>>, vector<128x128xf32>
    %slice3A_240 = vector.extract_strided_slice %transpose3A {offsets = [0, 26], sizes = [128, 1], strides = [1, 1]} : vector<128x80xf32> to vector<128x1xf32>
    %mul3A_241 = vector.broadcast %slice3A_240 : vector<128x1xf32> to vector<128x128xf32>
    %mul3A_242 = arith.mulf %get3A_239, %mul3A_241 : vector<128x128xf32>
    %swap3A_243 = arith.constant 3328 : index
    %swap3A_244 = arith.constant 0 : index
    %swap3A_245 = vector.load %arg2[%swap3A_243, %swap3A_244] : memref<10240x128xf32, #tpu.memory_space<vmem>>, vector<128x128xf32>
    tpu.vector_store %arg2[%swap3A_243, %swap3A_244], %mul3A_242 {strides = array<i32>} : memref<10240x128xf32, #tpu.memory_space<vmem>>, vector<128x128xf32>,
    %get3A_246 = arith.constant 3456 : index
    %get3A_247 = arith.constant 0 : index
    %get3A_248 = vector.load %arg0[%get3A_246, %get3A_247] : memref<10000x128xf32, #tpu.memory_space<vmem>>, vector<128x128xf32>
    %slice3A_249 = vector.extract_strided_slice %transpose3A {offsets = [0, 27], sizes = [128, 1], strides = [1, 1]} : vector<128x80xf32> to vector<128x1xf32>
    %mul3A_250 = vector.broadcast %slice3A_249 : vector<128x1xf32> to vector<128x128xf32>
    %mul3A_251 = arith.mulf %get3A_248, %mul3A_250 : vector<128x128xf32>
    %swap3A_252 = arith.constant 3456 : index
    %swap3A_253 = arith.constant 0 : index
    %swap3A_254 = vector.load %arg2[%swap3A_252, %swap3A_253] : memref<10240x128xf32, #tpu.memory_space<vmem>>, vector<128x128xf32>
    tpu.vector_store %arg2[%swap3A_252, %swap3A_253], %mul3A_251 {strides = array<i32>} : memref<10240x128xf32, #tpu.memory_space<vmem>>, vector<128x128xf32>,
    %get3A_255 = arith.constant 3584 : index
    %get3A_256 = arith.constant 0 : index
    %get3A_257 = vector.load %arg0[%get3A_255, %get3A_256] : memref<10000x128xf32, #tpu.memory_space<vmem>>, vector<128x128xf32>
    %slice3A_258 = vector.extract_strided_slice %transpose3A {offsets = [0, 28], sizes = [128, 1], strides = [1, 1]} : vector<128x80xf32> to vector<128x1xf32>
    %mul3A_259 = vector.broadcast %slice3A_258 : vector<128x1xf32> to vector<128x128xf32>
    %mul3A_260 = arith.mulf %get3A_257, %mul3A_259 : vector<128x128xf32>
    %swap3A_261 = arith.constant 3584 : index
    %swap3A_262 = arith.constant 0 : index
    %swap3A_263 = vector.load %arg2[%swap3A_261, %swap3A_262] : memref<10240x128xf32, #tpu.memory_space<vmem>>, vector<128x128xf32>
    tpu.vector_store %arg2[%swap3A_261, %swap3A_262], %mul3A_260 {strides = array<i32>} : memref<10240x128xf32, #tpu.memory_space<vmem>>, vector<128x128xf32>,
    %get3A_264 = arith.constant 3712 : index
    %get3A_265 = arith.constant 0 : index
    %get3A_266 = vector.load %arg0[%get3A_264, %get3A_265] : memref<10000x128xf32, #tpu.memory_space<vmem>>, vector<128x128xf32>
    %slice3A_267 = vector.extract_strided_slice %transpose3A {offsets = [0, 29], sizes = [128, 1], strides = [1, 1]} : vector<128x80xf32> to vector<128x1xf32>
    %mul3A_268 = vector.broadcast %slice3A_267 : vector<128x1xf32> to vector<128x128xf32>
    %mul3A_269 = arith.mulf %get3A_266, %mul3A_268 : vector<128x128xf32>
    %swap3A_270 = arith.constant 3712 : index
    %swap3A_271 = arith.constant 0 : index
    %swap3A_272 = vector.load %arg2[%swap3A_270, %swap3A_271] : memref<10240x128xf32, #tpu.memory_space<vmem>>, vector<128x128xf32>
    tpu.vector_store %arg2[%swap3A_270, %swap3A_271], %mul3A_269 {strides = array<i32>} : memref<10240x128xf32, #tpu.memory_space<vmem>>, vector<128x128xf32>,
    %get3A_273 = arith.constant 3840 : index
    %get3A_274 = arith.constant 0 : index
    %get3A_275 = vector.load %arg0[%get3A_273, %get3A_274] : memref<10000x128xf32, #tpu.memory_space<vmem>>, vector<128x128xf32>
    %slice3A_276 = vector.extract_strided_slice %transpose3A {offsets = [0, 30], sizes = [128, 1], strides = [1, 1]} : vector<128x80xf32> to vector<128x1xf32>
    %mul3A_277 = vector.broadcast %slice3A_276 : vector<128x1xf32> to vector<128x128xf32>
    %mul3A_278 = arith.mulf %get3A_275, %mul3A_277 : vector<128x128xf32>
    %swap3A_279 = arith.constant 3840 : index
    %swap3A_280 = arith.constant 0 : index
    %swap3A_281 = vector.load %arg2[%swap3A_279, %swap3A_280] : memref<10240x128xf32, #tpu.memory_space<vmem>>, vector<128x128xf32>
    tpu.vector_store %arg2[%swap3A_279, %swap3A_280], %mul3A_278 {strides = array<i32>} : memref<10240x128xf32, #tpu.memory_space<vmem>>, vector<128x128xf32>,
    %get3A_282 = arith.constant 3968 : index
    %get3A_283 = arith.constant 0 : index
    %get3A_284 = vector.load %arg0[%get3A_282, %get3A_283] : memref<10000x128xf32, #tpu.memory_space<vmem>>, vector<128x128xf32>
    %slice3A_285 = vector.extract_strided_slice %transpose3A {offsets = [0, 31], sizes = [128, 1], strides = [1, 1]} : vector<128x80xf32> to vector<128x1xf32>
    %mul3A_286 = vector.broadcast %slice3A_285 : vector<128x1xf32> to vector<128x128xf32>
    %mul3A_287 = arith.mulf %get3A_284, %mul3A_286 : vector<128x128xf32>
    %swap3A_288 = arith.constant 3968 : index
    %swap3A_289 = arith.constant 0 : index
    %swap3A_290 = vector.load %arg2[%swap3A_288, %swap3A_289] : memref<10240x128xf32, #tpu.memory_space<vmem>>, vector<128x128xf32>
    tpu.vector_store %arg2[%swap3A_288, %swap3A_289], %mul3A_287 {strides = array<i32>} : memref<10240x128xf32, #tpu.memory_space<vmem>>, vector<128x128xf32>,
    %get3A_291 = arith.constant 4096 : index
    %get3A_292 = arith.constant 0 : index
    %get3A_293 = vector.load %arg0[%get3A_291, %get3A_292] : memref<10000x128xf32, #tpu.memory_space<vmem>>, vector<128x128xf32>
    %slice3A_294 = vector.extract_strided_slice %transpose3A {offsets = [0, 32], sizes = [128, 1], strides = [1, 1]} : vector<128x80xf32> to vector<128x1xf32>
    %mul3A_295 = vector.broadcast %slice3A_294 : vector<128x1xf32> to vector<128x128xf32>
    %mul3A_296 = arith.mulf %get3A_293, %mul3A_295 : vector<128x128xf32>
    %swap3A_297 = arith.constant 4096 : index
    %swap3A_298 = arith.constant 0 : index
    %swap3A_299 = vector.load %arg2[%swap3A_297, %swap3A_298] : memref<10240x128xf32, #tpu.memory_space<vmem>>, vector<128x128xf32>
    tpu.vector_store %arg2[%swap3A_297, %swap3A_298], %mul3A_296 {strides = array<i32>} : memref<10240x128xf32, #tpu.memory_space<vmem>>, vector<128x128xf32>,
    %get3A_300 = arith.constant 4224 : index
    %get3A_301 = arith.constant 0 : index
    %get3A_302 = vector.load %arg0[%get3A_300, %get3A_301] : memref<10000x128xf32, #tpu.memory_space<vmem>>, vector<128x128xf32>
    %slice3A_303 = vector.extract_strided_slice %transpose3A {offsets = [0, 33], sizes = [128, 1], strides = [1, 1]} : vector<128x80xf32> to vector<128x1xf32>
    %mul3A_304 = vector.broadcast %slice3A_303 : vector<128x1xf32> to vector<128x128xf32>
    %mul3A_305 = arith.mulf %get3A_302, %mul3A_304 : vector<128x128xf32>
    %swap3A_306 = arith.constant 4224 : index
    %swap3A_307 = arith.constant 0 : index
    %swap3A_308 = vector.load %arg2[%swap3A_306, %swap3A_307] : memref<10240x128xf32, #tpu.memory_space<vmem>>, vector<128x128xf32>
    tpu.vector_store %arg2[%swap3A_306, %swap3A_307], %mul3A_305 {strides = array<i32>} : memref<10240x128xf32, #tpu.memory_space<vmem>>, vector<128x128xf32>,
    %get3A_309 = arith.constant 4352 : index
    %get3A_310 = arith.constant 0 : index
    %get3A_311 = vector.load %arg0[%get3A_309, %get3A_310] : memref<10000x128xf32, #tpu.memory_space<vmem>>, vector<128x128xf32>
    %slice3A_312 = vector.extract_strided_slice %transpose3A {offsets = [0, 34], sizes = [128, 1], strides = [1, 1]} : vector<128x80xf32> to vector<128x1xf32>
    %mul3A_313 = vector.broadcast %slice3A_312 : vector<128x1xf32> to vector<128x128xf32>
    %mul3A_314 = arith.mulf %get3A_311, %mul3A_313 : vector<128x128xf32>
    %swap3A_315 = arith.constant 4352 : index
    %swap3A_316 = arith.constant 0 : index
    %swap3A_317 = vector.load %arg2[%swap3A_315, %swap3A_316] : memref<10240x128xf32, #tpu.memory_space<vmem>>, vector<128x128xf32>
    tpu.vector_store %arg2[%swap3A_315, %swap3A_316], %mul3A_314 {strides = array<i32>} : memref<10240x128xf32, #tpu.memory_space<vmem>>, vector<128x128xf32>,
    %get3A_318 = arith.constant 4480 : index
    %get3A_319 = arith.constant 0 : index
    %get3A_320 = vector.load %arg0[%get3A_318, %get3A_319] : memref<10000x128xf32, #tpu.memory_space<vmem>>, vector<128x128xf32>
    %slice3A_321 = vector.extract_strided_slice %transpose3A {offsets = [0, 35], sizes = [128, 1], strides = [1, 1]} : vector<128x80xf32> to vector<128x1xf32>
    %mul3A_322 = vector.broadcast %slice3A_321 : vector<128x1xf32> to vector<128x128xf32>
    %mul3A_323 = arith.mulf %get3A_320, %mul3A_322 : vector<128x128xf32>
    %swap3A_324 = arith.constant 4480 : index
    %swap3A_325 = arith.constant 0 : index
    %swap3A_326 = vector.load %arg2[%swap3A_324, %swap3A_325] : memref<10240x128xf32, #tpu.memory_space<vmem>>, vector<128x128xf32>
    tpu.vector_store %arg2[%swap3A_324, %swap3A_325], %mul3A_323 {strides = array<i32>} : memref<10240x128xf32, #tpu.memory_space<vmem>>, vector<128x128xf32>,
    %get3A_327 = arith.constant 4608 : index
    %get3A_328 = arith.constant 0 : index
    %get3A_329 = vector.load %arg0[%get3A_327, %get3A_328] : memref<10000x128xf32, #tpu.memory_space<vmem>>, vector<128x128xf32>
    %slice3A_330 = vector.extract_strided_slice %transpose3A {offsets = [0, 36], sizes = [128, 1], strides = [1, 1]} : vector<128x80xf32> to vector<128x1xf32>
    %mul3A_331 = vector.broadcast %slice3A_330 : vector<128x1xf32> to vector<128x128xf32>
    %mul3A_332 = arith.mulf %get3A_329, %mul3A_331 : vector<128x128xf32>
    %swap3A_333 = arith.constant 4608 : index
    %swap3A_334 = arith.constant 0 : index
    %swap3A_335 = vector.load %arg2[%swap3A_333, %swap3A_334] : memref<10240x128xf32, #tpu.memory_space<vmem>>, vector<128x128xf32>
    tpu.vector_store %arg2[%swap3A_333, %swap3A_334], %mul3A_332 {strides = array<i32>} : memref<10240x128xf32, #tpu.memory_space<vmem>>, vector<128x128xf32>,
    %get3A_336 = arith.constant 4736 : index
    %get3A_337 = arith.constant 0 : index
    %get3A_338 = vector.load %arg0[%get3A_336, %get3A_337] : memref<10000x128xf32, #tpu.memory_space<vmem>>, vector<128x128xf32>
    %slice3A_339 = vector.extract_strided_slice %transpose3A {offsets = [0, 37], sizes = [128, 1], strides = [1, 1]} : vector<128x80xf32> to vector<128x1xf32>
    %mul3A_340 = vector.broadcast %slice3A_339 : vector<128x1xf32> to vector<128x128xf32>
    %mul3A_341 = arith.mulf %get3A_338, %mul3A_340 : vector<128x128xf32>
    %swap3A_342 = arith.constant 4736 : index
    %swap3A_343 = arith.constant 0 : index
    %swap3A_344 = vector.load %arg2[%swap3A_342, %swap3A_343] : memref<10240x128xf32, #tpu.memory_space<vmem>>, vector<128x128xf32>
    tpu.vector_store %arg2[%swap3A_342, %swap3A_343], %mul3A_341 {strides = array<i32>} : memref<10240x128xf32, #tpu.memory_space<vmem>>, vector<128x128xf32>,
    %get3A_345 = arith.constant 4864 : index
    %get3A_346 = arith.constant 0 : index
    %get3A_347 = vector.load %arg0[%get3A_345, %get3A_346] : memref<10000x128xf32, #tpu.memory_space<vmem>>, vector<128x128xf32>
    %slice3A_348 = vector.extract_strided_slice %transpose3A {offsets = [0, 38], sizes = [128, 1], strides = [1, 1]} : vector<128x80xf32> to vector<128x1xf32>
    %mul3A_349 = vector.broadcast %slice3A_348 : vector<128x1xf32> to vector<128x128xf32>
    %mul3A_350 = arith.mulf %get3A_347, %mul3A_349 : vector<128x128xf32>
    %swap3A_351 = arith.constant 4864 : index
    %swap3A_352 = arith.constant 0 : index
    %swap3A_353 = vector.load %arg2[%swap3A_351, %swap3A_352] : memref<10240x128xf32, #tpu.memory_space<vmem>>, vector<128x128xf32>
    tpu.vector_store %arg2[%swap3A_351, %swap3A_352], %mul3A_350 {strides = array<i32>} : memref<10240x128xf32, #tpu.memory_space<vmem>>, vector<128x128xf32>,
    %get3A_354 = arith.constant 4992 : index
    %get3A_355 = arith.constant 0 : index
    %get3A_356 = vector.load %arg0[%get3A_354, %get3A_355] : memref<10000x128xf32, #tpu.memory_space<vmem>>, vector<128x128xf32>
    %slice3A_357 = vector.extract_strided_slice %transpose3A {offsets = [0, 39], sizes = [128, 1], strides = [1, 1]} : vector<128x80xf32> to vector<128x1xf32>
    %mul3A_358 = vector.broadcast %slice3A_357 : vector<128x1xf32> to vector<128x128xf32>
    %mul3A_359 = arith.mulf %get3A_356, %mul3A_358 : vector<128x128xf32>
    %swap3A_360 = arith.constant 4992 : index
    %swap3A_361 = arith.constant 0 : index
    %swap3A_362 = vector.load %arg2[%swap3A_360, %swap3A_361] : memref<10240x128xf32, #tpu.memory_space<vmem>>, vector<128x128xf32>
    tpu.vector_store %arg2[%swap3A_360, %swap3A_361], %mul3A_359 {strides = array<i32>} : memref<10240x128xf32, #tpu.memory_space<vmem>>, vector<128x128xf32>,
    %get3A_363 = arith.constant 5120 : index
    %get3A_364 = arith.constant 0 : index
    %get3A_365 = vector.load %arg0[%get3A_363, %get3A_364] : memref<10000x128xf32, #tpu.memory_space<vmem>>, vector<128x128xf32>
    %slice3A_366 = vector.extract_strided_slice %transpose3A {offsets = [0, 40], sizes = [128, 1], strides = [1, 1]} : vector<128x80xf32> to vector<128x1xf32>
    %mul3A_367 = vector.broadcast %slice3A_366 : vector<128x1xf32> to vector<128x128xf32>
    %mul3A_368 = arith.mulf %get3A_365, %mul3A_367 : vector<128x128xf32>
    %swap3A_369 = arith.constant 5120 : index
    %swap3A_370 = arith.constant 0 : index
    %swap3A_371 = vector.load %arg2[%swap3A_369, %swap3A_370] : memref<10240x128xf32, #tpu.memory_space<vmem>>, vector<128x128xf32>
    tpu.vector_store %arg2[%swap3A_369, %swap3A_370], %mul3A_368 {strides = array<i32>} : memref<10240x128xf32, #tpu.memory_space<vmem>>, vector<128x128xf32>,
    %get3A_372 = arith.constant 5248 : index
    %get3A_373 = arith.constant 0 : index
    %get3A_374 = vector.load %arg0[%get3A_372, %get3A_373] : memref<10000x128xf32, #tpu.memory_space<vmem>>, vector<128x128xf32>
    %slice3A_375 = vector.extract_strided_slice %transpose3A {offsets = [0, 41], sizes = [128, 1], strides = [1, 1]} : vector<128x80xf32> to vector<128x1xf32>
    %mul3A_376 = vector.broadcast %slice3A_375 : vector<128x1xf32> to vector<128x128xf32>
    %mul3A_377 = arith.mulf %get3A_374, %mul3A_376 : vector<128x128xf32>
    %swap3A_378 = arith.constant 5248 : index
    %swap3A_379 = arith.constant 0 : index
    %swap3A_380 = vector.load %arg2[%swap3A_378, %swap3A_379] : memref<10240x128xf32, #tpu.memory_space<vmem>>, vector<128x128xf32>
    tpu.vector_store %arg2[%swap3A_378, %swap3A_379], %mul3A_377 {strides = array<i32>} : memref<10240x128xf32, #tpu.memory_space<vmem>>, vector<128x128xf32>,
    %get3A_381 = arith.constant 5376 : index
    %get3A_382 = arith.constant 0 : index
    %get3A_383 = vector.load %arg0[%get3A_381, %get3A_382] : memref<10000x128xf32, #tpu.memory_space<vmem>>, vector<128x128xf32>
    %slice3A_384 = vector.extract_strided_slice %transpose3A {offsets = [0, 42], sizes = [128, 1], strides = [1, 1]} : vector<128x80xf32> to vector<128x1xf32>
    %mul3A_385 = vector.broadcast %slice3A_384 : vector<128x1xf32> to vector<128x128xf32>
    %mul3A_386 = arith.mulf %get3A_383, %mul3A_385 : vector<128x128xf32>
    %swap3A_387 = arith.constant 5376 : index
    %swap3A_388 = arith.constant 0 : index
    %swap3A_389 = vector.load %arg2[%swap3A_387, %swap3A_388] : memref<10240x128xf32, #tpu.memory_space<vmem>>, vector<128x128xf32>
    tpu.vector_store %arg2[%swap3A_387, %swap3A_388], %mul3A_386 {strides = array<i32>} : memref<10240x128xf32, #tpu.memory_space<vmem>>, vector<128x128xf32>,
    %get3A_390 = arith.constant 5504 : index
    %get3A_391 = arith.constant 0 : index
    %get3A_392 = vector.load %arg0[%get3A_390, %get3A_391] : memref<10000x128xf32, #tpu.memory_space<vmem>>, vector<128x128xf32>
    %slice3A_393 = vector.extract_strided_slice %transpose3A {offsets = [0, 43], sizes = [128, 1], strides = [1, 1]} : vector<128x80xf32> to vector<128x1xf32>
    %mul3A_394 = vector.broadcast %slice3A_393 : vector<128x1xf32> to vector<128x128xf32>
    %mul3A_395 = arith.mulf %get3A_392, %mul3A_394 : vector<128x128xf32>
    %swap3A_396 = arith.constant 5504 : index
    %swap3A_397 = arith.constant 0 : index
    %swap3A_398 = vector.load %arg2[%swap3A_396, %swap3A_397] : memref<10240x128xf32, #tpu.memory_space<vmem>>, vector<128x128xf32>
    tpu.vector_store %arg2[%swap3A_396, %swap3A_397], %mul3A_395 {strides = array<i32>} : memref<10240x128xf32, #tpu.memory_space<vmem>>, vector<128x128xf32>,
    %get3A_399 = arith.constant 5632 : index
    %get3A_400 = arith.constant 0 : index
    %get3A_401 = vector.load %arg0[%get3A_399, %get3A_400] : memref<10000x128xf32, #tpu.memory_space<vmem>>, vector<128x128xf32>
    %slice3A_402 = vector.extract_strided_slice %transpose3A {offsets = [0, 44], sizes = [128, 1], strides = [1, 1]} : vector<128x80xf32> to vector<128x1xf32>
    %mul3A_403 = vector.broadcast %slice3A_402 : vector<128x1xf32> to vector<128x128xf32>
    %mul3A_404 = arith.mulf %get3A_401, %mul3A_403 : vector<128x128xf32>
    %swap3A_405 = arith.constant 5632 : index
    %swap3A_406 = arith.constant 0 : index
    %swap3A_407 = vector.load %arg2[%swap3A_405, %swap3A_406] : memref<10240x128xf32, #tpu.memory_space<vmem>>, vector<128x128xf32>
    tpu.vector_store %arg2[%swap3A_405, %swap3A_406], %mul3A_404 {strides = array<i32>} : memref<10240x128xf32, #tpu.memory_space<vmem>>, vector<128x128xf32>,
    %get3A_408 = arith.constant 5760 : index
    %get3A_409 = arith.constant 0 : index
    %get3A_410 = vector.load %arg0[%get3A_408, %get3A_409] : memref<10000x128xf32, #tpu.memory_space<vmem>>, vector<128x128xf32>
    %slice3A_411 = vector.extract_strided_slice %transpose3A {offsets = [0, 45], sizes = [128, 1], strides = [1, 1]} : vector<128x80xf32> to vector<128x1xf32>
    %mul3A_412 = vector.broadcast %slice3A_411 : vector<128x1xf32> to vector<128x128xf32>
    %mul3A_413 = arith.mulf %get3A_410, %mul3A_412 : vector<128x128xf32>
    %swap3A_414 = arith.constant 5760 : index
    %swap3A_415 = arith.constant 0 : index
    %swap3A_416 = vector.load %arg2[%swap3A_414, %swap3A_415] : memref<10240x128xf32, #tpu.memory_space<vmem>>, vector<128x128xf32>
    tpu.vector_store %arg2[%swap3A_414, %swap3A_415], %mul3A_413 {strides = array<i32>} : memref<10240x128xf32, #tpu.memory_space<vmem>>, vector<128x128xf32>,
    %get3A_417 = arith.constant 5888 : index
    %get3A_418 = arith.constant 0 : index
    %get3A_419 = vector.load %arg0[%get3A_417, %get3A_418] : memref<10000x128xf32, #tpu.memory_space<vmem>>, vector<128x128xf32>
    %slice3A_420 = vector.extract_strided_slice %transpose3A {offsets = [0, 46], sizes = [128, 1], strides = [1, 1]} : vector<128x80xf32> to vector<128x1xf32>
    %mul3A_421 = vector.broadcast %slice3A_420 : vector<128x1xf32> to vector<128x128xf32>
    %mul3A_422 = arith.mulf %get3A_419, %mul3A_421 : vector<128x128xf32>
    %swap3A_423 = arith.constant 5888 : index
    %swap3A_424 = arith.constant 0 : index
    %swap3A_425 = vector.load %arg2[%swap3A_423, %swap3A_424] : memref<10240x128xf32, #tpu.memory_space<vmem>>, vector<128x128xf32>
    tpu.vector_store %arg2[%swap3A_423, %swap3A_424], %mul3A_422 {strides = array<i32>} : memref<10240x128xf32, #tpu.memory_space<vmem>>, vector<128x128xf32>,
    %get3A_426 = arith.constant 6016 : index
    %get3A_427 = arith.constant 0 : index
    %get3A_428 = vector.load %arg0[%get3A_426, %get3A_427] : memref<10000x128xf32, #tpu.memory_space<vmem>>, vector<128x128xf32>
    %slice3A_429 = vector.extract_strided_slice %transpose3A {offsets = [0, 47], sizes = [128, 1], strides = [1, 1]} : vector<128x80xf32> to vector<128x1xf32>
    %mul3A_430 = vector.broadcast %slice3A_429 : vector<128x1xf32> to vector<128x128xf32>
    %mul3A_431 = arith.mulf %get3A_428, %mul3A_430 : vector<128x128xf32>
    %swap3A_432 = arith.constant 6016 : index
    %swap3A_433 = arith.constant 0 : index
    %swap3A_434 = vector.load %arg2[%swap3A_432, %swap3A_433] : memref<10240x128xf32, #tpu.memory_space<vmem>>, vector<128x128xf32>
    tpu.vector_store %arg2[%swap3A_432, %swap3A_433], %mul3A_431 {strides = array<i32>} : memref<10240x128xf32, #tpu.memory_space<vmem>>, vector<128x128xf32>,
    %get3A_435 = arith.constant 6144 : index
    %get3A_436 = arith.constant 0 : index
    %get3A_437 = vector.load %arg0[%get3A_435, %get3A_436] : memref<10000x128xf32, #tpu.memory_space<vmem>>, vector<128x128xf32>
    %slice3A_438 = vector.extract_strided_slice %transpose3A {offsets = [0, 48], sizes = [128, 1], strides = [1, 1]} : vector<128x80xf32> to vector<128x1xf32>
    %mul3A_439 = vector.broadcast %slice3A_438 : vector<128x1xf32> to vector<128x128xf32>
    %mul3A_440 = arith.mulf %get3A_437, %mul3A_439 : vector<128x128xf32>
    %swap3A_441 = arith.constant 6144 : index
    %swap3A_442 = arith.constant 0 : index
    %swap3A_443 = vector.load %arg2[%swap3A_441, %swap3A_442] : memref<10240x128xf32, #tpu.memory_space<vmem>>, vector<128x128xf32>
    tpu.vector_store %arg2[%swap3A_441, %swap3A_442], %mul3A_440 {strides = array<i32>} : memref<10240x128xf32, #tpu.memory_space<vmem>>, vector<128x128xf32>,
    %get3A_444 = arith.constant 6272 : index
    %get3A_445 = arith.constant 0 : index
    %get3A_446 = vector.load %arg0[%get3A_444, %get3A_445] : memref<10000x128xf32, #tpu.memory_space<vmem>>, vector<128x128xf32>
    %slice3A_447 = vector.extract_strided_slice %transpose3A {offsets = [0, 49], sizes = [128, 1], strides = [1, 1]} : vector<128x80xf32> to vector<128x1xf32>
    %mul3A_448 = vector.broadcast %slice3A_447 : vector<128x1xf32> to vector<128x128xf32>
    %mul3A_449 = arith.mulf %get3A_446, %mul3A_448 : vector<128x128xf32>
    %swap3A_450 = arith.constant 6272 : index
    %swap3A_451 = arith.constant 0 : index
    %swap3A_452 = vector.load %arg2[%swap3A_450, %swap3A_451] : memref<10240x128xf32, #tpu.memory_space<vmem>>, vector<128x128xf32>
    tpu.vector_store %arg2[%swap3A_450, %swap3A_451], %mul3A_449 {strides = array<i32>} : memref<10240x128xf32, #tpu.memory_space<vmem>>, vector<128x128xf32>,
    %get3A_453 = arith.constant 6400 : index
    %get3A_454 = arith.constant 0 : index
    %get3A_455 = vector.load %arg0[%get3A_453, %get3A_454] : memref<10000x128xf32, #tpu.memory_space<vmem>>, vector<128x128xf32>
    %slice3A_456 = vector.extract_strided_slice %transpose3A {offsets = [0, 50], sizes = [128, 1], strides = [1, 1]} : vector<128x80xf32> to vector<128x1xf32>
    %mul3A_457 = vector.broadcast %slice3A_456 : vector<128x1xf32> to vector<128x128xf32>
    %mul3A_458 = arith.mulf %get3A_455, %mul3A_457 : vector<128x128xf32>
    %swap3A_459 = arith.constant 6400 : index
    %swap3A_460 = arith.constant 0 : index
    %swap3A_461 = vector.load %arg2[%swap3A_459, %swap3A_460] : memref<10240x128xf32, #tpu.memory_space<vmem>>, vector<128x128xf32>
    tpu.vector_store %arg2[%swap3A_459, %swap3A_460], %mul3A_458 {strides = array<i32>} : memref<10240x128xf32, #tpu.memory_space<vmem>>, vector<128x128xf32>,
    %get3A_462 = arith.constant 6528 : index
    %get3A_463 = arith.constant 0 : index
    %get3A_464 = vector.load %arg0[%get3A_462, %get3A_463] : memref<10000x128xf32, #tpu.memory_space<vmem>>, vector<128x128xf32>
    %slice3A_465 = vector.extract_strided_slice %transpose3A {offsets = [0, 51], sizes = [128, 1], strides = [1, 1]} : vector<128x80xf32> to vector<128x1xf32>
    %mul3A_466 = vector.broadcast %slice3A_465 : vector<128x1xf32> to vector<128x128xf32>
    %mul3A_467 = arith.mulf %get3A_464, %mul3A_466 : vector<128x128xf32>
    %swap3A_468 = arith.constant 6528 : index
    %swap3A_469 = arith.constant 0 : index
    %swap3A_470 = vector.load %arg2[%swap3A_468, %swap3A_469] : memref<10240x128xf32, #tpu.memory_space<vmem>>, vector<128x128xf32>
    tpu.vector_store %arg2[%swap3A_468, %swap3A_469], %mul3A_467 {strides = array<i32>} : memref<10240x128xf32, #tpu.memory_space<vmem>>, vector<128x128xf32>,
    %get3A_471 = arith.constant 6656 : index
    %get3A_472 = arith.constant 0 : index
    %get3A_473 = vector.load %arg0[%get3A_471, %get3A_472] : memref<10000x128xf32, #tpu.memory_space<vmem>>, vector<128x128xf32>
    %slice3A_474 = vector.extract_strided_slice %transpose3A {offsets = [0, 52], sizes = [128, 1], strides = [1, 1]} : vector<128x80xf32> to vector<128x1xf32>
    %mul3A_475 = vector.broadcast %slice3A_474 : vector<128x1xf32> to vector<128x128xf32>
    %mul3A_476 = arith.mulf %get3A_473, %mul3A_475 : vector<128x128xf32>
    %swap3A_477 = arith.constant 6656 : index
    %swap3A_478 = arith.constant 0 : index
    %swap3A_479 = vector.load %arg2[%swap3A_477, %swap3A_478] : memref<10240x128xf32, #tpu.memory_space<vmem>>, vector<128x128xf32>
    tpu.vector_store %arg2[%swap3A_477, %swap3A_478], %mul3A_476 {strides = array<i32>} : memref<10240x128xf32, #tpu.memory_space<vmem>>, vector<128x128xf32>,
    %get3A_480 = arith.constant 6784 : index
    %get3A_481 = arith.constant 0 : index
    %get3A_482 = vector.load %arg0[%get3A_480, %get3A_481] : memref<10000x128xf32, #tpu.memory_space<vmem>>, vector<128x128xf32>
    %slice3A_483 = vector.extract_strided_slice %transpose3A {offsets = [0, 53], sizes = [128, 1], strides = [1, 1]} : vector<128x80xf32> to vector<128x1xf32>
    %mul3A_484 = vector.broadcast %slice3A_483 : vector<128x1xf32> to vector<128x128xf32>
    %mul3A_485 = arith.mulf %get3A_482, %mul3A_484 : vector<128x128xf32>
    %swap3A_486 = arith.constant 6784 : index
    %swap3A_487 = arith.constant 0 : index
    %swap3A_488 = vector.load %arg2[%swap3A_486, %swap3A_487] : memref<10240x128xf32, #tpu.memory_space<vmem>>, vector<128x128xf32>
    tpu.vector_store %arg2[%swap3A_486, %swap3A_487], %mul3A_485 {strides = array<i32>} : memref<10240x128xf32, #tpu.memory_space<vmem>>, vector<128x128xf32>,
    %get3A_489 = arith.constant 6912 : index
    %get3A_490 = arith.constant 0 : index
    %get3A_491 = vector.load %arg0[%get3A_489, %get3A_490] : memref<10000x128xf32, #tpu.memory_space<vmem>>, vector<128x128xf32>
    %slice3A_492 = vector.extract_strided_slice %transpose3A {offsets = [0, 54], sizes = [128, 1], strides = [1, 1]} : vector<128x80xf32> to vector<128x1xf32>
    %mul3A_493 = vector.broadcast %slice3A_492 : vector<128x1xf32> to vector<128x128xf32>
    %mul3A_494 = arith.mulf %get3A_491, %mul3A_493 : vector<128x128xf32>
    %swap3A_495 = arith.constant 6912 : index
    %swap3A_496 = arith.constant 0 : index
    %swap3A_497 = vector.load %arg2[%swap3A_495, %swap3A_496] : memref<10240x128xf32, #tpu.memory_space<vmem>>, vector<128x128xf32>
    tpu.vector_store %arg2[%swap3A_495, %swap3A_496], %mul3A_494 {strides = array<i32>} : memref<10240x128xf32, #tpu.memory_space<vmem>>, vector<128x128xf32>,
    %get3A_498 = arith.constant 7040 : index
    %get3A_499 = arith.constant 0 : index
    %get3A_500 = vector.load %arg0[%get3A_498, %get3A_499] : memref<10000x128xf32, #tpu.memory_space<vmem>>, vector<128x128xf32>
    %slice3A_501 = vector.extract_strided_slice %transpose3A {offsets = [0, 55], sizes = [128, 1], strides = [1, 1]} : vector<128x80xf32> to vector<128x1xf32>
    %mul3A_502 = vector.broadcast %slice3A_501 : vector<128x1xf32> to vector<128x128xf32>
    %mul3A_503 = arith.mulf %get3A_500, %mul3A_502 : vector<128x128xf32>
    %swap3A_504 = arith.constant 7040 : index
    %swap3A_505 = arith.constant 0 : index
    %swap3A_506 = vector.load %arg2[%swap3A_504, %swap3A_505] : memref<10240x128xf32, #tpu.memory_space<vmem>>, vector<128x128xf32>
    tpu.vector_store %arg2[%swap3A_504, %swap3A_505], %mul3A_503 {strides = array<i32>} : memref<10240x128xf32, #tpu.memory_space<vmem>>, vector<128x128xf32>,
    %get3A_507 = arith.constant 7168 : index
    %get3A_508 = arith.constant 0 : index
    %get3A_509 = vector.load %arg0[%get3A_507, %get3A_508] : memref<10000x128xf32, #tpu.memory_space<vmem>>, vector<128x128xf32>
    %slice3A_510 = vector.extract_strided_slice %transpose3A {offsets = [0, 56], sizes = [128, 1], strides = [1, 1]} : vector<128x80xf32> to vector<128x1xf32>
    %mul3A_511 = vector.broadcast %slice3A_510 : vector<128x1xf32> to vector<128x128xf32>
    %mul3A_512 = arith.mulf %get3A_509, %mul3A_511 : vector<128x128xf32>
    %swap3A_513 = arith.constant 7168 : index
    %swap3A_514 = arith.constant 0 : index
    %swap3A_515 = vector.load %arg2[%swap3A_513, %swap3A_514] : memref<10240x128xf32, #tpu.memory_space<vmem>>, vector<128x128xf32>
    tpu.vector_store %arg2[%swap3A_513, %swap3A_514], %mul3A_512 {strides = array<i32>} : memref<10240x128xf32, #tpu.memory_space<vmem>>, vector<128x128xf32>,
    %get3A_516 = arith.constant 7296 : index
    %get3A_517 = arith.constant 0 : index
    %get3A_518 = vector.load %arg0[%get3A_516, %get3A_517] : memref<10000x128xf32, #tpu.memory_space<vmem>>, vector<128x128xf32>
    %slice3A_519 = vector.extract_strided_slice %transpose3A {offsets = [0, 57], sizes = [128, 1], strides = [1, 1]} : vector<128x80xf32> to vector<128x1xf32>
    %mul3A_520 = vector.broadcast %slice3A_519 : vector<128x1xf32> to vector<128x128xf32>
    %mul3A_521 = arith.mulf %get3A_518, %mul3A_520 : vector<128x128xf32>
    %swap3A_522 = arith.constant 7296 : index
    %swap3A_523 = arith.constant 0 : index
    %swap3A_524 = vector.load %arg2[%swap3A_522, %swap3A_523] : memref<10240x128xf32, #tpu.memory_space<vmem>>, vector<128x128xf32>
    tpu.vector_store %arg2[%swap3A_522, %swap3A_523], %mul3A_521 {strides = array<i32>} : memref<10240x128xf32, #tpu.memory_space<vmem>>, vector<128x128xf32>,
    %get3A_525 = arith.constant 7424 : index
    %get3A_526 = arith.constant 0 : index
    %get3A_527 = vector.load %arg0[%get3A_525, %get3A_526] : memref<10000x128xf32, #tpu.memory_space<vmem>>, vector<128x128xf32>
    %slice3A_528 = vector.extract_strided_slice %transpose3A {offsets = [0, 58], sizes = [128, 1], strides = [1, 1]} : vector<128x80xf32> to vector<128x1xf32>
    %mul3A_529 = vector.broadcast %slice3A_528 : vector<128x1xf32> to vector<128x128xf32>
    %mul3A_530 = arith.mulf %get3A_527, %mul3A_529 : vector<128x128xf32>
    %swap3A_531 = arith.constant 7424 : index
    %swap3A_532 = arith.constant 0 : index
    %swap3A_533 = vector.load %arg2[%swap3A_531, %swap3A_532] : memref<10240x128xf32, #tpu.memory_space<vmem>>, vector<128x128xf32>
    tpu.vector_store %arg2[%swap3A_531, %swap3A_532], %mul3A_530 {strides = array<i32>} : memref<10240x128xf32, #tpu.memory_space<vmem>>, vector<128x128xf32>,
    %get3A_534 = arith.constant 7552 : index
    %get3A_535 = arith.constant 0 : index
    %get3A_536 = vector.load %arg0[%get3A_534, %get3A_535] : memref<10000x128xf32, #tpu.memory_space<vmem>>, vector<128x128xf32>
    %slice3A_537 = vector.extract_strided_slice %transpose3A {offsets = [0, 59], sizes = [128, 1], strides = [1, 1]} : vector<128x80xf32> to vector<128x1xf32>
    %mul3A_538 = vector.broadcast %slice3A_537 : vector<128x1xf32> to vector<128x128xf32>
    %mul3A_539 = arith.mulf %get3A_536, %mul3A_538 : vector<128x128xf32>
    %swap3A_540 = arith.constant 7552 : index
    %swap3A_541 = arith.constant 0 : index
    %swap3A_542 = vector.load %arg2[%swap3A_540, %swap3A_541] : memref<10240x128xf32, #tpu.memory_space<vmem>>, vector<128x128xf32>
    tpu.vector_store %arg2[%swap3A_540, %swap3A_541], %mul3A_539 {strides = array<i32>} : memref<10240x128xf32, #tpu.memory_space<vmem>>, vector<128x128xf32>,
    %get3A_543 = arith.constant 7680 : index
    %get3A_544 = arith.constant 0 : index
    %get3A_545 = vector.load %arg0[%get3A_543, %get3A_544] : memref<10000x128xf32, #tpu.memory_space<vmem>>, vector<128x128xf32>
    %slice3A_546 = vector.extract_strided_slice %transpose3A {offsets = [0, 60], sizes = [128, 1], strides = [1, 1]} : vector<128x80xf32> to vector<128x1xf32>
    %mul3A_547 = vector.broadcast %slice3A_546 : vector<128x1xf32> to vector<128x128xf32>
    %mul3A_548 = arith.mulf %get3A_545, %mul3A_547 : vector<128x128xf32>
    %swap3A_549 = arith.constant 7680 : index
    %swap3A_550 = arith.constant 0 : index
    %swap3A_551 = vector.load %arg2[%swap3A_549, %swap3A_550] : memref<10240x128xf32, #tpu.memory_space<vmem>>, vector<128x128xf32>
    tpu.vector_store %arg2[%swap3A_549, %swap3A_550], %mul3A_548 {strides = array<i32>} : memref<10240x128xf32, #tpu.memory_space<vmem>>, vector<128x128xf32>,
    %get3A_552 = arith.constant 7808 : index
    %get3A_553 = arith.constant 0 : index
    %get3A_554 = vector.load %arg0[%get3A_552, %get3A_553] : memref<10000x128xf32, #tpu.memory_space<vmem>>, vector<128x128xf32>
    %slice3A_555 = vector.extract_strided_slice %transpose3A {offsets = [0, 61], sizes = [128, 1], strides = [1, 1]} : vector<128x80xf32> to vector<128x1xf32>
    %mul3A_556 = vector.broadcast %slice3A_555 : vector<128x1xf32> to vector<128x128xf32>
    %mul3A_557 = arith.mulf %get3A_554, %mul3A_556 : vector<128x128xf32>
    %swap3A_558 = arith.constant 7808 : index
    %swap3A_559 = arith.constant 0 : index
    %swap3A_560 = vector.load %arg2[%swap3A_558, %swap3A_559] : memref<10240x128xf32, #tpu.memory_space<vmem>>, vector<128x128xf32>
    tpu.vector_store %arg2[%swap3A_558, %swap3A_559], %mul3A_557 {strides = array<i32>} : memref<10240x128xf32, #tpu.memory_space<vmem>>, vector<128x128xf32>,
    %get3A_561 = arith.constant 7936 : index
    %get3A_562 = arith.constant 0 : index
    %get3A_563 = vector.load %arg0[%get3A_561, %get3A_562] : memref<10000x128xf32, #tpu.memory_space<vmem>>, vector<128x128xf32>
    %slice3A_564 = vector.extract_strided_slice %transpose3A {offsets = [0, 62], sizes = [128, 1], strides = [1, 1]} : vector<128x80xf32> to vector<128x1xf32>
    %mul3A_565 = vector.broadcast %slice3A_564 : vector<128x1xf32> to vector<128x128xf32>
    %mul3A_566 = arith.mulf %get3A_563, %mul3A_565 : vector<128x128xf32>
    %swap3A_567 = arith.constant 7936 : index
    %swap3A_568 = arith.constant 0 : index
    %swap3A_569 = vector.load %arg2[%swap3A_567, %swap3A_568] : memref<10240x128xf32, #tpu.memory_space<vmem>>, vector<128x128xf32>
    tpu.vector_store %arg2[%swap3A_567, %swap3A_568], %mul3A_566 {strides = array<i32>} : memref<10240x128xf32, #tpu.memory_space<vmem>>, vector<128x128xf32>,
    %get3A_570 = arith.constant 8064 : index
    %get3A_571 = arith.constant 0 : index
    %get3A_572 = vector.load %arg0[%get3A_570, %get3A_571] : memref<10000x128xf32, #tpu.memory_space<vmem>>, vector<128x128xf32>
    %slice3A_573 = vector.extract_strided_slice %transpose3A {offsets = [0, 63], sizes = [128, 1], strides = [1, 1]} : vector<128x80xf32> to vector<128x1xf32>
    %mul3A_574 = vector.broadcast %slice3A_573 : vector<128x1xf32> to vector<128x128xf32>
    %mul3A_575 = arith.mulf %get3A_572, %mul3A_574 : vector<128x128xf32>
    %swap3A_576 = arith.constant 8064 : index
    %swap3A_577 = arith.constant 0 : index
    %swap3A_578 = vector.load %arg2[%swap3A_576, %swap3A_577] : memref<10240x128xf32, #tpu.memory_space<vmem>>, vector<128x128xf32>
    tpu.vector_store %arg2[%swap3A_576, %swap3A_577], %mul3A_575 {strides = array<i32>} : memref<10240x128xf32, #tpu.memory_space<vmem>>, vector<128x128xf32>,
    %get3A_579 = arith.constant 8192 : index
    %get3A_580 = arith.constant 0 : index
    %get3A_581 = vector.load %arg0[%get3A_579, %get3A_580] : memref<10000x128xf32, #tpu.memory_space<vmem>>, vector<128x128xf32>
    %slice3A_582 = vector.extract_strided_slice %transpose3A {offsets = [0, 64], sizes = [128, 1], strides = [1, 1]} : vector<128x80xf32> to vector<128x1xf32>
    %mul3A_583 = vector.broadcast %slice3A_582 : vector<128x1xf32> to vector<128x128xf32>
    %mul3A_584 = arith.mulf %get3A_581, %mul3A_583 : vector<128x128xf32>
    %swap3A_585 = arith.constant 8192 : index
    %swap3A_586 = arith.constant 0 : index
    %swap3A_587 = vector.load %arg2[%swap3A_585, %swap3A_586] : memref<10240x128xf32, #tpu.memory_space<vmem>>, vector<128x128xf32>
    tpu.vector_store %arg2[%swap3A_585, %swap3A_586], %mul3A_584 {strides = array<i32>} : memref<10240x128xf32, #tpu.memory_space<vmem>>, vector<128x128xf32>,
    %get3A_588 = arith.constant 8320 : index
    %get3A_589 = arith.constant 0 : index
    %get3A_590 = vector.load %arg0[%get3A_588, %get3A_589] : memref<10000x128xf32, #tpu.memory_space<vmem>>, vector<128x128xf32>
    %slice3A_591 = vector.extract_strided_slice %transpose3A {offsets = [0, 65], sizes = [128, 1], strides = [1, 1]} : vector<128x80xf32> to vector<128x1xf32>
    %mul3A_592 = vector.broadcast %slice3A_591 : vector<128x1xf32> to vector<128x128xf32>
    %mul3A_593 = arith.mulf %get3A_590, %mul3A_592 : vector<128x128xf32>
    %swap3A_594 = arith.constant 8320 : index
    %swap3A_595 = arith.constant 0 : index
    %swap3A_596 = vector.load %arg2[%swap3A_594, %swap3A_595] : memref<10240x128xf32, #tpu.memory_space<vmem>>, vector<128x128xf32>
    tpu.vector_store %arg2[%swap3A_594, %swap3A_595], %mul3A_593 {strides = array<i32>} : memref<10240x128xf32, #tpu.memory_space<vmem>>, vector<128x128xf32>,
    %get3A_597 = arith.constant 8448 : index
    %get3A_598 = arith.constant 0 : index
    %get3A_599 = vector.load %arg0[%get3A_597, %get3A_598] : memref<10000x128xf32, #tpu.memory_space<vmem>>, vector<128x128xf32>
    %slice3A_600 = vector.extract_strided_slice %transpose3A {offsets = [0, 66], sizes = [128, 1], strides = [1, 1]} : vector<128x80xf32> to vector<128x1xf32>
    %mul3A_601 = vector.broadcast %slice3A_600 : vector<128x1xf32> to vector<128x128xf32>
    %mul3A_602 = arith.mulf %get3A_599, %mul3A_601 : vector<128x128xf32>
    %swap3A_603 = arith.constant 8448 : index
    %swap3A_604 = arith.constant 0 : index
    %swap3A_605 = vector.load %arg2[%swap3A_603, %swap3A_604] : memref<10240x128xf32, #tpu.memory_space<vmem>>, vector<128x128xf32>
    tpu.vector_store %arg2[%swap3A_603, %swap3A_604], %mul3A_602 {strides = array<i32>} : memref<10240x128xf32, #tpu.memory_space<vmem>>, vector<128x128xf32>,
    %get3A_606 = arith.constant 8576 : index
    %get3A_607 = arith.constant 0 : index
    %get3A_608 = vector.load %arg0[%get3A_606, %get3A_607] : memref<10000x128xf32, #tpu.memory_space<vmem>>, vector<128x128xf32>
    %slice3A_609 = vector.extract_strided_slice %transpose3A {offsets = [0, 67], sizes = [128, 1], strides = [1, 1]} : vector<128x80xf32> to vector<128x1xf32>
    %mul3A_610 = vector.broadcast %slice3A_609 : vector<128x1xf32> to vector<128x128xf32>
    %mul3A_611 = arith.mulf %get3A_608, %mul3A_610 : vector<128x128xf32>
    %swap3A_612 = arith.constant 8576 : index
    %swap3A_613 = arith.constant 0 : index
    %swap3A_614 = vector.load %arg2[%swap3A_612, %swap3A_613] : memref<10240x128xf32, #tpu.memory_space<vmem>>, vector<128x128xf32>
    tpu.vector_store %arg2[%swap3A_612, %swap3A_613], %mul3A_611 {strides = array<i32>} : memref<10240x128xf32, #tpu.memory_space<vmem>>, vector<128x128xf32>,
    %get3A_615 = arith.constant 8704 : index
    %get3A_616 = arith.constant 0 : index
    %get3A_617 = vector.load %arg0[%get3A_615, %get3A_616] : memref<10000x128xf32, #tpu.memory_space<vmem>>, vector<128x128xf32>
    %slice3A_618 = vector.extract_strided_slice %transpose3A {offsets = [0, 68], sizes = [128, 1], strides = [1, 1]} : vector<128x80xf32> to vector<128x1xf32>
    %mul3A_619 = vector.broadcast %slice3A_618 : vector<128x1xf32> to vector<128x128xf32>
    %mul3A_620 = arith.mulf %get3A_617, %mul3A_619 : vector<128x128xf32>
    %swap3A_621 = arith.constant 8704 : index
    %swap3A_622 = arith.constant 0 : index
    %swap3A_623 = vector.load %arg2[%swap3A_621, %swap3A_622] : memref<10240x128xf32, #tpu.memory_space<vmem>>, vector<128x128xf32>
    tpu.vector_store %arg2[%swap3A_621, %swap3A_622], %mul3A_620 {strides = array<i32>} : memref<10240x128xf32, #tpu.memory_space<vmem>>, vector<128x128xf32>,
    %get3A_624 = arith.constant 8832 : index
    %get3A_625 = arith.constant 0 : index
    %get3A_626 = vector.load %arg0[%get3A_624, %get3A_625] : memref<10000x128xf32, #tpu.memory_space<vmem>>, vector<128x128xf32>
    %slice3A_627 = vector.extract_strided_slice %transpose3A {offsets = [0, 69], sizes = [128, 1], strides = [1, 1]} : vector<128x80xf32> to vector<128x1xf32>
    %mul3A_628 = vector.broadcast %slice3A_627 : vector<128x1xf32> to vector<128x128xf32>
    %mul3A_629 = arith.mulf %get3A_626, %mul3A_628 : vector<128x128xf32>
    %swap3A_630 = arith.constant 8832 : index
    %swap3A_631 = arith.constant 0 : index
    %swap3A_632 = vector.load %arg2[%swap3A_630, %swap3A_631] : memref<10240x128xf32, #tpu.memory_space<vmem>>, vector<128x128xf32>
    tpu.vector_store %arg2[%swap3A_630, %swap3A_631], %mul3A_629 {strides = array<i32>} : memref<10240x128xf32, #tpu.memory_space<vmem>>, vector<128x128xf32>,
    %get3A_633 = arith.constant 8960 : index
    %get3A_634 = arith.constant 0 : index
    %get3A_635 = vector.load %arg0[%get3A_633, %get3A_634] : memref<10000x128xf32, #tpu.memory_space<vmem>>, vector<128x128xf32>
    %slice3A_636 = vector.extract_strided_slice %transpose3A {offsets = [0, 70], sizes = [128, 1], strides = [1, 1]} : vector<128x80xf32> to vector<128x1xf32>
    %mul3A_637 = vector.broadcast %slice3A_636 : vector<128x1xf32> to vector<128x128xf32>
    %mul3A_638 = arith.mulf %get3A_635, %mul3A_637 : vector<128x128xf32>
    %swap3A_639 = arith.constant 8960 : index
    %swap3A_640 = arith.constant 0 : index
    %swap3A_641 = vector.load %arg2[%swap3A_639, %swap3A_640] : memref<10240x128xf32, #tpu.memory_space<vmem>>, vector<128x128xf32>
    tpu.vector_store %arg2[%swap3A_639, %swap3A_640], %mul3A_638 {strides = array<i32>} : memref<10240x128xf32, #tpu.memory_space<vmem>>, vector<128x128xf32>,
    %get3A_642 = arith.constant 9088 : index
    %get3A_643 = arith.constant 0 : index
    %get3A_644 = vector.load %arg0[%get3A_642, %get3A_643] : memref<10000x128xf32, #tpu.memory_space<vmem>>, vector<128x128xf32>
    %slice3A_645 = vector.extract_strided_slice %transpose3A {offsets = [0, 71], sizes = [128, 1], strides = [1, 1]} : vector<128x80xf32> to vector<128x1xf32>
    %mul3A_646 = vector.broadcast %slice3A_645 : vector<128x1xf32> to vector<128x128xf32>
    %mul3A_647 = arith.mulf %get3A_644, %mul3A_646 : vector<128x128xf32>
    %swap3A_648 = arith.constant 9088 : index
    %swap3A_649 = arith.constant 0 : index
    %swap3A_650 = vector.load %arg2[%swap3A_648, %swap3A_649] : memref<10240x128xf32, #tpu.memory_space<vmem>>, vector<128x128xf32>
    tpu.vector_store %arg2[%swap3A_648, %swap3A_649], %mul3A_647 {strides = array<i32>} : memref<10240x128xf32, #tpu.memory_space<vmem>>, vector<128x128xf32>,
    %get3A_651 = arith.constant 9216 : index
    %get3A_652 = arith.constant 0 : index
    %get3A_653 = vector.load %arg0[%get3A_651, %get3A_652] : memref<10000x128xf32, #tpu.memory_space<vmem>>, vector<128x128xf32>
    %slice3A_654 = vector.extract_strided_slice %transpose3A {offsets = [0, 72], sizes = [128, 1], strides = [1, 1]} : vector<128x80xf32> to vector<128x1xf32>
    %mul3A_655 = vector.broadcast %slice3A_654 : vector<128x1xf32> to vector<128x128xf32>
    %mul3A_656 = arith.mulf %get3A_653, %mul3A_655 : vector<128x128xf32>
    %swap3A_657 = arith.constant 9216 : index
    %swap3A_658 = arith.constant 0 : index
    %swap3A_659 = vector.load %arg2[%swap3A_657, %swap3A_658] : memref<10240x128xf32, #tpu.memory_space<vmem>>, vector<128x128xf32>
    tpu.vector_store %arg2[%swap3A_657, %swap3A_658], %mul3A_656 {strides = array<i32>} : memref<10240x128xf32, #tpu.memory_space<vmem>>, vector<128x128xf32>,
    %get3A_660 = arith.constant 9344 : index
    %get3A_661 = arith.constant 0 : index
    %get3A_662 = vector.load %arg0[%get3A_660, %get3A_661] : memref<10000x128xf32, #tpu.memory_space<vmem>>, vector<128x128xf32>
    %slice3A_663 = vector.extract_strided_slice %transpose3A {offsets = [0, 73], sizes = [128, 1], strides = [1, 1]} : vector<128x80xf32> to vector<128x1xf32>
    %mul3A_664 = vector.broadcast %slice3A_663 : vector<128x1xf32> to vector<128x128xf32>
    %mul3A_665 = arith.mulf %get3A_662, %mul3A_664 : vector<128x128xf32>
    %swap3A_666 = arith.constant 9344 : index
    %swap3A_667 = arith.constant 0 : index
    %swap3A_668 = vector.load %arg2[%swap3A_666, %swap3A_667] : memref<10240x128xf32, #tpu.memory_space<vmem>>, vector<128x128xf32>
    tpu.vector_store %arg2[%swap3A_666, %swap3A_667], %mul3A_665 {strides = array<i32>} : memref<10240x128xf32, #tpu.memory_space<vmem>>, vector<128x128xf32>,
    %get3A_669 = arith.constant 9472 : index
    %get3A_670 = arith.constant 0 : index
    %get3A_671 = vector.load %arg0[%get3A_669, %get3A_670] : memref<10000x128xf32, #tpu.memory_space<vmem>>, vector<128x128xf32>
    %slice3A_672 = vector.extract_strided_slice %transpose3A {offsets = [0, 74], sizes = [128, 1], strides = [1, 1]} : vector<128x80xf32> to vector<128x1xf32>
    %mul3A_673 = vector.broadcast %slice3A_672 : vector<128x1xf32> to vector<128x128xf32>
    %mul3A_674 = arith.mulf %get3A_671, %mul3A_673 : vector<128x128xf32>
    %swap3A_675 = arith.constant 9472 : index
    %swap3A_676 = arith.constant 0 : index
    %swap3A_677 = vector.load %arg2[%swap3A_675, %swap3A_676] : memref<10240x128xf32, #tpu.memory_space<vmem>>, vector<128x128xf32>
    tpu.vector_store %arg2[%swap3A_675, %swap3A_676], %mul3A_674 {strides = array<i32>} : memref<10240x128xf32, #tpu.memory_space<vmem>>, vector<128x128xf32>,
    %get3A_678 = arith.constant 9600 : index
    %get3A_679 = arith.constant 0 : index
    %get3A_680 = vector.load %arg0[%get3A_678, %get3A_679] : memref<10000x128xf32, #tpu.memory_space<vmem>>, vector<128x128xf32>
    %slice3A_681 = vector.extract_strided_slice %transpose3A {offsets = [0, 75], sizes = [128, 1], strides = [1, 1]} : vector<128x80xf32> to vector<128x1xf32>
    %mul3A_682 = vector.broadcast %slice3A_681 : vector<128x1xf32> to vector<128x128xf32>
    %mul3A_683 = arith.mulf %get3A_680, %mul3A_682 : vector<128x128xf32>
    %swap3A_684 = arith.constant 9600 : index
    %swap3A_685 = arith.constant 0 : index
    %swap3A_686 = vector.load %arg2[%swap3A_684, %swap3A_685] : memref<10240x128xf32, #tpu.memory_space<vmem>>, vector<128x128xf32>
    tpu.vector_store %arg2[%swap3A_684, %swap3A_685], %mul3A_683 {strides = array<i32>} : memref<10240x128xf32, #tpu.memory_space<vmem>>, vector<128x128xf32>,
    %get3A_687 = arith.constant 9728 : index
    %get3A_688 = arith.constant 0 : index
    %get3A_689 = vector.load %arg0[%get3A_687, %get3A_688] : memref<10000x128xf32, #tpu.memory_space<vmem>>, vector<128x128xf32>
    %slice3A_690 = vector.extract_strided_slice %transpose3A {offsets = [0, 76], sizes = [128, 1], strides = [1, 1]} : vector<128x80xf32> to vector<128x1xf32>
    %mul3A_691 = vector.broadcast %slice3A_690 : vector<128x1xf32> to vector<128x128xf32>
    %mul3A_692 = arith.mulf %get3A_689, %mul3A_691 : vector<128x128xf32>
    %swap3A_693 = arith.constant 9728 : index
    %swap3A_694 = arith.constant 0 : index
    %swap3A_695 = vector.load %arg2[%swap3A_693, %swap3A_694] : memref<10240x128xf32, #tpu.memory_space<vmem>>, vector<128x128xf32>
    tpu.vector_store %arg2[%swap3A_693, %swap3A_694], %mul3A_692 {strides = array<i32>} : memref<10240x128xf32, #tpu.memory_space<vmem>>, vector<128x128xf32>,
    %get3A_696 = arith.constant 9856 : index
    %get3A_697 = arith.constant 0 : index
    %get3A_698 = vector.load %arg0[%get3A_696, %get3A_697] : memref<10000x128xf32, #tpu.memory_space<vmem>>, vector<128x128xf32>
    %slice3A_699 = vector.extract_strided_slice %transpose3A {offsets = [0, 77], sizes = [128, 1], strides = [1, 1]} : vector<128x80xf32> to vector<128x1xf32>
    %mul3A_700 = vector.broadcast %slice3A_699 : vector<128x1xf32> to vector<128x128xf32>
    %mul3A_701 = arith.mulf %get3A_698, %mul3A_700 : vector<128x128xf32>
    %swap3A_702 = arith.constant 9856 : index
    %swap3A_703 = arith.constant 0 : index
    %swap3A_704 = vector.load %arg2[%swap3A_702, %swap3A_703] : memref<10240x128xf32, #tpu.memory_space<vmem>>, vector<128x128xf32>
    tpu.vector_store %arg2[%swap3A_702, %swap3A_703], %mul3A_701 {strides = array<i32>} : memref<10240x128xf32, #tpu.memory_space<vmem>>, vector<128x128xf32>,
    %get3A_705 = arith.constant 9984 : index
    %get3A_706 = arith.constant 0 : index
    %get3A_707 = vector.load %arg0[%get3A_705, %get3A_706] : memref<10000x128xf32, #tpu.memory_space<vmem>>, vector<16x128xf32>
    %slice3A_708 = vector.extract_strided_slice %transpose3A {offsets = [0, 78], sizes = [16, 1], strides = [1, 1]} : vector<128x80xf32> to vector<16x1xf32>
    %mul3A_709 = vector.broadcast %slice3A_708 : vector<16x1xf32> to vector<16x128xf32>
    %mul3A_710 = arith.mulf %get3A_707, %mul3A_709 : vector<16x128xf32>
    %swap3A_711 = arith.constant 9984 : index
    %swap3A_712 = arith.constant 0 : index
    %swap3A_713 = vector.load %arg2[%swap3A_711, %swap3A_712] : memref<10240x128xf32, #tpu.memory_space<vmem>>, vector<16x128xf32>
    tpu.vector_store %arg2[%swap3A_711, %swap3A_712], %mul3A_710 {strides = array<i32>} : memref<10240x128xf32, #tpu.memory_space<vmem>>, vector<16x128xf32>,
    %broadcast_in_dim3A = arith.constant 0.000000e+00 : f32
    %broadcast_in_dim3A_714 = vector.broadcast %broadcast_in_dim3A : f32 to vector<240x128xf32>
    %swap3A_715 = arith.constant 10000 : index
    %swap3A_716 = arith.constant 0 : index
    %swap3A_717 = vector.load %arg2[%swap3A_715, %swap3A_716] : memref<10240x128xf32, #tpu.memory_space<vmem>>, vector<240x128xf32>
    tpu.vector_store %arg2[%swap3A_715, %swap3A_716], %broadcast_in_dim3A_714 {strides = array<i32>} : memref<10240x128xf32, #tpu.memory_space<vmem>>, vector<240x128xf32>,
    return
  }
}

module attributes {stable_mosaic.version = 14 : i64} {
  func.func @_post_body(%arg0: memref<2x10240x128xf32, #tpu.memory_space<vmem>>, %arg1: memref<10000x128xf32, #tpu.memory_space<vmem>>, %arg2: memref<32x80x128xf32, #tpu.memory_space<vmem>>, %arg3: memref<1x128xf32, #tpu.memory_space<vmem>>, %arg4: memref<1x128xf32, #tpu.memory_space<vmem>>, %arg5: memref<1x128xf32, #tpu.memory_space<vmem>>, %arg6: memref<10000x128xf32, #tpu.memory_space<vmem>>) attributes {dimension_semantics = [], scalar_prefetch = 0 : i64, scratch_operands = 0 : i64, tpu.core_type = #tpu.core_type<tc>} {
    %get3A = arith.constant 0 : index
    %get3A_0 = arith.constant 0 : index
    %get3A_1 = arith.constant 0 : index
    %get3A_2 = vector.load %arg2[%get3A, %get3A_0, %get3A_1] : memref<32x80x128xf32, #tpu.memory_space<vmem>>, vector<32x80x128xf32>
    %reduce_sum3A = arith.constant dense<0.000000e+00> : vector<80x128xf32>
    %reduce_sum3A_3 = vector.multi_reduction <add>, %get3A_2, %reduce_sum3A [0] : vector<32x80x128xf32> to vector<80x128xf32>
    %add3A = arith.constant 1.000000e+00 : f32
    %add3A_4 = vector.broadcast %add3A : f32 to vector<80x128xf32>
    %add3A_5 = arith.addf %reduce_sum3A_3, %add3A_4 : vector<80x128xf32>
    %rsqrt3A = math.rsqrt %add3A_5 : vector<80x128xf32>
    %transpose3A = tpu.transpose %rsqrt3A, [1, 0] : vector<80x128xf32> -> vector<128x80xf32>
    %get3A_6 = arith.constant 0 : index
    %get3A_7 = arith.constant 0 : index
    %get3A_8 = arith.constant 0 : index
    %get3A_9 = vector.load %arg0[%get3A_6, %get3A_7, %get3A_8] : memref<2x10240x128xf32, #tpu.memory_space<vmem>>, vector<1x128x128xf32>
    %get3A_10 = vector.shape_cast %get3A_9 : vector<1x128x128xf32> to vector<128x128xf32>
    %get3A_11 = arith.constant 1 : index
    %get3A_12 = arith.constant 0 : index
    %get3A_13 = arith.constant 0 : index
    %get3A_14 = vector.load %arg0[%get3A_11, %get3A_12, %get3A_13] : memref<2x10240x128xf32, #tpu.memory_space<vmem>>, vector<1x128x128xf32>
    %get3A_15 = vector.shape_cast %get3A_14 : vector<1x128x128xf32> to vector<128x128xf32>
    %add3A_16 = arith.addf %get3A_10, %get3A_15 : vector<128x128xf32>
    %slice3A = vector.extract_strided_slice %transpose3A {offsets = [0, 0], sizes = [128, 1], strides = [1, 1]} : vector<128x80xf32> to vector<128x1xf32>
    %mul3A = vector.broadcast %slice3A : vector<128x1xf32> to vector<128x128xf32>
    %mul3A_17 = arith.mulf %add3A_16, %mul3A : vector<128x128xf32>
    %get3A_18 = arith.constant 0 : index
    %get3A_19 = arith.constant 0 : index
    %get3A_20 = vector.load %arg3[%get3A_18, %get3A_19] : memref<1x128xf32, #tpu.memory_space<vmem>>, vector<1x128xf32>
    %add3A_21 = vector.broadcast %get3A_20 : vector<1x128xf32> to vector<128x128xf32>
    %add3A_22 = arith.addf %mul3A_17, %add3A_21 : vector<128x128xf32>
    %swap3A = arith.constant 0 : index
    %swap3A_23 = arith.constant 0 : index
    %swap3A_24 = vector.load %arg6[%swap3A, %swap3A_23] : memref<10000x128xf32, #tpu.memory_space<vmem>>, vector<128x128xf32>
    tpu.vector_store %arg6[%swap3A, %swap3A_23], %add3A_22 {strides = array<i32>} : memref<10000x128xf32, #tpu.memory_space<vmem>>, vector<128x128xf32>,
    %get3A_25 = arith.constant 0 : index
    %get3A_26 = arith.constant 128 : index
    %get3A_27 = arith.constant 0 : index
    %get3A_28 = vector.load %arg0[%get3A_25, %get3A_26, %get3A_27] : memref<2x10240x128xf32, #tpu.memory_space<vmem>>, vector<1x128x128xf32>
    %get3A_29 = vector.shape_cast %get3A_28 : vector<1x128x128xf32> to vector<128x128xf32>
    %get3A_30 = arith.constant 1 : index
    %get3A_31 = arith.constant 128 : index
    %get3A_32 = arith.constant 0 : index
    %get3A_33 = vector.load %arg0[%get3A_30, %get3A_31, %get3A_32] : memref<2x10240x128xf32, #tpu.memory_space<vmem>>, vector<1x128x128xf32>
    %get3A_34 = vector.shape_cast %get3A_33 : vector<1x128x128xf32> to vector<128x128xf32>
    %add3A_35 = arith.addf %get3A_29, %get3A_34 : vector<128x128xf32>
    %slice3A_36 = vector.extract_strided_slice %transpose3A {offsets = [0, 1], sizes = [128, 1], strides = [1, 1]} : vector<128x80xf32> to vector<128x1xf32>
    %mul3A_37 = vector.broadcast %slice3A_36 : vector<128x1xf32> to vector<128x128xf32>
    %mul3A_38 = arith.mulf %add3A_35, %mul3A_37 : vector<128x128xf32>
    %get3A_39 = arith.constant 0 : index
    %get3A_40 = arith.constant 0 : index
    %get3A_41 = vector.load %arg3[%get3A_39, %get3A_40] : memref<1x128xf32, #tpu.memory_space<vmem>>, vector<1x128xf32>
    %add3A_42 = vector.broadcast %get3A_41 : vector<1x128xf32> to vector<128x128xf32>
    %add3A_43 = arith.addf %mul3A_38, %add3A_42 : vector<128x128xf32>
    %swap3A_44 = arith.constant 128 : index
    %swap3A_45 = arith.constant 0 : index
    %swap3A_46 = vector.load %arg6[%swap3A_44, %swap3A_45] : memref<10000x128xf32, #tpu.memory_space<vmem>>, vector<128x128xf32>
    tpu.vector_store %arg6[%swap3A_44, %swap3A_45], %add3A_43 {strides = array<i32>} : memref<10000x128xf32, #tpu.memory_space<vmem>>, vector<128x128xf32>,
    %get3A_47 = arith.constant 0 : index
    %get3A_48 = arith.constant 256 : index
    %get3A_49 = arith.constant 0 : index
    %get3A_50 = vector.load %arg0[%get3A_47, %get3A_48, %get3A_49] : memref<2x10240x128xf32, #tpu.memory_space<vmem>>, vector<1x128x128xf32>
    %get3A_51 = vector.shape_cast %get3A_50 : vector<1x128x128xf32> to vector<128x128xf32>
    %get3A_52 = arith.constant 1 : index
    %get3A_53 = arith.constant 256 : index
    %get3A_54 = arith.constant 0 : index
    %get3A_55 = vector.load %arg0[%get3A_52, %get3A_53, %get3A_54] : memref<2x10240x128xf32, #tpu.memory_space<vmem>>, vector<1x128x128xf32>
    %get3A_56 = vector.shape_cast %get3A_55 : vector<1x128x128xf32> to vector<128x128xf32>
    %add3A_57 = arith.addf %get3A_51, %get3A_56 : vector<128x128xf32>
    %slice3A_58 = vector.extract_strided_slice %transpose3A {offsets = [0, 2], sizes = [128, 1], strides = [1, 1]} : vector<128x80xf32> to vector<128x1xf32>
    %mul3A_59 = vector.broadcast %slice3A_58 : vector<128x1xf32> to vector<128x128xf32>
    %mul3A_60 = arith.mulf %add3A_57, %mul3A_59 : vector<128x128xf32>
    %get3A_61 = arith.constant 0 : index
    %get3A_62 = arith.constant 0 : index
    %get3A_63 = vector.load %arg3[%get3A_61, %get3A_62] : memref<1x128xf32, #tpu.memory_space<vmem>>, vector<1x128xf32>
    %add3A_64 = vector.broadcast %get3A_63 : vector<1x128xf32> to vector<128x128xf32>
    %add3A_65 = arith.addf %mul3A_60, %add3A_64 : vector<128x128xf32>
    %swap3A_66 = arith.constant 256 : index
    %swap3A_67 = arith.constant 0 : index
    %swap3A_68 = vector.load %arg6[%swap3A_66, %swap3A_67] : memref<10000x128xf32, #tpu.memory_space<vmem>>, vector<128x128xf32>
    tpu.vector_store %arg6[%swap3A_66, %swap3A_67], %add3A_65 {strides = array<i32>} : memref<10000x128xf32, #tpu.memory_space<vmem>>, vector<128x128xf32>,
    %get3A_69 = arith.constant 0 : index
    %get3A_70 = arith.constant 384 : index
    %get3A_71 = arith.constant 0 : index
    %get3A_72 = vector.load %arg0[%get3A_69, %get3A_70, %get3A_71] : memref<2x10240x128xf32, #tpu.memory_space<vmem>>, vector<1x128x128xf32>
    %get3A_73 = vector.shape_cast %get3A_72 : vector<1x128x128xf32> to vector<128x128xf32>
    %get3A_74 = arith.constant 1 : index
    %get3A_75 = arith.constant 384 : index
    %get3A_76 = arith.constant 0 : index
    %get3A_77 = vector.load %arg0[%get3A_74, %get3A_75, %get3A_76] : memref<2x10240x128xf32, #tpu.memory_space<vmem>>, vector<1x128x128xf32>
    %get3A_78 = vector.shape_cast %get3A_77 : vector<1x128x128xf32> to vector<128x128xf32>
    %add3A_79 = arith.addf %get3A_73, %get3A_78 : vector<128x128xf32>
    %slice3A_80 = vector.extract_strided_slice %transpose3A {offsets = [0, 3], sizes = [128, 1], strides = [1, 1]} : vector<128x80xf32> to vector<128x1xf32>
    %mul3A_81 = vector.broadcast %slice3A_80 : vector<128x1xf32> to vector<128x128xf32>
    %mul3A_82 = arith.mulf %add3A_79, %mul3A_81 : vector<128x128xf32>
    %get3A_83 = arith.constant 0 : index
    %get3A_84 = arith.constant 0 : index
    %get3A_85 = vector.load %arg3[%get3A_83, %get3A_84] : memref<1x128xf32, #tpu.memory_space<vmem>>, vector<1x128xf32>
    %add3A_86 = vector.broadcast %get3A_85 : vector<1x128xf32> to vector<128x128xf32>
    %add3A_87 = arith.addf %mul3A_82, %add3A_86 : vector<128x128xf32>
    %swap3A_88 = arith.constant 384 : index
    %swap3A_89 = arith.constant 0 : index
    %swap3A_90 = vector.load %arg6[%swap3A_88, %swap3A_89] : memref<10000x128xf32, #tpu.memory_space<vmem>>, vector<128x128xf32>
    tpu.vector_store %arg6[%swap3A_88, %swap3A_89], %add3A_87 {strides = array<i32>} : memref<10000x128xf32, #tpu.memory_space<vmem>>, vector<128x128xf32>,
    %get3A_91 = arith.constant 0 : index
    %get3A_92 = arith.constant 512 : index
    %get3A_93 = arith.constant 0 : index
    %get3A_94 = vector.load %arg0[%get3A_91, %get3A_92, %get3A_93] : memref<2x10240x128xf32, #tpu.memory_space<vmem>>, vector<1x128x128xf32>
    %get3A_95 = vector.shape_cast %get3A_94 : vector<1x128x128xf32> to vector<128x128xf32>
    %get3A_96 = arith.constant 1 : index
    %get3A_97 = arith.constant 512 : index
    %get3A_98 = arith.constant 0 : index
    %get3A_99 = vector.load %arg0[%get3A_96, %get3A_97, %get3A_98] : memref<2x10240x128xf32, #tpu.memory_space<vmem>>, vector<1x128x128xf32>
    %get3A_100 = vector.shape_cast %get3A_99 : vector<1x128x128xf32> to vector<128x128xf32>
    %add3A_101 = arith.addf %get3A_95, %get3A_100 : vector<128x128xf32>
    %slice3A_102 = vector.extract_strided_slice %transpose3A {offsets = [0, 4], sizes = [128, 1], strides = [1, 1]} : vector<128x80xf32> to vector<128x1xf32>
    %mul3A_103 = vector.broadcast %slice3A_102 : vector<128x1xf32> to vector<128x128xf32>
    %mul3A_104 = arith.mulf %add3A_101, %mul3A_103 : vector<128x128xf32>
    %get3A_105 = arith.constant 0 : index
    %get3A_106 = arith.constant 0 : index
    %get3A_107 = vector.load %arg3[%get3A_105, %get3A_106] : memref<1x128xf32, #tpu.memory_space<vmem>>, vector<1x128xf32>
    %add3A_108 = vector.broadcast %get3A_107 : vector<1x128xf32> to vector<128x128xf32>
    %add3A_109 = arith.addf %mul3A_104, %add3A_108 : vector<128x128xf32>
    %swap3A_110 = arith.constant 512 : index
    %swap3A_111 = arith.constant 0 : index
    %swap3A_112 = vector.load %arg6[%swap3A_110, %swap3A_111] : memref<10000x128xf32, #tpu.memory_space<vmem>>, vector<128x128xf32>
    tpu.vector_store %arg6[%swap3A_110, %swap3A_111], %add3A_109 {strides = array<i32>} : memref<10000x128xf32, #tpu.memory_space<vmem>>, vector<128x128xf32>,
    %get3A_113 = arith.constant 0 : index
    %get3A_114 = arith.constant 640 : index
    %get3A_115 = arith.constant 0 : index
    %get3A_116 = vector.load %arg0[%get3A_113, %get3A_114, %get3A_115] : memref<2x10240x128xf32, #tpu.memory_space<vmem>>, vector<1x128x128xf32>
    %get3A_117 = vector.shape_cast %get3A_116 : vector<1x128x128xf32> to vector<128x128xf32>
    %get3A_118 = arith.constant 1 : index
    %get3A_119 = arith.constant 640 : index
    %get3A_120 = arith.constant 0 : index
    %get3A_121 = vector.load %arg0[%get3A_118, %get3A_119, %get3A_120] : memref<2x10240x128xf32, #tpu.memory_space<vmem>>, vector<1x128x128xf32>
    %get3A_122 = vector.shape_cast %get3A_121 : vector<1x128x128xf32> to vector<128x128xf32>
    %add3A_123 = arith.addf %get3A_117, %get3A_122 : vector<128x128xf32>
    %slice3A_124 = vector.extract_strided_slice %transpose3A {offsets = [0, 5], sizes = [128, 1], strides = [1, 1]} : vector<128x80xf32> to vector<128x1xf32>
    %mul3A_125 = vector.broadcast %slice3A_124 : vector<128x1xf32> to vector<128x128xf32>
    %mul3A_126 = arith.mulf %add3A_123, %mul3A_125 : vector<128x128xf32>
    %get3A_127 = arith.constant 0 : index
    %get3A_128 = arith.constant 0 : index
    %get3A_129 = vector.load %arg3[%get3A_127, %get3A_128] : memref<1x128xf32, #tpu.memory_space<vmem>>, vector<1x128xf32>
    %add3A_130 = vector.broadcast %get3A_129 : vector<1x128xf32> to vector<128x128xf32>
    %add3A_131 = arith.addf %mul3A_126, %add3A_130 : vector<128x128xf32>
    %swap3A_132 = arith.constant 640 : index
    %swap3A_133 = arith.constant 0 : index
    %swap3A_134 = vector.load %arg6[%swap3A_132, %swap3A_133] : memref<10000x128xf32, #tpu.memory_space<vmem>>, vector<128x128xf32>
    tpu.vector_store %arg6[%swap3A_132, %swap3A_133], %add3A_131 {strides = array<i32>} : memref<10000x128xf32, #tpu.memory_space<vmem>>, vector<128x128xf32>,
    %get3A_135 = arith.constant 0 : index
    %get3A_136 = arith.constant 768 : index
    %get3A_137 = arith.constant 0 : index
    %get3A_138 = vector.load %arg0[%get3A_135, %get3A_136, %get3A_137] : memref<2x10240x128xf32, #tpu.memory_space<vmem>>, vector<1x128x128xf32>
    %get3A_139 = vector.shape_cast %get3A_138 : vector<1x128x128xf32> to vector<128x128xf32>
    %get3A_140 = arith.constant 1 : index
    %get3A_141 = arith.constant 768 : index
    %get3A_142 = arith.constant 0 : index
    %get3A_143 = vector.load %arg0[%get3A_140, %get3A_141, %get3A_142] : memref<2x10240x128xf32, #tpu.memory_space<vmem>>, vector<1x128x128xf32>
    %get3A_144 = vector.shape_cast %get3A_143 : vector<1x128x128xf32> to vector<128x128xf32>
    %add3A_145 = arith.addf %get3A_139, %get3A_144 : vector<128x128xf32>
    %slice3A_146 = vector.extract_strided_slice %transpose3A {offsets = [0, 6], sizes = [128, 1], strides = [1, 1]} : vector<128x80xf32> to vector<128x1xf32>
    %mul3A_147 = vector.broadcast %slice3A_146 : vector<128x1xf32> to vector<128x128xf32>
    %mul3A_148 = arith.mulf %add3A_145, %mul3A_147 : vector<128x128xf32>
    %get3A_149 = arith.constant 0 : index
    %get3A_150 = arith.constant 0 : index
    %get3A_151 = vector.load %arg3[%get3A_149, %get3A_150] : memref<1x128xf32, #tpu.memory_space<vmem>>, vector<1x128xf32>
    %add3A_152 = vector.broadcast %get3A_151 : vector<1x128xf32> to vector<128x128xf32>
    %add3A_153 = arith.addf %mul3A_148, %add3A_152 : vector<128x128xf32>
    %swap3A_154 = arith.constant 768 : index
    %swap3A_155 = arith.constant 0 : index
    %swap3A_156 = vector.load %arg6[%swap3A_154, %swap3A_155] : memref<10000x128xf32, #tpu.memory_space<vmem>>, vector<128x128xf32>
    tpu.vector_store %arg6[%swap3A_154, %swap3A_155], %add3A_153 {strides = array<i32>} : memref<10000x128xf32, #tpu.memory_space<vmem>>, vector<128x128xf32>,
    %get3A_157 = arith.constant 0 : index
    %get3A_158 = arith.constant 896 : index
    %get3A_159 = arith.constant 0 : index
    %get3A_160 = vector.load %arg0[%get3A_157, %get3A_158, %get3A_159] : memref<2x10240x128xf32, #tpu.memory_space<vmem>>, vector<1x128x128xf32>
    %get3A_161 = vector.shape_cast %get3A_160 : vector<1x128x128xf32> to vector<128x128xf32>
    %get3A_162 = arith.constant 1 : index
    %get3A_163 = arith.constant 896 : index
    %get3A_164 = arith.constant 0 : index
    %get3A_165 = vector.load %arg0[%get3A_162, %get3A_163, %get3A_164] : memref<2x10240x128xf32, #tpu.memory_space<vmem>>, vector<1x128x128xf32>
    %get3A_166 = vector.shape_cast %get3A_165 : vector<1x128x128xf32> to vector<128x128xf32>
    %add3A_167 = arith.addf %get3A_161, %get3A_166 : vector<128x128xf32>
    %slice3A_168 = vector.extract_strided_slice %transpose3A {offsets = [0, 7], sizes = [128, 1], strides = [1, 1]} : vector<128x80xf32> to vector<128x1xf32>
    %mul3A_169 = vector.broadcast %slice3A_168 : vector<128x1xf32> to vector<128x128xf32>
    %mul3A_170 = arith.mulf %add3A_167, %mul3A_169 : vector<128x128xf32>
    %get3A_171 = arith.constant 0 : index
    %get3A_172 = arith.constant 0 : index
    %get3A_173 = vector.load %arg3[%get3A_171, %get3A_172] : memref<1x128xf32, #tpu.memory_space<vmem>>, vector<1x128xf32>
    %add3A_174 = vector.broadcast %get3A_173 : vector<1x128xf32> to vector<128x128xf32>
    %add3A_175 = arith.addf %mul3A_170, %add3A_174 : vector<128x128xf32>
    %swap3A_176 = arith.constant 896 : index
    %swap3A_177 = arith.constant 0 : index
    %swap3A_178 = vector.load %arg6[%swap3A_176, %swap3A_177] : memref<10000x128xf32, #tpu.memory_space<vmem>>, vector<128x128xf32>
    tpu.vector_store %arg6[%swap3A_176, %swap3A_177], %add3A_175 {strides = array<i32>} : memref<10000x128xf32, #tpu.memory_space<vmem>>, vector<128x128xf32>,
    %get3A_179 = arith.constant 0 : index
    %get3A_180 = arith.constant 1024 : index
    %get3A_181 = arith.constant 0 : index
    %get3A_182 = vector.load %arg0[%get3A_179, %get3A_180, %get3A_181] : memref<2x10240x128xf32, #tpu.memory_space<vmem>>, vector<1x128x128xf32>
    %get3A_183 = vector.shape_cast %get3A_182 : vector<1x128x128xf32> to vector<128x128xf32>
    %get3A_184 = arith.constant 1 : index
    %get3A_185 = arith.constant 1024 : index
    %get3A_186 = arith.constant 0 : index
    %get3A_187 = vector.load %arg0[%get3A_184, %get3A_185, %get3A_186] : memref<2x10240x128xf32, #tpu.memory_space<vmem>>, vector<1x128x128xf32>
    %get3A_188 = vector.shape_cast %get3A_187 : vector<1x128x128xf32> to vector<128x128xf32>
    %add3A_189 = arith.addf %get3A_183, %get3A_188 : vector<128x128xf32>
    %slice3A_190 = vector.extract_strided_slice %transpose3A {offsets = [0, 8], sizes = [128, 1], strides = [1, 1]} : vector<128x80xf32> to vector<128x1xf32>
    %mul3A_191 = vector.broadcast %slice3A_190 : vector<128x1xf32> to vector<128x128xf32>
    %mul3A_192 = arith.mulf %add3A_189, %mul3A_191 : vector<128x128xf32>
    %get3A_193 = arith.constant 0 : index
    %get3A_194 = arith.constant 0 : index
    %get3A_195 = vector.load %arg3[%get3A_193, %get3A_194] : memref<1x128xf32, #tpu.memory_space<vmem>>, vector<1x128xf32>
    %add3A_196 = vector.broadcast %get3A_195 : vector<1x128xf32> to vector<128x128xf32>
    %add3A_197 = arith.addf %mul3A_192, %add3A_196 : vector<128x128xf32>
    %swap3A_198 = arith.constant 1024 : index
    %swap3A_199 = arith.constant 0 : index
    %swap3A_200 = vector.load %arg6[%swap3A_198, %swap3A_199] : memref<10000x128xf32, #tpu.memory_space<vmem>>, vector<128x128xf32>
    tpu.vector_store %arg6[%swap3A_198, %swap3A_199], %add3A_197 {strides = array<i32>} : memref<10000x128xf32, #tpu.memory_space<vmem>>, vector<128x128xf32>,
    %get3A_201 = arith.constant 0 : index
    %get3A_202 = arith.constant 1152 : index
    %get3A_203 = arith.constant 0 : index
    %get3A_204 = vector.load %arg0[%get3A_201, %get3A_202, %get3A_203] : memref<2x10240x128xf32, #tpu.memory_space<vmem>>, vector<1x128x128xf32>
    %get3A_205 = vector.shape_cast %get3A_204 : vector<1x128x128xf32> to vector<128x128xf32>
    %get3A_206 = arith.constant 1 : index
    %get3A_207 = arith.constant 1152 : index
    %get3A_208 = arith.constant 0 : index
    %get3A_209 = vector.load %arg0[%get3A_206, %get3A_207, %get3A_208] : memref<2x10240x128xf32, #tpu.memory_space<vmem>>, vector<1x128x128xf32>
    %get3A_210 = vector.shape_cast %get3A_209 : vector<1x128x128xf32> to vector<128x128xf32>
    %add3A_211 = arith.addf %get3A_205, %get3A_210 : vector<128x128xf32>
    %slice3A_212 = vector.extract_strided_slice %transpose3A {offsets = [0, 9], sizes = [128, 1], strides = [1, 1]} : vector<128x80xf32> to vector<128x1xf32>
    %mul3A_213 = vector.broadcast %slice3A_212 : vector<128x1xf32> to vector<128x128xf32>
    %mul3A_214 = arith.mulf %add3A_211, %mul3A_213 : vector<128x128xf32>
    %get3A_215 = arith.constant 0 : index
    %get3A_216 = arith.constant 0 : index
    %get3A_217 = vector.load %arg3[%get3A_215, %get3A_216] : memref<1x128xf32, #tpu.memory_space<vmem>>, vector<1x128xf32>
    %add3A_218 = vector.broadcast %get3A_217 : vector<1x128xf32> to vector<128x128xf32>
    %add3A_219 = arith.addf %mul3A_214, %add3A_218 : vector<128x128xf32>
    %swap3A_220 = arith.constant 1152 : index
    %swap3A_221 = arith.constant 0 : index
    %swap3A_222 = vector.load %arg6[%swap3A_220, %swap3A_221] : memref<10000x128xf32, #tpu.memory_space<vmem>>, vector<128x128xf32>
    tpu.vector_store %arg6[%swap3A_220, %swap3A_221], %add3A_219 {strides = array<i32>} : memref<10000x128xf32, #tpu.memory_space<vmem>>, vector<128x128xf32>,
    %get3A_223 = arith.constant 0 : index
    %get3A_224 = arith.constant 1280 : index
    %get3A_225 = arith.constant 0 : index
    %get3A_226 = vector.load %arg0[%get3A_223, %get3A_224, %get3A_225] : memref<2x10240x128xf32, #tpu.memory_space<vmem>>, vector<1x128x128xf32>
    %get3A_227 = vector.shape_cast %get3A_226 : vector<1x128x128xf32> to vector<128x128xf32>
    %get3A_228 = arith.constant 1 : index
    %get3A_229 = arith.constant 1280 : index
    %get3A_230 = arith.constant 0 : index
    %get3A_231 = vector.load %arg0[%get3A_228, %get3A_229, %get3A_230] : memref<2x10240x128xf32, #tpu.memory_space<vmem>>, vector<1x128x128xf32>
    %get3A_232 = vector.shape_cast %get3A_231 : vector<1x128x128xf32> to vector<128x128xf32>
    %add3A_233 = arith.addf %get3A_227, %get3A_232 : vector<128x128xf32>
    %slice3A_234 = vector.extract_strided_slice %transpose3A {offsets = [0, 10], sizes = [128, 1], strides = [1, 1]} : vector<128x80xf32> to vector<128x1xf32>
    %mul3A_235 = vector.broadcast %slice3A_234 : vector<128x1xf32> to vector<128x128xf32>
    %mul3A_236 = arith.mulf %add3A_233, %mul3A_235 : vector<128x128xf32>
    %get3A_237 = arith.constant 0 : index
    %get3A_238 = arith.constant 0 : index
    %get3A_239 = vector.load %arg3[%get3A_237, %get3A_238] : memref<1x128xf32, #tpu.memory_space<vmem>>, vector<1x128xf32>
    %add3A_240 = vector.broadcast %get3A_239 : vector<1x128xf32> to vector<128x128xf32>
    %add3A_241 = arith.addf %mul3A_236, %add3A_240 : vector<128x128xf32>
    %swap3A_242 = arith.constant 1280 : index
    %swap3A_243 = arith.constant 0 : index
    %swap3A_244 = vector.load %arg6[%swap3A_242, %swap3A_243] : memref<10000x128xf32, #tpu.memory_space<vmem>>, vector<128x128xf32>
    tpu.vector_store %arg6[%swap3A_242, %swap3A_243], %add3A_241 {strides = array<i32>} : memref<10000x128xf32, #tpu.memory_space<vmem>>, vector<128x128xf32>,
    %get3A_245 = arith.constant 0 : index
    %get3A_246 = arith.constant 1408 : index
    %get3A_247 = arith.constant 0 : index
    %get3A_248 = vector.load %arg0[%get3A_245, %get3A_246, %get3A_247] : memref<2x10240x128xf32, #tpu.memory_space<vmem>>, vector<1x128x128xf32>
    %get3A_249 = vector.shape_cast %get3A_248 : vector<1x128x128xf32> to vector<128x128xf32>
    %get3A_250 = arith.constant 1 : index
    %get3A_251 = arith.constant 1408 : index
    %get3A_252 = arith.constant 0 : index
    %get3A_253 = vector.load %arg0[%get3A_250, %get3A_251, %get3A_252] : memref<2x10240x128xf32, #tpu.memory_space<vmem>>, vector<1x128x128xf32>
    %get3A_254 = vector.shape_cast %get3A_253 : vector<1x128x128xf32> to vector<128x128xf32>
    %add3A_255 = arith.addf %get3A_249, %get3A_254 : vector<128x128xf32>
    %slice3A_256 = vector.extract_strided_slice %transpose3A {offsets = [0, 11], sizes = [128, 1], strides = [1, 1]} : vector<128x80xf32> to vector<128x1xf32>
    %mul3A_257 = vector.broadcast %slice3A_256 : vector<128x1xf32> to vector<128x128xf32>
    %mul3A_258 = arith.mulf %add3A_255, %mul3A_257 : vector<128x128xf32>
    %get3A_259 = arith.constant 0 : index
    %get3A_260 = arith.constant 0 : index
    %get3A_261 = vector.load %arg3[%get3A_259, %get3A_260] : memref<1x128xf32, #tpu.memory_space<vmem>>, vector<1x128xf32>
    %add3A_262 = vector.broadcast %get3A_261 : vector<1x128xf32> to vector<128x128xf32>
    %add3A_263 = arith.addf %mul3A_258, %add3A_262 : vector<128x128xf32>
    %swap3A_264 = arith.constant 1408 : index
    %swap3A_265 = arith.constant 0 : index
    %swap3A_266 = vector.load %arg6[%swap3A_264, %swap3A_265] : memref<10000x128xf32, #tpu.memory_space<vmem>>, vector<128x128xf32>
    tpu.vector_store %arg6[%swap3A_264, %swap3A_265], %add3A_263 {strides = array<i32>} : memref<10000x128xf32, #tpu.memory_space<vmem>>, vector<128x128xf32>,
    %get3A_267 = arith.constant 0 : index
    %get3A_268 = arith.constant 1536 : index
    %get3A_269 = arith.constant 0 : index
    %get3A_270 = vector.load %arg0[%get3A_267, %get3A_268, %get3A_269] : memref<2x10240x128xf32, #tpu.memory_space<vmem>>, vector<1x128x128xf32>
    %get3A_271 = vector.shape_cast %get3A_270 : vector<1x128x128xf32> to vector<128x128xf32>
    %get3A_272 = arith.constant 1 : index
    %get3A_273 = arith.constant 1536 : index
    %get3A_274 = arith.constant 0 : index
    %get3A_275 = vector.load %arg0[%get3A_272, %get3A_273, %get3A_274] : memref<2x10240x128xf32, #tpu.memory_space<vmem>>, vector<1x128x128xf32>
    %get3A_276 = vector.shape_cast %get3A_275 : vector<1x128x128xf32> to vector<128x128xf32>
    %add3A_277 = arith.addf %get3A_271, %get3A_276 : vector<128x128xf32>
    %slice3A_278 = vector.extract_strided_slice %transpose3A {offsets = [0, 12], sizes = [128, 1], strides = [1, 1]} : vector<128x80xf32> to vector<128x1xf32>
    %mul3A_279 = vector.broadcast %slice3A_278 : vector<128x1xf32> to vector<128x128xf32>
    %mul3A_280 = arith.mulf %add3A_277, %mul3A_279 : vector<128x128xf32>
    %get3A_281 = arith.constant 0 : index
    %get3A_282 = arith.constant 0 : index
    %get3A_283 = vector.load %arg3[%get3A_281, %get3A_282] : memref<1x128xf32, #tpu.memory_space<vmem>>, vector<1x128xf32>
    %add3A_284 = vector.broadcast %get3A_283 : vector<1x128xf32> to vector<128x128xf32>
    %add3A_285 = arith.addf %mul3A_280, %add3A_284 : vector<128x128xf32>
    %swap3A_286 = arith.constant 1536 : index
    %swap3A_287 = arith.constant 0 : index
    %swap3A_288 = vector.load %arg6[%swap3A_286, %swap3A_287] : memref<10000x128xf32, #tpu.memory_space<vmem>>, vector<128x128xf32>
    tpu.vector_store %arg6[%swap3A_286, %swap3A_287], %add3A_285 {strides = array<i32>} : memref<10000x128xf32, #tpu.memory_space<vmem>>, vector<128x128xf32>,
    %get3A_289 = arith.constant 0 : index
    %get3A_290 = arith.constant 1664 : index
    %get3A_291 = arith.constant 0 : index
    %get3A_292 = vector.load %arg0[%get3A_289, %get3A_290, %get3A_291] : memref<2x10240x128xf32, #tpu.memory_space<vmem>>, vector<1x128x128xf32>
    %get3A_293 = vector.shape_cast %get3A_292 : vector<1x128x128xf32> to vector<128x128xf32>
    %get3A_294 = arith.constant 1 : index
    %get3A_295 = arith.constant 1664 : index
    %get3A_296 = arith.constant 0 : index
    %get3A_297 = vector.load %arg0[%get3A_294, %get3A_295, %get3A_296] : memref<2x10240x128xf32, #tpu.memory_space<vmem>>, vector<1x128x128xf32>
    %get3A_298 = vector.shape_cast %get3A_297 : vector<1x128x128xf32> to vector<128x128xf32>
    %add3A_299 = arith.addf %get3A_293, %get3A_298 : vector<128x128xf32>
    %slice3A_300 = vector.extract_strided_slice %transpose3A {offsets = [0, 13], sizes = [128, 1], strides = [1, 1]} : vector<128x80xf32> to vector<128x1xf32>
    %mul3A_301 = vector.broadcast %slice3A_300 : vector<128x1xf32> to vector<128x128xf32>
    %mul3A_302 = arith.mulf %add3A_299, %mul3A_301 : vector<128x128xf32>
    %get3A_303 = arith.constant 0 : index
    %get3A_304 = arith.constant 0 : index
    %get3A_305 = vector.load %arg3[%get3A_303, %get3A_304] : memref<1x128xf32, #tpu.memory_space<vmem>>, vector<1x128xf32>
    %add3A_306 = vector.broadcast %get3A_305 : vector<1x128xf32> to vector<128x128xf32>
    %add3A_307 = arith.addf %mul3A_302, %add3A_306 : vector<128x128xf32>
    %swap3A_308 = arith.constant 1664 : index
    %swap3A_309 = arith.constant 0 : index
    %swap3A_310 = vector.load %arg6[%swap3A_308, %swap3A_309] : memref<10000x128xf32, #tpu.memory_space<vmem>>, vector<128x128xf32>
    tpu.vector_store %arg6[%swap3A_308, %swap3A_309], %add3A_307 {strides = array<i32>} : memref<10000x128xf32, #tpu.memory_space<vmem>>, vector<128x128xf32>,
    %get3A_311 = arith.constant 0 : index
    %get3A_312 = arith.constant 1792 : index
    %get3A_313 = arith.constant 0 : index
    %get3A_314 = vector.load %arg0[%get3A_311, %get3A_312, %get3A_313] : memref<2x10240x128xf32, #tpu.memory_space<vmem>>, vector<1x128x128xf32>
    %get3A_315 = vector.shape_cast %get3A_314 : vector<1x128x128xf32> to vector<128x128xf32>
    %get3A_316 = arith.constant 1 : index
    %get3A_317 = arith.constant 1792 : index
    %get3A_318 = arith.constant 0 : index
    %get3A_319 = vector.load %arg0[%get3A_316, %get3A_317, %get3A_318] : memref<2x10240x128xf32, #tpu.memory_space<vmem>>, vector<1x128x128xf32>
    %get3A_320 = vector.shape_cast %get3A_319 : vector<1x128x128xf32> to vector<128x128xf32>
    %add3A_321 = arith.addf %get3A_315, %get3A_320 : vector<128x128xf32>
    %slice3A_322 = vector.extract_strided_slice %transpose3A {offsets = [0, 14], sizes = [128, 1], strides = [1, 1]} : vector<128x80xf32> to vector<128x1xf32>
    %mul3A_323 = vector.broadcast %slice3A_322 : vector<128x1xf32> to vector<128x128xf32>
    %mul3A_324 = arith.mulf %add3A_321, %mul3A_323 : vector<128x128xf32>
    %get3A_325 = arith.constant 0 : index
    %get3A_326 = arith.constant 0 : index
    %get3A_327 = vector.load %arg3[%get3A_325, %get3A_326] : memref<1x128xf32, #tpu.memory_space<vmem>>, vector<1x128xf32>
    %add3A_328 = vector.broadcast %get3A_327 : vector<1x128xf32> to vector<128x128xf32>
    %add3A_329 = arith.addf %mul3A_324, %add3A_328 : vector<128x128xf32>
    %swap3A_330 = arith.constant 1792 : index
    %swap3A_331 = arith.constant 0 : index
    %swap3A_332 = vector.load %arg6[%swap3A_330, %swap3A_331] : memref<10000x128xf32, #tpu.memory_space<vmem>>, vector<128x128xf32>
    tpu.vector_store %arg6[%swap3A_330, %swap3A_331], %add3A_329 {strides = array<i32>} : memref<10000x128xf32, #tpu.memory_space<vmem>>, vector<128x128xf32>,
    %get3A_333 = arith.constant 0 : index
    %get3A_334 = arith.constant 1920 : index
    %get3A_335 = arith.constant 0 : index
    %get3A_336 = vector.load %arg0[%get3A_333, %get3A_334, %get3A_335] : memref<2x10240x128xf32, #tpu.memory_space<vmem>>, vector<1x128x128xf32>
    %get3A_337 = vector.shape_cast %get3A_336 : vector<1x128x128xf32> to vector<128x128xf32>
    %get3A_338 = arith.constant 1 : index
    %get3A_339 = arith.constant 1920 : index
    %get3A_340 = arith.constant 0 : index
    %get3A_341 = vector.load %arg0[%get3A_338, %get3A_339, %get3A_340] : memref<2x10240x128xf32, #tpu.memory_space<vmem>>, vector<1x128x128xf32>
    %get3A_342 = vector.shape_cast %get3A_341 : vector<1x128x128xf32> to vector<128x128xf32>
    %add3A_343 = arith.addf %get3A_337, %get3A_342 : vector<128x128xf32>
    %slice3A_344 = vector.extract_strided_slice %transpose3A {offsets = [0, 15], sizes = [128, 1], strides = [1, 1]} : vector<128x80xf32> to vector<128x1xf32>
    %mul3A_345 = vector.broadcast %slice3A_344 : vector<128x1xf32> to vector<128x128xf32>
    %mul3A_346 = arith.mulf %add3A_343, %mul3A_345 : vector<128x128xf32>
    %get3A_347 = arith.constant 0 : index
    %get3A_348 = arith.constant 0 : index
    %get3A_349 = vector.load %arg3[%get3A_347, %get3A_348] : memref<1x128xf32, #tpu.memory_space<vmem>>, vector<1x128xf32>
    %add3A_350 = vector.broadcast %get3A_349 : vector<1x128xf32> to vector<128x128xf32>
    %add3A_351 = arith.addf %mul3A_346, %add3A_350 : vector<128x128xf32>
    %swap3A_352 = arith.constant 1920 : index
    %swap3A_353 = arith.constant 0 : index
    %swap3A_354 = vector.load %arg6[%swap3A_352, %swap3A_353] : memref<10000x128xf32, #tpu.memory_space<vmem>>, vector<128x128xf32>
    tpu.vector_store %arg6[%swap3A_352, %swap3A_353], %add3A_351 {strides = array<i32>} : memref<10000x128xf32, #tpu.memory_space<vmem>>, vector<128x128xf32>,
    %get3A_355 = arith.constant 0 : index
    %get3A_356 = arith.constant 2048 : index
    %get3A_357 = arith.constant 0 : index
    %get3A_358 = vector.load %arg0[%get3A_355, %get3A_356, %get3A_357] : memref<2x10240x128xf32, #tpu.memory_space<vmem>>, vector<1x128x128xf32>
    %get3A_359 = vector.shape_cast %get3A_358 : vector<1x128x128xf32> to vector<128x128xf32>
    %get3A_360 = arith.constant 1 : index
    %get3A_361 = arith.constant 2048 : index
    %get3A_362 = arith.constant 0 : index
    %get3A_363 = vector.load %arg0[%get3A_360, %get3A_361, %get3A_362] : memref<2x10240x128xf32, #tpu.memory_space<vmem>>, vector<1x128x128xf32>
    %get3A_364 = vector.shape_cast %get3A_363 : vector<1x128x128xf32> to vector<128x128xf32>
    %add3A_365 = arith.addf %get3A_359, %get3A_364 : vector<128x128xf32>
    %slice3A_366 = vector.extract_strided_slice %transpose3A {offsets = [0, 16], sizes = [128, 1], strides = [1, 1]} : vector<128x80xf32> to vector<128x1xf32>
    %mul3A_367 = vector.broadcast %slice3A_366 : vector<128x1xf32> to vector<128x128xf32>
    %mul3A_368 = arith.mulf %add3A_365, %mul3A_367 : vector<128x128xf32>
    %get3A_369 = arith.constant 0 : index
    %get3A_370 = arith.constant 0 : index
    %get3A_371 = vector.load %arg3[%get3A_369, %get3A_370] : memref<1x128xf32, #tpu.memory_space<vmem>>, vector<1x128xf32>
    %add3A_372 = vector.broadcast %get3A_371 : vector<1x128xf32> to vector<128x128xf32>
    %add3A_373 = arith.addf %mul3A_368, %add3A_372 : vector<128x128xf32>
    %swap3A_374 = arith.constant 2048 : index
    %swap3A_375 = arith.constant 0 : index
    %swap3A_376 = vector.load %arg6[%swap3A_374, %swap3A_375] : memref<10000x128xf32, #tpu.memory_space<vmem>>, vector<128x128xf32>
    tpu.vector_store %arg6[%swap3A_374, %swap3A_375], %add3A_373 {strides = array<i32>} : memref<10000x128xf32, #tpu.memory_space<vmem>>, vector<128x128xf32>,
    %get3A_377 = arith.constant 0 : index
    %get3A_378 = arith.constant 2176 : index
    %get3A_379 = arith.constant 0 : index
    %get3A_380 = vector.load %arg0[%get3A_377, %get3A_378, %get3A_379] : memref<2x10240x128xf32, #tpu.memory_space<vmem>>, vector<1x128x128xf32>
    %get3A_381 = vector.shape_cast %get3A_380 : vector<1x128x128xf32> to vector<128x128xf32>
    %get3A_382 = arith.constant 1 : index
    %get3A_383 = arith.constant 2176 : index
    %get3A_384 = arith.constant 0 : index
    %get3A_385 = vector.load %arg0[%get3A_382, %get3A_383, %get3A_384] : memref<2x10240x128xf32, #tpu.memory_space<vmem>>, vector<1x128x128xf32>
    %get3A_386 = vector.shape_cast %get3A_385 : vector<1x128x128xf32> to vector<128x128xf32>
    %add3A_387 = arith.addf %get3A_381, %get3A_386 : vector<128x128xf32>
    %slice3A_388 = vector.extract_strided_slice %transpose3A {offsets = [0, 17], sizes = [128, 1], strides = [1, 1]} : vector<128x80xf32> to vector<128x1xf32>
    %mul3A_389 = vector.broadcast %slice3A_388 : vector<128x1xf32> to vector<128x128xf32>
    %mul3A_390 = arith.mulf %add3A_387, %mul3A_389 : vector<128x128xf32>
    %get3A_391 = arith.constant 0 : index
    %get3A_392 = arith.constant 0 : index
    %get3A_393 = vector.load %arg3[%get3A_391, %get3A_392] : memref<1x128xf32, #tpu.memory_space<vmem>>, vector<1x128xf32>
    %add3A_394 = vector.broadcast %get3A_393 : vector<1x128xf32> to vector<128x128xf32>
    %add3A_395 = arith.addf %mul3A_390, %add3A_394 : vector<128x128xf32>
    %swap3A_396 = arith.constant 2176 : index
    %swap3A_397 = arith.constant 0 : index
    %swap3A_398 = vector.load %arg6[%swap3A_396, %swap3A_397] : memref<10000x128xf32, #tpu.memory_space<vmem>>, vector<128x128xf32>
    tpu.vector_store %arg6[%swap3A_396, %swap3A_397], %add3A_395 {strides = array<i32>} : memref<10000x128xf32, #tpu.memory_space<vmem>>, vector<128x128xf32>,
    %get3A_399 = arith.constant 0 : index
    %get3A_400 = arith.constant 2304 : index
    %get3A_401 = arith.constant 0 : index
    %get3A_402 = vector.load %arg0[%get3A_399, %get3A_400, %get3A_401] : memref<2x10240x128xf32, #tpu.memory_space<vmem>>, vector<1x128x128xf32>
    %get3A_403 = vector.shape_cast %get3A_402 : vector<1x128x128xf32> to vector<128x128xf32>
    %get3A_404 = arith.constant 1 : index
    %get3A_405 = arith.constant 2304 : index
    %get3A_406 = arith.constant 0 : index
    %get3A_407 = vector.load %arg0[%get3A_404, %get3A_405, %get3A_406] : memref<2x10240x128xf32, #tpu.memory_space<vmem>>, vector<1x128x128xf32>
    %get3A_408 = vector.shape_cast %get3A_407 : vector<1x128x128xf32> to vector<128x128xf32>
    %add3A_409 = arith.addf %get3A_403, %get3A_408 : vector<128x128xf32>
    %slice3A_410 = vector.extract_strided_slice %transpose3A {offsets = [0, 18], sizes = [128, 1], strides = [1, 1]} : vector<128x80xf32> to vector<128x1xf32>
    %mul3A_411 = vector.broadcast %slice3A_410 : vector<128x1xf32> to vector<128x128xf32>
    %mul3A_412 = arith.mulf %add3A_409, %mul3A_411 : vector<128x128xf32>
    %get3A_413 = arith.constant 0 : index
    %get3A_414 = arith.constant 0 : index
    %get3A_415 = vector.load %arg3[%get3A_413, %get3A_414] : memref<1x128xf32, #tpu.memory_space<vmem>>, vector<1x128xf32>
    %add3A_416 = vector.broadcast %get3A_415 : vector<1x128xf32> to vector<128x128xf32>
    %add3A_417 = arith.addf %mul3A_412, %add3A_416 : vector<128x128xf32>
    %swap3A_418 = arith.constant 2304 : index
    %swap3A_419 = arith.constant 0 : index
    %swap3A_420 = vector.load %arg6[%swap3A_418, %swap3A_419] : memref<10000x128xf32, #tpu.memory_space<vmem>>, vector<128x128xf32>
    tpu.vector_store %arg6[%swap3A_418, %swap3A_419], %add3A_417 {strides = array<i32>} : memref<10000x128xf32, #tpu.memory_space<vmem>>, vector<128x128xf32>,
    %get3A_421 = arith.constant 0 : index
    %get3A_422 = arith.constant 2432 : index
    %get3A_423 = arith.constant 0 : index
    %get3A_424 = vector.load %arg0[%get3A_421, %get3A_422, %get3A_423] : memref<2x10240x128xf32, #tpu.memory_space<vmem>>, vector<1x128x128xf32>
    %get3A_425 = vector.shape_cast %get3A_424 : vector<1x128x128xf32> to vector<128x128xf32>
    %get3A_426 = arith.constant 1 : index
    %get3A_427 = arith.constant 2432 : index
    %get3A_428 = arith.constant 0 : index
    %get3A_429 = vector.load %arg0[%get3A_426, %get3A_427, %get3A_428] : memref<2x10240x128xf32, #tpu.memory_space<vmem>>, vector<1x128x128xf32>
    %get3A_430 = vector.shape_cast %get3A_429 : vector<1x128x128xf32> to vector<128x128xf32>
    %add3A_431 = arith.addf %get3A_425, %get3A_430 : vector<128x128xf32>
    %slice3A_432 = vector.extract_strided_slice %transpose3A {offsets = [0, 19], sizes = [128, 1], strides = [1, 1]} : vector<128x80xf32> to vector<128x1xf32>
    %mul3A_433 = vector.broadcast %slice3A_432 : vector<128x1xf32> to vector<128x128xf32>
    %mul3A_434 = arith.mulf %add3A_431, %mul3A_433 : vector<128x128xf32>
    %get3A_435 = arith.constant 0 : index
    %get3A_436 = arith.constant 0 : index
    %get3A_437 = vector.load %arg3[%get3A_435, %get3A_436] : memref<1x128xf32, #tpu.memory_space<vmem>>, vector<1x128xf32>
    %add3A_438 = vector.broadcast %get3A_437 : vector<1x128xf32> to vector<128x128xf32>
    %add3A_439 = arith.addf %mul3A_434, %add3A_438 : vector<128x128xf32>
    %swap3A_440 = arith.constant 2432 : index
    %swap3A_441 = arith.constant 0 : index
    %swap3A_442 = vector.load %arg6[%swap3A_440, %swap3A_441] : memref<10000x128xf32, #tpu.memory_space<vmem>>, vector<128x128xf32>
    tpu.vector_store %arg6[%swap3A_440, %swap3A_441], %add3A_439 {strides = array<i32>} : memref<10000x128xf32, #tpu.memory_space<vmem>>, vector<128x128xf32>,
    %get3A_443 = arith.constant 0 : index
    %get3A_444 = arith.constant 2560 : index
    %get3A_445 = arith.constant 0 : index
    %get3A_446 = vector.load %arg0[%get3A_443, %get3A_444, %get3A_445] : memref<2x10240x128xf32, #tpu.memory_space<vmem>>, vector<1x128x128xf32>
    %get3A_447 = vector.shape_cast %get3A_446 : vector<1x128x128xf32> to vector<128x128xf32>
    %get3A_448 = arith.constant 1 : index
    %get3A_449 = arith.constant 2560 : index
    %get3A_450 = arith.constant 0 : index
    %get3A_451 = vector.load %arg0[%get3A_448, %get3A_449, %get3A_450] : memref<2x10240x128xf32, #tpu.memory_space<vmem>>, vector<1x128x128xf32>
    %get3A_452 = vector.shape_cast %get3A_451 : vector<1x128x128xf32> to vector<128x128xf32>
    %add3A_453 = arith.addf %get3A_447, %get3A_452 : vector<128x128xf32>
    %slice3A_454 = vector.extract_strided_slice %transpose3A {offsets = [0, 20], sizes = [128, 1], strides = [1, 1]} : vector<128x80xf32> to vector<128x1xf32>
    %mul3A_455 = vector.broadcast %slice3A_454 : vector<128x1xf32> to vector<128x128xf32>
    %mul3A_456 = arith.mulf %add3A_453, %mul3A_455 : vector<128x128xf32>
    %get3A_457 = arith.constant 0 : index
    %get3A_458 = arith.constant 0 : index
    %get3A_459 = vector.load %arg3[%get3A_457, %get3A_458] : memref<1x128xf32, #tpu.memory_space<vmem>>, vector<1x128xf32>
    %add3A_460 = vector.broadcast %get3A_459 : vector<1x128xf32> to vector<128x128xf32>
    %add3A_461 = arith.addf %mul3A_456, %add3A_460 : vector<128x128xf32>
    %swap3A_462 = arith.constant 2560 : index
    %swap3A_463 = arith.constant 0 : index
    %swap3A_464 = vector.load %arg6[%swap3A_462, %swap3A_463] : memref<10000x128xf32, #tpu.memory_space<vmem>>, vector<128x128xf32>
    tpu.vector_store %arg6[%swap3A_462, %swap3A_463], %add3A_461 {strides = array<i32>} : memref<10000x128xf32, #tpu.memory_space<vmem>>, vector<128x128xf32>,
    %get3A_465 = arith.constant 0 : index
    %get3A_466 = arith.constant 2688 : index
    %get3A_467 = arith.constant 0 : index
    %get3A_468 = vector.load %arg0[%get3A_465, %get3A_466, %get3A_467] : memref<2x10240x128xf32, #tpu.memory_space<vmem>>, vector<1x128x128xf32>
    %get3A_469 = vector.shape_cast %get3A_468 : vector<1x128x128xf32> to vector<128x128xf32>
    %get3A_470 = arith.constant 1 : index
    %get3A_471 = arith.constant 2688 : index
    %get3A_472 = arith.constant 0 : index
    %get3A_473 = vector.load %arg0[%get3A_470, %get3A_471, %get3A_472] : memref<2x10240x128xf32, #tpu.memory_space<vmem>>, vector<1x128x128xf32>
    %get3A_474 = vector.shape_cast %get3A_473 : vector<1x128x128xf32> to vector<128x128xf32>
    %add3A_475 = arith.addf %get3A_469, %get3A_474 : vector<128x128xf32>
    %slice3A_476 = vector.extract_strided_slice %transpose3A {offsets = [0, 21], sizes = [128, 1], strides = [1, 1]} : vector<128x80xf32> to vector<128x1xf32>
    %mul3A_477 = vector.broadcast %slice3A_476 : vector<128x1xf32> to vector<128x128xf32>
    %mul3A_478 = arith.mulf %add3A_475, %mul3A_477 : vector<128x128xf32>
    %get3A_479 = arith.constant 0 : index
    %get3A_480 = arith.constant 0 : index
    %get3A_481 = vector.load %arg3[%get3A_479, %get3A_480] : memref<1x128xf32, #tpu.memory_space<vmem>>, vector<1x128xf32>
    %add3A_482 = vector.broadcast %get3A_481 : vector<1x128xf32> to vector<128x128xf32>
    %add3A_483 = arith.addf %mul3A_478, %add3A_482 : vector<128x128xf32>
    %swap3A_484 = arith.constant 2688 : index
    %swap3A_485 = arith.constant 0 : index
    %swap3A_486 = vector.load %arg6[%swap3A_484, %swap3A_485] : memref<10000x128xf32, #tpu.memory_space<vmem>>, vector<128x128xf32>
    tpu.vector_store %arg6[%swap3A_484, %swap3A_485], %add3A_483 {strides = array<i32>} : memref<10000x128xf32, #tpu.memory_space<vmem>>, vector<128x128xf32>,
    %get3A_487 = arith.constant 0 : index
    %get3A_488 = arith.constant 2816 : index
    %get3A_489 = arith.constant 0 : index
    %get3A_490 = vector.load %arg0[%get3A_487, %get3A_488, %get3A_489] : memref<2x10240x128xf32, #tpu.memory_space<vmem>>, vector<1x128x128xf32>
    %get3A_491 = vector.shape_cast %get3A_490 : vector<1x128x128xf32> to vector<128x128xf32>
    %get3A_492 = arith.constant 1 : index
    %get3A_493 = arith.constant 2816 : index
    %get3A_494 = arith.constant 0 : index
    %get3A_495 = vector.load %arg0[%get3A_492, %get3A_493, %get3A_494] : memref<2x10240x128xf32, #tpu.memory_space<vmem>>, vector<1x128x128xf32>
    %get3A_496 = vector.shape_cast %get3A_495 : vector<1x128x128xf32> to vector<128x128xf32>
    %add3A_497 = arith.addf %get3A_491, %get3A_496 : vector<128x128xf32>
    %slice3A_498 = vector.extract_strided_slice %transpose3A {offsets = [0, 22], sizes = [128, 1], strides = [1, 1]} : vector<128x80xf32> to vector<128x1xf32>
    %mul3A_499 = vector.broadcast %slice3A_498 : vector<128x1xf32> to vector<128x128xf32>
    %mul3A_500 = arith.mulf %add3A_497, %mul3A_499 : vector<128x128xf32>
    %get3A_501 = arith.constant 0 : index
    %get3A_502 = arith.constant 0 : index
    %get3A_503 = vector.load %arg3[%get3A_501, %get3A_502] : memref<1x128xf32, #tpu.memory_space<vmem>>, vector<1x128xf32>
    %add3A_504 = vector.broadcast %get3A_503 : vector<1x128xf32> to vector<128x128xf32>
    %add3A_505 = arith.addf %mul3A_500, %add3A_504 : vector<128x128xf32>
    %swap3A_506 = arith.constant 2816 : index
    %swap3A_507 = arith.constant 0 : index
    %swap3A_508 = vector.load %arg6[%swap3A_506, %swap3A_507] : memref<10000x128xf32, #tpu.memory_space<vmem>>, vector<128x128xf32>
    tpu.vector_store %arg6[%swap3A_506, %swap3A_507], %add3A_505 {strides = array<i32>} : memref<10000x128xf32, #tpu.memory_space<vmem>>, vector<128x128xf32>,
    %get3A_509 = arith.constant 0 : index
    %get3A_510 = arith.constant 2944 : index
    %get3A_511 = arith.constant 0 : index
    %get3A_512 = vector.load %arg0[%get3A_509, %get3A_510, %get3A_511] : memref<2x10240x128xf32, #tpu.memory_space<vmem>>, vector<1x128x128xf32>
    %get3A_513 = vector.shape_cast %get3A_512 : vector<1x128x128xf32> to vector<128x128xf32>
    %get3A_514 = arith.constant 1 : index
    %get3A_515 = arith.constant 2944 : index
    %get3A_516 = arith.constant 0 : index
    %get3A_517 = vector.load %arg0[%get3A_514, %get3A_515, %get3A_516] : memref<2x10240x128xf32, #tpu.memory_space<vmem>>, vector<1x128x128xf32>
    %get3A_518 = vector.shape_cast %get3A_517 : vector<1x128x128xf32> to vector<128x128xf32>
    %add3A_519 = arith.addf %get3A_513, %get3A_518 : vector<128x128xf32>
    %slice3A_520 = vector.extract_strided_slice %transpose3A {offsets = [0, 23], sizes = [128, 1], strides = [1, 1]} : vector<128x80xf32> to vector<128x1xf32>
    %mul3A_521 = vector.broadcast %slice3A_520 : vector<128x1xf32> to vector<128x128xf32>
    %mul3A_522 = arith.mulf %add3A_519, %mul3A_521 : vector<128x128xf32>
    %get3A_523 = arith.constant 0 : index
    %get3A_524 = arith.constant 0 : index
    %get3A_525 = vector.load %arg3[%get3A_523, %get3A_524] : memref<1x128xf32, #tpu.memory_space<vmem>>, vector<1x128xf32>
    %add3A_526 = vector.broadcast %get3A_525 : vector<1x128xf32> to vector<128x128xf32>
    %add3A_527 = arith.addf %mul3A_522, %add3A_526 : vector<128x128xf32>
    %swap3A_528 = arith.constant 2944 : index
    %swap3A_529 = arith.constant 0 : index
    %swap3A_530 = vector.load %arg6[%swap3A_528, %swap3A_529] : memref<10000x128xf32, #tpu.memory_space<vmem>>, vector<128x128xf32>
    tpu.vector_store %arg6[%swap3A_528, %swap3A_529], %add3A_527 {strides = array<i32>} : memref<10000x128xf32, #tpu.memory_space<vmem>>, vector<128x128xf32>,
    %get3A_531 = arith.constant 0 : index
    %get3A_532 = arith.constant 3072 : index
    %get3A_533 = arith.constant 0 : index
    %get3A_534 = vector.load %arg0[%get3A_531, %get3A_532, %get3A_533] : memref<2x10240x128xf32, #tpu.memory_space<vmem>>, vector<1x128x128xf32>
    %get3A_535 = vector.shape_cast %get3A_534 : vector<1x128x128xf32> to vector<128x128xf32>
    %get3A_536 = arith.constant 1 : index
    %get3A_537 = arith.constant 3072 : index
    %get3A_538 = arith.constant 0 : index
    %get3A_539 = vector.load %arg0[%get3A_536, %get3A_537, %get3A_538] : memref<2x10240x128xf32, #tpu.memory_space<vmem>>, vector<1x128x128xf32>
    %get3A_540 = vector.shape_cast %get3A_539 : vector<1x128x128xf32> to vector<128x128xf32>
    %add3A_541 = arith.addf %get3A_535, %get3A_540 : vector<128x128xf32>
    %slice3A_542 = vector.extract_strided_slice %transpose3A {offsets = [0, 24], sizes = [128, 1], strides = [1, 1]} : vector<128x80xf32> to vector<128x1xf32>
    %mul3A_543 = vector.broadcast %slice3A_542 : vector<128x1xf32> to vector<128x128xf32>
    %mul3A_544 = arith.mulf %add3A_541, %mul3A_543 : vector<128x128xf32>
    %get3A_545 = arith.constant 0 : index
    %get3A_546 = arith.constant 0 : index
    %get3A_547 = vector.load %arg3[%get3A_545, %get3A_546] : memref<1x128xf32, #tpu.memory_space<vmem>>, vector<1x128xf32>
    %add3A_548 = vector.broadcast %get3A_547 : vector<1x128xf32> to vector<128x128xf32>
    %add3A_549 = arith.addf %mul3A_544, %add3A_548 : vector<128x128xf32>
    %swap3A_550 = arith.constant 3072 : index
    %swap3A_551 = arith.constant 0 : index
    %swap3A_552 = vector.load %arg6[%swap3A_550, %swap3A_551] : memref<10000x128xf32, #tpu.memory_space<vmem>>, vector<128x128xf32>
    tpu.vector_store %arg6[%swap3A_550, %swap3A_551], %add3A_549 {strides = array<i32>} : memref<10000x128xf32, #tpu.memory_space<vmem>>, vector<128x128xf32>,
    %get3A_553 = arith.constant 0 : index
    %get3A_554 = arith.constant 3200 : index
    %get3A_555 = arith.constant 0 : index
    %get3A_556 = vector.load %arg0[%get3A_553, %get3A_554, %get3A_555] : memref<2x10240x128xf32, #tpu.memory_space<vmem>>, vector<1x128x128xf32>
    %get3A_557 = vector.shape_cast %get3A_556 : vector<1x128x128xf32> to vector<128x128xf32>
    %get3A_558 = arith.constant 1 : index
    %get3A_559 = arith.constant 3200 : index
    %get3A_560 = arith.constant 0 : index
    %get3A_561 = vector.load %arg0[%get3A_558, %get3A_559, %get3A_560] : memref<2x10240x128xf32, #tpu.memory_space<vmem>>, vector<1x128x128xf32>
    %get3A_562 = vector.shape_cast %get3A_561 : vector<1x128x128xf32> to vector<128x128xf32>
    %add3A_563 = arith.addf %get3A_557, %get3A_562 : vector<128x128xf32>
    %slice3A_564 = vector.extract_strided_slice %transpose3A {offsets = [0, 25], sizes = [128, 1], strides = [1, 1]} : vector<128x80xf32> to vector<128x1xf32>
    %mul3A_565 = vector.broadcast %slice3A_564 : vector<128x1xf32> to vector<128x128xf32>
    %mul3A_566 = arith.mulf %add3A_563, %mul3A_565 : vector<128x128xf32>
    %get3A_567 = arith.constant 0 : index
    %get3A_568 = arith.constant 0 : index
    %get3A_569 = vector.load %arg3[%get3A_567, %get3A_568] : memref<1x128xf32, #tpu.memory_space<vmem>>, vector<1x128xf32>
    %add3A_570 = vector.broadcast %get3A_569 : vector<1x128xf32> to vector<128x128xf32>
    %add3A_571 = arith.addf %mul3A_566, %add3A_570 : vector<128x128xf32>
    %swap3A_572 = arith.constant 3200 : index
    %swap3A_573 = arith.constant 0 : index
    %swap3A_574 = vector.load %arg6[%swap3A_572, %swap3A_573] : memref<10000x128xf32, #tpu.memory_space<vmem>>, vector<128x128xf32>
    tpu.vector_store %arg6[%swap3A_572, %swap3A_573], %add3A_571 {strides = array<i32>} : memref<10000x128xf32, #tpu.memory_space<vmem>>, vector<128x128xf32>,
    %get3A_575 = arith.constant 0 : index
    %get3A_576 = arith.constant 3328 : index
    %get3A_577 = arith.constant 0 : index
    %get3A_578 = vector.load %arg0[%get3A_575, %get3A_576, %get3A_577] : memref<2x10240x128xf32, #tpu.memory_space<vmem>>, vector<1x128x128xf32>
    %get3A_579 = vector.shape_cast %get3A_578 : vector<1x128x128xf32> to vector<128x128xf32>
    %get3A_580 = arith.constant 1 : index
    %get3A_581 = arith.constant 3328 : index
    %get3A_582 = arith.constant 0 : index
    %get3A_583 = vector.load %arg0[%get3A_580, %get3A_581, %get3A_582] : memref<2x10240x128xf32, #tpu.memory_space<vmem>>, vector<1x128x128xf32>
    %get3A_584 = vector.shape_cast %get3A_583 : vector<1x128x128xf32> to vector<128x128xf32>
    %add3A_585 = arith.addf %get3A_579, %get3A_584 : vector<128x128xf32>
    %slice3A_586 = vector.extract_strided_slice %transpose3A {offsets = [0, 26], sizes = [128, 1], strides = [1, 1]} : vector<128x80xf32> to vector<128x1xf32>
    %mul3A_587 = vector.broadcast %slice3A_586 : vector<128x1xf32> to vector<128x128xf32>
    %mul3A_588 = arith.mulf %add3A_585, %mul3A_587 : vector<128x128xf32>
    %get3A_589 = arith.constant 0 : index
    %get3A_590 = arith.constant 0 : index
    %get3A_591 = vector.load %arg3[%get3A_589, %get3A_590] : memref<1x128xf32, #tpu.memory_space<vmem>>, vector<1x128xf32>
    %add3A_592 = vector.broadcast %get3A_591 : vector<1x128xf32> to vector<128x128xf32>
    %add3A_593 = arith.addf %mul3A_588, %add3A_592 : vector<128x128xf32>
    %swap3A_594 = arith.constant 3328 : index
    %swap3A_595 = arith.constant 0 : index
    %swap3A_596 = vector.load %arg6[%swap3A_594, %swap3A_595] : memref<10000x128xf32, #tpu.memory_space<vmem>>, vector<128x128xf32>
    tpu.vector_store %arg6[%swap3A_594, %swap3A_595], %add3A_593 {strides = array<i32>} : memref<10000x128xf32, #tpu.memory_space<vmem>>, vector<128x128xf32>,
    %get3A_597 = arith.constant 0 : index
    %get3A_598 = arith.constant 3456 : index
    %get3A_599 = arith.constant 0 : index
    %get3A_600 = vector.load %arg0[%get3A_597, %get3A_598, %get3A_599] : memref<2x10240x128xf32, #tpu.memory_space<vmem>>, vector<1x128x128xf32>
    %get3A_601 = vector.shape_cast %get3A_600 : vector<1x128x128xf32> to vector<128x128xf32>
    %get3A_602 = arith.constant 1 : index
    %get3A_603 = arith.constant 3456 : index
    %get3A_604 = arith.constant 0 : index
    %get3A_605 = vector.load %arg0[%get3A_602, %get3A_603, %get3A_604] : memref<2x10240x128xf32, #tpu.memory_space<vmem>>, vector<1x128x128xf32>
    %get3A_606 = vector.shape_cast %get3A_605 : vector<1x128x128xf32> to vector<128x128xf32>
    %add3A_607 = arith.addf %get3A_601, %get3A_606 : vector<128x128xf32>
    %slice3A_608 = vector.extract_strided_slice %transpose3A {offsets = [0, 27], sizes = [128, 1], strides = [1, 1]} : vector<128x80xf32> to vector<128x1xf32>
    %mul3A_609 = vector.broadcast %slice3A_608 : vector<128x1xf32> to vector<128x128xf32>
    %mul3A_610 = arith.mulf %add3A_607, %mul3A_609 : vector<128x128xf32>
    %get3A_611 = arith.constant 0 : index
    %get3A_612 = arith.constant 0 : index
    %get3A_613 = vector.load %arg3[%get3A_611, %get3A_612] : memref<1x128xf32, #tpu.memory_space<vmem>>, vector<1x128xf32>
    %add3A_614 = vector.broadcast %get3A_613 : vector<1x128xf32> to vector<128x128xf32>
    %add3A_615 = arith.addf %mul3A_610, %add3A_614 : vector<128x128xf32>
    %swap3A_616 = arith.constant 3456 : index
    %swap3A_617 = arith.constant 0 : index
    %swap3A_618 = vector.load %arg6[%swap3A_616, %swap3A_617] : memref<10000x128xf32, #tpu.memory_space<vmem>>, vector<128x128xf32>
    tpu.vector_store %arg6[%swap3A_616, %swap3A_617], %add3A_615 {strides = array<i32>} : memref<10000x128xf32, #tpu.memory_space<vmem>>, vector<128x128xf32>,
    %get3A_619 = arith.constant 0 : index
    %get3A_620 = arith.constant 3584 : index
    %get3A_621 = arith.constant 0 : index
    %get3A_622 = vector.load %arg0[%get3A_619, %get3A_620, %get3A_621] : memref<2x10240x128xf32, #tpu.memory_space<vmem>>, vector<1x128x128xf32>
    %get3A_623 = vector.shape_cast %get3A_622 : vector<1x128x128xf32> to vector<128x128xf32>
    %get3A_624 = arith.constant 1 : index
    %get3A_625 = arith.constant 3584 : index
    %get3A_626 = arith.constant 0 : index
    %get3A_627 = vector.load %arg0[%get3A_624, %get3A_625, %get3A_626] : memref<2x10240x128xf32, #tpu.memory_space<vmem>>, vector<1x128x128xf32>
    %get3A_628 = vector.shape_cast %get3A_627 : vector<1x128x128xf32> to vector<128x128xf32>
    %add3A_629 = arith.addf %get3A_623, %get3A_628 : vector<128x128xf32>
    %slice3A_630 = vector.extract_strided_slice %transpose3A {offsets = [0, 28], sizes = [128, 1], strides = [1, 1]} : vector<128x80xf32> to vector<128x1xf32>
    %mul3A_631 = vector.broadcast %slice3A_630 : vector<128x1xf32> to vector<128x128xf32>
    %mul3A_632 = arith.mulf %add3A_629, %mul3A_631 : vector<128x128xf32>
    %get3A_633 = arith.constant 0 : index
    %get3A_634 = arith.constant 0 : index
    %get3A_635 = vector.load %arg3[%get3A_633, %get3A_634] : memref<1x128xf32, #tpu.memory_space<vmem>>, vector<1x128xf32>
    %add3A_636 = vector.broadcast %get3A_635 : vector<1x128xf32> to vector<128x128xf32>
    %add3A_637 = arith.addf %mul3A_632, %add3A_636 : vector<128x128xf32>
    %swap3A_638 = arith.constant 3584 : index
    %swap3A_639 = arith.constant 0 : index
    %swap3A_640 = vector.load %arg6[%swap3A_638, %swap3A_639] : memref<10000x128xf32, #tpu.memory_space<vmem>>, vector<128x128xf32>
    tpu.vector_store %arg6[%swap3A_638, %swap3A_639], %add3A_637 {strides = array<i32>} : memref<10000x128xf32, #tpu.memory_space<vmem>>, vector<128x128xf32>,
    %get3A_641 = arith.constant 0 : index
    %get3A_642 = arith.constant 3712 : index
    %get3A_643 = arith.constant 0 : index
    %get3A_644 = vector.load %arg0[%get3A_641, %get3A_642, %get3A_643] : memref<2x10240x128xf32, #tpu.memory_space<vmem>>, vector<1x128x128xf32>
    %get3A_645 = vector.shape_cast %get3A_644 : vector<1x128x128xf32> to vector<128x128xf32>
    %get3A_646 = arith.constant 1 : index
    %get3A_647 = arith.constant 3712 : index
    %get3A_648 = arith.constant 0 : index
    %get3A_649 = vector.load %arg0[%get3A_646, %get3A_647, %get3A_648] : memref<2x10240x128xf32, #tpu.memory_space<vmem>>, vector<1x128x128xf32>
    %get3A_650 = vector.shape_cast %get3A_649 : vector<1x128x128xf32> to vector<128x128xf32>
    %add3A_651 = arith.addf %get3A_645, %get3A_650 : vector<128x128xf32>
    %slice3A_652 = vector.extract_strided_slice %transpose3A {offsets = [0, 29], sizes = [128, 1], strides = [1, 1]} : vector<128x80xf32> to vector<128x1xf32>
    %mul3A_653 = vector.broadcast %slice3A_652 : vector<128x1xf32> to vector<128x128xf32>
    %mul3A_654 = arith.mulf %add3A_651, %mul3A_653 : vector<128x128xf32>
    %get3A_655 = arith.constant 0 : index
    %get3A_656 = arith.constant 0 : index
    %get3A_657 = vector.load %arg3[%get3A_655, %get3A_656] : memref<1x128xf32, #tpu.memory_space<vmem>>, vector<1x128xf32>
    %add3A_658 = vector.broadcast %get3A_657 : vector<1x128xf32> to vector<128x128xf32>
    %add3A_659 = arith.addf %mul3A_654, %add3A_658 : vector<128x128xf32>
    %swap3A_660 = arith.constant 3712 : index
    %swap3A_661 = arith.constant 0 : index
    %swap3A_662 = vector.load %arg6[%swap3A_660, %swap3A_661] : memref<10000x128xf32, #tpu.memory_space<vmem>>, vector<128x128xf32>
    tpu.vector_store %arg6[%swap3A_660, %swap3A_661], %add3A_659 {strides = array<i32>} : memref<10000x128xf32, #tpu.memory_space<vmem>>, vector<128x128xf32>,
    %get3A_663 = arith.constant 0 : index
    %get3A_664 = arith.constant 3840 : index
    %get3A_665 = arith.constant 0 : index
    %get3A_666 = vector.load %arg0[%get3A_663, %get3A_664, %get3A_665] : memref<2x10240x128xf32, #tpu.memory_space<vmem>>, vector<1x128x128xf32>
    %get3A_667 = vector.shape_cast %get3A_666 : vector<1x128x128xf32> to vector<128x128xf32>
    %get3A_668 = arith.constant 1 : index
    %get3A_669 = arith.constant 3840 : index
    %get3A_670 = arith.constant 0 : index
    %get3A_671 = vector.load %arg0[%get3A_668, %get3A_669, %get3A_670] : memref<2x10240x128xf32, #tpu.memory_space<vmem>>, vector<1x128x128xf32>
    %get3A_672 = vector.shape_cast %get3A_671 : vector<1x128x128xf32> to vector<128x128xf32>
    %add3A_673 = arith.addf %get3A_667, %get3A_672 : vector<128x128xf32>
    %slice3A_674 = vector.extract_strided_slice %transpose3A {offsets = [0, 30], sizes = [128, 1], strides = [1, 1]} : vector<128x80xf32> to vector<128x1xf32>
    %mul3A_675 = vector.broadcast %slice3A_674 : vector<128x1xf32> to vector<128x128xf32>
    %mul3A_676 = arith.mulf %add3A_673, %mul3A_675 : vector<128x128xf32>
    %get3A_677 = arith.constant 0 : index
    %get3A_678 = arith.constant 0 : index
    %get3A_679 = vector.load %arg3[%get3A_677, %get3A_678] : memref<1x128xf32, #tpu.memory_space<vmem>>, vector<1x128xf32>
    %add3A_680 = vector.broadcast %get3A_679 : vector<1x128xf32> to vector<128x128xf32>
    %add3A_681 = arith.addf %mul3A_676, %add3A_680 : vector<128x128xf32>
    %swap3A_682 = arith.constant 3840 : index
    %swap3A_683 = arith.constant 0 : index
    %swap3A_684 = vector.load %arg6[%swap3A_682, %swap3A_683] : memref<10000x128xf32, #tpu.memory_space<vmem>>, vector<128x128xf32>
    tpu.vector_store %arg6[%swap3A_682, %swap3A_683], %add3A_681 {strides = array<i32>} : memref<10000x128xf32, #tpu.memory_space<vmem>>, vector<128x128xf32>,
    %get3A_685 = arith.constant 0 : index
    %get3A_686 = arith.constant 3968 : index
    %get3A_687 = arith.constant 0 : index
    %get3A_688 = vector.load %arg0[%get3A_685, %get3A_686, %get3A_687] : memref<2x10240x128xf32, #tpu.memory_space<vmem>>, vector<1x128x128xf32>
    %get3A_689 = vector.shape_cast %get3A_688 : vector<1x128x128xf32> to vector<128x128xf32>
    %get3A_690 = arith.constant 1 : index
    %get3A_691 = arith.constant 3968 : index
    %get3A_692 = arith.constant 0 : index
    %get3A_693 = vector.load %arg0[%get3A_690, %get3A_691, %get3A_692] : memref<2x10240x128xf32, #tpu.memory_space<vmem>>, vector<1x128x128xf32>
    %get3A_694 = vector.shape_cast %get3A_693 : vector<1x128x128xf32> to vector<128x128xf32>
    %add3A_695 = arith.addf %get3A_689, %get3A_694 : vector<128x128xf32>
    %slice3A_696 = vector.extract_strided_slice %transpose3A {offsets = [0, 31], sizes = [128, 1], strides = [1, 1]} : vector<128x80xf32> to vector<128x1xf32>
    %mul3A_697 = vector.broadcast %slice3A_696 : vector<128x1xf32> to vector<128x128xf32>
    %mul3A_698 = arith.mulf %add3A_695, %mul3A_697 : vector<128x128xf32>
    %get3A_699 = arith.constant 0 : index
    %get3A_700 = arith.constant 0 : index
    %get3A_701 = vector.load %arg3[%get3A_699, %get3A_700] : memref<1x128xf32, #tpu.memory_space<vmem>>, vector<1x128xf32>
    %add3A_702 = vector.broadcast %get3A_701 : vector<1x128xf32> to vector<128x128xf32>
    %add3A_703 = arith.addf %mul3A_698, %add3A_702 : vector<128x128xf32>
    %swap3A_704 = arith.constant 3968 : index
    %swap3A_705 = arith.constant 0 : index
    %swap3A_706 = vector.load %arg6[%swap3A_704, %swap3A_705] : memref<10000x128xf32, #tpu.memory_space<vmem>>, vector<128x128xf32>
    tpu.vector_store %arg6[%swap3A_704, %swap3A_705], %add3A_703 {strides = array<i32>} : memref<10000x128xf32, #tpu.memory_space<vmem>>, vector<128x128xf32>,
    %get3A_707 = arith.constant 0 : index
    %get3A_708 = arith.constant 4096 : index
    %get3A_709 = arith.constant 0 : index
    %get3A_710 = vector.load %arg0[%get3A_707, %get3A_708, %get3A_709] : memref<2x10240x128xf32, #tpu.memory_space<vmem>>, vector<1x128x128xf32>
    %get3A_711 = vector.shape_cast %get3A_710 : vector<1x128x128xf32> to vector<128x128xf32>
    %get3A_712 = arith.constant 1 : index
    %get3A_713 = arith.constant 4096 : index
    %get3A_714 = arith.constant 0 : index
    %get3A_715 = vector.load %arg0[%get3A_712, %get3A_713, %get3A_714] : memref<2x10240x128xf32, #tpu.memory_space<vmem>>, vector<1x128x128xf32>
    %get3A_716 = vector.shape_cast %get3A_715 : vector<1x128x128xf32> to vector<128x128xf32>
    %add3A_717 = arith.addf %get3A_711, %get3A_716 : vector<128x128xf32>
    %slice3A_718 = vector.extract_strided_slice %transpose3A {offsets = [0, 32], sizes = [128, 1], strides = [1, 1]} : vector<128x80xf32> to vector<128x1xf32>
    %mul3A_719 = vector.broadcast %slice3A_718 : vector<128x1xf32> to vector<128x128xf32>
    %mul3A_720 = arith.mulf %add3A_717, %mul3A_719 : vector<128x128xf32>
    %get3A_721 = arith.constant 0 : index
    %get3A_722 = arith.constant 0 : index
    %get3A_723 = vector.load %arg3[%get3A_721, %get3A_722] : memref<1x128xf32, #tpu.memory_space<vmem>>, vector<1x128xf32>
    %add3A_724 = vector.broadcast %get3A_723 : vector<1x128xf32> to vector<128x128xf32>
    %add3A_725 = arith.addf %mul3A_720, %add3A_724 : vector<128x128xf32>
    %swap3A_726 = arith.constant 4096 : index
    %swap3A_727 = arith.constant 0 : index
    %swap3A_728 = vector.load %arg6[%swap3A_726, %swap3A_727] : memref<10000x128xf32, #tpu.memory_space<vmem>>, vector<128x128xf32>
    tpu.vector_store %arg6[%swap3A_726, %swap3A_727], %add3A_725 {strides = array<i32>} : memref<10000x128xf32, #tpu.memory_space<vmem>>, vector<128x128xf32>,
    %get3A_729 = arith.constant 0 : index
    %get3A_730 = arith.constant 4224 : index
    %get3A_731 = arith.constant 0 : index
    %get3A_732 = vector.load %arg0[%get3A_729, %get3A_730, %get3A_731] : memref<2x10240x128xf32, #tpu.memory_space<vmem>>, vector<1x128x128xf32>
    %get3A_733 = vector.shape_cast %get3A_732 : vector<1x128x128xf32> to vector<128x128xf32>
    %get3A_734 = arith.constant 1 : index
    %get3A_735 = arith.constant 4224 : index
    %get3A_736 = arith.constant 0 : index
    %get3A_737 = vector.load %arg0[%get3A_734, %get3A_735, %get3A_736] : memref<2x10240x128xf32, #tpu.memory_space<vmem>>, vector<1x128x128xf32>
    %get3A_738 = vector.shape_cast %get3A_737 : vector<1x128x128xf32> to vector<128x128xf32>
    %add3A_739 = arith.addf %get3A_733, %get3A_738 : vector<128x128xf32>
    %slice3A_740 = vector.extract_strided_slice %transpose3A {offsets = [0, 33], sizes = [128, 1], strides = [1, 1]} : vector<128x80xf32> to vector<128x1xf32>
    %mul3A_741 = vector.broadcast %slice3A_740 : vector<128x1xf32> to vector<128x128xf32>
    %mul3A_742 = arith.mulf %add3A_739, %mul3A_741 : vector<128x128xf32>
    %get3A_743 = arith.constant 0 : index
    %get3A_744 = arith.constant 0 : index
    %get3A_745 = vector.load %arg3[%get3A_743, %get3A_744] : memref<1x128xf32, #tpu.memory_space<vmem>>, vector<1x128xf32>
    %add3A_746 = vector.broadcast %get3A_745 : vector<1x128xf32> to vector<128x128xf32>
    %add3A_747 = arith.addf %mul3A_742, %add3A_746 : vector<128x128xf32>
    %swap3A_748 = arith.constant 4224 : index
    %swap3A_749 = arith.constant 0 : index
    %swap3A_750 = vector.load %arg6[%swap3A_748, %swap3A_749] : memref<10000x128xf32, #tpu.memory_space<vmem>>, vector<128x128xf32>
    tpu.vector_store %arg6[%swap3A_748, %swap3A_749], %add3A_747 {strides = array<i32>} : memref<10000x128xf32, #tpu.memory_space<vmem>>, vector<128x128xf32>,
    %get3A_751 = arith.constant 0 : index
    %get3A_752 = arith.constant 4352 : index
    %get3A_753 = arith.constant 0 : index
    %get3A_754 = vector.load %arg0[%get3A_751, %get3A_752, %get3A_753] : memref<2x10240x128xf32, #tpu.memory_space<vmem>>, vector<1x128x128xf32>
    %get3A_755 = vector.shape_cast %get3A_754 : vector<1x128x128xf32> to vector<128x128xf32>
    %get3A_756 = arith.constant 1 : index
    %get3A_757 = arith.constant 4352 : index
    %get3A_758 = arith.constant 0 : index
    %get3A_759 = vector.load %arg0[%get3A_756, %get3A_757, %get3A_758] : memref<2x10240x128xf32, #tpu.memory_space<vmem>>, vector<1x128x128xf32>
    %get3A_760 = vector.shape_cast %get3A_759 : vector<1x128x128xf32> to vector<128x128xf32>
    %add3A_761 = arith.addf %get3A_755, %get3A_760 : vector<128x128xf32>
    %slice3A_762 = vector.extract_strided_slice %transpose3A {offsets = [0, 34], sizes = [128, 1], strides = [1, 1]} : vector<128x80xf32> to vector<128x1xf32>
    %mul3A_763 = vector.broadcast %slice3A_762 : vector<128x1xf32> to vector<128x128xf32>
    %mul3A_764 = arith.mulf %add3A_761, %mul3A_763 : vector<128x128xf32>
    %get3A_765 = arith.constant 0 : index
    %get3A_766 = arith.constant 0 : index
    %get3A_767 = vector.load %arg3[%get3A_765, %get3A_766] : memref<1x128xf32, #tpu.memory_space<vmem>>, vector<1x128xf32>
    %add3A_768 = vector.broadcast %get3A_767 : vector<1x128xf32> to vector<128x128xf32>
    %add3A_769 = arith.addf %mul3A_764, %add3A_768 : vector<128x128xf32>
    %swap3A_770 = arith.constant 4352 : index
    %swap3A_771 = arith.constant 0 : index
    %swap3A_772 = vector.load %arg6[%swap3A_770, %swap3A_771] : memref<10000x128xf32, #tpu.memory_space<vmem>>, vector<128x128xf32>
    tpu.vector_store %arg6[%swap3A_770, %swap3A_771], %add3A_769 {strides = array<i32>} : memref<10000x128xf32, #tpu.memory_space<vmem>>, vector<128x128xf32>,
    %get3A_773 = arith.constant 0 : index
    %get3A_774 = arith.constant 4480 : index
    %get3A_775 = arith.constant 0 : index
    %get3A_776 = vector.load %arg0[%get3A_773, %get3A_774, %get3A_775] : memref<2x10240x128xf32, #tpu.memory_space<vmem>>, vector<1x128x128xf32>
    %get3A_777 = vector.shape_cast %get3A_776 : vector<1x128x128xf32> to vector<128x128xf32>
    %get3A_778 = arith.constant 1 : index
    %get3A_779 = arith.constant 4480 : index
    %get3A_780 = arith.constant 0 : index
    %get3A_781 = vector.load %arg0[%get3A_778, %get3A_779, %get3A_780] : memref<2x10240x128xf32, #tpu.memory_space<vmem>>, vector<1x128x128xf32>
    %get3A_782 = vector.shape_cast %get3A_781 : vector<1x128x128xf32> to vector<128x128xf32>
    %add3A_783 = arith.addf %get3A_777, %get3A_782 : vector<128x128xf32>
    %slice3A_784 = vector.extract_strided_slice %transpose3A {offsets = [0, 35], sizes = [128, 1], strides = [1, 1]} : vector<128x80xf32> to vector<128x1xf32>
    %mul3A_785 = vector.broadcast %slice3A_784 : vector<128x1xf32> to vector<128x128xf32>
    %mul3A_786 = arith.mulf %add3A_783, %mul3A_785 : vector<128x128xf32>
    %get3A_787 = arith.constant 0 : index
    %get3A_788 = arith.constant 0 : index
    %get3A_789 = vector.load %arg3[%get3A_787, %get3A_788] : memref<1x128xf32, #tpu.memory_space<vmem>>, vector<1x128xf32>
    %add3A_790 = vector.broadcast %get3A_789 : vector<1x128xf32> to vector<128x128xf32>
    %add3A_791 = arith.addf %mul3A_786, %add3A_790 : vector<128x128xf32>
    %swap3A_792 = arith.constant 4480 : index
    %swap3A_793 = arith.constant 0 : index
    %swap3A_794 = vector.load %arg6[%swap3A_792, %swap3A_793] : memref<10000x128xf32, #tpu.memory_space<vmem>>, vector<128x128xf32>
    tpu.vector_store %arg6[%swap3A_792, %swap3A_793], %add3A_791 {strides = array<i32>} : memref<10000x128xf32, #tpu.memory_space<vmem>>, vector<128x128xf32>,
    %get3A_795 = arith.constant 0 : index
    %get3A_796 = arith.constant 4608 : index
    %get3A_797 = arith.constant 0 : index
    %get3A_798 = vector.load %arg0[%get3A_795, %get3A_796, %get3A_797] : memref<2x10240x128xf32, #tpu.memory_space<vmem>>, vector<1x128x128xf32>
    %get3A_799 = vector.shape_cast %get3A_798 : vector<1x128x128xf32> to vector<128x128xf32>
    %get3A_800 = arith.constant 1 : index
    %get3A_801 = arith.constant 4608 : index
    %get3A_802 = arith.constant 0 : index
    %get3A_803 = vector.load %arg0[%get3A_800, %get3A_801, %get3A_802] : memref<2x10240x128xf32, #tpu.memory_space<vmem>>, vector<1x128x128xf32>
    %get3A_804 = vector.shape_cast %get3A_803 : vector<1x128x128xf32> to vector<128x128xf32>
    %add3A_805 = arith.addf %get3A_799, %get3A_804 : vector<128x128xf32>
    %slice3A_806 = vector.extract_strided_slice %transpose3A {offsets = [0, 36], sizes = [128, 1], strides = [1, 1]} : vector<128x80xf32> to vector<128x1xf32>
    %mul3A_807 = vector.broadcast %slice3A_806 : vector<128x1xf32> to vector<128x128xf32>
    %mul3A_808 = arith.mulf %add3A_805, %mul3A_807 : vector<128x128xf32>
    %get3A_809 = arith.constant 0 : index
    %get3A_810 = arith.constant 0 : index
    %get3A_811 = vector.load %arg3[%get3A_809, %get3A_810] : memref<1x128xf32, #tpu.memory_space<vmem>>, vector<1x128xf32>
    %add3A_812 = vector.broadcast %get3A_811 : vector<1x128xf32> to vector<128x128xf32>
    %add3A_813 = arith.addf %mul3A_808, %add3A_812 : vector<128x128xf32>
    %swap3A_814 = arith.constant 4608 : index
    %swap3A_815 = arith.constant 0 : index
    %swap3A_816 = vector.load %arg6[%swap3A_814, %swap3A_815] : memref<10000x128xf32, #tpu.memory_space<vmem>>, vector<128x128xf32>
    tpu.vector_store %arg6[%swap3A_814, %swap3A_815], %add3A_813 {strides = array<i32>} : memref<10000x128xf32, #tpu.memory_space<vmem>>, vector<128x128xf32>,
    %get3A_817 = arith.constant 0 : index
    %get3A_818 = arith.constant 4736 : index
    %get3A_819 = arith.constant 0 : index
    %get3A_820 = vector.load %arg0[%get3A_817, %get3A_818, %get3A_819] : memref<2x10240x128xf32, #tpu.memory_space<vmem>>, vector<1x128x128xf32>
    %get3A_821 = vector.shape_cast %get3A_820 : vector<1x128x128xf32> to vector<128x128xf32>
    %get3A_822 = arith.constant 1 : index
    %get3A_823 = arith.constant 4736 : index
    %get3A_824 = arith.constant 0 : index
    %get3A_825 = vector.load %arg0[%get3A_822, %get3A_823, %get3A_824] : memref<2x10240x128xf32, #tpu.memory_space<vmem>>, vector<1x128x128xf32>
    %get3A_826 = vector.shape_cast %get3A_825 : vector<1x128x128xf32> to vector<128x128xf32>
    %add3A_827 = arith.addf %get3A_821, %get3A_826 : vector<128x128xf32>
    %slice3A_828 = vector.extract_strided_slice %transpose3A {offsets = [0, 37], sizes = [128, 1], strides = [1, 1]} : vector<128x80xf32> to vector<128x1xf32>
    %mul3A_829 = vector.broadcast %slice3A_828 : vector<128x1xf32> to vector<128x128xf32>
    %mul3A_830 = arith.mulf %add3A_827, %mul3A_829 : vector<128x128xf32>
    %get3A_831 = arith.constant 0 : index
    %get3A_832 = arith.constant 0 : index
    %get3A_833 = vector.load %arg3[%get3A_831, %get3A_832] : memref<1x128xf32, #tpu.memory_space<vmem>>, vector<1x128xf32>
    %add3A_834 = vector.broadcast %get3A_833 : vector<1x128xf32> to vector<128x128xf32>
    %add3A_835 = arith.addf %mul3A_830, %add3A_834 : vector<128x128xf32>
    %swap3A_836 = arith.constant 4736 : index
    %swap3A_837 = arith.constant 0 : index
    %swap3A_838 = vector.load %arg6[%swap3A_836, %swap3A_837] : memref<10000x128xf32, #tpu.memory_space<vmem>>, vector<128x128xf32>
    tpu.vector_store %arg6[%swap3A_836, %swap3A_837], %add3A_835 {strides = array<i32>} : memref<10000x128xf32, #tpu.memory_space<vmem>>, vector<128x128xf32>,
    %get3A_839 = arith.constant 0 : index
    %get3A_840 = arith.constant 4864 : index
    %get3A_841 = arith.constant 0 : index
    %get3A_842 = vector.load %arg0[%get3A_839, %get3A_840, %get3A_841] : memref<2x10240x128xf32, #tpu.memory_space<vmem>>, vector<1x128x128xf32>
    %get3A_843 = vector.shape_cast %get3A_842 : vector<1x128x128xf32> to vector<128x128xf32>
    %get3A_844 = arith.constant 1 : index
    %get3A_845 = arith.constant 4864 : index
    %get3A_846 = arith.constant 0 : index
    %get3A_847 = vector.load %arg0[%get3A_844, %get3A_845, %get3A_846] : memref<2x10240x128xf32, #tpu.memory_space<vmem>>, vector<1x128x128xf32>
    %get3A_848 = vector.shape_cast %get3A_847 : vector<1x128x128xf32> to vector<128x128xf32>
    %add3A_849 = arith.addf %get3A_843, %get3A_848 : vector<128x128xf32>
    %slice3A_850 = vector.extract_strided_slice %transpose3A {offsets = [0, 38], sizes = [128, 1], strides = [1, 1]} : vector<128x80xf32> to vector<128x1xf32>
    %mul3A_851 = vector.broadcast %slice3A_850 : vector<128x1xf32> to vector<128x128xf32>
    %mul3A_852 = arith.mulf %add3A_849, %mul3A_851 : vector<128x128xf32>
    %get3A_853 = arith.constant 0 : index
    %get3A_854 = arith.constant 0 : index
    %get3A_855 = vector.load %arg3[%get3A_853, %get3A_854] : memref<1x128xf32, #tpu.memory_space<vmem>>, vector<1x128xf32>
    %add3A_856 = vector.broadcast %get3A_855 : vector<1x128xf32> to vector<128x128xf32>
    %add3A_857 = arith.addf %mul3A_852, %add3A_856 : vector<128x128xf32>
    %swap3A_858 = arith.constant 4864 : index
    %swap3A_859 = arith.constant 0 : index
    %swap3A_860 = vector.load %arg6[%swap3A_858, %swap3A_859] : memref<10000x128xf32, #tpu.memory_space<vmem>>, vector<128x128xf32>
    tpu.vector_store %arg6[%swap3A_858, %swap3A_859], %add3A_857 {strides = array<i32>} : memref<10000x128xf32, #tpu.memory_space<vmem>>, vector<128x128xf32>,
    %get3A_861 = arith.constant 0 : index
    %get3A_862 = arith.constant 4992 : index
    %get3A_863 = arith.constant 0 : index
    %get3A_864 = vector.load %arg0[%get3A_861, %get3A_862, %get3A_863] : memref<2x10240x128xf32, #tpu.memory_space<vmem>>, vector<1x128x128xf32>
    %get3A_865 = vector.shape_cast %get3A_864 : vector<1x128x128xf32> to vector<128x128xf32>
    %get3A_866 = arith.constant 1 : index
    %get3A_867 = arith.constant 4992 : index
    %get3A_868 = arith.constant 0 : index
    %get3A_869 = vector.load %arg0[%get3A_866, %get3A_867, %get3A_868] : memref<2x10240x128xf32, #tpu.memory_space<vmem>>, vector<1x128x128xf32>
    %get3A_870 = vector.shape_cast %get3A_869 : vector<1x128x128xf32> to vector<128x128xf32>
    %add3A_871 = arith.addf %get3A_865, %get3A_870 : vector<128x128xf32>
    %slice3A_872 = vector.extract_strided_slice %transpose3A {offsets = [0, 39], sizes = [128, 1], strides = [1, 1]} : vector<128x80xf32> to vector<128x1xf32>
    %mul3A_873 = vector.broadcast %slice3A_872 : vector<128x1xf32> to vector<128x128xf32>
    %mul3A_874 = arith.mulf %add3A_871, %mul3A_873 : vector<128x128xf32>
    %get3A_875 = arith.constant 0 : index
    %get3A_876 = arith.constant 0 : index
    %get3A_877 = vector.load %arg3[%get3A_875, %get3A_876] : memref<1x128xf32, #tpu.memory_space<vmem>>, vector<1x128xf32>
    %add3A_878 = vector.broadcast %get3A_877 : vector<1x128xf32> to vector<128x128xf32>
    %add3A_879 = arith.addf %mul3A_874, %add3A_878 : vector<128x128xf32>
    %swap3A_880 = arith.constant 4992 : index
    %swap3A_881 = arith.constant 0 : index
    %swap3A_882 = vector.load %arg6[%swap3A_880, %swap3A_881] : memref<10000x128xf32, #tpu.memory_space<vmem>>, vector<128x128xf32>
    tpu.vector_store %arg6[%swap3A_880, %swap3A_881], %add3A_879 {strides = array<i32>} : memref<10000x128xf32, #tpu.memory_space<vmem>>, vector<128x128xf32>,
    %get3A_883 = arith.constant 0 : index
    %get3A_884 = arith.constant 5120 : index
    %get3A_885 = arith.constant 0 : index
    %get3A_886 = vector.load %arg0[%get3A_883, %get3A_884, %get3A_885] : memref<2x10240x128xf32, #tpu.memory_space<vmem>>, vector<1x128x128xf32>
    %get3A_887 = vector.shape_cast %get3A_886 : vector<1x128x128xf32> to vector<128x128xf32>
    %get3A_888 = arith.constant 1 : index
    %get3A_889 = arith.constant 5120 : index
    %get3A_890 = arith.constant 0 : index
    %get3A_891 = vector.load %arg0[%get3A_888, %get3A_889, %get3A_890] : memref<2x10240x128xf32, #tpu.memory_space<vmem>>, vector<1x128x128xf32>
    %get3A_892 = vector.shape_cast %get3A_891 : vector<1x128x128xf32> to vector<128x128xf32>
    %add3A_893 = arith.addf %get3A_887, %get3A_892 : vector<128x128xf32>
    %slice3A_894 = vector.extract_strided_slice %transpose3A {offsets = [0, 40], sizes = [128, 1], strides = [1, 1]} : vector<128x80xf32> to vector<128x1xf32>
    %mul3A_895 = vector.broadcast %slice3A_894 : vector<128x1xf32> to vector<128x128xf32>
    %mul3A_896 = arith.mulf %add3A_893, %mul3A_895 : vector<128x128xf32>
    %get3A_897 = arith.constant 0 : index
    %get3A_898 = arith.constant 0 : index
    %get3A_899 = vector.load %arg3[%get3A_897, %get3A_898] : memref<1x128xf32, #tpu.memory_space<vmem>>, vector<1x128xf32>
    %add3A_900 = vector.broadcast %get3A_899 : vector<1x128xf32> to vector<128x128xf32>
    %add3A_901 = arith.addf %mul3A_896, %add3A_900 : vector<128x128xf32>
    %swap3A_902 = arith.constant 5120 : index
    %swap3A_903 = arith.constant 0 : index
    %swap3A_904 = vector.load %arg6[%swap3A_902, %swap3A_903] : memref<10000x128xf32, #tpu.memory_space<vmem>>, vector<128x128xf32>
    tpu.vector_store %arg6[%swap3A_902, %swap3A_903], %add3A_901 {strides = array<i32>} : memref<10000x128xf32, #tpu.memory_space<vmem>>, vector<128x128xf32>,
    %get3A_905 = arith.constant 0 : index
    %get3A_906 = arith.constant 5248 : index
    %get3A_907 = arith.constant 0 : index
    %get3A_908 = vector.load %arg0[%get3A_905, %get3A_906, %get3A_907] : memref<2x10240x128xf32, #tpu.memory_space<vmem>>, vector<1x128x128xf32>
    %get3A_909 = vector.shape_cast %get3A_908 : vector<1x128x128xf32> to vector<128x128xf32>
    %get3A_910 = arith.constant 1 : index
    %get3A_911 = arith.constant 5248 : index
    %get3A_912 = arith.constant 0 : index
    %get3A_913 = vector.load %arg0[%get3A_910, %get3A_911, %get3A_912] : memref<2x10240x128xf32, #tpu.memory_space<vmem>>, vector<1x128x128xf32>
    %get3A_914 = vector.shape_cast %get3A_913 : vector<1x128x128xf32> to vector<128x128xf32>
    %add3A_915 = arith.addf %get3A_909, %get3A_914 : vector<128x128xf32>
    %slice3A_916 = vector.extract_strided_slice %transpose3A {offsets = [0, 41], sizes = [128, 1], strides = [1, 1]} : vector<128x80xf32> to vector<128x1xf32>
    %mul3A_917 = vector.broadcast %slice3A_916 : vector<128x1xf32> to vector<128x128xf32>
    %mul3A_918 = arith.mulf %add3A_915, %mul3A_917 : vector<128x128xf32>
    %get3A_919 = arith.constant 0 : index
    %get3A_920 = arith.constant 0 : index
    %get3A_921 = vector.load %arg3[%get3A_919, %get3A_920] : memref<1x128xf32, #tpu.memory_space<vmem>>, vector<1x128xf32>
    %add3A_922 = vector.broadcast %get3A_921 : vector<1x128xf32> to vector<128x128xf32>
    %add3A_923 = arith.addf %mul3A_918, %add3A_922 : vector<128x128xf32>
    %swap3A_924 = arith.constant 5248 : index
    %swap3A_925 = arith.constant 0 : index
    %swap3A_926 = vector.load %arg6[%swap3A_924, %swap3A_925] : memref<10000x128xf32, #tpu.memory_space<vmem>>, vector<128x128xf32>
    tpu.vector_store %arg6[%swap3A_924, %swap3A_925], %add3A_923 {strides = array<i32>} : memref<10000x128xf32, #tpu.memory_space<vmem>>, vector<128x128xf32>,
    %get3A_927 = arith.constant 0 : index
    %get3A_928 = arith.constant 5376 : index
    %get3A_929 = arith.constant 0 : index
    %get3A_930 = vector.load %arg0[%get3A_927, %get3A_928, %get3A_929] : memref<2x10240x128xf32, #tpu.memory_space<vmem>>, vector<1x128x128xf32>
    %get3A_931 = vector.shape_cast %get3A_930 : vector<1x128x128xf32> to vector<128x128xf32>
    %get3A_932 = arith.constant 1 : index
    %get3A_933 = arith.constant 5376 : index
    %get3A_934 = arith.constant 0 : index
    %get3A_935 = vector.load %arg0[%get3A_932, %get3A_933, %get3A_934] : memref<2x10240x128xf32, #tpu.memory_space<vmem>>, vector<1x128x128xf32>
    %get3A_936 = vector.shape_cast %get3A_935 : vector<1x128x128xf32> to vector<128x128xf32>
    %add3A_937 = arith.addf %get3A_931, %get3A_936 : vector<128x128xf32>
    %slice3A_938 = vector.extract_strided_slice %transpose3A {offsets = [0, 42], sizes = [128, 1], strides = [1, 1]} : vector<128x80xf32> to vector<128x1xf32>
    %mul3A_939 = vector.broadcast %slice3A_938 : vector<128x1xf32> to vector<128x128xf32>
    %mul3A_940 = arith.mulf %add3A_937, %mul3A_939 : vector<128x128xf32>
    %get3A_941 = arith.constant 0 : index
    %get3A_942 = arith.constant 0 : index
    %get3A_943 = vector.load %arg3[%get3A_941, %get3A_942] : memref<1x128xf32, #tpu.memory_space<vmem>>, vector<1x128xf32>
    %add3A_944 = vector.broadcast %get3A_943 : vector<1x128xf32> to vector<128x128xf32>
    %add3A_945 = arith.addf %mul3A_940, %add3A_944 : vector<128x128xf32>
    %swap3A_946 = arith.constant 5376 : index
    %swap3A_947 = arith.constant 0 : index
    %swap3A_948 = vector.load %arg6[%swap3A_946, %swap3A_947] : memref<10000x128xf32, #tpu.memory_space<vmem>>, vector<128x128xf32>
    tpu.vector_store %arg6[%swap3A_946, %swap3A_947], %add3A_945 {strides = array<i32>} : memref<10000x128xf32, #tpu.memory_space<vmem>>, vector<128x128xf32>,
    %get3A_949 = arith.constant 0 : index
    %get3A_950 = arith.constant 5504 : index
    %get3A_951 = arith.constant 0 : index
    %get3A_952 = vector.load %arg0[%get3A_949, %get3A_950, %get3A_951] : memref<2x10240x128xf32, #tpu.memory_space<vmem>>, vector<1x128x128xf32>
    %get3A_953 = vector.shape_cast %get3A_952 : vector<1x128x128xf32> to vector<128x128xf32>
    %get3A_954 = arith.constant 1 : index
    %get3A_955 = arith.constant 5504 : index
    %get3A_956 = arith.constant 0 : index
    %get3A_957 = vector.load %arg0[%get3A_954, %get3A_955, %get3A_956] : memref<2x10240x128xf32, #tpu.memory_space<vmem>>, vector<1x128x128xf32>
    %get3A_958 = vector.shape_cast %get3A_957 : vector<1x128x128xf32> to vector<128x128xf32>
    %add3A_959 = arith.addf %get3A_953, %get3A_958 : vector<128x128xf32>
    %slice3A_960 = vector.extract_strided_slice %transpose3A {offsets = [0, 43], sizes = [128, 1], strides = [1, 1]} : vector<128x80xf32> to vector<128x1xf32>
    %mul3A_961 = vector.broadcast %slice3A_960 : vector<128x1xf32> to vector<128x128xf32>
    %mul3A_962 = arith.mulf %add3A_959, %mul3A_961 : vector<128x128xf32>
    %get3A_963 = arith.constant 0 : index
    %get3A_964 = arith.constant 0 : index
    %get3A_965 = vector.load %arg3[%get3A_963, %get3A_964] : memref<1x128xf32, #tpu.memory_space<vmem>>, vector<1x128xf32>
    %add3A_966 = vector.broadcast %get3A_965 : vector<1x128xf32> to vector<128x128xf32>
    %add3A_967 = arith.addf %mul3A_962, %add3A_966 : vector<128x128xf32>
    %swap3A_968 = arith.constant 5504 : index
    %swap3A_969 = arith.constant 0 : index
    %swap3A_970 = vector.load %arg6[%swap3A_968, %swap3A_969] : memref<10000x128xf32, #tpu.memory_space<vmem>>, vector<128x128xf32>
    tpu.vector_store %arg6[%swap3A_968, %swap3A_969], %add3A_967 {strides = array<i32>} : memref<10000x128xf32, #tpu.memory_space<vmem>>, vector<128x128xf32>,
    %get3A_971 = arith.constant 0 : index
    %get3A_972 = arith.constant 5632 : index
    %get3A_973 = arith.constant 0 : index
    %get3A_974 = vector.load %arg0[%get3A_971, %get3A_972, %get3A_973] : memref<2x10240x128xf32, #tpu.memory_space<vmem>>, vector<1x128x128xf32>
    %get3A_975 = vector.shape_cast %get3A_974 : vector<1x128x128xf32> to vector<128x128xf32>
    %get3A_976 = arith.constant 1 : index
    %get3A_977 = arith.constant 5632 : index
    %get3A_978 = arith.constant 0 : index
    %get3A_979 = vector.load %arg0[%get3A_976, %get3A_977, %get3A_978] : memref<2x10240x128xf32, #tpu.memory_space<vmem>>, vector<1x128x128xf32>
    %get3A_980 = vector.shape_cast %get3A_979 : vector<1x128x128xf32> to vector<128x128xf32>
    %add3A_981 = arith.addf %get3A_975, %get3A_980 : vector<128x128xf32>
    %slice3A_982 = vector.extract_strided_slice %transpose3A {offsets = [0, 44], sizes = [128, 1], strides = [1, 1]} : vector<128x80xf32> to vector<128x1xf32>
    %mul3A_983 = vector.broadcast %slice3A_982 : vector<128x1xf32> to vector<128x128xf32>
    %mul3A_984 = arith.mulf %add3A_981, %mul3A_983 : vector<128x128xf32>
    %get3A_985 = arith.constant 0 : index
    %get3A_986 = arith.constant 0 : index
    %get3A_987 = vector.load %arg3[%get3A_985, %get3A_986] : memref<1x128xf32, #tpu.memory_space<vmem>>, vector<1x128xf32>
    %add3A_988 = vector.broadcast %get3A_987 : vector<1x128xf32> to vector<128x128xf32>
    %add3A_989 = arith.addf %mul3A_984, %add3A_988 : vector<128x128xf32>
    %swap3A_990 = arith.constant 5632 : index
    %swap3A_991 = arith.constant 0 : index
    %swap3A_992 = vector.load %arg6[%swap3A_990, %swap3A_991] : memref<10000x128xf32, #tpu.memory_space<vmem>>, vector<128x128xf32>
    tpu.vector_store %arg6[%swap3A_990, %swap3A_991], %add3A_989 {strides = array<i32>} : memref<10000x128xf32, #tpu.memory_space<vmem>>, vector<128x128xf32>,
    %get3A_993 = arith.constant 0 : index
    %get3A_994 = arith.constant 5760 : index
    %get3A_995 = arith.constant 0 : index
    %get3A_996 = vector.load %arg0[%get3A_993, %get3A_994, %get3A_995] : memref<2x10240x128xf32, #tpu.memory_space<vmem>>, vector<1x128x128xf32>
    %get3A_997 = vector.shape_cast %get3A_996 : vector<1x128x128xf32> to vector<128x128xf32>
    %get3A_998 = arith.constant 1 : index
    %get3A_999 = arith.constant 5760 : index
    %get3A_1000 = arith.constant 0 : index
    %get3A_1001 = vector.load %arg0[%get3A_998, %get3A_999, %get3A_1000] : memref<2x10240x128xf32, #tpu.memory_space<vmem>>, vector<1x128x128xf32>
    %get3A_1002 = vector.shape_cast %get3A_1001 : vector<1x128x128xf32> to vector<128x128xf32>
    %add3A_1003 = arith.addf %get3A_997, %get3A_1002 : vector<128x128xf32>
    %slice3A_1004 = vector.extract_strided_slice %transpose3A {offsets = [0, 45], sizes = [128, 1], strides = [1, 1]} : vector<128x80xf32> to vector<128x1xf32>
    %mul3A_1005 = vector.broadcast %slice3A_1004 : vector<128x1xf32> to vector<128x128xf32>
    %mul3A_1006 = arith.mulf %add3A_1003, %mul3A_1005 : vector<128x128xf32>
    %get3A_1007 = arith.constant 0 : index
    %get3A_1008 = arith.constant 0 : index
    %get3A_1009 = vector.load %arg3[%get3A_1007, %get3A_1008] : memref<1x128xf32, #tpu.memory_space<vmem>>, vector<1x128xf32>
    %add3A_1010 = vector.broadcast %get3A_1009 : vector<1x128xf32> to vector<128x128xf32>
    %add3A_1011 = arith.addf %mul3A_1006, %add3A_1010 : vector<128x128xf32>
    %swap3A_1012 = arith.constant 5760 : index
    %swap3A_1013 = arith.constant 0 : index
    %swap3A_1014 = vector.load %arg6[%swap3A_1012, %swap3A_1013] : memref<10000x128xf32, #tpu.memory_space<vmem>>, vector<128x128xf32>
    tpu.vector_store %arg6[%swap3A_1012, %swap3A_1013], %add3A_1011 {strides = array<i32>} : memref<10000x128xf32, #tpu.memory_space<vmem>>, vector<128x128xf32>,
    %get3A_1015 = arith.constant 0 : index
    %get3A_1016 = arith.constant 5888 : index
    %get3A_1017 = arith.constant 0 : index
    %get3A_1018 = vector.load %arg0[%get3A_1015, %get3A_1016, %get3A_1017] : memref<2x10240x128xf32, #tpu.memory_space<vmem>>, vector<1x128x128xf32>
    %get3A_1019 = vector.shape_cast %get3A_1018 : vector<1x128x128xf32> to vector<128x128xf32>
    %get3A_1020 = arith.constant 1 : index
    %get3A_1021 = arith.constant 5888 : index
    %get3A_1022 = arith.constant 0 : index
    %get3A_1023 = vector.load %arg0[%get3A_1020, %get3A_1021, %get3A_1022] : memref<2x10240x128xf32, #tpu.memory_space<vmem>>, vector<1x128x128xf32>
    %get3A_1024 = vector.shape_cast %get3A_1023 : vector<1x128x128xf32> to vector<128x128xf32>
    %add3A_1025 = arith.addf %get3A_1019, %get3A_1024 : vector<128x128xf32>
    %slice3A_1026 = vector.extract_strided_slice %transpose3A {offsets = [0, 46], sizes = [128, 1], strides = [1, 1]} : vector<128x80xf32> to vector<128x1xf32>
    %mul3A_1027 = vector.broadcast %slice3A_1026 : vector<128x1xf32> to vector<128x128xf32>
    %mul3A_1028 = arith.mulf %add3A_1025, %mul3A_1027 : vector<128x128xf32>
    %get3A_1029 = arith.constant 0 : index
    %get3A_1030 = arith.constant 0 : index
    %get3A_1031 = vector.load %arg3[%get3A_1029, %get3A_1030] : memref<1x128xf32, #tpu.memory_space<vmem>>, vector<1x128xf32>
    %add3A_1032 = vector.broadcast %get3A_1031 : vector<1x128xf32> to vector<128x128xf32>
    %add3A_1033 = arith.addf %mul3A_1028, %add3A_1032 : vector<128x128xf32>
    %swap3A_1034 = arith.constant 5888 : index
    %swap3A_1035 = arith.constant 0 : index
    %swap3A_1036 = vector.load %arg6[%swap3A_1034, %swap3A_1035] : memref<10000x128xf32, #tpu.memory_space<vmem>>, vector<128x128xf32>
    tpu.vector_store %arg6[%swap3A_1034, %swap3A_1035], %add3A_1033 {strides = array<i32>} : memref<10000x128xf32, #tpu.memory_space<vmem>>, vector<128x128xf32>,
    %get3A_1037 = arith.constant 0 : index
    %get3A_1038 = arith.constant 6016 : index
    %get3A_1039 = arith.constant 0 : index
    %get3A_1040 = vector.load %arg0[%get3A_1037, %get3A_1038, %get3A_1039] : memref<2x10240x128xf32, #tpu.memory_space<vmem>>, vector<1x128x128xf32>
    %get3A_1041 = vector.shape_cast %get3A_1040 : vector<1x128x128xf32> to vector<128x128xf32>
    %get3A_1042 = arith.constant 1 : index
    %get3A_1043 = arith.constant 6016 : index
    %get3A_1044 = arith.constant 0 : index
    %get3A_1045 = vector.load %arg0[%get3A_1042, %get3A_1043, %get3A_1044] : memref<2x10240x128xf32, #tpu.memory_space<vmem>>, vector<1x128x128xf32>
    %get3A_1046 = vector.shape_cast %get3A_1045 : vector<1x128x128xf32> to vector<128x128xf32>
    %add3A_1047 = arith.addf %get3A_1041, %get3A_1046 : vector<128x128xf32>
    %slice3A_1048 = vector.extract_strided_slice %transpose3A {offsets = [0, 47], sizes = [128, 1], strides = [1, 1]} : vector<128x80xf32> to vector<128x1xf32>
    %mul3A_1049 = vector.broadcast %slice3A_1048 : vector<128x1xf32> to vector<128x128xf32>
    %mul3A_1050 = arith.mulf %add3A_1047, %mul3A_1049 : vector<128x128xf32>
    %get3A_1051 = arith.constant 0 : index
    %get3A_1052 = arith.constant 0 : index
    %get3A_1053 = vector.load %arg3[%get3A_1051, %get3A_1052] : memref<1x128xf32, #tpu.memory_space<vmem>>, vector<1x128xf32>
    %add3A_1054 = vector.broadcast %get3A_1053 : vector<1x128xf32> to vector<128x128xf32>
    %add3A_1055 = arith.addf %mul3A_1050, %add3A_1054 : vector<128x128xf32>
    %swap3A_1056 = arith.constant 6016 : index
    %swap3A_1057 = arith.constant 0 : index
    %swap3A_1058 = vector.load %arg6[%swap3A_1056, %swap3A_1057] : memref<10000x128xf32, #tpu.memory_space<vmem>>, vector<128x128xf32>
    tpu.vector_store %arg6[%swap3A_1056, %swap3A_1057], %add3A_1055 {strides = array<i32>} : memref<10000x128xf32, #tpu.memory_space<vmem>>, vector<128x128xf32>,
    %get3A_1059 = arith.constant 0 : index
    %get3A_1060 = arith.constant 6144 : index
    %get3A_1061 = arith.constant 0 : index
    %get3A_1062 = vector.load %arg0[%get3A_1059, %get3A_1060, %get3A_1061] : memref<2x10240x128xf32, #tpu.memory_space<vmem>>, vector<1x128x128xf32>
    %get3A_1063 = vector.shape_cast %get3A_1062 : vector<1x128x128xf32> to vector<128x128xf32>
    %get3A_1064 = arith.constant 1 : index
    %get3A_1065 = arith.constant 6144 : index
    %get3A_1066 = arith.constant 0 : index
    %get3A_1067 = vector.load %arg0[%get3A_1064, %get3A_1065, %get3A_1066] : memref<2x10240x128xf32, #tpu.memory_space<vmem>>, vector<1x128x128xf32>
    %get3A_1068 = vector.shape_cast %get3A_1067 : vector<1x128x128xf32> to vector<128x128xf32>
    %add3A_1069 = arith.addf %get3A_1063, %get3A_1068 : vector<128x128xf32>
    %slice3A_1070 = vector.extract_strided_slice %transpose3A {offsets = [0, 48], sizes = [128, 1], strides = [1, 1]} : vector<128x80xf32> to vector<128x1xf32>
    %mul3A_1071 = vector.broadcast %slice3A_1070 : vector<128x1xf32> to vector<128x128xf32>
    %mul3A_1072 = arith.mulf %add3A_1069, %mul3A_1071 : vector<128x128xf32>
    %get3A_1073 = arith.constant 0 : index
    %get3A_1074 = arith.constant 0 : index
    %get3A_1075 = vector.load %arg3[%get3A_1073, %get3A_1074] : memref<1x128xf32, #tpu.memory_space<vmem>>, vector<1x128xf32>
    %add3A_1076 = vector.broadcast %get3A_1075 : vector<1x128xf32> to vector<128x128xf32>
    %add3A_1077 = arith.addf %mul3A_1072, %add3A_1076 : vector<128x128xf32>
    %swap3A_1078 = arith.constant 6144 : index
    %swap3A_1079 = arith.constant 0 : index
    %swap3A_1080 = vector.load %arg6[%swap3A_1078, %swap3A_1079] : memref<10000x128xf32, #tpu.memory_space<vmem>>, vector<128x128xf32>
    tpu.vector_store %arg6[%swap3A_1078, %swap3A_1079], %add3A_1077 {strides = array<i32>} : memref<10000x128xf32, #tpu.memory_space<vmem>>, vector<128x128xf32>,
    %get3A_1081 = arith.constant 0 : index
    %get3A_1082 = arith.constant 6272 : index
    %get3A_1083 = arith.constant 0 : index
    %get3A_1084 = vector.load %arg0[%get3A_1081, %get3A_1082, %get3A_1083] : memref<2x10240x128xf32, #tpu.memory_space<vmem>>, vector<1x128x128xf32>
    %get3A_1085 = vector.shape_cast %get3A_1084 : vector<1x128x128xf32> to vector<128x128xf32>
    %get3A_1086 = arith.constant 1 : index
    %get3A_1087 = arith.constant 6272 : index
    %get3A_1088 = arith.constant 0 : index
    %get3A_1089 = vector.load %arg0[%get3A_1086, %get3A_1087, %get3A_1088] : memref<2x10240x128xf32, #tpu.memory_space<vmem>>, vector<1x128x128xf32>
    %get3A_1090 = vector.shape_cast %get3A_1089 : vector<1x128x128xf32> to vector<128x128xf32>
    %add3A_1091 = arith.addf %get3A_1085, %get3A_1090 : vector<128x128xf32>
    %slice3A_1092 = vector.extract_strided_slice %transpose3A {offsets = [0, 49], sizes = [128, 1], strides = [1, 1]} : vector<128x80xf32> to vector<128x1xf32>
    %mul3A_1093 = vector.broadcast %slice3A_1092 : vector<128x1xf32> to vector<128x128xf32>
    %mul3A_1094 = arith.mulf %add3A_1091, %mul3A_1093 : vector<128x128xf32>
    %get3A_1095 = arith.constant 0 : index
    %get3A_1096 = arith.constant 0 : index
    %get3A_1097 = vector.load %arg3[%get3A_1095, %get3A_1096] : memref<1x128xf32, #tpu.memory_space<vmem>>, vector<1x128xf32>
    %add3A_1098 = vector.broadcast %get3A_1097 : vector<1x128xf32> to vector<128x128xf32>
    %add3A_1099 = arith.addf %mul3A_1094, %add3A_1098 : vector<128x128xf32>
    %swap3A_1100 = arith.constant 6272 : index
    %swap3A_1101 = arith.constant 0 : index
    %swap3A_1102 = vector.load %arg6[%swap3A_1100, %swap3A_1101] : memref<10000x128xf32, #tpu.memory_space<vmem>>, vector<128x128xf32>
    tpu.vector_store %arg6[%swap3A_1100, %swap3A_1101], %add3A_1099 {strides = array<i32>} : memref<10000x128xf32, #tpu.memory_space<vmem>>, vector<128x128xf32>,
    %get3A_1103 = arith.constant 0 : index
    %get3A_1104 = arith.constant 6400 : index
    %get3A_1105 = arith.constant 0 : index
    %get3A_1106 = vector.load %arg0[%get3A_1103, %get3A_1104, %get3A_1105] : memref<2x10240x128xf32, #tpu.memory_space<vmem>>, vector<1x128x128xf32>
    %get3A_1107 = vector.shape_cast %get3A_1106 : vector<1x128x128xf32> to vector<128x128xf32>
    %get3A_1108 = arith.constant 1 : index
    %get3A_1109 = arith.constant 6400 : index
    %get3A_1110 = arith.constant 0 : index
    %get3A_1111 = vector.load %arg0[%get3A_1108, %get3A_1109, %get3A_1110] : memref<2x10240x128xf32, #tpu.memory_space<vmem>>, vector<1x128x128xf32>
    %get3A_1112 = vector.shape_cast %get3A_1111 : vector<1x128x128xf32> to vector<128x128xf32>
    %add3A_1113 = arith.addf %get3A_1107, %get3A_1112 : vector<128x128xf32>
    %slice3A_1114 = vector.extract_strided_slice %transpose3A {offsets = [0, 50], sizes = [128, 1], strides = [1, 1]} : vector<128x80xf32> to vector<128x1xf32>
    %mul3A_1115 = vector.broadcast %slice3A_1114 : vector<128x1xf32> to vector<128x128xf32>
    %mul3A_1116 = arith.mulf %add3A_1113, %mul3A_1115 : vector<128x128xf32>
    %get3A_1117 = arith.constant 0 : index
    %get3A_1118 = arith.constant 0 : index
    %get3A_1119 = vector.load %arg3[%get3A_1117, %get3A_1118] : memref<1x128xf32, #tpu.memory_space<vmem>>, vector<1x128xf32>
    %add3A_1120 = vector.broadcast %get3A_1119 : vector<1x128xf32> to vector<128x128xf32>
    %add3A_1121 = arith.addf %mul3A_1116, %add3A_1120 : vector<128x128xf32>
    %swap3A_1122 = arith.constant 6400 : index
    %swap3A_1123 = arith.constant 0 : index
    %swap3A_1124 = vector.load %arg6[%swap3A_1122, %swap3A_1123] : memref<10000x128xf32, #tpu.memory_space<vmem>>, vector<128x128xf32>
    tpu.vector_store %arg6[%swap3A_1122, %swap3A_1123], %add3A_1121 {strides = array<i32>} : memref<10000x128xf32, #tpu.memory_space<vmem>>, vector<128x128xf32>,
    %get3A_1125 = arith.constant 0 : index
    %get3A_1126 = arith.constant 6528 : index
    %get3A_1127 = arith.constant 0 : index
    %get3A_1128 = vector.load %arg0[%get3A_1125, %get3A_1126, %get3A_1127] : memref<2x10240x128xf32, #tpu.memory_space<vmem>>, vector<1x128x128xf32>
    %get3A_1129 = vector.shape_cast %get3A_1128 : vector<1x128x128xf32> to vector<128x128xf32>
    %get3A_1130 = arith.constant 1 : index
    %get3A_1131 = arith.constant 6528 : index
    %get3A_1132 = arith.constant 0 : index
    %get3A_1133 = vector.load %arg0[%get3A_1130, %get3A_1131, %get3A_1132] : memref<2x10240x128xf32, #tpu.memory_space<vmem>>, vector<1x128x128xf32>
    %get3A_1134 = vector.shape_cast %get3A_1133 : vector<1x128x128xf32> to vector<128x128xf32>
    %add3A_1135 = arith.addf %get3A_1129, %get3A_1134 : vector<128x128xf32>
    %slice3A_1136 = vector.extract_strided_slice %transpose3A {offsets = [0, 51], sizes = [128, 1], strides = [1, 1]} : vector<128x80xf32> to vector<128x1xf32>
    %mul3A_1137 = vector.broadcast %slice3A_1136 : vector<128x1xf32> to vector<128x128xf32>
    %mul3A_1138 = arith.mulf %add3A_1135, %mul3A_1137 : vector<128x128xf32>
    %get3A_1139 = arith.constant 0 : index
    %get3A_1140 = arith.constant 0 : index
    %get3A_1141 = vector.load %arg3[%get3A_1139, %get3A_1140] : memref<1x128xf32, #tpu.memory_space<vmem>>, vector<1x128xf32>
    %add3A_1142 = vector.broadcast %get3A_1141 : vector<1x128xf32> to vector<128x128xf32>
    %add3A_1143 = arith.addf %mul3A_1138, %add3A_1142 : vector<128x128xf32>
    %swap3A_1144 = arith.constant 6528 : index
    %swap3A_1145 = arith.constant 0 : index
    %swap3A_1146 = vector.load %arg6[%swap3A_1144, %swap3A_1145] : memref<10000x128xf32, #tpu.memory_space<vmem>>, vector<128x128xf32>
    tpu.vector_store %arg6[%swap3A_1144, %swap3A_1145], %add3A_1143 {strides = array<i32>} : memref<10000x128xf32, #tpu.memory_space<vmem>>, vector<128x128xf32>,
    %get3A_1147 = arith.constant 0 : index
    %get3A_1148 = arith.constant 6656 : index
    %get3A_1149 = arith.constant 0 : index
    %get3A_1150 = vector.load %arg0[%get3A_1147, %get3A_1148, %get3A_1149] : memref<2x10240x128xf32, #tpu.memory_space<vmem>>, vector<1x128x128xf32>
    %get3A_1151 = vector.shape_cast %get3A_1150 : vector<1x128x128xf32> to vector<128x128xf32>
    %get3A_1152 = arith.constant 1 : index
    %get3A_1153 = arith.constant 6656 : index
    %get3A_1154 = arith.constant 0 : index
    %get3A_1155 = vector.load %arg0[%get3A_1152, %get3A_1153, %get3A_1154] : memref<2x10240x128xf32, #tpu.memory_space<vmem>>, vector<1x128x128xf32>
    %get3A_1156 = vector.shape_cast %get3A_1155 : vector<1x128x128xf32> to vector<128x128xf32>
    %add3A_1157 = arith.addf %get3A_1151, %get3A_1156 : vector<128x128xf32>
    %slice3A_1158 = vector.extract_strided_slice %transpose3A {offsets = [0, 52], sizes = [128, 1], strides = [1, 1]} : vector<128x80xf32> to vector<128x1xf32>
    %mul3A_1159 = vector.broadcast %slice3A_1158 : vector<128x1xf32> to vector<128x128xf32>
    %mul3A_1160 = arith.mulf %add3A_1157, %mul3A_1159 : vector<128x128xf32>
    %get3A_1161 = arith.constant 0 : index
    %get3A_1162 = arith.constant 0 : index
    %get3A_1163 = vector.load %arg3[%get3A_1161, %get3A_1162] : memref<1x128xf32, #tpu.memory_space<vmem>>, vector<1x128xf32>
    %add3A_1164 = vector.broadcast %get3A_1163 : vector<1x128xf32> to vector<128x128xf32>
    %add3A_1165 = arith.addf %mul3A_1160, %add3A_1164 : vector<128x128xf32>
    %swap3A_1166 = arith.constant 6656 : index
    %swap3A_1167 = arith.constant 0 : index
    %swap3A_1168 = vector.load %arg6[%swap3A_1166, %swap3A_1167] : memref<10000x128xf32, #tpu.memory_space<vmem>>, vector<128x128xf32>
    tpu.vector_store %arg6[%swap3A_1166, %swap3A_1167], %add3A_1165 {strides = array<i32>} : memref<10000x128xf32, #tpu.memory_space<vmem>>, vector<128x128xf32>,
    %get3A_1169 = arith.constant 0 : index
    %get3A_1170 = arith.constant 6784 : index
    %get3A_1171 = arith.constant 0 : index
    %get3A_1172 = vector.load %arg0[%get3A_1169, %get3A_1170, %get3A_1171] : memref<2x10240x128xf32, #tpu.memory_space<vmem>>, vector<1x128x128xf32>
    %get3A_1173 = vector.shape_cast %get3A_1172 : vector<1x128x128xf32> to vector<128x128xf32>
    %get3A_1174 = arith.constant 1 : index
    %get3A_1175 = arith.constant 6784 : index
    %get3A_1176 = arith.constant 0 : index
    %get3A_1177 = vector.load %arg0[%get3A_1174, %get3A_1175, %get3A_1176] : memref<2x10240x128xf32, #tpu.memory_space<vmem>>, vector<1x128x128xf32>
    %get3A_1178 = vector.shape_cast %get3A_1177 : vector<1x128x128xf32> to vector<128x128xf32>
    %add3A_1179 = arith.addf %get3A_1173, %get3A_1178 : vector<128x128xf32>
    %slice3A_1180 = vector.extract_strided_slice %transpose3A {offsets = [0, 53], sizes = [128, 1], strides = [1, 1]} : vector<128x80xf32> to vector<128x1xf32>
    %mul3A_1181 = vector.broadcast %slice3A_1180 : vector<128x1xf32> to vector<128x128xf32>
    %mul3A_1182 = arith.mulf %add3A_1179, %mul3A_1181 : vector<128x128xf32>
    %get3A_1183 = arith.constant 0 : index
    %get3A_1184 = arith.constant 0 : index
    %get3A_1185 = vector.load %arg3[%get3A_1183, %get3A_1184] : memref<1x128xf32, #tpu.memory_space<vmem>>, vector<1x128xf32>
    %add3A_1186 = vector.broadcast %get3A_1185 : vector<1x128xf32> to vector<128x128xf32>
    %add3A_1187 = arith.addf %mul3A_1182, %add3A_1186 : vector<128x128xf32>
    %swap3A_1188 = arith.constant 6784 : index
    %swap3A_1189 = arith.constant 0 : index
    %swap3A_1190 = vector.load %arg6[%swap3A_1188, %swap3A_1189] : memref<10000x128xf32, #tpu.memory_space<vmem>>, vector<128x128xf32>
    tpu.vector_store %arg6[%swap3A_1188, %swap3A_1189], %add3A_1187 {strides = array<i32>} : memref<10000x128xf32, #tpu.memory_space<vmem>>, vector<128x128xf32>,
    %get3A_1191 = arith.constant 0 : index
    %get3A_1192 = arith.constant 6912 : index
    %get3A_1193 = arith.constant 0 : index
    %get3A_1194 = vector.load %arg0[%get3A_1191, %get3A_1192, %get3A_1193] : memref<2x10240x128xf32, #tpu.memory_space<vmem>>, vector<1x128x128xf32>
    %get3A_1195 = vector.shape_cast %get3A_1194 : vector<1x128x128xf32> to vector<128x128xf32>
    %get3A_1196 = arith.constant 1 : index
    %get3A_1197 = arith.constant 6912 : index
    %get3A_1198 = arith.constant 0 : index
    %get3A_1199 = vector.load %arg0[%get3A_1196, %get3A_1197, %get3A_1198] : memref<2x10240x128xf32, #tpu.memory_space<vmem>>, vector<1x128x128xf32>
    %get3A_1200 = vector.shape_cast %get3A_1199 : vector<1x128x128xf32> to vector<128x128xf32>
    %add3A_1201 = arith.addf %get3A_1195, %get3A_1200 : vector<128x128xf32>
    %slice3A_1202 = vector.extract_strided_slice %transpose3A {offsets = [0, 54], sizes = [128, 1], strides = [1, 1]} : vector<128x80xf32> to vector<128x1xf32>
    %mul3A_1203 = vector.broadcast %slice3A_1202 : vector<128x1xf32> to vector<128x128xf32>
    %mul3A_1204 = arith.mulf %add3A_1201, %mul3A_1203 : vector<128x128xf32>
    %get3A_1205 = arith.constant 0 : index
    %get3A_1206 = arith.constant 0 : index
    %get3A_1207 = vector.load %arg3[%get3A_1205, %get3A_1206] : memref<1x128xf32, #tpu.memory_space<vmem>>, vector<1x128xf32>
    %add3A_1208 = vector.broadcast %get3A_1207 : vector<1x128xf32> to vector<128x128xf32>
    %add3A_1209 = arith.addf %mul3A_1204, %add3A_1208 : vector<128x128xf32>
    %swap3A_1210 = arith.constant 6912 : index
    %swap3A_1211 = arith.constant 0 : index
    %swap3A_1212 = vector.load %arg6[%swap3A_1210, %swap3A_1211] : memref<10000x128xf32, #tpu.memory_space<vmem>>, vector<128x128xf32>
    tpu.vector_store %arg6[%swap3A_1210, %swap3A_1211], %add3A_1209 {strides = array<i32>} : memref<10000x128xf32, #tpu.memory_space<vmem>>, vector<128x128xf32>,
    %get3A_1213 = arith.constant 0 : index
    %get3A_1214 = arith.constant 7040 : index
    %get3A_1215 = arith.constant 0 : index
    %get3A_1216 = vector.load %arg0[%get3A_1213, %get3A_1214, %get3A_1215] : memref<2x10240x128xf32, #tpu.memory_space<vmem>>, vector<1x128x128xf32>
    %get3A_1217 = vector.shape_cast %get3A_1216 : vector<1x128x128xf32> to vector<128x128xf32>
    %get3A_1218 = arith.constant 1 : index
    %get3A_1219 = arith.constant 7040 : index
    %get3A_1220 = arith.constant 0 : index
    %get3A_1221 = vector.load %arg0[%get3A_1218, %get3A_1219, %get3A_1220] : memref<2x10240x128xf32, #tpu.memory_space<vmem>>, vector<1x128x128xf32>
    %get3A_1222 = vector.shape_cast %get3A_1221 : vector<1x128x128xf32> to vector<128x128xf32>
    %add3A_1223 = arith.addf %get3A_1217, %get3A_1222 : vector<128x128xf32>
    %slice3A_1224 = vector.extract_strided_slice %transpose3A {offsets = [0, 55], sizes = [128, 1], strides = [1, 1]} : vector<128x80xf32> to vector<128x1xf32>
    %mul3A_1225 = vector.broadcast %slice3A_1224 : vector<128x1xf32> to vector<128x128xf32>
    %mul3A_1226 = arith.mulf %add3A_1223, %mul3A_1225 : vector<128x128xf32>
    %get3A_1227 = arith.constant 0 : index
    %get3A_1228 = arith.constant 0 : index
    %get3A_1229 = vector.load %arg3[%get3A_1227, %get3A_1228] : memref<1x128xf32, #tpu.memory_space<vmem>>, vector<1x128xf32>
    %add3A_1230 = vector.broadcast %get3A_1229 : vector<1x128xf32> to vector<128x128xf32>
    %add3A_1231 = arith.addf %mul3A_1226, %add3A_1230 : vector<128x128xf32>
    %swap3A_1232 = arith.constant 7040 : index
    %swap3A_1233 = arith.constant 0 : index
    %swap3A_1234 = vector.load %arg6[%swap3A_1232, %swap3A_1233] : memref<10000x128xf32, #tpu.memory_space<vmem>>, vector<128x128xf32>
    tpu.vector_store %arg6[%swap3A_1232, %swap3A_1233], %add3A_1231 {strides = array<i32>} : memref<10000x128xf32, #tpu.memory_space<vmem>>, vector<128x128xf32>,
    %get3A_1235 = arith.constant 0 : index
    %get3A_1236 = arith.constant 7168 : index
    %get3A_1237 = arith.constant 0 : index
    %get3A_1238 = vector.load %arg0[%get3A_1235, %get3A_1236, %get3A_1237] : memref<2x10240x128xf32, #tpu.memory_space<vmem>>, vector<1x128x128xf32>
    %get3A_1239 = vector.shape_cast %get3A_1238 : vector<1x128x128xf32> to vector<128x128xf32>
    %get3A_1240 = arith.constant 1 : index
    %get3A_1241 = arith.constant 7168 : index
    %get3A_1242 = arith.constant 0 : index
    %get3A_1243 = vector.load %arg0[%get3A_1240, %get3A_1241, %get3A_1242] : memref<2x10240x128xf32, #tpu.memory_space<vmem>>, vector<1x128x128xf32>
    %get3A_1244 = vector.shape_cast %get3A_1243 : vector<1x128x128xf32> to vector<128x128xf32>
    %add3A_1245 = arith.addf %get3A_1239, %get3A_1244 : vector<128x128xf32>
    %slice3A_1246 = vector.extract_strided_slice %transpose3A {offsets = [0, 56], sizes = [128, 1], strides = [1, 1]} : vector<128x80xf32> to vector<128x1xf32>
    %mul3A_1247 = vector.broadcast %slice3A_1246 : vector<128x1xf32> to vector<128x128xf32>
    %mul3A_1248 = arith.mulf %add3A_1245, %mul3A_1247 : vector<128x128xf32>
    %get3A_1249 = arith.constant 0 : index
    %get3A_1250 = arith.constant 0 : index
    %get3A_1251 = vector.load %arg3[%get3A_1249, %get3A_1250] : memref<1x128xf32, #tpu.memory_space<vmem>>, vector<1x128xf32>
    %add3A_1252 = vector.broadcast %get3A_1251 : vector<1x128xf32> to vector<128x128xf32>
    %add3A_1253 = arith.addf %mul3A_1248, %add3A_1252 : vector<128x128xf32>
    %swap3A_1254 = arith.constant 7168 : index
    %swap3A_1255 = arith.constant 0 : index
    %swap3A_1256 = vector.load %arg6[%swap3A_1254, %swap3A_1255] : memref<10000x128xf32, #tpu.memory_space<vmem>>, vector<128x128xf32>
    tpu.vector_store %arg6[%swap3A_1254, %swap3A_1255], %add3A_1253 {strides = array<i32>} : memref<10000x128xf32, #tpu.memory_space<vmem>>, vector<128x128xf32>,
    %get3A_1257 = arith.constant 0 : index
    %get3A_1258 = arith.constant 7296 : index
    %get3A_1259 = arith.constant 0 : index
    %get3A_1260 = vector.load %arg0[%get3A_1257, %get3A_1258, %get3A_1259] : memref<2x10240x128xf32, #tpu.memory_space<vmem>>, vector<1x128x128xf32>
    %get3A_1261 = vector.shape_cast %get3A_1260 : vector<1x128x128xf32> to vector<128x128xf32>
    %get3A_1262 = arith.constant 1 : index
    %get3A_1263 = arith.constant 7296 : index
    %get3A_1264 = arith.constant 0 : index
    %get3A_1265 = vector.load %arg0[%get3A_1262, %get3A_1263, %get3A_1264] : memref<2x10240x128xf32, #tpu.memory_space<vmem>>, vector<1x128x128xf32>
    %get3A_1266 = vector.shape_cast %get3A_1265 : vector<1x128x128xf32> to vector<128x128xf32>
    %add3A_1267 = arith.addf %get3A_1261, %get3A_1266 : vector<128x128xf32>
    %slice3A_1268 = vector.extract_strided_slice %transpose3A {offsets = [0, 57], sizes = [128, 1], strides = [1, 1]} : vector<128x80xf32> to vector<128x1xf32>
    %mul3A_1269 = vector.broadcast %slice3A_1268 : vector<128x1xf32> to vector<128x128xf32>
    %mul3A_1270 = arith.mulf %add3A_1267, %mul3A_1269 : vector<128x128xf32>
    %get3A_1271 = arith.constant 0 : index
    %get3A_1272 = arith.constant 0 : index
    %get3A_1273 = vector.load %arg3[%get3A_1271, %get3A_1272] : memref<1x128xf32, #tpu.memory_space<vmem>>, vector<1x128xf32>
    %add3A_1274 = vector.broadcast %get3A_1273 : vector<1x128xf32> to vector<128x128xf32>
    %add3A_1275 = arith.addf %mul3A_1270, %add3A_1274 : vector<128x128xf32>
    %swap3A_1276 = arith.constant 7296 : index
    %swap3A_1277 = arith.constant 0 : index
    %swap3A_1278 = vector.load %arg6[%swap3A_1276, %swap3A_1277] : memref<10000x128xf32, #tpu.memory_space<vmem>>, vector<128x128xf32>
    tpu.vector_store %arg6[%swap3A_1276, %swap3A_1277], %add3A_1275 {strides = array<i32>} : memref<10000x128xf32, #tpu.memory_space<vmem>>, vector<128x128xf32>,
    %get3A_1279 = arith.constant 0 : index
    %get3A_1280 = arith.constant 7424 : index
    %get3A_1281 = arith.constant 0 : index
    %get3A_1282 = vector.load %arg0[%get3A_1279, %get3A_1280, %get3A_1281] : memref<2x10240x128xf32, #tpu.memory_space<vmem>>, vector<1x128x128xf32>
    %get3A_1283 = vector.shape_cast %get3A_1282 : vector<1x128x128xf32> to vector<128x128xf32>
    %get3A_1284 = arith.constant 1 : index
    %get3A_1285 = arith.constant 7424 : index
    %get3A_1286 = arith.constant 0 : index
    %get3A_1287 = vector.load %arg0[%get3A_1284, %get3A_1285, %get3A_1286] : memref<2x10240x128xf32, #tpu.memory_space<vmem>>, vector<1x128x128xf32>
    %get3A_1288 = vector.shape_cast %get3A_1287 : vector<1x128x128xf32> to vector<128x128xf32>
    %add3A_1289 = arith.addf %get3A_1283, %get3A_1288 : vector<128x128xf32>
    %slice3A_1290 = vector.extract_strided_slice %transpose3A {offsets = [0, 58], sizes = [128, 1], strides = [1, 1]} : vector<128x80xf32> to vector<128x1xf32>
    %mul3A_1291 = vector.broadcast %slice3A_1290 : vector<128x1xf32> to vector<128x128xf32>
    %mul3A_1292 = arith.mulf %add3A_1289, %mul3A_1291 : vector<128x128xf32>
    %get3A_1293 = arith.constant 0 : index
    %get3A_1294 = arith.constant 0 : index
    %get3A_1295 = vector.load %arg3[%get3A_1293, %get3A_1294] : memref<1x128xf32, #tpu.memory_space<vmem>>, vector<1x128xf32>
    %add3A_1296 = vector.broadcast %get3A_1295 : vector<1x128xf32> to vector<128x128xf32>
    %add3A_1297 = arith.addf %mul3A_1292, %add3A_1296 : vector<128x128xf32>
    %swap3A_1298 = arith.constant 7424 : index
    %swap3A_1299 = arith.constant 0 : index
    %swap3A_1300 = vector.load %arg6[%swap3A_1298, %swap3A_1299] : memref<10000x128xf32, #tpu.memory_space<vmem>>, vector<128x128xf32>
    tpu.vector_store %arg6[%swap3A_1298, %swap3A_1299], %add3A_1297 {strides = array<i32>} : memref<10000x128xf32, #tpu.memory_space<vmem>>, vector<128x128xf32>,
    %get3A_1301 = arith.constant 0 : index
    %get3A_1302 = arith.constant 7552 : index
    %get3A_1303 = arith.constant 0 : index
    %get3A_1304 = vector.load %arg0[%get3A_1301, %get3A_1302, %get3A_1303] : memref<2x10240x128xf32, #tpu.memory_space<vmem>>, vector<1x128x128xf32>
    %get3A_1305 = vector.shape_cast %get3A_1304 : vector<1x128x128xf32> to vector<128x128xf32>
    %get3A_1306 = arith.constant 1 : index
    %get3A_1307 = arith.constant 7552 : index
    %get3A_1308 = arith.constant 0 : index
    %get3A_1309 = vector.load %arg0[%get3A_1306, %get3A_1307, %get3A_1308] : memref<2x10240x128xf32, #tpu.memory_space<vmem>>, vector<1x128x128xf32>
    %get3A_1310 = vector.shape_cast %get3A_1309 : vector<1x128x128xf32> to vector<128x128xf32>
    %add3A_1311 = arith.addf %get3A_1305, %get3A_1310 : vector<128x128xf32>
    %slice3A_1312 = vector.extract_strided_slice %transpose3A {offsets = [0, 59], sizes = [128, 1], strides = [1, 1]} : vector<128x80xf32> to vector<128x1xf32>
    %mul3A_1313 = vector.broadcast %slice3A_1312 : vector<128x1xf32> to vector<128x128xf32>
    %mul3A_1314 = arith.mulf %add3A_1311, %mul3A_1313 : vector<128x128xf32>
    %get3A_1315 = arith.constant 0 : index
    %get3A_1316 = arith.constant 0 : index
    %get3A_1317 = vector.load %arg3[%get3A_1315, %get3A_1316] : memref<1x128xf32, #tpu.memory_space<vmem>>, vector<1x128xf32>
    %add3A_1318 = vector.broadcast %get3A_1317 : vector<1x128xf32> to vector<128x128xf32>
    %add3A_1319 = arith.addf %mul3A_1314, %add3A_1318 : vector<128x128xf32>
    %swap3A_1320 = arith.constant 7552 : index
    %swap3A_1321 = arith.constant 0 : index
    %swap3A_1322 = vector.load %arg6[%swap3A_1320, %swap3A_1321] : memref<10000x128xf32, #tpu.memory_space<vmem>>, vector<128x128xf32>
    tpu.vector_store %arg6[%swap3A_1320, %swap3A_1321], %add3A_1319 {strides = array<i32>} : memref<10000x128xf32, #tpu.memory_space<vmem>>, vector<128x128xf32>,
    %get3A_1323 = arith.constant 0 : index
    %get3A_1324 = arith.constant 7680 : index
    %get3A_1325 = arith.constant 0 : index
    %get3A_1326 = vector.load %arg0[%get3A_1323, %get3A_1324, %get3A_1325] : memref<2x10240x128xf32, #tpu.memory_space<vmem>>, vector<1x128x128xf32>
    %get3A_1327 = vector.shape_cast %get3A_1326 : vector<1x128x128xf32> to vector<128x128xf32>
    %get3A_1328 = arith.constant 1 : index
    %get3A_1329 = arith.constant 7680 : index
    %get3A_1330 = arith.constant 0 : index
    %get3A_1331 = vector.load %arg0[%get3A_1328, %get3A_1329, %get3A_1330] : memref<2x10240x128xf32, #tpu.memory_space<vmem>>, vector<1x128x128xf32>
    %get3A_1332 = vector.shape_cast %get3A_1331 : vector<1x128x128xf32> to vector<128x128xf32>
    %add3A_1333 = arith.addf %get3A_1327, %get3A_1332 : vector<128x128xf32>
    %slice3A_1334 = vector.extract_strided_slice %transpose3A {offsets = [0, 60], sizes = [128, 1], strides = [1, 1]} : vector<128x80xf32> to vector<128x1xf32>
    %mul3A_1335 = vector.broadcast %slice3A_1334 : vector<128x1xf32> to vector<128x128xf32>
    %mul3A_1336 = arith.mulf %add3A_1333, %mul3A_1335 : vector<128x128xf32>
    %get3A_1337 = arith.constant 0 : index
    %get3A_1338 = arith.constant 0 : index
    %get3A_1339 = vector.load %arg3[%get3A_1337, %get3A_1338] : memref<1x128xf32, #tpu.memory_space<vmem>>, vector<1x128xf32>
    %add3A_1340 = vector.broadcast %get3A_1339 : vector<1x128xf32> to vector<128x128xf32>
    %add3A_1341 = arith.addf %mul3A_1336, %add3A_1340 : vector<128x128xf32>
    %swap3A_1342 = arith.constant 7680 : index
    %swap3A_1343 = arith.constant 0 : index
    %swap3A_1344 = vector.load %arg6[%swap3A_1342, %swap3A_1343] : memref<10000x128xf32, #tpu.memory_space<vmem>>, vector<128x128xf32>
    tpu.vector_store %arg6[%swap3A_1342, %swap3A_1343], %add3A_1341 {strides = array<i32>} : memref<10000x128xf32, #tpu.memory_space<vmem>>, vector<128x128xf32>,
    %get3A_1345 = arith.constant 0 : index
    %get3A_1346 = arith.constant 7808 : index
    %get3A_1347 = arith.constant 0 : index
    %get3A_1348 = vector.load %arg0[%get3A_1345, %get3A_1346, %get3A_1347] : memref<2x10240x128xf32, #tpu.memory_space<vmem>>, vector<1x128x128xf32>
    %get3A_1349 = vector.shape_cast %get3A_1348 : vector<1x128x128xf32> to vector<128x128xf32>
    %get3A_1350 = arith.constant 1 : index
    %get3A_1351 = arith.constant 7808 : index
    %get3A_1352 = arith.constant 0 : index
    %get3A_1353 = vector.load %arg0[%get3A_1350, %get3A_1351, %get3A_1352] : memref<2x10240x128xf32, #tpu.memory_space<vmem>>, vector<1x128x128xf32>
    %get3A_1354 = vector.shape_cast %get3A_1353 : vector<1x128x128xf32> to vector<128x128xf32>
    %add3A_1355 = arith.addf %get3A_1349, %get3A_1354 : vector<128x128xf32>
    %slice3A_1356 = vector.extract_strided_slice %transpose3A {offsets = [0, 61], sizes = [128, 1], strides = [1, 1]} : vector<128x80xf32> to vector<128x1xf32>
    %mul3A_1357 = vector.broadcast %slice3A_1356 : vector<128x1xf32> to vector<128x128xf32>
    %mul3A_1358 = arith.mulf %add3A_1355, %mul3A_1357 : vector<128x128xf32>
    %get3A_1359 = arith.constant 0 : index
    %get3A_1360 = arith.constant 0 : index
    %get3A_1361 = vector.load %arg3[%get3A_1359, %get3A_1360] : memref<1x128xf32, #tpu.memory_space<vmem>>, vector<1x128xf32>
    %add3A_1362 = vector.broadcast %get3A_1361 : vector<1x128xf32> to vector<128x128xf32>
    %add3A_1363 = arith.addf %mul3A_1358, %add3A_1362 : vector<128x128xf32>
    %swap3A_1364 = arith.constant 7808 : index
    %swap3A_1365 = arith.constant 0 : index
    %swap3A_1366 = vector.load %arg6[%swap3A_1364, %swap3A_1365] : memref<10000x128xf32, #tpu.memory_space<vmem>>, vector<128x128xf32>
    tpu.vector_store %arg6[%swap3A_1364, %swap3A_1365], %add3A_1363 {strides = array<i32>} : memref<10000x128xf32, #tpu.memory_space<vmem>>, vector<128x128xf32>,
    %get3A_1367 = arith.constant 0 : index
    %get3A_1368 = arith.constant 7936 : index
    %get3A_1369 = arith.constant 0 : index
    %get3A_1370 = vector.load %arg0[%get3A_1367, %get3A_1368, %get3A_1369] : memref<2x10240x128xf32, #tpu.memory_space<vmem>>, vector<1x128x128xf32>
    %get3A_1371 = vector.shape_cast %get3A_1370 : vector<1x128x128xf32> to vector<128x128xf32>
    %get3A_1372 = arith.constant 1 : index
    %get3A_1373 = arith.constant 7936 : index
    %get3A_1374 = arith.constant 0 : index
    %get3A_1375 = vector.load %arg0[%get3A_1372, %get3A_1373, %get3A_1374] : memref<2x10240x128xf32, #tpu.memory_space<vmem>>, vector<1x128x128xf32>
    %get3A_1376 = vector.shape_cast %get3A_1375 : vector<1x128x128xf32> to vector<128x128xf32>
    %add3A_1377 = arith.addf %get3A_1371, %get3A_1376 : vector<128x128xf32>
    %slice3A_1378 = vector.extract_strided_slice %transpose3A {offsets = [0, 62], sizes = [128, 1], strides = [1, 1]} : vector<128x80xf32> to vector<128x1xf32>
    %mul3A_1379 = vector.broadcast %slice3A_1378 : vector<128x1xf32> to vector<128x128xf32>
    %mul3A_1380 = arith.mulf %add3A_1377, %mul3A_1379 : vector<128x128xf32>
    %get3A_1381 = arith.constant 0 : index
    %get3A_1382 = arith.constant 0 : index
    %get3A_1383 = vector.load %arg3[%get3A_1381, %get3A_1382] : memref<1x128xf32, #tpu.memory_space<vmem>>, vector<1x128xf32>
    %add3A_1384 = vector.broadcast %get3A_1383 : vector<1x128xf32> to vector<128x128xf32>
    %add3A_1385 = arith.addf %mul3A_1380, %add3A_1384 : vector<128x128xf32>
    %swap3A_1386 = arith.constant 7936 : index
    %swap3A_1387 = arith.constant 0 : index
    %swap3A_1388 = vector.load %arg6[%swap3A_1386, %swap3A_1387] : memref<10000x128xf32, #tpu.memory_space<vmem>>, vector<128x128xf32>
    tpu.vector_store %arg6[%swap3A_1386, %swap3A_1387], %add3A_1385 {strides = array<i32>} : memref<10000x128xf32, #tpu.memory_space<vmem>>, vector<128x128xf32>,
    %get3A_1389 = arith.constant 0 : index
    %get3A_1390 = arith.constant 8064 : index
    %get3A_1391 = arith.constant 0 : index
    %get3A_1392 = vector.load %arg0[%get3A_1389, %get3A_1390, %get3A_1391] : memref<2x10240x128xf32, #tpu.memory_space<vmem>>, vector<1x128x128xf32>
    %get3A_1393 = vector.shape_cast %get3A_1392 : vector<1x128x128xf32> to vector<128x128xf32>
    %get3A_1394 = arith.constant 1 : index
    %get3A_1395 = arith.constant 8064 : index
    %get3A_1396 = arith.constant 0 : index
    %get3A_1397 = vector.load %arg0[%get3A_1394, %get3A_1395, %get3A_1396] : memref<2x10240x128xf32, #tpu.memory_space<vmem>>, vector<1x128x128xf32>
    %get3A_1398 = vector.shape_cast %get3A_1397 : vector<1x128x128xf32> to vector<128x128xf32>
    %add3A_1399 = arith.addf %get3A_1393, %get3A_1398 : vector<128x128xf32>
    %slice3A_1400 = vector.extract_strided_slice %transpose3A {offsets = [0, 63], sizes = [128, 1], strides = [1, 1]} : vector<128x80xf32> to vector<128x1xf32>
    %mul3A_1401 = vector.broadcast %slice3A_1400 : vector<128x1xf32> to vector<128x128xf32>
    %mul3A_1402 = arith.mulf %add3A_1399, %mul3A_1401 : vector<128x128xf32>
    %get3A_1403 = arith.constant 0 : index
    %get3A_1404 = arith.constant 0 : index
    %get3A_1405 = vector.load %arg3[%get3A_1403, %get3A_1404] : memref<1x128xf32, #tpu.memory_space<vmem>>, vector<1x128xf32>
    %add3A_1406 = vector.broadcast %get3A_1405 : vector<1x128xf32> to vector<128x128xf32>
    %add3A_1407 = arith.addf %mul3A_1402, %add3A_1406 : vector<128x128xf32>
    %swap3A_1408 = arith.constant 8064 : index
    %swap3A_1409 = arith.constant 0 : index
    %swap3A_1410 = vector.load %arg6[%swap3A_1408, %swap3A_1409] : memref<10000x128xf32, #tpu.memory_space<vmem>>, vector<128x128xf32>
    tpu.vector_store %arg6[%swap3A_1408, %swap3A_1409], %add3A_1407 {strides = array<i32>} : memref<10000x128xf32, #tpu.memory_space<vmem>>, vector<128x128xf32>,
    %get3A_1411 = arith.constant 0 : index
    %get3A_1412 = arith.constant 8192 : index
    %get3A_1413 = arith.constant 0 : index
    %get3A_1414 = vector.load %arg0[%get3A_1411, %get3A_1412, %get3A_1413] : memref<2x10240x128xf32, #tpu.memory_space<vmem>>, vector<1x128x128xf32>
    %get3A_1415 = vector.shape_cast %get3A_1414 : vector<1x128x128xf32> to vector<128x128xf32>
    %get3A_1416 = arith.constant 1 : index
    %get3A_1417 = arith.constant 8192 : index
    %get3A_1418 = arith.constant 0 : index
    %get3A_1419 = vector.load %arg0[%get3A_1416, %get3A_1417, %get3A_1418] : memref<2x10240x128xf32, #tpu.memory_space<vmem>>, vector<1x128x128xf32>
    %get3A_1420 = vector.shape_cast %get3A_1419 : vector<1x128x128xf32> to vector<128x128xf32>
    %add3A_1421 = arith.addf %get3A_1415, %get3A_1420 : vector<128x128xf32>
    %slice3A_1422 = vector.extract_strided_slice %transpose3A {offsets = [0, 64], sizes = [128, 1], strides = [1, 1]} : vector<128x80xf32> to vector<128x1xf32>
    %mul3A_1423 = vector.broadcast %slice3A_1422 : vector<128x1xf32> to vector<128x128xf32>
    %mul3A_1424 = arith.mulf %add3A_1421, %mul3A_1423 : vector<128x128xf32>
    %get3A_1425 = arith.constant 0 : index
    %get3A_1426 = arith.constant 0 : index
    %get3A_1427 = vector.load %arg3[%get3A_1425, %get3A_1426] : memref<1x128xf32, #tpu.memory_space<vmem>>, vector<1x128xf32>
    %add3A_1428 = vector.broadcast %get3A_1427 : vector<1x128xf32> to vector<128x128xf32>
    %add3A_1429 = arith.addf %mul3A_1424, %add3A_1428 : vector<128x128xf32>
    %swap3A_1430 = arith.constant 8192 : index
    %swap3A_1431 = arith.constant 0 : index
    %swap3A_1432 = vector.load %arg6[%swap3A_1430, %swap3A_1431] : memref<10000x128xf32, #tpu.memory_space<vmem>>, vector<128x128xf32>
    tpu.vector_store %arg6[%swap3A_1430, %swap3A_1431], %add3A_1429 {strides = array<i32>} : memref<10000x128xf32, #tpu.memory_space<vmem>>, vector<128x128xf32>,
    %get3A_1433 = arith.constant 0 : index
    %get3A_1434 = arith.constant 8320 : index
    %get3A_1435 = arith.constant 0 : index
    %get3A_1436 = vector.load %arg0[%get3A_1433, %get3A_1434, %get3A_1435] : memref<2x10240x128xf32, #tpu.memory_space<vmem>>, vector<1x128x128xf32>
    %get3A_1437 = vector.shape_cast %get3A_1436 : vector<1x128x128xf32> to vector<128x128xf32>
    %get3A_1438 = arith.constant 1 : index
    %get3A_1439 = arith.constant 8320 : index
    %get3A_1440 = arith.constant 0 : index
    %get3A_1441 = vector.load %arg0[%get3A_1438, %get3A_1439, %get3A_1440] : memref<2x10240x128xf32, #tpu.memory_space<vmem>>, vector<1x128x128xf32>
    %get3A_1442 = vector.shape_cast %get3A_1441 : vector<1x128x128xf32> to vector<128x128xf32>
    %add3A_1443 = arith.addf %get3A_1437, %get3A_1442 : vector<128x128xf32>
    %slice3A_1444 = vector.extract_strided_slice %transpose3A {offsets = [0, 65], sizes = [128, 1], strides = [1, 1]} : vector<128x80xf32> to vector<128x1xf32>
    %mul3A_1445 = vector.broadcast %slice3A_1444 : vector<128x1xf32> to vector<128x128xf32>
    %mul3A_1446 = arith.mulf %add3A_1443, %mul3A_1445 : vector<128x128xf32>
    %get3A_1447 = arith.constant 0 : index
    %get3A_1448 = arith.constant 0 : index
    %get3A_1449 = vector.load %arg3[%get3A_1447, %get3A_1448] : memref<1x128xf32, #tpu.memory_space<vmem>>, vector<1x128xf32>
    %add3A_1450 = vector.broadcast %get3A_1449 : vector<1x128xf32> to vector<128x128xf32>
    %add3A_1451 = arith.addf %mul3A_1446, %add3A_1450 : vector<128x128xf32>
    %swap3A_1452 = arith.constant 8320 : index
    %swap3A_1453 = arith.constant 0 : index
    %swap3A_1454 = vector.load %arg6[%swap3A_1452, %swap3A_1453] : memref<10000x128xf32, #tpu.memory_space<vmem>>, vector<128x128xf32>
    tpu.vector_store %arg6[%swap3A_1452, %swap3A_1453], %add3A_1451 {strides = array<i32>} : memref<10000x128xf32, #tpu.memory_space<vmem>>, vector<128x128xf32>,
    %get3A_1455 = arith.constant 0 : index
    %get3A_1456 = arith.constant 8448 : index
    %get3A_1457 = arith.constant 0 : index
    %get3A_1458 = vector.load %arg0[%get3A_1455, %get3A_1456, %get3A_1457] : memref<2x10240x128xf32, #tpu.memory_space<vmem>>, vector<1x128x128xf32>
    %get3A_1459 = vector.shape_cast %get3A_1458 : vector<1x128x128xf32> to vector<128x128xf32>
    %get3A_1460 = arith.constant 1 : index
    %get3A_1461 = arith.constant 8448 : index
    %get3A_1462 = arith.constant 0 : index
    %get3A_1463 = vector.load %arg0[%get3A_1460, %get3A_1461, %get3A_1462] : memref<2x10240x128xf32, #tpu.memory_space<vmem>>, vector<1x128x128xf32>
    %get3A_1464 = vector.shape_cast %get3A_1463 : vector<1x128x128xf32> to vector<128x128xf32>
    %add3A_1465 = arith.addf %get3A_1459, %get3A_1464 : vector<128x128xf32>
    %slice3A_1466 = vector.extract_strided_slice %transpose3A {offsets = [0, 66], sizes = [128, 1], strides = [1, 1]} : vector<128x80xf32> to vector<128x1xf32>
    %mul3A_1467 = vector.broadcast %slice3A_1466 : vector<128x1xf32> to vector<128x128xf32>
    %mul3A_1468 = arith.mulf %add3A_1465, %mul3A_1467 : vector<128x128xf32>
    %get3A_1469 = arith.constant 0 : index
    %get3A_1470 = arith.constant 0 : index
    %get3A_1471 = vector.load %arg3[%get3A_1469, %get3A_1470] : memref<1x128xf32, #tpu.memory_space<vmem>>, vector<1x128xf32>
    %add3A_1472 = vector.broadcast %get3A_1471 : vector<1x128xf32> to vector<128x128xf32>
    %add3A_1473 = arith.addf %mul3A_1468, %add3A_1472 : vector<128x128xf32>
    %swap3A_1474 = arith.constant 8448 : index
    %swap3A_1475 = arith.constant 0 : index
    %swap3A_1476 = vector.load %arg6[%swap3A_1474, %swap3A_1475] : memref<10000x128xf32, #tpu.memory_space<vmem>>, vector<128x128xf32>
    tpu.vector_store %arg6[%swap3A_1474, %swap3A_1475], %add3A_1473 {strides = array<i32>} : memref<10000x128xf32, #tpu.memory_space<vmem>>, vector<128x128xf32>,
    %get3A_1477 = arith.constant 0 : index
    %get3A_1478 = arith.constant 8576 : index
    %get3A_1479 = arith.constant 0 : index
    %get3A_1480 = vector.load %arg0[%get3A_1477, %get3A_1478, %get3A_1479] : memref<2x10240x128xf32, #tpu.memory_space<vmem>>, vector<1x128x128xf32>
    %get3A_1481 = vector.shape_cast %get3A_1480 : vector<1x128x128xf32> to vector<128x128xf32>
    %get3A_1482 = arith.constant 1 : index
    %get3A_1483 = arith.constant 8576 : index
    %get3A_1484 = arith.constant 0 : index
    %get3A_1485 = vector.load %arg0[%get3A_1482, %get3A_1483, %get3A_1484] : memref<2x10240x128xf32, #tpu.memory_space<vmem>>, vector<1x128x128xf32>
    %get3A_1486 = vector.shape_cast %get3A_1485 : vector<1x128x128xf32> to vector<128x128xf32>
    %add3A_1487 = arith.addf %get3A_1481, %get3A_1486 : vector<128x128xf32>
    %slice3A_1488 = vector.extract_strided_slice %transpose3A {offsets = [0, 67], sizes = [128, 1], strides = [1, 1]} : vector<128x80xf32> to vector<128x1xf32>
    %mul3A_1489 = vector.broadcast %slice3A_1488 : vector<128x1xf32> to vector<128x128xf32>
    %mul3A_1490 = arith.mulf %add3A_1487, %mul3A_1489 : vector<128x128xf32>
    %get3A_1491 = arith.constant 0 : index
    %get3A_1492 = arith.constant 0 : index
    %get3A_1493 = vector.load %arg3[%get3A_1491, %get3A_1492] : memref<1x128xf32, #tpu.memory_space<vmem>>, vector<1x128xf32>
    %add3A_1494 = vector.broadcast %get3A_1493 : vector<1x128xf32> to vector<128x128xf32>
    %add3A_1495 = arith.addf %mul3A_1490, %add3A_1494 : vector<128x128xf32>
    %swap3A_1496 = arith.constant 8576 : index
    %swap3A_1497 = arith.constant 0 : index
    %swap3A_1498 = vector.load %arg6[%swap3A_1496, %swap3A_1497] : memref<10000x128xf32, #tpu.memory_space<vmem>>, vector<128x128xf32>
    tpu.vector_store %arg6[%swap3A_1496, %swap3A_1497], %add3A_1495 {strides = array<i32>} : memref<10000x128xf32, #tpu.memory_space<vmem>>, vector<128x128xf32>,
    %get3A_1499 = arith.constant 0 : index
    %get3A_1500 = arith.constant 8704 : index
    %get3A_1501 = arith.constant 0 : index
    %get3A_1502 = vector.load %arg0[%get3A_1499, %get3A_1500, %get3A_1501] : memref<2x10240x128xf32, #tpu.memory_space<vmem>>, vector<1x128x128xf32>
    %get3A_1503 = vector.shape_cast %get3A_1502 : vector<1x128x128xf32> to vector<128x128xf32>
    %get3A_1504 = arith.constant 1 : index
    %get3A_1505 = arith.constant 8704 : index
    %get3A_1506 = arith.constant 0 : index
    %get3A_1507 = vector.load %arg0[%get3A_1504, %get3A_1505, %get3A_1506] : memref<2x10240x128xf32, #tpu.memory_space<vmem>>, vector<1x128x128xf32>
    %get3A_1508 = vector.shape_cast %get3A_1507 : vector<1x128x128xf32> to vector<128x128xf32>
    %add3A_1509 = arith.addf %get3A_1503, %get3A_1508 : vector<128x128xf32>
    %slice3A_1510 = vector.extract_strided_slice %transpose3A {offsets = [0, 68], sizes = [128, 1], strides = [1, 1]} : vector<128x80xf32> to vector<128x1xf32>
    %mul3A_1511 = vector.broadcast %slice3A_1510 : vector<128x1xf32> to vector<128x128xf32>
    %mul3A_1512 = arith.mulf %add3A_1509, %mul3A_1511 : vector<128x128xf32>
    %get3A_1513 = arith.constant 0 : index
    %get3A_1514 = arith.constant 0 : index
    %get3A_1515 = vector.load %arg3[%get3A_1513, %get3A_1514] : memref<1x128xf32, #tpu.memory_space<vmem>>, vector<1x128xf32>
    %add3A_1516 = vector.broadcast %get3A_1515 : vector<1x128xf32> to vector<128x128xf32>
    %add3A_1517 = arith.addf %mul3A_1512, %add3A_1516 : vector<128x128xf32>
    %swap3A_1518 = arith.constant 8704 : index
    %swap3A_1519 = arith.constant 0 : index
    %swap3A_1520 = vector.load %arg6[%swap3A_1518, %swap3A_1519] : memref<10000x128xf32, #tpu.memory_space<vmem>>, vector<128x128xf32>
    tpu.vector_store %arg6[%swap3A_1518, %swap3A_1519], %add3A_1517 {strides = array<i32>} : memref<10000x128xf32, #tpu.memory_space<vmem>>, vector<128x128xf32>,
    %get3A_1521 = arith.constant 0 : index
    %get3A_1522 = arith.constant 8832 : index
    %get3A_1523 = arith.constant 0 : index
    %get3A_1524 = vector.load %arg0[%get3A_1521, %get3A_1522, %get3A_1523] : memref<2x10240x128xf32, #tpu.memory_space<vmem>>, vector<1x128x128xf32>
    %get3A_1525 = vector.shape_cast %get3A_1524 : vector<1x128x128xf32> to vector<128x128xf32>
    %get3A_1526 = arith.constant 1 : index
    %get3A_1527 = arith.constant 8832 : index
    %get3A_1528 = arith.constant 0 : index
    %get3A_1529 = vector.load %arg0[%get3A_1526, %get3A_1527, %get3A_1528] : memref<2x10240x128xf32, #tpu.memory_space<vmem>>, vector<1x128x128xf32>
    %get3A_1530 = vector.shape_cast %get3A_1529 : vector<1x128x128xf32> to vector<128x128xf32>
    %add3A_1531 = arith.addf %get3A_1525, %get3A_1530 : vector<128x128xf32>
    %slice3A_1532 = vector.extract_strided_slice %transpose3A {offsets = [0, 69], sizes = [128, 1], strides = [1, 1]} : vector<128x80xf32> to vector<128x1xf32>
    %mul3A_1533 = vector.broadcast %slice3A_1532 : vector<128x1xf32> to vector<128x128xf32>
    %mul3A_1534 = arith.mulf %add3A_1531, %mul3A_1533 : vector<128x128xf32>
    %get3A_1535 = arith.constant 0 : index
    %get3A_1536 = arith.constant 0 : index
    %get3A_1537 = vector.load %arg3[%get3A_1535, %get3A_1536] : memref<1x128xf32, #tpu.memory_space<vmem>>, vector<1x128xf32>
    %add3A_1538 = vector.broadcast %get3A_1537 : vector<1x128xf32> to vector<128x128xf32>
    %add3A_1539 = arith.addf %mul3A_1534, %add3A_1538 : vector<128x128xf32>
    %swap3A_1540 = arith.constant 8832 : index
    %swap3A_1541 = arith.constant 0 : index
    %swap3A_1542 = vector.load %arg6[%swap3A_1540, %swap3A_1541] : memref<10000x128xf32, #tpu.memory_space<vmem>>, vector<128x128xf32>
    tpu.vector_store %arg6[%swap3A_1540, %swap3A_1541], %add3A_1539 {strides = array<i32>} : memref<10000x128xf32, #tpu.memory_space<vmem>>, vector<128x128xf32>,
    %get3A_1543 = arith.constant 0 : index
    %get3A_1544 = arith.constant 8960 : index
    %get3A_1545 = arith.constant 0 : index
    %get3A_1546 = vector.load %arg0[%get3A_1543, %get3A_1544, %get3A_1545] : memref<2x10240x128xf32, #tpu.memory_space<vmem>>, vector<1x128x128xf32>
    %get3A_1547 = vector.shape_cast %get3A_1546 : vector<1x128x128xf32> to vector<128x128xf32>
    %get3A_1548 = arith.constant 1 : index
    %get3A_1549 = arith.constant 8960 : index
    %get3A_1550 = arith.constant 0 : index
    %get3A_1551 = vector.load %arg0[%get3A_1548, %get3A_1549, %get3A_1550] : memref<2x10240x128xf32, #tpu.memory_space<vmem>>, vector<1x128x128xf32>
    %get3A_1552 = vector.shape_cast %get3A_1551 : vector<1x128x128xf32> to vector<128x128xf32>
    %add3A_1553 = arith.addf %get3A_1547, %get3A_1552 : vector<128x128xf32>
    %slice3A_1554 = vector.extract_strided_slice %transpose3A {offsets = [0, 70], sizes = [128, 1], strides = [1, 1]} : vector<128x80xf32> to vector<128x1xf32>
    %mul3A_1555 = vector.broadcast %slice3A_1554 : vector<128x1xf32> to vector<128x128xf32>
    %mul3A_1556 = arith.mulf %add3A_1553, %mul3A_1555 : vector<128x128xf32>
    %get3A_1557 = arith.constant 0 : index
    %get3A_1558 = arith.constant 0 : index
    %get3A_1559 = vector.load %arg3[%get3A_1557, %get3A_1558] : memref<1x128xf32, #tpu.memory_space<vmem>>, vector<1x128xf32>
    %add3A_1560 = vector.broadcast %get3A_1559 : vector<1x128xf32> to vector<128x128xf32>
    %add3A_1561 = arith.addf %mul3A_1556, %add3A_1560 : vector<128x128xf32>
    %swap3A_1562 = arith.constant 8960 : index
    %swap3A_1563 = arith.constant 0 : index
    %swap3A_1564 = vector.load %arg6[%swap3A_1562, %swap3A_1563] : memref<10000x128xf32, #tpu.memory_space<vmem>>, vector<128x128xf32>
    tpu.vector_store %arg6[%swap3A_1562, %swap3A_1563], %add3A_1561 {strides = array<i32>} : memref<10000x128xf32, #tpu.memory_space<vmem>>, vector<128x128xf32>,
    %get3A_1565 = arith.constant 0 : index
    %get3A_1566 = arith.constant 9088 : index
    %get3A_1567 = arith.constant 0 : index
    %get3A_1568 = vector.load %arg0[%get3A_1565, %get3A_1566, %get3A_1567] : memref<2x10240x128xf32, #tpu.memory_space<vmem>>, vector<1x128x128xf32>
    %get3A_1569 = vector.shape_cast %get3A_1568 : vector<1x128x128xf32> to vector<128x128xf32>
    %get3A_1570 = arith.constant 1 : index
    %get3A_1571 = arith.constant 9088 : index
    %get3A_1572 = arith.constant 0 : index
    %get3A_1573 = vector.load %arg0[%get3A_1570, %get3A_1571, %get3A_1572] : memref<2x10240x128xf32, #tpu.memory_space<vmem>>, vector<1x128x128xf32>
    %get3A_1574 = vector.shape_cast %get3A_1573 : vector<1x128x128xf32> to vector<128x128xf32>
    %add3A_1575 = arith.addf %get3A_1569, %get3A_1574 : vector<128x128xf32>
    %slice3A_1576 = vector.extract_strided_slice %transpose3A {offsets = [0, 71], sizes = [128, 1], strides = [1, 1]} : vector<128x80xf32> to vector<128x1xf32>
    %mul3A_1577 = vector.broadcast %slice3A_1576 : vector<128x1xf32> to vector<128x128xf32>
    %mul3A_1578 = arith.mulf %add3A_1575, %mul3A_1577 : vector<128x128xf32>
    %get3A_1579 = arith.constant 0 : index
    %get3A_1580 = arith.constant 0 : index
    %get3A_1581 = vector.load %arg3[%get3A_1579, %get3A_1580] : memref<1x128xf32, #tpu.memory_space<vmem>>, vector<1x128xf32>
    %add3A_1582 = vector.broadcast %get3A_1581 : vector<1x128xf32> to vector<128x128xf32>
    %add3A_1583 = arith.addf %mul3A_1578, %add3A_1582 : vector<128x128xf32>
    %swap3A_1584 = arith.constant 9088 : index
    %swap3A_1585 = arith.constant 0 : index
    %swap3A_1586 = vector.load %arg6[%swap3A_1584, %swap3A_1585] : memref<10000x128xf32, #tpu.memory_space<vmem>>, vector<128x128xf32>
    tpu.vector_store %arg6[%swap3A_1584, %swap3A_1585], %add3A_1583 {strides = array<i32>} : memref<10000x128xf32, #tpu.memory_space<vmem>>, vector<128x128xf32>,
    %get3A_1587 = arith.constant 0 : index
    %get3A_1588 = arith.constant 9216 : index
    %get3A_1589 = arith.constant 0 : index
    %get3A_1590 = vector.load %arg0[%get3A_1587, %get3A_1588, %get3A_1589] : memref<2x10240x128xf32, #tpu.memory_space<vmem>>, vector<1x128x128xf32>
    %get3A_1591 = vector.shape_cast %get3A_1590 : vector<1x128x128xf32> to vector<128x128xf32>
    %get3A_1592 = arith.constant 1 : index
    %get3A_1593 = arith.constant 9216 : index
    %get3A_1594 = arith.constant 0 : index
    %get3A_1595 = vector.load %arg0[%get3A_1592, %get3A_1593, %get3A_1594] : memref<2x10240x128xf32, #tpu.memory_space<vmem>>, vector<1x128x128xf32>
    %get3A_1596 = vector.shape_cast %get3A_1595 : vector<1x128x128xf32> to vector<128x128xf32>
    %add3A_1597 = arith.addf %get3A_1591, %get3A_1596 : vector<128x128xf32>
    %slice3A_1598 = vector.extract_strided_slice %transpose3A {offsets = [0, 72], sizes = [128, 1], strides = [1, 1]} : vector<128x80xf32> to vector<128x1xf32>
    %mul3A_1599 = vector.broadcast %slice3A_1598 : vector<128x1xf32> to vector<128x128xf32>
    %mul3A_1600 = arith.mulf %add3A_1597, %mul3A_1599 : vector<128x128xf32>
    %get3A_1601 = arith.constant 0 : index
    %get3A_1602 = arith.constant 0 : index
    %get3A_1603 = vector.load %arg3[%get3A_1601, %get3A_1602] : memref<1x128xf32, #tpu.memory_space<vmem>>, vector<1x128xf32>
    %add3A_1604 = vector.broadcast %get3A_1603 : vector<1x128xf32> to vector<128x128xf32>
    %add3A_1605 = arith.addf %mul3A_1600, %add3A_1604 : vector<128x128xf32>
    %swap3A_1606 = arith.constant 9216 : index
    %swap3A_1607 = arith.constant 0 : index
    %swap3A_1608 = vector.load %arg6[%swap3A_1606, %swap3A_1607] : memref<10000x128xf32, #tpu.memory_space<vmem>>, vector<128x128xf32>
    tpu.vector_store %arg6[%swap3A_1606, %swap3A_1607], %add3A_1605 {strides = array<i32>} : memref<10000x128xf32, #tpu.memory_space<vmem>>, vector<128x128xf32>,
    %get3A_1609 = arith.constant 0 : index
    %get3A_1610 = arith.constant 9344 : index
    %get3A_1611 = arith.constant 0 : index
    %get3A_1612 = vector.load %arg0[%get3A_1609, %get3A_1610, %get3A_1611] : memref<2x10240x128xf32, #tpu.memory_space<vmem>>, vector<1x128x128xf32>
    %get3A_1613 = vector.shape_cast %get3A_1612 : vector<1x128x128xf32> to vector<128x128xf32>
    %get3A_1614 = arith.constant 1 : index
    %get3A_1615 = arith.constant 9344 : index
    %get3A_1616 = arith.constant 0 : index
    %get3A_1617 = vector.load %arg0[%get3A_1614, %get3A_1615, %get3A_1616] : memref<2x10240x128xf32, #tpu.memory_space<vmem>>, vector<1x128x128xf32>
    %get3A_1618 = vector.shape_cast %get3A_1617 : vector<1x128x128xf32> to vector<128x128xf32>
    %add3A_1619 = arith.addf %get3A_1613, %get3A_1618 : vector<128x128xf32>
    %slice3A_1620 = vector.extract_strided_slice %transpose3A {offsets = [0, 73], sizes = [128, 1], strides = [1, 1]} : vector<128x80xf32> to vector<128x1xf32>
    %mul3A_1621 = vector.broadcast %slice3A_1620 : vector<128x1xf32> to vector<128x128xf32>
    %mul3A_1622 = arith.mulf %add3A_1619, %mul3A_1621 : vector<128x128xf32>
    %get3A_1623 = arith.constant 0 : index
    %get3A_1624 = arith.constant 0 : index
    %get3A_1625 = vector.load %arg3[%get3A_1623, %get3A_1624] : memref<1x128xf32, #tpu.memory_space<vmem>>, vector<1x128xf32>
    %add3A_1626 = vector.broadcast %get3A_1625 : vector<1x128xf32> to vector<128x128xf32>
    %add3A_1627 = arith.addf %mul3A_1622, %add3A_1626 : vector<128x128xf32>
    %swap3A_1628 = arith.constant 9344 : index
    %swap3A_1629 = arith.constant 0 : index
    %swap3A_1630 = vector.load %arg6[%swap3A_1628, %swap3A_1629] : memref<10000x128xf32, #tpu.memory_space<vmem>>, vector<128x128xf32>
    tpu.vector_store %arg6[%swap3A_1628, %swap3A_1629], %add3A_1627 {strides = array<i32>} : memref<10000x128xf32, #tpu.memory_space<vmem>>, vector<128x128xf32>,
    %get3A_1631 = arith.constant 0 : index
    %get3A_1632 = arith.constant 9472 : index
    %get3A_1633 = arith.constant 0 : index
    %get3A_1634 = vector.load %arg0[%get3A_1631, %get3A_1632, %get3A_1633] : memref<2x10240x128xf32, #tpu.memory_space<vmem>>, vector<1x128x128xf32>
    %get3A_1635 = vector.shape_cast %get3A_1634 : vector<1x128x128xf32> to vector<128x128xf32>
    %get3A_1636 = arith.constant 1 : index
    %get3A_1637 = arith.constant 9472 : index
    %get3A_1638 = arith.constant 0 : index
    %get3A_1639 = vector.load %arg0[%get3A_1636, %get3A_1637, %get3A_1638] : memref<2x10240x128xf32, #tpu.memory_space<vmem>>, vector<1x128x128xf32>
    %get3A_1640 = vector.shape_cast %get3A_1639 : vector<1x128x128xf32> to vector<128x128xf32>
    %add3A_1641 = arith.addf %get3A_1635, %get3A_1640 : vector<128x128xf32>
    %slice3A_1642 = vector.extract_strided_slice %transpose3A {offsets = [0, 74], sizes = [128, 1], strides = [1, 1]} : vector<128x80xf32> to vector<128x1xf32>
    %mul3A_1643 = vector.broadcast %slice3A_1642 : vector<128x1xf32> to vector<128x128xf32>
    %mul3A_1644 = arith.mulf %add3A_1641, %mul3A_1643 : vector<128x128xf32>
    %get3A_1645 = arith.constant 0 : index
    %get3A_1646 = arith.constant 0 : index
    %get3A_1647 = vector.load %arg3[%get3A_1645, %get3A_1646] : memref<1x128xf32, #tpu.memory_space<vmem>>, vector<1x128xf32>
    %add3A_1648 = vector.broadcast %get3A_1647 : vector<1x128xf32> to vector<128x128xf32>
    %add3A_1649 = arith.addf %mul3A_1644, %add3A_1648 : vector<128x128xf32>
    %swap3A_1650 = arith.constant 9472 : index
    %swap3A_1651 = arith.constant 0 : index
    %swap3A_1652 = vector.load %arg6[%swap3A_1650, %swap3A_1651] : memref<10000x128xf32, #tpu.memory_space<vmem>>, vector<128x128xf32>
    tpu.vector_store %arg6[%swap3A_1650, %swap3A_1651], %add3A_1649 {strides = array<i32>} : memref<10000x128xf32, #tpu.memory_space<vmem>>, vector<128x128xf32>,
    %get3A_1653 = arith.constant 0 : index
    %get3A_1654 = arith.constant 9600 : index
    %get3A_1655 = arith.constant 0 : index
    %get3A_1656 = vector.load %arg0[%get3A_1653, %get3A_1654, %get3A_1655] : memref<2x10240x128xf32, #tpu.memory_space<vmem>>, vector<1x128x128xf32>
    %get3A_1657 = vector.shape_cast %get3A_1656 : vector<1x128x128xf32> to vector<128x128xf32>
    %get3A_1658 = arith.constant 1 : index
    %get3A_1659 = arith.constant 9600 : index
    %get3A_1660 = arith.constant 0 : index
    %get3A_1661 = vector.load %arg0[%get3A_1658, %get3A_1659, %get3A_1660] : memref<2x10240x128xf32, #tpu.memory_space<vmem>>, vector<1x128x128xf32>
    %get3A_1662 = vector.shape_cast %get3A_1661 : vector<1x128x128xf32> to vector<128x128xf32>
    %add3A_1663 = arith.addf %get3A_1657, %get3A_1662 : vector<128x128xf32>
    %slice3A_1664 = vector.extract_strided_slice %transpose3A {offsets = [0, 75], sizes = [128, 1], strides = [1, 1]} : vector<128x80xf32> to vector<128x1xf32>
    %mul3A_1665 = vector.broadcast %slice3A_1664 : vector<128x1xf32> to vector<128x128xf32>
    %mul3A_1666 = arith.mulf %add3A_1663, %mul3A_1665 : vector<128x128xf32>
    %get3A_1667 = arith.constant 0 : index
    %get3A_1668 = arith.constant 0 : index
    %get3A_1669 = vector.load %arg3[%get3A_1667, %get3A_1668] : memref<1x128xf32, #tpu.memory_space<vmem>>, vector<1x128xf32>
    %add3A_1670 = vector.broadcast %get3A_1669 : vector<1x128xf32> to vector<128x128xf32>
    %add3A_1671 = arith.addf %mul3A_1666, %add3A_1670 : vector<128x128xf32>
    %swap3A_1672 = arith.constant 9600 : index
    %swap3A_1673 = arith.constant 0 : index
    %swap3A_1674 = vector.load %arg6[%swap3A_1672, %swap3A_1673] : memref<10000x128xf32, #tpu.memory_space<vmem>>, vector<128x128xf32>
    tpu.vector_store %arg6[%swap3A_1672, %swap3A_1673], %add3A_1671 {strides = array<i32>} : memref<10000x128xf32, #tpu.memory_space<vmem>>, vector<128x128xf32>,
    %get3A_1675 = arith.constant 0 : index
    %get3A_1676 = arith.constant 9728 : index
    %get3A_1677 = arith.constant 0 : index
    %get3A_1678 = vector.load %arg0[%get3A_1675, %get3A_1676, %get3A_1677] : memref<2x10240x128xf32, #tpu.memory_space<vmem>>, vector<1x128x128xf32>
    %get3A_1679 = vector.shape_cast %get3A_1678 : vector<1x128x128xf32> to vector<128x128xf32>
    %get3A_1680 = arith.constant 1 : index
    %get3A_1681 = arith.constant 9728 : index
    %get3A_1682 = arith.constant 0 : index
    %get3A_1683 = vector.load %arg0[%get3A_1680, %get3A_1681, %get3A_1682] : memref<2x10240x128xf32, #tpu.memory_space<vmem>>, vector<1x128x128xf32>
    %get3A_1684 = vector.shape_cast %get3A_1683 : vector<1x128x128xf32> to vector<128x128xf32>
    %add3A_1685 = arith.addf %get3A_1679, %get3A_1684 : vector<128x128xf32>
    %slice3A_1686 = vector.extract_strided_slice %transpose3A {offsets = [0, 76], sizes = [128, 1], strides = [1, 1]} : vector<128x80xf32> to vector<128x1xf32>
    %mul3A_1687 = vector.broadcast %slice3A_1686 : vector<128x1xf32> to vector<128x128xf32>
    %mul3A_1688 = arith.mulf %add3A_1685, %mul3A_1687 : vector<128x128xf32>
    %get3A_1689 = arith.constant 0 : index
    %get3A_1690 = arith.constant 0 : index
    %get3A_1691 = vector.load %arg3[%get3A_1689, %get3A_1690] : memref<1x128xf32, #tpu.memory_space<vmem>>, vector<1x128xf32>
    %add3A_1692 = vector.broadcast %get3A_1691 : vector<1x128xf32> to vector<128x128xf32>
    %add3A_1693 = arith.addf %mul3A_1688, %add3A_1692 : vector<128x128xf32>
    %swap3A_1694 = arith.constant 9728 : index
    %swap3A_1695 = arith.constant 0 : index
    %swap3A_1696 = vector.load %arg6[%swap3A_1694, %swap3A_1695] : memref<10000x128xf32, #tpu.memory_space<vmem>>, vector<128x128xf32>
    tpu.vector_store %arg6[%swap3A_1694, %swap3A_1695], %add3A_1693 {strides = array<i32>} : memref<10000x128xf32, #tpu.memory_space<vmem>>, vector<128x128xf32>,
    %get3A_1697 = arith.constant 0 : index
    %get3A_1698 = arith.constant 9856 : index
    %get3A_1699 = arith.constant 0 : index
    %get3A_1700 = vector.load %arg0[%get3A_1697, %get3A_1698, %get3A_1699] : memref<2x10240x128xf32, #tpu.memory_space<vmem>>, vector<1x128x128xf32>
    %get3A_1701 = vector.shape_cast %get3A_1700 : vector<1x128x128xf32> to vector<128x128xf32>
    %get3A_1702 = arith.constant 1 : index
    %get3A_1703 = arith.constant 9856 : index
    %get3A_1704 = arith.constant 0 : index
    %get3A_1705 = vector.load %arg0[%get3A_1702, %get3A_1703, %get3A_1704] : memref<2x10240x128xf32, #tpu.memory_space<vmem>>, vector<1x128x128xf32>
    %get3A_1706 = vector.shape_cast %get3A_1705 : vector<1x128x128xf32> to vector<128x128xf32>
    %add3A_1707 = arith.addf %get3A_1701, %get3A_1706 : vector<128x128xf32>
    %slice3A_1708 = vector.extract_strided_slice %transpose3A {offsets = [0, 77], sizes = [128, 1], strides = [1, 1]} : vector<128x80xf32> to vector<128x1xf32>
    %mul3A_1709 = vector.broadcast %slice3A_1708 : vector<128x1xf32> to vector<128x128xf32>
    %mul3A_1710 = arith.mulf %add3A_1707, %mul3A_1709 : vector<128x128xf32>
    %get3A_1711 = arith.constant 0 : index
    %get3A_1712 = arith.constant 0 : index
    %get3A_1713 = vector.load %arg3[%get3A_1711, %get3A_1712] : memref<1x128xf32, #tpu.memory_space<vmem>>, vector<1x128xf32>
    %add3A_1714 = vector.broadcast %get3A_1713 : vector<1x128xf32> to vector<128x128xf32>
    %add3A_1715 = arith.addf %mul3A_1710, %add3A_1714 : vector<128x128xf32>
    %swap3A_1716 = arith.constant 9856 : index
    %swap3A_1717 = arith.constant 0 : index
    %swap3A_1718 = vector.load %arg6[%swap3A_1716, %swap3A_1717] : memref<10000x128xf32, #tpu.memory_space<vmem>>, vector<128x128xf32>
    tpu.vector_store %arg6[%swap3A_1716, %swap3A_1717], %add3A_1715 {strides = array<i32>} : memref<10000x128xf32, #tpu.memory_space<vmem>>, vector<128x128xf32>,
    %get3A_1719 = arith.constant 0 : index
    %get3A_1720 = arith.constant 9984 : index
    %get3A_1721 = arith.constant 0 : index
    %get3A_1722 = vector.load %arg0[%get3A_1719, %get3A_1720, %get3A_1721] : memref<2x10240x128xf32, #tpu.memory_space<vmem>>, vector<1x16x128xf32>
    %get3A_1723 = vector.shape_cast %get3A_1722 : vector<1x16x128xf32> to vector<16x128xf32>
    %get3A_1724 = arith.constant 1 : index
    %get3A_1725 = arith.constant 9984 : index
    %get3A_1726 = arith.constant 0 : index
    %get3A_1727 = vector.load %arg0[%get3A_1724, %get3A_1725, %get3A_1726] : memref<2x10240x128xf32, #tpu.memory_space<vmem>>, vector<1x16x128xf32>
    %get3A_1728 = vector.shape_cast %get3A_1727 : vector<1x16x128xf32> to vector<16x128xf32>
    %add3A_1729 = arith.addf %get3A_1723, %get3A_1728 : vector<16x128xf32>
    %slice3A_1730 = vector.extract_strided_slice %transpose3A {offsets = [0, 78], sizes = [16, 1], strides = [1, 1]} : vector<128x80xf32> to vector<16x1xf32>
    %mul3A_1731 = vector.broadcast %slice3A_1730 : vector<16x1xf32> to vector<16x128xf32>
    %mul3A_1732 = arith.mulf %add3A_1729, %mul3A_1731 : vector<16x128xf32>
    %get3A_1733 = arith.constant 0 : index
    %get3A_1734 = arith.constant 0 : index
    %get3A_1735 = vector.load %arg3[%get3A_1733, %get3A_1734] : memref<1x128xf32, #tpu.memory_space<vmem>>, vector<1x128xf32>
    %add3A_1736 = vector.broadcast %get3A_1735 : vector<1x128xf32> to vector<16x128xf32>
    %add3A_1737 = arith.addf %mul3A_1732, %add3A_1736 : vector<16x128xf32>
    %swap3A_1738 = arith.constant 9984 : index
    %swap3A_1739 = arith.constant 0 : index
    %swap3A_1740 = vector.load %arg6[%swap3A_1738, %swap3A_1739] : memref<10000x128xf32, #tpu.memory_space<vmem>>, vector<16x128xf32>
    tpu.vector_store %arg6[%swap3A_1738, %swap3A_1739], %add3A_1737 {strides = array<i32>} : memref<10000x128xf32, #tpu.memory_space<vmem>>, vector<16x128xf32>,
    %get3A_1741 = arith.constant 0 : index
    %get3A_1742 = arith.constant 0 : index
    %get3A_1743 = vector.load %arg6[%get3A_1741, %get3A_1742] : memref<10000x128xf32, #tpu.memory_space<vmem>>, vector<10000x128xf32>
    %reduce_sum3A_1744 = arith.constant dense<0.000000e+00> : vector<128xf32>
    %reduce_sum3A_1745 = vector.multi_reduction <add>, %get3A_1743, %reduce_sum3A_1744 [0] : vector<10000x128xf32> to vector<128xf32>
    %broadcast_in_dim3A = vector.shape_cast %reduce_sum3A_1745 : vector<128xf32> to vector<1x128xf32>
    %div3A = arith.constant 1.000000e+04 : f32
    %div3A_1746 = vector.broadcast %div3A : f32 to vector<1x128xf32>
    %div3A_1747 = arith.divf %broadcast_in_dim3A, %div3A_1746 : vector<1x128xf32>
    %sub3A = vector.broadcast %div3A_1747 : vector<1x128xf32> to vector<10000x128xf32>
    %sub3A_1748 = arith.subf %get3A_1743, %sub3A : vector<10000x128xf32>
    %mul3A_1749 = arith.mulf %sub3A_1748, %sub3A_1748 : vector<10000x128xf32>
    %reduce_sum3A_1750 = arith.constant dense<0.000000e+00> : vector<128xf32>
    %reduce_sum3A_1751 = vector.multi_reduction <add>, %mul3A_1749, %reduce_sum3A_1750 [0] : vector<10000x128xf32> to vector<128xf32>
    %broadcast_in_dim3A_1752 = vector.shape_cast %reduce_sum3A_1751 : vector<128xf32> to vector<1x128xf32>
    %div3A_1753 = arith.constant 1.000000e+04 : f32
    %div3A_1754 = vector.broadcast %div3A_1753 : f32 to vector<1x128xf32>
    %div3A_1755 = arith.divf %broadcast_in_dim3A_1752, %div3A_1754 : vector<1x128xf32>
    %get3A_1756 = arith.constant 0 : index
    %get3A_1757 = arith.constant 0 : index
    %get3A_1758 = vector.load %arg4[%get3A_1756, %get3A_1757] : memref<1x128xf32, #tpu.memory_space<vmem>>, vector<1x128xf32>
    %mul3A_1759 = vector.broadcast %get3A_1758 : vector<1x128xf32> to vector<10000x128xf32>
    %mul3A_1760 = arith.mulf %mul3A_1759, %sub3A_1748 : vector<10000x128xf32>
    %add3A_1761 = arith.constant 9.99999974E-6 : f32
    %add3A_1762 = vector.broadcast %add3A_1761 : f32 to vector<1x128xf32>
    %add3A_1763 = arith.addf %div3A_1755, %add3A_1762 : vector<1x128xf32>
    %rsqrt3A_1764 = math.rsqrt %add3A_1763 : vector<1x128xf32>
    %mul3A_1765 = vector.broadcast %rsqrt3A_1764 : vector<1x128xf32> to vector<10000x128xf32>
    %mul3A_1766 = arith.mulf %mul3A_1760, %mul3A_1765 : vector<10000x128xf32>
    %get3A_1767 = arith.constant 0 : index
    %get3A_1768 = arith.constant 0 : index
    %get3A_1769 = vector.load %arg5[%get3A_1767, %get3A_1768] : memref<1x128xf32, #tpu.memory_space<vmem>>, vector<1x128xf32>
    %add3A_1770 = vector.broadcast %get3A_1769 : vector<1x128xf32> to vector<10000x128xf32>
    %add3A_1771 = arith.addf %mul3A_1766, %add3A_1770 : vector<10000x128xf32>
    %get3A_1772 = arith.constant 0 : index
    %get3A_1773 = arith.constant 0 : index
    %get3A_1774 = vector.load %arg1[%get3A_1772, %get3A_1773] : memref<10000x128xf32, #tpu.memory_space<vmem>>, vector<10000x128xf32>
    %add3A_1775 = arith.addf %add3A_1771, %get3A_1774 : vector<10000x128xf32>
    %mul3A_1776 = arith.constant 5.000000e-01 : f32
    %mul3A_1777 = vector.broadcast %mul3A_1776 : f32 to vector<10000x128xf32>
    %mul3A_1778 = arith.mulf %mul3A_1777, %add3A_1775 : vector<10000x128xf32>
    %mul3A_1779 = arith.constant 0.707106769 : f32
    %mul3A_1780 = vector.broadcast %mul3A_1779 : f32 to vector<10000x128xf32>
    %mul3A_1781 = arith.mulf %add3A_1775, %mul3A_1780 : vector<10000x128xf32>
    %erf3A = math.erf %mul3A_1781 : vector<10000x128xf32>
    %add3A_1782 = arith.constant 1.000000e+00 : f32
    %add3A_1783 = vector.broadcast %add3A_1782 : f32 to vector<10000x128xf32>
    %add3A_1784 = arith.addf %add3A_1783, %erf3A : vector<10000x128xf32>
    %mul3A_1785 = arith.mulf %mul3A_1778, %add3A_1784 : vector<10000x128xf32>
    %swap3A_1786 = arith.constant 0 : index
    %swap3A_1787 = arith.constant 0 : index
    %swap3A_1788 = vector.load %arg6[%swap3A_1786, %swap3A_1787] : memref<10000x128xf32, #tpu.memory_space<vmem>>, vector<10000x128xf32>
    tpu.vector_store %arg6[%swap3A_1786, %swap3A_1787], %mul3A_1785 {strides = array<i32>} : memref<10000x128xf32, #tpu.memory_space<vmem>>, vector<10000x128xf32>,
    return
  }
}

</mosaic_0001>

<sc_bundles>
// kernel: kernel.10.cloned.1.call-start
scs
__scs_entry_jumppad:
0x0: {  	(pc) =	sbr.rel $0x88, $3  }
0x1: {  	(tag) =	ssettag $0x0;
	lr =	simm.s32 $0x1  }
0x2: {  	[smem:$0x3F9B] =	sst lr;
	_ =	strace $0xD0000000  }
0x3: {  	_ = 	snop  }
0x4: {  	_ = 	snop  }
0x5: {  	_ = 	snop  }
0x6: {  	_ = 	snop  }
0x7: {  	_ = 	snop  }
__scs_overlays_trampoline_lowered:
0x8: {  	[smem:$0x3FAA] =	sst s0  }
0x9: {  	[smem:$0x3FAB] =	sst s1  }
0xa: {  	[smem:$0x3FAC] =	sst s2  }
0xb: {  	[smem:$0x3FAD] =	sst s3  }
0xc: {  	[smem:$0x3FAE] =	sst s4  }
0xd: {  	[smem:$0x3FAF] =	sst s5  }
0xe: {  	[smem:$0x3FB0] =	sst s6  }
0xf: {  	[smem:$0x3FB1] =	sst s7  }
0x10: {  	[smem:$0x3FB2] =	sst s8  }
0x11: {  	[smem:$0x3FB3] =	sst s9;
	s0 =	simm.s32 @!p0 $0x0  }
0x12: {  	s1 =	sld [smem:$0x3F99];
	s0 =	simm.s32 @p0 $0x1  }
0x13: {  	[smem:$0x3FB4] =	sst s0;
	s0 =	simm.s32 @!p1 $0x0  }
0x14: {  	s2 =	sld [smem:$0x3F98];
	s0 =	simm.s32 @p1 $0x1  }
0x15: {  	[smem:$0x3FB5] =	sst s0;
	s0 =	simm.s32 @!p2 $0x0  }
0x16: {  	s3 =	sld [smem:$0x3FDB];
	s0 =	simm.s32 @p2 $0x1  }
0x17: {  	s4 =	simm.s32 $0x1BF5;
	[smem:$0x3FB7] =	sst s0  }
0x18: {  	s0 =	sld [smem:$0x3F9A];
	_ =	swait.ge [sflag:s4], $0x0  }
0x19: {  	s7 =	sld [smem:$0x3F9B]  }
0x1a: {  	s8 =	sadd.s32 $0xFFFFE003, lr  }
0x1b: {  	s9 =	sadd.s32 $0xFFFFFEF7, lr;
	s5 =	simm.s32 $0xFFFFFFFF;
	p2 =	slt.u32 s8, $0xFFFFF086  }
0x1c: {  	p1 =	slt.u32 s9, $0xF7A;
	s5 =	simm.s32 @!p2 $0x0  }
0x1d: {  	s5 =	simm.s32 @p1 $0x1;
	p0 =	seq.s32 s7, s2  }
0x1e: {  	s7 =	smul.u32 @!p0 $0xF7A, s2;
	p2 =	seq.s32 @!p0 s5, $0x0  }
0x1f: {  	s9 =	smul.u32 $0xF7A, s1;
	s8 =	simm.s32 @!p0 $0x1BF5;
	p2 =	por !p2, p0  }
0x20: {  	[sflag:s8] =	ssyncset.s32 @!p0 $0xFFFFF086;
	s6 =	sadd.s32 @!p0 s3, s7;
	s7 =	simm.s32 @!p0 $0x108  }
0x21: {  	s3 =	sadd.s32 s3, s9;
	s6 =	sadd.s32 @!p0 $0x88, s6;
	s7 =	simm.s32 @p2 $0x1082  }
0x22: {  	[simem:s7], [sflag:s8] =	dma.local @!p0 [hbm:s6], $0xF7A  }
0x23: {  	s9 =	sor.u32 $0xD0000000, s2;
	s6 =	simm.s32 $0x108;
	_ =	swait.ge @!p0 [sflag:s8], $0x0  }
0x24: {  	s3 =	sadd.s32 $0x88, s3;
	s6 =	simm.s32 @!p1 $0x1082;
	[sflag:s4] =	ssyncset.s32 $0xFFFFF086  }
0x25: {  	[simem:s6], [sflag:s4] =	dma.local [hbm:s3], $0xF7A  }
0x26: {  	[smem:$0x3F9B] =	sst s1;
	(tag) =	ssettag s2;
	_ =	strace s9  }
0x27: {  	s1 =	sld [smem:$0x3FAB]  }
0x28: {  	s2 =	sld [smem:$0x3FAC]  }
0x29: {  	s4 =	sld [smem:$0x3FAE]  }
0x2a: {  	p0 =	seq.s32 s5, $0x0;
	s5 =	sld [smem:$0x3FAF]  }
0x2b: {  	s6 =	sld [smem:$0x3FB0]  }
0x2c: {  	s7 =	sld [smem:$0x3FB1]  }
0x2d: {  	s3 =	simm.s32 $0x108;
	s8 =	sld [smem:$0x3FB2]  }
0x2e: {  	s3 =	simm.s32 @!p0 $0x1082;
	s9 =	sld [smem:$0x3FB3]  }
0x2f: {  	lr =	sadd.s32 s0, s3;
	s0 =	sld [smem:$0x3FAA]  }
0x30: {  	s3 =	sld [smem:$0x3FAD]  }
0x31: {  	[smem:$0x3FB6] =	sst s10  }
0x32: {  	s10 =	sld [smem:$0x3FB4];
	_ =	sdelay $0x3  }
0x33: {  	p0 =	seq.s32 s10, $0x1;
	s10 =	sld [smem:$0x3FB6];
	_ =	sdelay $0x3  }
0x34: {  	[smem:$0x3FB6] =	sst s10  }
0x35: {  	s10 =	sld [smem:$0x3FB5];
	_ =	sdelay $0x3  }
0x36: {  	p1 =	seq.s32 s10, $0x1;
	s10 =	sld [smem:$0x3FB6];
	_ =	sdelay $0x3  }
0x37: {  	[smem:$0x3FB6] =	sst s10  }
0x38: {  	s10 =	sld [smem:$0x3FB7]  }
0x39: {  	_ = 	snop;
	(pc) =	sbr.ind lr, $3  }
0x3a: {  	_ = 	snop  }
0x3b: {  	_ = 	snop  }
0x3c: {  	p2 =	seq.s32 s10, $0x1;
	s10 =	sld [smem:$0x3FB6]  }
0x3d: {  	_ =	shalt  }
0x3e: {  	_ =	shalt  }
0x3f: {  	_ =	shalt  }
0x40: {  	_ =	shalt  }
0x41: {  	_ =	shalt  }
0x42: {  	_ =	shalt  }
0x43: {  	_ =	shalt  }
0x44: {  	_ =	shalt  }
0x45: {  	_ =	shalt  }
0x46: {  	_ =	shalt  }
0x47: {  	_ =	shalt  }
0x48: {  	_ =	shalt  }
0x49: {  	_ =	shalt  }
0x4a: {  	_ =	shalt  }
0x4b: {  	_ =	shalt  }
0x4c: {  	_ =	shalt  }
0x4d: {  	_ =	shalt  }
0x4e: {  	_ =	shalt  }
0x4f: {  	_ =	shalt  }
0x50: {  	_ =	shalt  }
0x51: {  	_ =	shalt  }
0x52: {  	_ =	shalt  }
0x53: {  	_ =	shalt  }
0x54: {  	_ =	shalt  }
0x55: {  	_ =	shalt  }
0x56: {  	_ =	shalt  }
0x57: {  	_ =	shalt  }
0x58: {  	_ =	shalt  }
0x59: {  	_ =	shalt  }
0x5a: {  	_ =	shalt  }
0x5b: {  	_ =	shalt  }
0x5c: {  	_ =	shalt  }
0x5d: {  	_ =	shalt  }
0x5e: {  	_ =	shalt  }
0x5f: {  	_ =	shalt  }
0x60: {  	_ =	shalt  }
0x61: {  	_ =	shalt  }
0x62: {  	_ =	shalt  }
0x63: {  	_ =	shalt  }
0x64: {  	_ =	shalt  }
0x65: {  	_ =	shalt  }
0x66: {  	_ =	shalt  }
0x67: {  	_ =	shalt  }
0x68: {  	_ =	shalt  }
0x69: {  	_ =	shalt  }
0x6a: {  	_ =	shalt  }
0x6b: {  	_ =	shalt  }
0x6c: {  	_ =	shalt  }
0x6d: {  	_ =	shalt  }
0x6e: {  	_ =	shalt  }
0x6f: {  	_ =	shalt  }
0x70: {  	_ =	shalt  }
0x71: {  	_ =	shalt  }
0x72: {  	_ =	shalt  }
0x73: {  	_ =	shalt  }
0x74: {  	_ =	shalt  }
0x75: {  	_ =	shalt  }
0x76: {  	_ =	shalt  }
0x77: {  	_ =	shalt  }
0x78: {  	_ =	shalt  }
0x79: {  	_ =	shalt  }
0x7a: {  	_ =	shalt  }
0x7b: {  	_ =	shalt  }
0x7c: {  	_ =	shalt  }
0x7d: {  	_ =	shalt  }
0x7e: {  	_ =	shalt  }
0x7f: {  	_ =	shalt  }
0x80: {  	_ =	shalt  }
0x81: {  	_ =	shalt  }
0x82: {  	_ =	shalt  }
0x83: {  	_ =	shalt  }
0x84: {  	_ =	shalt  }
0x85: {  	_ =	shalt  }
0x86: {  	_ =	shalt  }
0x87: {  	_ =	shalt  }
.Lfunc_end0:
.L_simem_size_0:
called_computation.1_lowered:
.L_overlay_start_0:
0x88: {  	s2 =	sld [smem:$0x3FD9]  }
0x89: {  	s3 =	sld [smem:$0x3FFE];
	_ =	sdelay $0x1  }
0x8a: {  	s1 =	srdreg.scid  }
0x8b: {  	s0 =	sand.u32 $0x1, s1  }
0x8c: {  	s17 =	sshll.u32 s0, $0xA;
	s2 =	sadd.s32 s3, s2  }
0x8d: {  	s2 =	sadd.s32 s2, s17  }
0x8e: {  	[smem:$0x3FC2] =	sst s2  }
0x8f: {  	_ = 	snop  }
0x90: {  	s2 =	sld [smem:$0x3FD0];
	(tm) =	ssettm $0x1  }
0x91: {  	s18 =	sld [smem:$0x3FFB];
	_ =	sdelay $0x3  }
0x92: {  	_ =	strace s18  }
0x93: {  	s3 =	sld [smem:$0x3FFC];
	_ =	sdelay $0x3  }
0x94: {  	_ =	strace s3  }
0x95: {  	s3 =	sld [smem:$0x3FFD];
	_ =	sdelay $0x3  }
0x96: {  	_ =	strace s3  }
0x97: {  	_ =	strace $0x8FFFFFFF  }
0x98: {  	s19 =	sld [smem:$0x3FDB];
	_ =	sdelay $0x1  }
0x99: {  	s4 =	simm.s32 $_scs_section_size  }
0x9a: {  	s5 =	simm.s32 $_size__tile_overlayer_lowered;
	s6 =	simm.s32 $_tile_overlayer_lowered  }
0x9b: {  	s22 =	simm.s32 $0x1BFF;
	s21 =	sshll.u32 s6, $0x1;
	s3 =	sadd.s32 s4, s19  }
0x9c: {  	s7 =	simm.s32 $0x0;
	s20 =	sshll.u32 s5, $0x1;
	s5 =	sadd.s32 s21, s3  }
0x9d: {  	[timem:s7], [sflag:s22] =	dma.local [hbm:s5], s20  }
0x9e: {  	_ =	swait.ge [sflag:s22], s20  }
0x9f: {  	s4 =	ssub.s32 $0x0, s20;
	[sflag:s22] =	ssyncset.done $0x0  }
0xa0: {  	[sflag:s22] =	ssyncadd.s32 s4;
	_ =	sdelay $0x1  }
0xa1: {  	s23 =	simm.s32 $0x1B8B  }
0xa2: {  	_ =	swait.ge [sflag:s23], $0x1  }
0xa3: {  	[sflag:s23] =	ssyncset.done $0x0  }
0xa4: {  	s25 =	simm.s32 $0x1B8E;
	s24 =	sld [smem:$0x3FFE];
	[sflag:s23] =	ssyncadd.s32 $0xFFFFFFFF  }
0xa5: {  	s26 =	simm.s32 $execute0_lowered;
	[smem:$0x3FD2] =	sst s25  }
0xa6: {  	s5 =	sshll.u32 s26, $0x1;
	_ =	strace $0x80000049;
	[dreg:$0x1] =	wrdreg $0xFFFFFFFF  }
0xa7: {  	s28 =	simm.s32 $_size_execute0_lowered;
	s3 =	sadd.s32 s3, s5;
	[dreg:$0x0] =	wrdreg $0x0  }
0xa8: {  	s5 =	sshll.u32 s28, $0x1;
	[dreg:$0x2] =	wrdreg s3  }
0xa9: {  	[dreg:$0x3] =	wrdreg s5  }
0xaa: {  	[dreg:$0x4] =	wrdreg $0xC0  }
0xab: {  	_ =	task [dreg:s7], $0x5FFFF  }
0xac: {  	[dreg:$0x1] =	wrdreg $0xFFFFFFFF  }
0xad: {  	[dreg:$0x0] =	wrdreg $0x60  }
0xae: {  	[dreg:$0x2] =	wrdreg s2  }
0xaf: {  	[dreg:$0x3] =	wrdreg s24  }
0xb0: {  	[dreg:$0x4] =	wrdreg $0x90000  }
0xb1: {  	[dreg:$0x5] =	wrdreg $0x9  }
0xb2: {  	_ =	task.clear_ibuf [dreg:s7], $0x6FFFF;
	_ =	strace $0x90000049  }
0xb3: {  	s29 =	simm.s32 $0x9;
	_ =	strace $0x8000004B  }
0xb4: {  	_ =	swait.ge [sflag:s29], $0x1  }
0xb5: {  	[sflag:s29] =	ssyncadd.s32 $0xFFFFFFFF  }
0xb6: {  	_ =	strace $0x9000004B  }
0xb7: {  	_ =	sfence  }
0xb8: {  	s30 =	sld [smem:$0x0];
	_ =	sdelay $0x2  }
0xb9: {  	s31 =	sshll.u32 s1, $0xD;
	s1 =	sshrl.u32 s1, $0x2  }
0xba: {  	s3 =	sand.u32 $0x4000, s31;
	s1 =	sadd.s32 s1, s30  }
0xbb: {  	s0 =	sor.u32 s3, s0;
	s1 =	sshll.u32 s1, $0x11  }
0xbc: {  	s0 =	sor.u32 s1, s0  }
0xbd: {  	s0 =	sadd.s32 $0x8F2B, s0  }
0xbe: {  	[sflag:s0] =	ssyncadd.remote.s32 $0x1  }
0xbf: {  	_ =	sfence.sel $0xFFFF  }
0xc0: {  	[dreg:$0x0] =	wrdreg $0xFFFFFFFF;
	(pc) =	sbr.abs _section_cstart, $3  }
0xc1: {  	[dreg:$0x1] =	wrdreg $0xFFFFFFFF  }
0xc2: {  	_ =	task.clear_ibuf [dreg:s7], $0x2FFFF;
	_ =	strace $0x9FFFFFFF  }
0xc3: {  	(tm) =	ssettm $0x7FFFFFFF  }
tec
execute0_lowered:
.L_overlay_start_1:
0x0: {  	(tag) =	ssettag $0x1  }
0x1: {  	s0 =	rddreg [dreg:$0x0]  }
0x2: {  	s5 =	rddreg [dreg:$0x1]  }
0x3: {  	s1 =	srdreg.scid;
	s2 =	rddreg [dreg:$0x2]  }
0x4: {  	s12 =	stileid.u32;
	s8 =	simm.s32 $0x0;
	s13 =	sand.u32 $0x1, s1  }
0x5: {  	[smem:$0x7FF] =	sst s8;
	s4 =	sadd.s32 $0xB600, s5;
	s9 =	smul.u32 $0x14000, s12  }
0x6: {  	s7 =	sadd.s32 $0x33600, s5;
	s20 =	smul.u32 $0x2800, s12;
	s1 =	sshll.u32 s13, $0x4  }
0x7: {  	s3 =	smul.u32 $0x140000, s13;
	p0 =	seq.s32 s13, $0x0;
	s1 =	sor.u32 s12, s1  }
0x8: {  	s6 =	sadd.s32 $0x1600, s5;
	s7 =	smov.u32 @p0 s4;
	s1 =	smul.u32 $0x2800, s1  }
0x9: {  	_ =	strace $0x8000004A;
	[dreg:$0x12] =	wrdreg s13;
	s23 =	sadd.s32 s7, s20  }
0xa: {  	s3 =	sadd.s32 s9, s3;
	[dreg:$0xf] =	wrdreg s23;
	s1 =	sshrl.u32 s1, $0x3  }
0xb: {  	s3 =	sshrl.u32 s3, $0x3;
	s26 =	rddreg [dreg:$0xf];
	s10 =	sadd.s32 s0, s1  }
0xc: {  	s5 =	sadd.s32 s3, s5;
	s31 =	sadd.s32 s6, s1;
	[dreg:$0x4] =	wrdreg s10  }
0xd: {  	s11 =	sadd.s32 $0x100, s1;
	s25 =	sadd.s32 $0x5B600, s5;
	[dreg:$0x5] =	wrdreg s31  }
0xe: {  	s10 =	sadd.s32 s0, s11;
	[dreg:$0xe] =	wrdreg s25  }
0xf: {  	s14 =	sadd.s32 $0x200, s1;
	s11 =	sadd.s32 s6, s11;
	[dreg:$0x6] =	wrdreg s10  }
0x10: {  	s15 =	sadd.s32 s0, s14;
	[dreg:$0x7] =	wrdreg s11  }
0x11: {  	s17 =	sadd.s32 $0x300, s1;
	s16 =	sadd.s32 s6, s14;
	[dreg:$0x8] =	wrdreg s15  }
0x12: {  	s22 =	smul.u32 $0x50000, s12;
	s18 =	sadd.s32 s0, s17;
	[dreg:$0x9] =	wrdreg s16  }
0x13: {  	s1 =	sadd.s32 $0x400, s1;
	s19 =	sadd.s32 s6, s17;
	[dreg:$0xa] =	wrdreg s18  }
0x14: {  	s28 =	sshll.u32 s12, $0x6;
	s0 =	sadd.s32 s0, s1;
	[dreg:$0xb] =	wrdreg s19  }
0x15: {  	s24 =	sshrl.u32 s22, $0x2;
	s21 =	sadd.s32 s6, s1;
	[dreg:$0xc] =	wrdreg s0  }
0x16: {  	s1 =	sor.u32 $0x1C03, s28;
	[dreg:$0xd] =	wrdreg s21;
	s0 =	sadd.s32 s24, s2  }
0x17: {  	[dreg:$0x10] =	wrdreg s1;
	s0 =	sshrl.u32 s0, $0x3  }
0x18: {  	s5 =	simm.s32 $0x3;
	[dreg:$0x11] =	wrdreg s0  }
0x19: {  	[spmem:s0], [sflag:s1] =	dma.local [hbm:s26], $0x2800  }
0x1a: {  	_ =	swait.ge [sflag:s5], $0x2800  }
0x1b: {  	[sflag:s5] =	ssyncset.done $0x0  }
0x1c: {  	[sflag:s5] =	ssyncadd.s32 $0xFFFFD800  }
0x1d: {  	[bflag:$0x0] =	sbarrier.arrive $0xFFFF  }
0x1e: {  	s29 =	rddreg [dreg:$0x4]  }
0x1f: {  	[tilespmem:s8], [sflag:$0x3] =	stream.linear.gather [hbm4b:s29+s8], $0x800, $0x38;
	[tilespmem:$0x1D000] =	vst v63  }
0x20: {  	_ =	swait.ge [sflag:s5], $0x800  }
0x21: {  	[sflag:s5] =	ssyncset.done $0x0  }
0x22: {  	s31 =	simm.s32 $0x800;
	s30 =	rddreg [dreg:$0x5];
	[sflag:s5] =	ssyncadd.s32 $0xFFFFF800  }
0x23: {  	[tilespmem:s31], [sflag:$0x3] =	stream.linear.gather [hbm4b:s30+s8], $0x800, $0x38;
	[tilespmem:$0x1D000] =	vst v63  }
0x24: {  	_ =	swait.ge [sflag:s5], $0x800  }
0x25: {  	[sflag:s5] =	ssyncset.done $0x0  }
0x26: {  	s9 =	simm.s32 $0x80;
	s10 =	simm.s32 $0x1000;
	[sflag:s5] =	ssyncadd.s32 $0xFFFFF800  }
0x27: {  	[tilespmem:s10], [sflag:$0x1] =	stream.indirect.gather [hbm4b:s4+s9], $0x80, s8, s9, $0xb8;
	[tilespmem:$0x1D000] =	vst v63  }
0x28: {  	s12 =	simm.s32 $0x1;
	s11 =	simm.s32 $0x5000  }
0x29: {  	[tilespmem:s11], [sflag:$0x2] =	stream.indirect.gather [hbm4b:s4+s9], $0x80, s9, s9, $0xb8;
	[tilespmem:$0x1D000] =	vst v63  }
0x2a: {  	_ =	swait.ge [sflag:s12], $0x4000  }
0x2b: {  	[sflag:s12] =	ssyncset.done $0x0  }
0x2c: {  	[sflag:s12] =	ssyncadd.s32 $0xFFFFC000  }
0x2d: {  	[spmem:s2] =	stream.indirect.scatter.add.f32 [tilespmem:s10], [sflag:$0x3], $0x80, s31, s9, $0xb8;
	[tilespmem:$0x1D000] =	vst v63  }
0x2e: {  	_ =	swait.ge [sflag:s5], $0x4000  }
0x2f: {  	[sflag:s5] =	ssyncset.done $0x0  }
0x30: {  	s13 =	simm.s32 $0x2;
	[sflag:s5] =	ssyncadd.s32 $0xFFFFC000  }
0x31: {  	_ =	swait.ge [sflag:s13], $0x4000  }
0x32: {  	[sflag:s13] =	ssyncset.done $0x0  }
0x33: {  	s3 =	simm.s32 $0x880;
	[sflag:s13] =	ssyncadd.s32 $0xFFFFC000  }
0x34: {  	[spmem:s2] =	stream.indirect.scatter.add.f32 [tilespmem:s11], [sflag:$0x3], $0x80, s3, s9, $0xb8;
	[tilespmem:$0x1D000] =	vst v63  }
0x35: {  	_ =	swait.ge [sflag:s5], $0x4000  }
0x36: {  	[sflag:s5] =	ssyncset.done $0x0  }
0x37: {  	s6 =	simm.s32 $0x100;
	[sflag:s5] =	ssyncadd.s32 $0xFFFFC000  }
0x38: {  	[tilespmem:s10], [sflag:$0x1] =	stream.indirect.gather [hbm4b:s4+s9], $0x80, s6, s9, $0xb8;
	[tilespmem:$0x1D000] =	vst v63  }
0x39: {  	s7 =	simm.s32 $0x180  }
0x3a: {  	[tilespmem:s11], [sflag:$0x2] =	stream.indirect.gather [hbm4b:s4+s9], $0x80, s7, s9, $0xb8;
	[tilespmem:$0x1D000] =	vst v63  }
0x3b: {  	_ =	swait.ge [sflag:s12], $0x4000  }
0x3c: {  	[sflag:s12] =	ssyncset.done $0x0  }
0x3d: {  	s14 =	simm.s32 $0x900;
	[sflag:s12] =	ssyncadd.s32 $0xFFFFC000  }
0x3e: {  	[spmem:s2] =	stream.indirect.scatter.add.f32 [tilespmem:s10], [sflag:$0x3], $0x80, s14, s9, $0xb8;
	[tilespmem:$0x1D000] =	vst v63  }
0x3f: {  	_ =	swait.ge [sflag:s5], $0x4000  }
0x40: {  	[sflag:s5] =	ssyncset.done $0x0  }
0x41: {  	[sflag:s5] =	ssyncadd.s32 $0xFFFFC000  }
0x42: {  	_ =	swait.ge [sflag:s13], $0x4000  }
0x43: {  	[sflag:s13] =	ssyncset.done $0x0  }
0x44: {  	s15 =	simm.s32 $0x980;
	[sflag:s13] =	ssyncadd.s32 $0xFFFFC000  }
0x45: {  	[spmem:s2] =	stream.indirect.scatter.add.f32 [tilespmem:s11], [sflag:$0x3], $0x80, s15, s9, $0xb8;
	[tilespmem:$0x1D000] =	vst v63  }
0x46: {  	_ =	swait.ge [sflag:s5], $0x4000  }
0x47: {  	[sflag:s5] =	ssyncset.done $0x0  }
0x48: {  	s16 =	simm.s32 $0x200;
	[sflag:s5] =	ssyncadd.s32 $0xFFFFC000  }
0x49: {  	[tilespmem:s10], [sflag:$0x1] =	stream.indirect.gather [hbm4b:s4+s9], $0x80, s16, s9, $0xb8;
	[tilespmem:$0x1D000] =	vst v63  }
0x4a: {  	s17 =	simm.s32 $0x280  }
0x4b: {  	[tilespmem:s11], [sflag:$0x2] =	stream.indirect.gather [hbm4b:s4+s9], $0x80, s17, s9, $0xb8;
	[tilespmem:$0x1D000] =	vst v63  }
0x4c: {  	_ =	swait.ge [sflag:s12], $0x4000  }
0x4d: {  	[sflag:s12] =	ssyncset.done $0x0  }
0x4e: {  	s18 =	simm.s32 $0xA00;
	[sflag:s12] =	ssyncadd.s32 $0xFFFFC000  }
0x4f: {  	[spmem:s2] =	stream.indirect.scatter.add.f32 [tilespmem:s10], [sflag:$0x3], $0x80, s18, s9, $0xb8;
	[tilespmem:$0x1D000] =	vst v63  }
0x50: {  	_ =	swait.ge [sflag:s5], $0x4000  }
0x51: {  	[sflag:s5] =	ssyncset.done $0x0  }
0x52: {  	[sflag:s5] =	ssyncadd.s32 $0xFFFFC000  }
0x53: {  	_ =	swait.ge [sflag:s13], $0x4000  }
0x54: {  	[sflag:s13] =	ssyncset.done $0x0  }
0x55: {  	s19 =	simm.s32 $0xA80;
	[sflag:s13] =	ssyncadd.s32 $0xFFFFC000  }
0x56: {  	[spmem:s2] =	stream.indirect.scatter.add.f32 [tilespmem:s11], [sflag:$0x3], $0x80, s19, s9, $0xb8;
	[tilespmem:$0x1D000] =	vst v63  }
0x57: {  	_ =	swait.ge [sflag:s5], $0x4000  }
0x58: {  	[sflag:s5] =	ssyncset.done $0x0  }
0x59: {  	s20 =	simm.s32 $0x300;
	[sflag:s5] =	ssyncadd.s32 $0xFFFFC000  }
0x5a: {  	[tilespmem:s10], [sflag:$0x1] =	stream.indirect.gather [hbm4b:s4+s9], $0x80, s20, s9, $0xb8;
	[tilespmem:$0x1D000] =	vst v63  }
0x5b: {  	s21 =	simm.s32 $0x380  }
0x5c: {  	[tilespmem:s11], [sflag:$0x2] =	stream.indirect.gather [hbm4b:s4+s9], $0x80, s21, s9, $0xb8;
	[tilespmem:$0x1D000] =	vst v63  }
0x5d: {  	_ =	swait.ge [sflag:s12], $0x4000  }
0x5e: {  	[sflag:s12] =	ssyncset.done $0x0  }
0x5f: {  	s22 =	simm.s32 $0xB00;
	[sflag:s12] =	ssyncadd.s32 $0xFFFFC000  }
0x60: {  	[spmem:s2] =	stream.indirect.scatter.add.f32 [tilespmem:s10], [sflag:$0x3], $0x80, s22, s9, $0xb8;
	[tilespmem:$0x1D000] =	vst v63  }
0x61: {  	_ =	swait.ge [sflag:s5], $0x4000  }
0x62: {  	[sflag:s5] =	ssyncset.done $0x0  }
0x63: {  	[sflag:s5] =	ssyncadd.s32 $0xFFFFC000  }
0x64: {  	_ =	swait.ge [sflag:s13], $0x4000  }
0x65: {  	[sflag:s13] =	ssyncset.done $0x0  }
0x66: {  	s23 =	simm.s32 $0xB80;
	[sflag:s13] =	ssyncadd.s32 $0xFFFFC000  }
0x67: {  	[spmem:s2] =	stream.indirect.scatter.add.f32 [tilespmem:s11], [sflag:$0x3], $0x80, s23, s9, $0xb8;
	[tilespmem:$0x1D000] =	vst v63  }
0x68: {  	_ =	swait.ge [sflag:s5], $0x4000  }
0x69: {  	[sflag:s5] =	ssyncset.done $0x0  }
0x6a: {  	s24 =	simm.s32 $0x400;
	[sflag:s5] =	ssyncadd.s32 $0xFFFFC000  }
0x6b: {  	[tilespmem:s10], [sflag:$0x1] =	stream.indirect.gather [hbm4b:s4+s9], $0x80, s24, s9, $0xb8;
	[tilespmem:$0x1D000] =	vst v63  }
0x6c: {  	s25 =	simm.s32 $0x480  }
0x6d: {  	[tilespmem:s11], [sflag:$0x2] =	stream.indirect.gather [hbm4b:s4+s9], $0x80, s25, s9, $0xb8;
	[tilespmem:$0x1D000] =	vst v63  }
0x6e: {  	_ =	swait.ge [sflag:s12], $0x4000  }
0x6f: {  	[sflag:s12] =	ssyncset.done $0x0  }
0x70: {  	s26 =	simm.s32 $0xC00;
	[sflag:s12] =	ssyncadd.s32 $0xFFFFC000  }
0x71: {  	[spmem:s2] =	stream.indirect.scatter.add.f32 [tilespmem:s10], [sflag:$0x3], $0x80, s26, s9, $0xb8;
	[tilespmem:$0x1D000] =	vst v63  }
0x72: {  	_ =	swait.ge [sflag:s5], $0x4000  }
0x73: {  	[sflag:s5] =	ssyncset.done $0x0  }
0x74: {  	[sflag:s5] =	ssyncadd.s32 $0xFFFFC000  }
0x75: {  	_ =	swait.ge [sflag:s13], $0x4000  }
0x76: {  	[sflag:s13] =	ssyncset.done $0x0  }
0x77: {  	s28 =	simm.s32 $0xC80;
	[sflag:s13] =	ssyncadd.s32 $0xFFFFC000  }
0x78: {  	[spmem:s2] =	stream.indirect.scatter.add.f32 [tilespmem:s11], [sflag:$0x3], $0x80, s28, s9, $0xb8;
	[tilespmem:$0x1D000] =	vst v63  }
0x79: {  	_ =	swait.ge [sflag:s5], $0x4000  }
0x7a: {  	[sflag:s5] =	ssyncset.done $0x0  }
0x7b: {  	s29 =	simm.s32 $0x500;
	[sflag:s5] =	ssyncadd.s32 $0xFFFFC000  }
0x7c: {  	[tilespmem:s10], [sflag:$0x1] =	stream.indirect.gather [hbm4b:s4+s9], $0x80, s29, s9, $0xb8;
	[tilespmem:$0x1D000] =	vst v63  }
0x7d: {  	s30 =	simm.s32 $0x580  }
0x7e: {  	[tilespmem:s11], [sflag:$0x2] =	stream.indirect.gather [hbm4b:s4+s9], $0x80, s30, s9, $0xb8;
	[tilespmem:$0x1D000] =	vst v63  }
0x7f: {  	_ =	swait.ge [sflag:s12], $0x4000  }
0x80: {  	[sflag:s12] =	ssyncset.done $0x0  }
0x81: {  	s31 =	simm.s32 $0xD00;
	[sflag:s12] =	ssyncadd.s32 $0xFFFFC000  }
0x82: {  	[spmem:s2] =	stream.indirect.scatter.add.f32 [tilespmem:s10], [sflag:$0x3], $0x80, s31, s9, $0xb8;
	[tilespmem:$0x1D000] =	vst v63  }
0x83: {  	_ =	swait.ge [sflag:s5], $0x4000  }
0x84: {  	[sflag:s5] =	ssyncset.done $0x0  }
0x85: {  	[sflag:s5] =	ssyncadd.s32 $0xFFFFC000  }
0x86: {  	_ =	swait.ge [sflag:s13], $0x4000  }
0x87: {  	[sflag:s13] =	ssyncset.done $0x0  }
0x88: {  	s1 =	simm.s32 $0xD80;
	[sflag:s13] =	ssyncadd.s32 $0xFFFFC000  }
0x89: {  	[spmem:s2] =	stream.indirect.scatter.add.f32 [tilespmem:s11], [sflag:$0x3], $0x80, s1, s9, $0xb8;
	[tilespmem:$0x1D000] =	vst v63  }
0x8a: {  	_ =	swait.ge [sflag:s5], $0x4000  }
0x8b: {  	[sflag:s5] =	ssyncset.done $0x0  }
0x8c: {  	s3 =	simm.s32 $0x600;
	[sflag:s5] =	ssyncadd.s32 $0xFFFFC000  }
0x8d: {  	[tilespmem:s10], [sflag:$0x1] =	stream.indirect.gather [hbm4b:s4+s9], $0x80, s3, s9, $0xb8;
	[tilespmem:$0x1D000] =	vst v63  }
0x8e: {  	s6 =	simm.s32 $0x680  }
0x8f: {  	[tilespmem:s11], [sflag:$0x2] =	stream.indirect.gather [hbm4b:s4+s9], $0x80, s6, s9, $0xb8;
	[tilespmem:$0x1D000] =	vst v63  }
0x90: {  	_ =	swait.ge [sflag:s12], $0x4000  }
0x91: {  	[sflag:s12] =	ssyncset.done $0x0  }
0x92: {  	s7 =	simm.s32 $0xE00;
	[sflag:s12] =	ssyncadd.s32 $0xFFFFC000  }
0x93: {  	[spmem:s2] =	stream.indirect.scatter.add.f32 [tilespmem:s10], [sflag:$0x3], $0x80, s7, s9, $0xb8;
	[tilespmem:$0x1D000] =	vst v63  }
0x94: {  	_ =	swait.ge [sflag:s5], $0x4000  }
0x95: {  	[sflag:s5] =	ssyncset.done $0x0  }
0x96: {  	[sflag:s5] =	ssyncadd.s32 $0xFFFFC000  }
0x97: {  	_ =	swait.ge [sflag:s13], $0x4000  }
0x98: {  	[sflag:s13] =	ssyncset.done $0x0  }
0x99: {  	s14 =	simm.s32 $0xE80;
	[sflag:s13] =	ssyncadd.s32 $0xFFFFC000  }
0x9a: {  	[spmem:s2] =	stream.indirect.scatter.add.f32 [tilespmem:s11], [sflag:$0x3], $0x80, s14, s9, $0xb8;
	[tilespmem:$0x1D000] =	vst v63  }
0x9b: {  	_ =	swait.ge [sflag:s5], $0x4000  }
0x9c: {  	[sflag:s5] =	ssyncset.done $0x0  }
0x9d: {  	s15 =	simm.s32 $0x700;
	[sflag:s5] =	ssyncadd.s32 $0xFFFFC000  }
0x9e: {  	[tilespmem:s10], [sflag:$0x1] =	stream.indirect.gather [hbm4b:s4+s9], $0x80, s15, s9, $0xb8;
	[tilespmem:$0x1D000] =	vst v63  }
0x9f: {  	s16 =	simm.s32 $0x780  }
0xa0: {  	[tilespmem:s11], [sflag:$0x2] =	stream.indirect.gather [hbm4b:s4+s9], $0x80, s16, s9, $0xb8;
	[tilespmem:$0x1D000] =	vst v63  }
0xa1: {  	_ =	swait.ge [sflag:s12], $0x4000  }
0xa2: {  	[sflag:s12] =	ssyncset.done $0x0  }
0xa3: {  	s17 =	simm.s32 $0xF00;
	[sflag:s12] =	ssyncadd.s32 $0xFFFFC000  }
0xa4: {  	[spmem:s2] =	stream.indirect.scatter.add.f32 [tilespmem:s10], [sflag:$0x3], $0x80, s17, s9, $0xb8;
	[tilespmem:$0x1D000] =	vst v63  }
0xa5: {  	_ =	swait.ge [sflag:s5], $0x4000  }
0xa6: {  	[sflag:s5] =	ssyncset.done $0x0  }
0xa7: {  	[sflag:s5] =	ssyncadd.s32 $0xFFFFC000  }
0xa8: {  	_ =	swait.ge [sflag:s13], $0x4000  }
0xa9: {  	[sflag:s13] =	ssyncset.done $0x0  }
0xaa: {  	s18 =	simm.s32 $0xF80;
	[sflag:s13] =	ssyncadd.s32 $0xFFFFC000  }
0xab: {  	[spmem:s2] =	stream.indirect.scatter.add.f32 [tilespmem:s11], [sflag:$0x3], $0x80, s18, s9, $0xb8;
	[tilespmem:$0x1D000] =	vst v63  }
0xac: {  	_ =	swait.ge [sflag:s5], $0x4000  }
0xad: {  	[sflag:s5] =	ssyncset.done $0x0  }
0xae: {  	s22 =	rddreg [dreg:$0x6];
	[sflag:s5] =	ssyncadd.s32 $0xFFFFC000  }
0xaf: {  	[tilespmem:s8], [sflag:$0x3] =	stream.linear.gather [hbm4b:s22+s8], $0x800, $0x38;
	[tilespmem:$0x1D000] =	vst v63  }
0xb0: {  	_ =	swait.ge [sflag:s5], $0x800  }
0xb1: {  	[sflag:s5] =	ssyncset.done $0x0  }
0xb2: {  	s20 =	simm.s32 $0x800;
	s19 =	rddreg [dreg:$0x7];
	[sflag:s5] =	ssyncadd.s32 $0xFFFFF800  }
0xb3: {  	[tilespmem:s20], [sflag:$0x3] =	stream.linear.gather [hbm4b:s19+s8], $0x800, $0x38;
	[tilespmem:$0x1D000] =	vst v63  }
0xb4: {  	_ =	swait.ge [sflag:s5], $0x800  }
0xb5: {  	[sflag:s5] =	ssyncset.done $0x0  }
0xb6: {  	[sflag:s5] =	ssyncadd.s32 $0xFFFFF800  }
0xb7: {  	[tilespmem:s10], [sflag:$0x1] =	stream.indirect.gather [hbm4b:s4+s9], $0x80, s8, s9, $0xb8;
	[tilespmem:$0x1D000] =	vst v63  }
0xb8: {  	_ = 	snop  }
0xb9: {  	[tilespmem:s11], [sflag:$0x2] =	stream.indirect.gather [hbm4b:s4+s9], $0x80, s9, s9, $0xb8;
	[tilespmem:$0x1D000] =	vst v63  }
0xba: {  	_ =	swait.ge [sflag:s12], $0x4000  }
0xbb: {  	[sflag:s12] =	ssyncset.done $0x0  }
0xbc: {  	[sflag:s12] =	ssyncadd.s32 $0xFFFFC000  }
0xbd: {  	[spmem:s2] =	stream.indirect.scatter.add.f32 [tilespmem:s10], [sflag:$0x3], $0x80, s20, s9, $0xb8;
	[tilespmem:$0x1D000] =	vst v63  }
0xbe: {  	_ =	swait.ge [sflag:s5], $0x4000  }
0xbf: {  	[sflag:s5] =	ssyncset.done $0x0  }
0xc0: {  	[sflag:s5] =	ssyncadd.s32 $0xFFFFC000  }
0xc1: {  	_ =	swait.ge [sflag:s13], $0x4000  }
0xc2: {  	[sflag:s13] =	ssyncset.done $0x0  }
0xc3: {  	s21 =	simm.s32 $0x880;
	[sflag:s13] =	ssyncadd.s32 $0xFFFFC000  }
0xc4: {  	[spmem:s2] =	stream.indirect.scatter.add.f32 [tilespmem:s11], [sflag:$0x3], $0x80, s21, s9, $0xb8;
	[tilespmem:$0x1D000] =	vst v63  }
0xc5: {  	_ =	swait.ge [sflag:s5], $0x4000  }
0xc6: {  	[sflag:s5] =	ssyncset.done $0x0  }
0xc7: {  	s1 =	simm.s32 $0x100;
	[sflag:s5] =	ssyncadd.s32 $0xFFFFC000  }
0xc8: {  	[tilespmem:s10], [sflag:$0x1] =	stream.indirect.gather [hbm4b:s4+s9], $0x80, s1, s9, $0xb8;
	[tilespmem:$0x1D000] =	vst v63  }
0xc9: {  	s3 =	simm.s32 $0x180  }
0xca: {  	[tilespmem:s11], [sflag:$0x2] =	stream.indirect.gather [hbm4b:s4+s9], $0x80, s3, s9, $0xb8;
	[tilespmem:$0x1D000] =	vst v63  }
0xcb: {  	_ =	swait.ge [sflag:s12], $0x4000  }
0xcc: {  	[sflag:s12] =	ssyncset.done $0x0  }
0xcd: {  	s6 =	simm.s32 $0x900;
	[sflag:s12] =	ssyncadd.s32 $0xFFFFC000  }
0xce: {  	[spmem:s2] =	stream.indirect.scatter.add.f32 [tilespmem:s10], [sflag:$0x3], $0x80, s6, s9, $0xb8;
	[tilespmem:$0x1D000] =	vst v63  }
0xcf: {  	_ =	swait.ge [sflag:s5], $0x4000  }
0xd0: {  	[sflag:s5] =	ssyncset.done $0x0  }
0xd1: {  	[sflag:s5] =	ssyncadd.s32 $0xFFFFC000  }
0xd2: {  	_ =	swait.ge [sflag:s13], $0x4000  }
0xd3: {  	[sflag:s13] =	ssyncset.done $0x0  }
0xd4: {  	s7 =	simm.s32 $0x980;
	[sflag:s13] =	ssyncadd.s32 $0xFFFFC000  }
0xd5: {  	[spmem:s2] =	stream.indirect.scatter.add.f32 [tilespmem:s11], [sflag:$0x3], $0x80, s7, s9, $0xb8;
	[tilespmem:$0x1D000] =	vst v63  }
0xd6: {  	_ =	swait.ge [sflag:s5], $0x4000  }
0xd7: {  	[sflag:s5] =	ssyncset.done $0x0  }
0xd8: {  	s14 =	simm.s32 $0x200;
	[sflag:s5] =	ssyncadd.s32 $0xFFFFC000  }
0xd9: {  	[tilespmem:s10], [sflag:$0x1] =	stream.indirect.gather [hbm4b:s4+s9], $0x80, s14, s9, $0xb8;
	[tilespmem:$0x1D000] =	vst v63  }
0xda: {  	s15 =	simm.s32 $0x280  }
0xdb: {  	[tilespmem:s11], [sflag:$0x2] =	stream.indirect.gather [hbm4b:s4+s9], $0x80, s15, s9, $0xb8;
	[tilespmem:$0x1D000] =	vst v63  }
0xdc: {  	_ =	swait.ge [sflag:s12], $0x4000  }
0xdd: {  	[sflag:s12] =	ssyncset.done $0x0  }
0xde: {  	s16 =	simm.s32 $0xA00;
	[sflag:s12] =	ssyncadd.s32 $0xFFFFC000  }
0xdf: {  	[spmem:s2] =	stream.indirect.scatter.add.f32 [tilespmem:s10], [sflag:$0x3], $0x80, s16, s9, $0xb8;
	[tilespmem:$0x1D000] =	vst v63  }
0xe0: {  	_ =	swait.ge [sflag:s5], $0x4000  }
0xe1: {  	[sflag:s5] =	ssyncset.done $0x0  }
0xe2: {  	[sflag:s5] =	ssyncadd.s32 $0xFFFFC000  }
0xe3: {  	_ =	swait.ge [sflag:s13], $0x4000  }
0xe4: {  	[sflag:s13] =	ssyncset.done $0x0  }
0xe5: {  	s17 =	simm.s32 $0xA80;
	[sflag:s13] =	ssyncadd.s32 $0xFFFFC000  }
0xe6: {  	[spmem:s2] =	stream.indirect.scatter.add.f32 [tilespmem:s11], [sflag:$0x3], $0x80, s17, s9, $0xb8;
	[tilespmem:$0x1D000] =	vst v63  }
0xe7: {  	_ =	swait.ge [sflag:s5], $0x4000  }
0xe8: {  	[sflag:s5] =	ssyncset.done $0x0  }
0xe9: {  	s18 =	simm.s32 $0x300;
	[sflag:s5] =	ssyncadd.s32 $0xFFFFC000  }
0xea: {  	[tilespmem:s10], [sflag:$0x1] =	stream.indirect.gather [hbm4b:s4+s9], $0x80, s18, s9, $0xb8;
	[tilespmem:$0x1D000] =	vst v63  }
0xeb: {  	s19 =	simm.s32 $0x380  }
0xec: {  	[tilespmem:s11], [sflag:$0x2] =	stream.indirect.gather [hbm4b:s4+s9], $0x80, s19, s9, $0xb8;
	[tilespmem:$0x1D000] =	vst v63  }
0xed: {  	_ =	swait.ge [sflag:s12], $0x4000  }
0xee: {  	[sflag:s12] =	ssyncset.done $0x0  }
0xef: {  	s20 =	simm.s32 $0xB00;
	[sflag:s12] =	ssyncadd.s32 $0xFFFFC000  }
0xf0: {  	[spmem:s2] =	stream.indirect.scatter.add.f32 [tilespmem:s10], [sflag:$0x3], $0x80, s20, s9, $0xb8;
	[tilespmem:$0x1D000] =	vst v63  }
0xf1: {  	_ =	swait.ge [sflag:s5], $0x4000  }
0xf2: {  	[sflag:s5] =	ssyncset.done $0x0  }
0xf3: {  	[sflag:s5] =	ssyncadd.s32 $0xFFFFC000  }
0xf4: {  	_ =	swait.ge [sflag:s13], $0x4000  }
0xf5: {  	[sflag:s13] =	ssyncset.done $0x0  }
0xf6: {  	s21 =	simm.s32 $0xB80;
	[sflag:s13] =	ssyncadd.s32 $0xFFFFC000  }
0xf7: {  	[spmem:s2] =	stream.indirect.scatter.add.f32 [tilespmem:s11], [sflag:$0x3], $0x80, s21, s9, $0xb8;
	[tilespmem:$0x1D000] =	vst v63  }
0xf8: {  	_ =	swait.ge [sflag:s5], $0x4000  }
0xf9: {  	[sflag:s5] =	ssyncset.done $0x0  }
0xfa: {  	s23 =	simm.s32 $0x400;
	[sflag:s5] =	ssyncadd.s32 $0xFFFFC000  }
0xfb: {  	[tilespmem:s10], [sflag:$0x1] =	stream.indirect.gather [hbm4b:s4+s9], $0x80, s23, s9, $0xb8;
	[tilespmem:$0x1D000] =	vst v63  }
0xfc: {  	s24 =	simm.s32 $0x480  }
0xfd: {  	[tilespmem:s11], [sflag:$0x2] =	stream.indirect.gather [hbm4b:s4+s9], $0x80, s24, s9, $0xb8;
	[tilespmem:$0x1D000] =	vst v63  }
0xfe: {  	_ =	swait.ge [sflag:s12], $0x4000  }
0xff: {  	[sflag:s12] =	ssyncset.done $0x0  }
0x100: {  	s25 =	simm.s32 $0xC00;
	[sflag:s12] =	ssyncadd.s32 $0xFFFFC000  }
0x101: {  	[spmem:s2] =	stream.indirect.scatter.add.f32 [tilespmem:s10], [sflag:$0x3], $0x80, s25, s9, $0xb8;
	[tilespmem:$0x1D000] =	vst v63  }
0x102: {  	_ =	swait.ge [sflag:s5], $0x4000  }
0x103: {  	[sflag:s5] =	ssyncset.done $0x0  }
0x104: {  	[sflag:s5] =	ssyncadd.s32 $0xFFFFC000  }
0x105: {  	_ =	swait.ge [sflag:s13], $0x4000  }
0x106: {  	[sflag:s13] =	ssyncset.done $0x0  }
0x107: {  	s26 =	simm.s32 $0xC80;
	[sflag:s13] =	ssyncadd.s32 $0xFFFFC000  }
0x108: {  	[spmem:s2] =	stream.indirect.scatter.add.f32 [tilespmem:s11], [sflag:$0x3], $0x80, s26, s9, $0xb8;
	[tilespmem:$0x1D000] =	vst v63  }
0x109: {  	_ =	swait.ge [sflag:s5], $0x4000  }
0x10a: {  	[sflag:s5] =	ssyncset.done $0x0  }
0x10b: {  	s28 =	simm.s32 $0x500;
	[sflag:s5] =	ssyncadd.s32 $0xFFFFC000  }
0x10c: {  	[tilespmem:s10], [sflag:$0x1] =	stream.indirect.gather [hbm4b:s4+s9], $0x80, s28, s9, $0xb8;
	[tilespmem:$0x1D000] =	vst v63  }
0x10d: {  	s29 =	simm.s32 $0x580  }
0x10e: {  	[tilespmem:s11], [sflag:$0x2] =	stream.indirect.gather [hbm4b:s4+s9], $0x80, s29, s9, $0xb8;
	[tilespmem:$0x1D000] =	vst v63  }
0x10f: {  	_ =	swait.ge [sflag:s12], $0x4000  }
0x110: {  	[sflag:s12] =	ssyncset.done $0x0  }
0x111: {  	s30 =	simm.s32 $0xD00;
	[sflag:s12] =	ssyncadd.s32 $0xFFFFC000  }
0x112: {  	[spmem:s2] =	stream.indirect.scatter.add.f32 [tilespmem:s10], [sflag:$0x3], $0x80, s30, s9, $0xb8;
	[tilespmem:$0x1D000] =	vst v63  }
0x113: {  	_ =	swait.ge [sflag:s5], $0x4000  }
0x114: {  	[sflag:s5] =	ssyncset.done $0x0  }
0x115: {  	[sflag:s5] =	ssyncadd.s32 $0xFFFFC000  }
0x116: {  	_ =	swait.ge [sflag:s13], $0x4000  }
0x117: {  	[sflag:s13] =	ssyncset.done $0x0  }
0x118: {  	s31 =	simm.s32 $0xD80;
	[sflag:s13] =	ssyncadd.s32 $0xFFFFC000  }
0x119: {  	[spmem:s2] =	stream.indirect.scatter.add.f32 [tilespmem:s11], [sflag:$0x3], $0x80, s31, s9, $0xb8;
	[tilespmem:$0x1D000] =	vst v63  }
0x11a: {  	_ =	swait.ge [sflag:s5], $0x4000  }
0x11b: {  	[sflag:s5] =	ssyncset.done $0x0  }
0x11c: {  	s22 =	simm.s32 $0x600;
	[sflag:s5] =	ssyncadd.s32 $0xFFFFC000  }
0x11d: {  	[tilespmem:s10], [sflag:$0x1] =	stream.indirect.gather [hbm4b:s4+s9], $0x80, s22, s9, $0xb8;
	[tilespmem:$0x1D000] =	vst v63  }
0x11e: {  	s22 =	simm.s32 $0x680  }
0x11f: {  	[tilespmem:s11], [sflag:$0x2] =	stream.indirect.gather [hbm4b:s4+s9], $0x80, s22, s9, $0xb8;
	[tilespmem:$0x1D000] =	vst v63  }
0x120: {  	_ =	swait.ge [sflag:s12], $0x4000  }
0x121: {  	[sflag:s12] =	ssyncset.done $0x0  }
0x122: {  	s22 =	simm.s32 $0xE00;
	[sflag:s12] =	ssyncadd.s32 $0xFFFFC000  }
0x123: {  	[spmem:s2] =	stream.indirect.scatter.add.f32 [tilespmem:s10], [sflag:$0x3], $0x80, s22, s9, $0xb8;
	[tilespmem:$0x1D000] =	vst v63  }
0x124: {  	_ =	swait.ge [sflag:s5], $0x4000  }
0x125: {  	[sflag:s5] =	ssyncset.done $0x0  }
0x126: {  	[sflag:s5] =	ssyncadd.s32 $0xFFFFC000  }
0x127: {  	_ =	swait.ge [sflag:s13], $0x4000  }
0x128: {  	[sflag:s13] =	ssyncset.done $0x0  }
0x129: {  	s22 =	simm.s32 $0xE80;
	[sflag:s13] =	ssyncadd.s32 $0xFFFFC000  }
0x12a: {  	[spmem:s2] =	stream.indirect.scatter.add.f32 [tilespmem:s11], [sflag:$0x3], $0x80, s22, s9, $0xb8;
	[tilespmem:$0x1D000] =	vst v63  }
0x12b: {  	_ =	swait.ge [sflag:s5], $0x4000  }
0x12c: {  	[sflag:s5] =	ssyncset.done $0x0  }
0x12d: {  	s22 =	simm.s32 $0x700;
	[sflag:s5] =	ssyncadd.s32 $0xFFFFC000  }
0x12e: {  	[tilespmem:s10], [sflag:$0x1] =	stream.indirect.gather [hbm4b:s4+s9], $0x80, s22, s9, $0xb8;
	[tilespmem:$0x1D000] =	vst v63  }
0x12f: {  	s22 =	simm.s32 $0x780  }
0x130: {  	[tilespmem:s11], [sflag:$0x2] =	stream.indirect.gather [hbm4b:s4+s9], $0x80, s22, s9, $0xb8;
	[tilespmem:$0x1D000] =	vst v63  }
0x131: {  	_ =	swait.ge [sflag:s12], $0x4000  }
0x132: {  	[sflag:s12] =	ssyncset.done $0x0  }
0x133: {  	s22 =	simm.s32 $0xF00;
	[sflag:s12] =	ssyncadd.s32 $0xFFFFC000  }
0x134: {  	[spmem:s2] =	stream.indirect.scatter.add.f32 [tilespmem:s10], [sflag:$0x3], $0x80, s22, s9, $0xb8;
	[tilespmem:$0x1D000] =	vst v63  }
0x135: {  	_ =	swait.ge [sflag:s5], $0x4000  }
0x136: {  	[sflag:s5] =	ssyncset.done $0x0  }
0x137: {  	[sflag:s5] =	ssyncadd.s32 $0xFFFFC000  }
0x138: {  	_ =	swait.ge [sflag:s13], $0x4000  }
0x139: {  	[sflag:s13] =	ssyncset.done $0x0  }
0x13a: {  	s22 =	simm.s32 $0xF80;
	[sflag:s13] =	ssyncadd.s32 $0xFFFFC000  }
0x13b: {  	[spmem:s2] =	stream.indirect.scatter.add.f32 [tilespmem:s11], [sflag:$0x3], $0x80, s22, s9, $0xb8;
	[tilespmem:$0x1D000] =	vst v63  }
0x13c: {  	_ =	swait.ge [sflag:s5], $0x4000  }
0x13d: {  	[sflag:s5] =	ssyncset.done $0x0  }
0x13e: {  	s22 =	rddreg [dreg:$0x8];
	[sflag:s5] =	ssyncadd.s32 $0xFFFFC000  }
0x13f: {  	[tilespmem:s8], [sflag:$0x3] =	stream.linear.gather [hbm4b:s22+s8], $0x800, $0x38;
	[tilespmem:$0x1D000] =	vst v63  }
0x140: {  	_ =	swait.ge [sflag:s5], $0x800  }
0x141: {  	[sflag:s5] =	ssyncset.done $0x0  }
0x142: {  	s0 =	simm.s32 $0x800;
	s22 =	rddreg [dreg:$0x9];
	[sflag:s5] =	ssyncadd.s32 $0xFFFFF800  }
0x143: {  	[tilespmem:s0], [sflag:$0x3] =	stream.linear.gather [hbm4b:s22+s8], $0x800, $0x38;
	[tilespmem:$0x1D000] =	vst v63  }
0x144: {  	_ =	swait.ge [sflag:s5], $0x800  }
0x145: {  	[sflag:s5] =	ssyncset.done $0x0  }
0x146: {  	[sflag:s5] =	ssyncadd.s32 $0xFFFFF800  }
0x147: {  	[tilespmem:s10], [sflag:$0x1] =	stream.indirect.gather [hbm4b:s4+s9], $0x80, s8, s9, $0xb8;
	[tilespmem:$0x1D000] =	vst v63  }
0x148: {  	_ = 	snop  }
0x149: {  	[tilespmem:s11], [sflag:$0x2] =	stream.indirect.gather [hbm4b:s4+s9], $0x80, s9, s9, $0xb8;
	[tilespmem:$0x1D000] =	vst v63  }
0x14a: {  	_ =	swait.ge [sflag:s12], $0x4000  }
0x14b: {  	[sflag:s12] =	ssyncset.done $0x0  }
0x14c: {  	[sflag:s12] =	ssyncadd.s32 $0xFFFFC000  }
0x14d: {  	[spmem:s2] =	stream.indirect.scatter.add.f32 [tilespmem:s10], [sflag:$0x3], $0x80, s0, s9, $0xb8;
	[tilespmem:$0x1D000] =	vst v63  }
0x14e: {  	_ =	swait.ge [sflag:s5], $0x4000  }
0x14f: {  	[sflag:s5] =	ssyncset.done $0x0  }
0x150: {  	[sflag:s5] =	ssyncadd.s32 $0xFFFFC000  }
0x151: {  	_ =	swait.ge [sflag:s13], $0x4000  }
0x152: {  	[sflag:s13] =	ssyncset.done $0x0  }
0x153: {  	s22 =	simm.s32 $0x880;
	[sflag:s13] =	ssyncadd.s32 $0xFFFFC000  }
0x154: {  	[spmem:s2] =	stream.indirect.scatter.add.f32 [tilespmem:s11], [sflag:$0x3], $0x80, s22, s9, $0xb8;
	[tilespmem:$0x1D000] =	vst v63  }
0x155: {  	_ =	swait.ge [sflag:s5], $0x4000  }
0x156: {  	[sflag:s5] =	ssyncset.done $0x0  }
0x157: {  	[sflag:s5] =	ssyncadd.s32 $0xFFFFC000  }
0x158: {  	[tilespmem:s10], [sflag:$0x1] =	stream.indirect.gather [hbm4b:s4+s9], $0x80, s1, s9, $0xb8;
	[tilespmem:$0x1D000] =	vst v63  }
0x159: {  	_ = 	snop  }
0x15a: {  	[tilespmem:s11], [sflag:$0x2] =	stream.indirect.gather [hbm4b:s4+s9], $0x80, s3, s9, $0xb8;
	[tilespmem:$0x1D000] =	vst v63  }
0x15b: {  	_ =	swait.ge [sflag:s12], $0x4000  }
0x15c: {  	[sflag:s12] =	ssyncset.done $0x0  }
0x15d: {  	[sflag:s12] =	ssyncadd.s32 $0xFFFFC000  }
0x15e: {  	[spmem:s2] =	stream.indirect.scatter.add.f32 [tilespmem:s10], [sflag:$0x3], $0x80, s6, s9, $0xb8;
	[tilespmem:$0x1D000] =	vst v63  }
0x15f: {  	_ =	swait.ge [sflag:s5], $0x4000  }
0x160: {  	[sflag:s5] =	ssyncset.done $0x0  }
0x161: {  	[sflag:s5] =	ssyncadd.s32 $0xFFFFC000  }
0x162: {  	_ =	swait.ge [sflag:s13], $0x4000  }
0x163: {  	[sflag:s13] =	ssyncset.done $0x0  }
0x164: {  	[sflag:s13] =	ssyncadd.s32 $0xFFFFC000  }
0x165: {  	[spmem:s2] =	stream.indirect.scatter.add.f32 [tilespmem:s11], [sflag:$0x3], $0x80, s7, s9, $0xb8;
	[tilespmem:$0x1D000] =	vst v63  }
0x166: {  	_ =	swait.ge [sflag:s5], $0x4000  }
0x167: {  	[sflag:s5] =	ssyncset.done $0x0  }
0x168: {  	[sflag:s5] =	ssyncadd.s32 $0xFFFFC000  }
0x169: {  	[tilespmem:s10], [sflag:$0x1] =	stream.indirect.gather [hbm4b:s4+s9], $0x80, s14, s9, $0xb8;
	[tilespmem:$0x1D000] =	vst v63  }
0x16a: {  	_ = 	snop  }
0x16b: {  	[tilespmem:s11], [sflag:$0x2] =	stream.indirect.gather [hbm4b:s4+s9], $0x80, s15, s9, $0xb8;
	[tilespmem:$0x1D000] =	vst v63  }
0x16c: {  	_ =	swait.ge [sflag:s12], $0x4000  }
0x16d: {  	[sflag:s12] =	ssyncset.done $0x0  }
0x16e: {  	[sflag:s12] =	ssyncadd.s32 $0xFFFFC000  }
0x16f: {  	[spmem:s2] =	stream.indirect.scatter.add.f32 [tilespmem:s10], [sflag:$0x3], $0x80, s16, s9, $0xb8;
	[tilespmem:$0x1D000] =	vst v63  }
0x170: {  	_ =	swait.ge [sflag:s5], $0x4000  }
0x171: {  	[sflag:s5] =	ssyncset.done $0x0  }
0x172: {  	[sflag:s5] =	ssyncadd.s32 $0xFFFFC000  }
0x173: {  	_ =	swait.ge [sflag:s13], $0x4000  }
0x174: {  	[sflag:s13] =	ssyncset.done $0x0  }
0x175: {  	[sflag:s13] =	ssyncadd.s32 $0xFFFFC000  }
0x176: {  	[spmem:s2] =	stream.indirect.scatter.add.f32 [tilespmem:s11], [sflag:$0x3], $0x80, s17, s9, $0xb8;
	[tilespmem:$0x1D000] =	vst v63  }
0x177: {  	_ =	swait.ge [sflag:s5], $0x4000  }
0x178: {  	[sflag:s5] =	ssyncset.done $0x0  }
0x179: {  	[sflag:s5] =	ssyncadd.s32 $0xFFFFC000  }
0x17a: {  	[tilespmem:s10], [sflag:$0x1] =	stream.indirect.gather [hbm4b:s4+s9], $0x80, s18, s9, $0xb8;
	[tilespmem:$0x1D000] =	vst v63  }
0x17b: {  	_ = 	snop  }
0x17c: {  	[tilespmem:s11], [sflag:$0x2] =	stream.indirect.gather [hbm4b:s4+s9], $0x80, s19, s9, $0xb8;
	[tilespmem:$0x1D000] =	vst v63  }
0x17d: {  	_ =	swait.ge [sflag:s12], $0x4000  }
0x17e: {  	[sflag:s12] =	ssyncset.done $0x0  }
0x17f: {  	[sflag:s12] =	ssyncadd.s32 $0xFFFFC000  }
0x180: {  	[spmem:s2] =	stream.indirect.scatter.add.f32 [tilespmem:s10], [sflag:$0x3], $0x80, s20, s9, $0xb8;
	[tilespmem:$0x1D000] =	vst v63  }
0x181: {  	_ =	swait.ge [sflag:s5], $0x4000  }
0x182: {  	[sflag:s5] =	ssyncset.done $0x0  }
0x183: {  	[sflag:s5] =	ssyncadd.s32 $0xFFFFC000  }
0x184: {  	_ =	swait.ge [sflag:s13], $0x4000  }
0x185: {  	[sflag:s13] =	ssyncset.done $0x0  }
0x186: {  	[sflag:s13] =	ssyncadd.s32 $0xFFFFC000  }
0x187: {  	[spmem:s2] =	stream.indirect.scatter.add.f32 [tilespmem:s11], [sflag:$0x3], $0x80, s21, s9, $0xb8;
	[tilespmem:$0x1D000] =	vst v63  }
0x188: {  	_ =	swait.ge [sflag:s5], $0x4000  }
0x189: {  	[sflag:s5] =	ssyncset.done $0x0  }
0x18a: {  	[sflag:s5] =	ssyncadd.s32 $0xFFFFC000  }
0x18b: {  	[tilespmem:s10], [sflag:$0x1] =	stream.indirect.gather [hbm4b:s4+s9], $0x80, s23, s9, $0xb8;
	[tilespmem:$0x1D000] =	vst v63  }
0x18c: {  	_ = 	snop  }
0x18d: {  	[tilespmem:s11], [sflag:$0x2] =	stream.indirect.gather [hbm4b:s4+s9], $0x80, s24, s9, $0xb8;
	[tilespmem:$0x1D000] =	vst v63  }
0x18e: {  	_ =	swait.ge [sflag:s12], $0x4000  }
0x18f: {  	[sflag:s12] =	ssyncset.done $0x0  }
0x190: {  	[sflag:s12] =	ssyncadd.s32 $0xFFFFC000  }
0x191: {  	[spmem:s2] =	stream.indirect.scatter.add.f32 [tilespmem:s10], [sflag:$0x3], $0x80, s25, s9, $0xb8;
	[tilespmem:$0x1D000] =	vst v63  }
0x192: {  	_ =	swait.ge [sflag:s5], $0x4000  }
0x193: {  	[sflag:s5] =	ssyncset.done $0x0  }
0x194: {  	[sflag:s5] =	ssyncadd.s32 $0xFFFFC000  }
0x195: {  	_ =	swait.ge [sflag:s13], $0x4000  }
0x196: {  	[sflag:s13] =	ssyncset.done $0x0  }
0x197: {  	[sflag:s13] =	ssyncadd.s32 $0xFFFFC000  }
0x198: {  	[spmem:s2] =	stream.indirect.scatter.add.f32 [tilespmem:s11], [sflag:$0x3], $0x80, s26, s9, $0xb8;
	[tilespmem:$0x1D000] =	vst v63  }
0x199: {  	_ =	swait.ge [sflag:s5], $0x4000  }
0x19a: {  	[sflag:s5] =	ssyncset.done $0x0  }
0x19b: {  	[sflag:s5] =	ssyncadd.s32 $0xFFFFC000  }
0x19c: {  	[tilespmem:s10], [sflag:$0x1] =	stream.indirect.gather [hbm4b:s4+s9], $0x80, s28, s9, $0xb8;
	[tilespmem:$0x1D000] =	vst v63  }
0x19d: {  	_ = 	snop  }
0x19e: {  	[tilespmem:s11], [sflag:$0x2] =	stream.indirect.gather [hbm4b:s4+s9], $0x80, s29, s9, $0xb8;
	[tilespmem:$0x1D000] =	vst v63  }
0x19f: {  	_ =	swait.ge [sflag:s12], $0x4000  }
0x1a0: {  	[sflag:s12] =	ssyncset.done $0x0  }
0x1a1: {  	[sflag:s12] =	ssyncadd.s32 $0xFFFFC000  }
0x1a2: {  	[spmem:s2] =	stream.indirect.scatter.add.f32 [tilespmem:s10], [sflag:$0x3], $0x80, s30, s9, $0xb8;
	[tilespmem:$0x1D000] =	vst v63  }
0x1a3: {  	_ =	swait.ge [sflag:s5], $0x4000  }
0x1a4: {  	[sflag:s5] =	ssyncset.done $0x0  }
0x1a5: {  	[sflag:s5] =	ssyncadd.s32 $0xFFFFC000  }
0x1a6: {  	_ =	swait.ge [sflag:s13], $0x4000  }
0x1a7: {  	[sflag:s13] =	ssyncset.done $0x0  }
0x1a8: {  	[sflag:s13] =	ssyncadd.s32 $0xFFFFC000  }
0x1a9: {  	[spmem:s2] =	stream.indirect.scatter.add.f32 [tilespmem:s11], [sflag:$0x3], $0x80, s31, s9, $0xb8;
	[tilespmem:$0x1D000] =	vst v63  }
0x1aa: {  	_ =	swait.ge [sflag:s5], $0x4000  }
0x1ab: {  	[sflag:s5] =	ssyncset.done $0x0  }
0x1ac: {  	s24 =	simm.s32 $0x600;
	[sflag:s5] =	ssyncadd.s32 $0xFFFFC000  }
0x1ad: {  	[tilespmem:s10], [sflag:$0x1] =	stream.indirect.gather [hbm4b:s4+s9], $0x80, s24, s9, $0xb8;
	[tilespmem:$0x1D000] =	vst v63  }
0x1ae: {  	s25 =	simm.s32 $0x680  }
0x1af: {  	[tilespmem:s11], [sflag:$0x2] =	stream.indirect.gather [hbm4b:s4+s9], $0x80, s25, s9, $0xb8;
	[tilespmem:$0x1D000] =	vst v63  }
0x1b0: {  	_ =	swait.ge [sflag:s12], $0x4000  }
0x1b1: {  	[sflag:s12] =	ssyncset.done $0x0  }
0x1b2: {  	s26 =	simm.s32 $0xE00;
	[sflag:s12] =	ssyncadd.s32 $0xFFFFC000  }
0x1b3: {  	[spmem:s2] =	stream.indirect.scatter.add.f32 [tilespmem:s10], [sflag:$0x3], $0x80, s26, s9, $0xb8;
	[tilespmem:$0x1D000] =	vst v63  }
0x1b4: {  	_ =	swait.ge [sflag:s5], $0x4000  }
0x1b5: {  	[sflag:s5] =	ssyncset.done $0x0  }
0x1b6: {  	[sflag:s5] =	ssyncadd.s32 $0xFFFFC000  }
0x1b7: {  	_ =	swait.ge [sflag:s13], $0x4000  }
0x1b8: {  	[sflag:s13] =	ssyncset.done $0x0  }
0x1b9: {  	s28 =	simm.s32 $0xE80;
	[sflag:s13] =	ssyncadd.s32 $0xFFFFC000  }
0x1ba: {  	[spmem:s2] =	stream.indirect.scatter.add.f32 [tilespmem:s11], [sflag:$0x3], $0x80, s28, s9, $0xb8;
	[tilespmem:$0x1D000] =	vst v63  }
0x1bb: {  	_ =	swait.ge [sflag:s5], $0x4000  }
0x1bc: {  	[sflag:s5] =	ssyncset.done $0x0  }
0x1bd: {  	s29 =	simm.s32 $0x700;
	[sflag:s5] =	ssyncadd.s32 $0xFFFFC000  }
0x1be: {  	[tilespmem:s10], [sflag:$0x1] =	stream.indirect.gather [hbm4b:s4+s9], $0x80, s29, s9, $0xb8;
	[tilespmem:$0x1D000] =	vst v63  }
0x1bf: {  	s30 =	simm.s32 $0x780  }
0x1c0: {  	[tilespmem:s11], [sflag:$0x2] =	stream.indirect.gather [hbm4b:s4+s9], $0x80, s30, s9, $0xb8;
	[tilespmem:$0x1D000] =	vst v63  }
0x1c1: {  	_ =	swait.ge [sflag:s12], $0x4000  }
0x1c2: {  	[sflag:s12] =	ssyncset.done $0x0  }
0x1c3: {  	s31 =	simm.s32 $0xF00;
	[sflag:s12] =	ssyncadd.s32 $0xFFFFC000  }
0x1c4: {  	[spmem:s2] =	stream.indirect.scatter.add.f32 [tilespmem:s10], [sflag:$0x3], $0x80, s31, s9, $0xb8;
	[tilespmem:$0x1D000] =	vst v63  }
0x1c5: {  	_ =	swait.ge [sflag:s5], $0x4000  }
0x1c6: {  	[sflag:s5] =	ssyncset.done $0x0  }
0x1c7: {  	[sflag:s5] =	ssyncadd.s32 $0xFFFFC000  }
0x1c8: {  	_ =	swait.ge [sflag:s13], $0x4000  }
0x1c9: {  	[sflag:s13] =	ssyncset.done $0x0  }
0x1ca: {  	s1 =	simm.s32 $0xF80;
	[sflag:s13] =	ssyncadd.s32 $0xFFFFC000  }
0x1cb: {  	[spmem:s2] =	stream.indirect.scatter.add.f32 [tilespmem:s11], [sflag:$0x3], $0x80, s1, s9, $0xb8;
	[tilespmem:$0x1D000] =	vst v63  }
0x1cc: {  	_ =	swait.ge [sflag:s5], $0x4000  }
0x1cd: {  	[sflag:s5] =	ssyncset.done $0x0  }
0x1ce: {  	s3 =	rddreg [dreg:$0xa];
	[sflag:s5] =	ssyncadd.s32 $0xFFFFC000  }
0x1cf: {  	[tilespmem:s8], [sflag:$0x3] =	stream.linear.gather [hbm4b:s3+s8], $0x800, $0x38;
	[tilespmem:$0x1D000] =	vst v63  }
0x1d0: {  	_ =	swait.ge [sflag:s5], $0x800  }
0x1d1: {  	[sflag:s5] =	ssyncset.done $0x0  }
0x1d2: {  	s7 =	simm.s32 $0x800;
	s6 =	rddreg [dreg:$0xb];
	[sflag:s5] =	ssyncadd.s32 $0xFFFFF800  }
0x1d3: {  	[tilespmem:s7], [sflag:$0x3] =	stream.linear.gather [hbm4b:s6+s8], $0x800, $0x38;
	[tilespmem:$0x1D000] =	vst v63  }
0x1d4: {  	_ =	swait.ge [sflag:s5], $0x800  }
0x1d5: {  	[sflag:s5] =	ssyncset.done $0x0  }
0x1d6: {  	[sflag:s5] =	ssyncadd.s32 $0xFFFFF800  }
0x1d7: {  	[tilespmem:s10], [sflag:$0x1] =	stream.indirect.gather [hbm4b:s4+s9], $0x80, s8, s9, $0xb8;
	[tilespmem:$0x1D000] =	vst v63  }
0x1d8: {  	_ = 	snop  }
0x1d9: {  	[tilespmem:s11], [sflag:$0x2] =	stream.indirect.gather [hbm4b:s4+s9], $0x80, s9, s9, $0xb8;
	[tilespmem:$0x1D000] =	vst v63  }
0x1da: {  	_ =	swait.ge [sflag:s12], $0x4000  }
0x1db: {  	[sflag:s12] =	ssyncset.done $0x0  }
0x1dc: {  	[sflag:s12] =	ssyncadd.s32 $0xFFFFC000  }
0x1dd: {  	[spmem:s2] =	stream.indirect.scatter.add.f32 [tilespmem:s10], [sflag:$0x3], $0x80, s7, s9, $0xb8;
	[tilespmem:$0x1D000] =	vst v63  }
0x1de: {  	_ =	swait.ge [sflag:s5], $0x4000  }
0x1df: {  	[sflag:s5] =	ssyncset.done $0x0  }
0x1e0: {  	[sflag:s5] =	ssyncadd.s32 $0xFFFFC000  }
0x1e1: {  	_ =	swait.ge [sflag:s13], $0x4000  }
0x1e2: {  	[sflag:s13] =	ssyncset.done $0x0  }
0x1e3: {  	s14 =	simm.s32 $0x880;
	[sflag:s13] =	ssyncadd.s32 $0xFFFFC000  }
0x1e4: {  	[spmem:s2] =	stream.indirect.scatter.add.f32 [tilespmem:s11], [sflag:$0x3], $0x80, s14, s9, $0xb8;
	[tilespmem:$0x1D000] =	vst v63  }
0x1e5: {  	_ =	swait.ge [sflag:s5], $0x4000  }
0x1e6: {  	[sflag:s5] =	ssyncset.done $0x0  }
0x1e7: {  	s1 =	simm.s32 $0x100;
	[sflag:s5] =	ssyncadd.s32 $0xFFFFC000  }
0x1e8: {  	[tilespmem:s10], [sflag:$0x1] =	stream.indirect.gather [hbm4b:s4+s9], $0x80, s1, s9, $0xb8;
	[tilespmem:$0x1D000] =	vst v63  }
0x1e9: {  	s15 =	simm.s32 $0x180  }
0x1ea: {  	[tilespmem:s11], [sflag:$0x2] =	stream.indirect.gather [hbm4b:s4+s9], $0x80, s15, s9, $0xb8;
	[tilespmem:$0x1D000] =	vst v63  }
0x1eb: {  	_ =	swait.ge [sflag:s12], $0x4000  }
0x1ec: {  	[sflag:s12] =	ssyncset.done $0x0  }
0x1ed: {  	s3 =	simm.s32 $0x900;
	[sflag:s12] =	ssyncadd.s32 $0xFFFFC000  }
0x1ee: {  	[spmem:s2] =	stream.indirect.scatter.add.f32 [tilespmem:s10], [sflag:$0x3], $0x80, s3, s9, $0xb8;
	[tilespmem:$0x1D000] =	vst v63  }
0x1ef: {  	_ =	swait.ge [sflag:s5], $0x4000  }
0x1f0: {  	[sflag:s5] =	ssyncset.done $0x0  }
0x1f1: {  	[sflag:s5] =	ssyncadd.s32 $0xFFFFC000  }
0x1f2: {  	_ =	swait.ge [sflag:s13], $0x4000  }
0x1f3: {  	[sflag:s13] =	ssyncset.done $0x0  }
0x1f4: {  	s16 =	simm.s32 $0x980;
	[sflag:s13] =	ssyncadd.s32 $0xFFFFC000  }
0x1f5: {  	[spmem:s2] =	stream.indirect.scatter.add.f32 [tilespmem:s11], [sflag:$0x3], $0x80, s16, s9, $0xb8;
	[tilespmem:$0x1D000] =	vst v63  }
0x1f6: {  	_ =	swait.ge [sflag:s5], $0x4000  }
0x1f7: {  	[sflag:s5] =	ssyncset.done $0x0  }
0x1f8: {  	s6 =	simm.s32 $0x200;
	[sflag:s5] =	ssyncadd.s32 $0xFFFFC000  }
0x1f9: {  	[tilespmem:s10], [sflag:$0x1] =	stream.indirect.gather [hbm4b:s4+s9], $0x80, s6, s9, $0xb8;
	[tilespmem:$0x1D000] =	vst v63  }
0x1fa: {  	s18 =	simm.s32 $0x280  }
0x1fb: {  	[tilespmem:s11], [sflag:$0x2] =	stream.indirect.gather [hbm4b:s4+s9], $0x80, s18, s9, $0xb8;
	[tilespmem:$0x1D000] =	vst v63  }
0x1fc: {  	_ =	swait.ge [sflag:s12], $0x4000  }
0x1fd: {  	[sflag:s12] =	ssyncset.done $0x0  }
0x1fe: {  	s7 =	simm.s32 $0xA00;
	[sflag:s12] =	ssyncadd.s32 $0xFFFFC000  }
0x1ff: {  	[spmem:s2] =	stream.indirect.scatter.add.f32 [tilespmem:s10], [sflag:$0x3], $0x80, s7, s9, $0xb8;
	[tilespmem:$0x1D000] =	vst v63  }
0x200: {  	_ =	swait.ge [sflag:s5], $0x4000  }
0x201: {  	[sflag:s5] =	ssyncset.done $0x0  }
0x202: {  	[sflag:s5] =	ssyncadd.s32 $0xFFFFC000  }
0x203: {  	_ =	swait.ge [sflag:s13], $0x4000  }
0x204: {  	[sflag:s13] =	ssyncset.done $0x0  }
0x205: {  	s20 =	simm.s32 $0xA80;
	[sflag:s13] =	ssyncadd.s32 $0xFFFFC000  }
0x206: {  	[spmem:s2] =	stream.indirect.scatter.add.f32 [tilespmem:s11], [sflag:$0x3], $0x80, s20, s9, $0xb8;
	[tilespmem:$0x1D000] =	vst v63  }
0x207: {  	_ =	swait.ge [sflag:s5], $0x4000  }
0x208: {  	[sflag:s5] =	ssyncset.done $0x0  }
0x209: {  	s14 =	simm.s32 $0x300;
	[sflag:s5] =	ssyncadd.s32 $0xFFFFC000  }
0x20a: {  	[tilespmem:s10], [sflag:$0x1] =	stream.indirect.gather [hbm4b:s4+s9], $0x80, s14, s9, $0xb8;
	[tilespmem:$0x1D000] =	vst v63  }
0x20b: {  	s22 =	simm.s32 $0x380  }
0x20c: {  	[tilespmem:s11], [sflag:$0x2] =	stream.indirect.gather [hbm4b:s4+s9], $0x80, s22, s9, $0xb8;
	[tilespmem:$0x1D000] =	vst v63  }
0x20d: {  	_ =	swait.ge [sflag:s12], $0x4000  }
0x20e: {  	[sflag:s12] =	ssyncset.done $0x0  }
0x20f: {  	s15 =	simm.s32 $0xB00;
	[sflag:s12] =	ssyncadd.s32 $0xFFFFC000  }
0x210: {  	[spmem:s2] =	stream.indirect.scatter.add.f32 [tilespmem:s10], [sflag:$0x3], $0x80, s15, s9, $0xb8;
	[tilespmem:$0x1D000] =	vst v63  }
0x211: {  	_ =	swait.ge [sflag:s5], $0x4000  }
0x212: {  	[sflag:s5] =	ssyncset.done $0x0  }
0x213: {  	[sflag:s5] =	ssyncadd.s32 $0xFFFFC000  }
0x214: {  	_ =	swait.ge [sflag:s13], $0x4000  }
0x215: {  	[sflag:s13] =	ssyncset.done $0x0  }
0x216: {  	s23 =	simm.s32 $0xB80;
	[sflag:s13] =	ssyncadd.s32 $0xFFFFC000  }
0x217: {  	[spmem:s2] =	stream.indirect.scatter.add.f32 [tilespmem:s11], [sflag:$0x3], $0x80, s23, s9, $0xb8;
	[tilespmem:$0x1D000] =	vst v63  }
0x218: {  	_ =	swait.ge [sflag:s5], $0x4000  }
0x219: {  	[sflag:s5] =	ssyncset.done $0x0  }
0x21a: {  	s24 =	simm.s32 $0x400;
	[sflag:s5] =	ssyncadd.s32 $0xFFFFC000  }
0x21b: {  	[tilespmem:s10], [sflag:$0x1] =	stream.indirect.gather [hbm4b:s4+s9], $0x80, s24, s9, $0xb8;
	[tilespmem:$0x1D000] =	vst v63  }
0x21c: {  	s25 =	simm.s32 $0x480  }
0x21d: {  	[tilespmem:s11], [sflag:$0x2] =	stream.indirect.gather [hbm4b:s4+s9], $0x80, s25, s9, $0xb8;
	[tilespmem:$0x1D000] =	vst v63  }
0x21e: {  	_ =	swait.ge [sflag:s12], $0x4000  }
0x21f: {  	[sflag:s12] =	ssyncset.done $0x0  }
0x220: {  	s26 =	simm.s32 $0xC00;
	[sflag:s12] =	ssyncadd.s32 $0xFFFFC000  }
0x221: {  	[spmem:s2] =	stream.indirect.scatter.add.f32 [tilespmem:s10], [sflag:$0x3], $0x80, s26, s9, $0xb8;
	[tilespmem:$0x1D000] =	vst v63  }
0x222: {  	_ =	swait.ge [sflag:s5], $0x4000  }
0x223: {  	[sflag:s5] =	ssyncset.done $0x0  }
0x224: {  	[sflag:s5] =	ssyncadd.s32 $0xFFFFC000  }
0x225: {  	_ =	swait.ge [sflag:s13], $0x4000  }
0x226: {  	[sflag:s13] =	ssyncset.done $0x0  }
0x227: {  	s28 =	simm.s32 $0xC80;
	[sflag:s13] =	ssyncadd.s32 $0xFFFFC000  }
0x228: {  	[spmem:s2] =	stream.indirect.scatter.add.f32 [tilespmem:s11], [sflag:$0x3], $0x80, s28, s9, $0xb8;
	[tilespmem:$0x1D000] =	vst v63  }
0x229: {  	_ =	swait.ge [sflag:s5], $0x4000  }
0x22a: {  	[sflag:s5] =	ssyncset.done $0x0  }
0x22b: {  	s29 =	simm.s32 $0x500;
	[sflag:s5] =	ssyncadd.s32 $0xFFFFC000  }
0x22c: {  	[tilespmem:s10], [sflag:$0x1] =	stream.indirect.gather [hbm4b:s4+s9], $0x80, s29, s9, $0xb8;
	[tilespmem:$0x1D000] =	vst v63  }
0x22d: {  	s30 =	simm.s32 $0x580  }
0x22e: {  	[tilespmem:s11], [sflag:$0x2] =	stream.indirect.gather [hbm4b:s4+s9], $0x80, s30, s9, $0xb8;
	[tilespmem:$0x1D000] =	vst v63  }
0x22f: {  	_ =	swait.ge [sflag:s12], $0x4000  }
0x230: {  	[sflag:s12] =	ssyncset.done $0x0  }
0x231: {  	s31 =	simm.s32 $0xD00;
	[sflag:s12] =	ssyncadd.s32 $0xFFFFC000  }
0x232: {  	[spmem:s2] =	stream.indirect.scatter.add.f32 [tilespmem:s10], [sflag:$0x3], $0x80, s31, s9, $0xb8;
	[tilespmem:$0x1D000] =	vst v63  }
0x233: {  	_ =	swait.ge [sflag:s5], $0x4000  }
0x234: {  	[sflag:s5] =	ssyncset.done $0x0  }
0x235: {  	[sflag:s5] =	ssyncadd.s32 $0xFFFFC000  }
0x236: {  	_ =	swait.ge [sflag:s13], $0x4000  }
0x237: {  	[sflag:s13] =	ssyncset.done $0x0  }
0x238: {  	s22 =	simm.s32 $0xD80;
	[sflag:s13] =	ssyncadd.s32 $0xFFFFC000  }
0x239: {  	[spmem:s2] =	stream.indirect.scatter.add.f32 [tilespmem:s11], [sflag:$0x3], $0x80, s22, s9, $0xb8;
	[tilespmem:$0x1D000] =	vst v63  }
0x23a: {  	_ =	swait.ge [sflag:s5], $0x4000  }
0x23b: {  	[sflag:s5] =	ssyncset.done $0x0  }
0x23c: {  	s22 =	simm.s32 $0x600;
	[sflag:s5] =	ssyncadd.s32 $0xFFFFC000  }
0x23d: {  	[tilespmem:s10], [sflag:$0x1] =	stream.indirect.gather [hbm4b:s4+s9], $0x80, s22, s9, $0xb8;
	[tilespmem:$0x1D000] =	vst v63  }
0x23e: {  	s22 =	simm.s32 $0x680  }
0x23f: {  	[tilespmem:s11], [sflag:$0x2] =	stream.indirect.gather [hbm4b:s4+s9], $0x80, s22, s9, $0xb8;
	[tilespmem:$0x1D000] =	vst v63  }
0x240: {  	_ =	swait.ge [sflag:s12], $0x4000  }
0x241: {  	[sflag:s12] =	ssyncset.done $0x0  }
0x242: {  	s22 =	simm.s32 $0xE00;
	[sflag:s12] =	ssyncadd.s32 $0xFFFFC000  }
0x243: {  	[spmem:s2] =	stream.indirect.scatter.add.f32 [tilespmem:s10], [sflag:$0x3], $0x80, s22, s9, $0xb8;
	[tilespmem:$0x1D000] =	vst v63  }
0x244: {  	_ =	swait.ge [sflag:s5], $0x4000  }
0x245: {  	[sflag:s5] =	ssyncset.done $0x0  }
0x246: {  	[sflag:s5] =	ssyncadd.s32 $0xFFFFC000  }
0x247: {  	_ =	swait.ge [sflag:s13], $0x4000  }
0x248: {  	[sflag:s13] =	ssyncset.done $0x0  }
0x249: {  	s22 =	simm.s32 $0xE80;
	[sflag:s13] =	ssyncadd.s32 $0xFFFFC000  }
0x24a: {  	[spmem:s2] =	stream.indirect.scatter.add.f32 [tilespmem:s11], [sflag:$0x3], $0x80, s22, s9, $0xb8;
	[tilespmem:$0x1D000] =	vst v63  }
0x24b: {  	_ =	swait.ge [sflag:s5], $0x4000  }
0x24c: {  	[sflag:s5] =	ssyncset.done $0x0  }
0x24d: {  	s22 =	simm.s32 $0x700;
	[sflag:s5] =	ssyncadd.s32 $0xFFFFC000  }
0x24e: {  	[tilespmem:s10], [sflag:$0x1] =	stream.indirect.gather [hbm4b:s4+s9], $0x80, s22, s9, $0xb8;
	[tilespmem:$0x1D000] =	vst v63  }
0x24f: {  	s22 =	simm.s32 $0x780  }
0x250: {  	[tilespmem:s11], [sflag:$0x2] =	stream.indirect.gather [hbm4b:s4+s9], $0x80, s22, s9, $0xb8;
	[tilespmem:$0x1D000] =	vst v63  }
0x251: {  	_ =	swait.ge [sflag:s12], $0x4000  }
0x252: {  	[sflag:s12] =	ssyncset.done $0x0  }
0x253: {  	s22 =	simm.s32 $0xF00;
	[sflag:s12] =	ssyncadd.s32 $0xFFFFC000  }
0x254: {  	[spmem:s2] =	stream.indirect.scatter.add.f32 [tilespmem:s10], [sflag:$0x3], $0x80, s22, s9, $0xb8;
	[tilespmem:$0x1D000] =	vst v63  }
0x255: {  	_ =	swait.ge [sflag:s5], $0x4000  }
0x256: {  	[sflag:s5] =	ssyncset.done $0x0  }
0x257: {  	[sflag:s5] =	ssyncadd.s32 $0xFFFFC000  }
0x258: {  	_ =	swait.ge [sflag:s13], $0x4000  }
0x259: {  	[sflag:s13] =	ssyncset.done $0x0  }
0x25a: {  	s22 =	simm.s32 $0xF80;
	[sflag:s13] =	ssyncadd.s32 $0xFFFFC000  }
0x25b: {  	[spmem:s2] =	stream.indirect.scatter.add.f32 [tilespmem:s11], [sflag:$0x3], $0x80, s22, s9, $0xb8;
	[tilespmem:$0x1D000] =	vst v63  }
0x25c: {  	_ =	swait.ge [sflag:s5], $0x4000  }
0x25d: {  	[sflag:s5] =	ssyncset.done $0x0  }
0x25e: {  	s22 =	rddreg [dreg:$0xc];
	[sflag:s5] =	ssyncadd.s32 $0xFFFFC000  }
0x25f: {  	[tilespmem:s8], [sflag:$0x3] =	stream.linear.gather [hbm4b:s22+s8], $0x800, $0x38;
	[tilespmem:$0x1D000] =	vst v63  }
0x260: {  	_ =	swait.ge [sflag:s5], $0x800  }
0x261: {  	[sflag:s5] =	ssyncset.done $0x0  }
0x262: {  	s0 =	simm.s32 $0x800;
	s22 =	rddreg [dreg:$0xd];
	[sflag:s5] =	ssyncadd.s32 $0xFFFFF800  }
0x263: {  	[tilespmem:s0], [sflag:$0x3] =	stream.linear.gather [hbm4b:s22+s8], $0x800, $0x38;
	[tilespmem:$0x1D000] =	vst v63  }
0x264: {  	_ =	swait.ge [sflag:s5], $0x800  }
0x265: {  	[sflag:s5] =	ssyncset.done $0x0  }
0x266: {  	[sflag:s5] =	ssyncadd.s32 $0xFFFFF800  }
0x267: {  	[tilespmem:s10], [sflag:$0x1] =	stream.indirect.gather [hbm4b:s4+s9], $0x80, s8, s9, $0xb8;
	[tilespmem:$0x1D000] =	vst v63  }
0x268: {  	_ = 	snop  }
0x269: {  	[tilespmem:s11], [sflag:$0x2] =	stream.indirect.gather [hbm4b:s4+s9], $0x80, s9, s9, $0xb8;
	[tilespmem:$0x1D000] =	vst v63  }
0x26a: {  	_ =	swait.ge [sflag:s12], $0x4000  }
0x26b: {  	[sflag:s12] =	ssyncset.done $0x0  }
0x26c: {  	[sflag:s12] =	ssyncadd.s32 $0xFFFFC000  }
0x26d: {  	[spmem:s2] =	stream.indirect.scatter.add.f32 [tilespmem:s10], [sflag:$0x3], $0x80, s0, s9, $0xb8;
	[tilespmem:$0x1D000] =	vst v63  }
0x26e: {  	_ =	swait.ge [sflag:s5], $0x4000  }
0x26f: {  	[sflag:s5] =	ssyncset.done $0x0  }
0x270: {  	[sflag:s5] =	ssyncadd.s32 $0xFFFFC000  }
0x271: {  	_ =	swait.ge [sflag:s13], $0x4000  }
0x272: {  	[sflag:s13] =	ssyncset.done $0x0  }
0x273: {  	s17 =	simm.s32 $0x880;
	[sflag:s13] =	ssyncadd.s32 $0xFFFFC000  }
0x274: {  	[spmem:s2] =	stream.indirect.scatter.add.f32 [tilespmem:s11], [sflag:$0x3], $0x80, s17, s9, $0xb8;
	[tilespmem:$0x1D000] =	vst v63  }
0x275: {  	_ =	swait.ge [sflag:s5], $0x4000  }
0x276: {  	[sflag:s5] =	ssyncset.done $0x0  }
0x277: {  	[sflag:s5] =	ssyncadd.s32 $0xFFFFC000  }
0x278: {  	[tilespmem:s10], [sflag:$0x1] =	stream.indirect.gather [hbm4b:s4+s9], $0x80, s1, s9, $0xb8;
	[tilespmem:$0x1D000] =	vst v63  }
0x279: {  	s21 =	simm.s32 $0x180  }
0x27a: {  	[tilespmem:s11], [sflag:$0x2] =	stream.indirect.gather [hbm4b:s4+s9], $0x80, s21, s9, $0xb8;
	[tilespmem:$0x1D000] =	vst v63  }
0x27b: {  	_ =	swait.ge [sflag:s12], $0x4000  }
0x27c: {  	[sflag:s12] =	ssyncset.done $0x0  }
0x27d: {  	[sflag:s12] =	ssyncadd.s32 $0xFFFFC000  }
0x27e: {  	[spmem:s2] =	stream.indirect.scatter.add.f32 [tilespmem:s10], [sflag:$0x3], $0x80, s3, s9, $0xb8;
	[tilespmem:$0x1D000] =	vst v63  }
0x27f: {  	_ =	swait.ge [sflag:s5], $0x4000  }
0x280: {  	[sflag:s5] =	ssyncset.done $0x0  }
0x281: {  	[sflag:s5] =	ssyncadd.s32 $0xFFFFC000  }
0x282: {  	_ =	swait.ge [sflag:s13], $0x4000  }
0x283: {  	[sflag:s13] =	ssyncset.done $0x0  }
0x284: {  	s19 =	simm.s32 $0x980;
	[sflag:s13] =	ssyncadd.s32 $0xFFFFC000  }
0x285: {  	[spmem:s2] =	stream.indirect.scatter.add.f32 [tilespmem:s11], [sflag:$0x3], $0x80, s19, s9, $0xb8;
	[tilespmem:$0x1D000] =	vst v63  }
0x286: {  	_ =	swait.ge [sflag:s5], $0x4000  }
0x287: {  	[sflag:s5] =	ssyncset.done $0x0  }
0x288: {  	[sflag:s5] =	ssyncadd.s32 $0xFFFFC000  }
0x289: {  	[tilespmem:s10], [sflag:$0x1] =	stream.indirect.gather [hbm4b:s4+s9], $0x80, s6, s9, $0xb8;
	[tilespmem:$0x1D000] =	vst v63  }
0x28a: {  	s16 =	simm.s32 $0x280  }
0x28b: {  	[tilespmem:s11], [sflag:$0x2] =	stream.indirect.gather [hbm4b:s4+s9], $0x80, s16, s9, $0xb8;
	[tilespmem:$0x1D000] =	vst v63  }
0x28c: {  	_ =	swait.ge [sflag:s12], $0x4000  }
0x28d: {  	[sflag:s12] =	ssyncset.done $0x0  }
0x28e: {  	[sflag:s12] =	ssyncadd.s32 $0xFFFFC000  }
0x28f: {  	[spmem:s2] =	stream.indirect.scatter.add.f32 [tilespmem:s10], [sflag:$0x3], $0x80, s7, s9, $0xb8;
	[tilespmem:$0x1D000] =	vst v63  }
0x290: {  	_ =	swait.ge [sflag:s5], $0x4000  }
0x291: {  	[sflag:s5] =	ssyncset.done $0x0  }
0x292: {  	[sflag:s5] =	ssyncadd.s32 $0xFFFFC000  }
0x293: {  	_ =	swait.ge [sflag:s13], $0x4000  }
0x294: {  	[sflag:s13] =	ssyncset.done $0x0  }
0x295: {  	s18 =	simm.s32 $0xA80;
	[sflag:s13] =	ssyncadd.s32 $0xFFFFC000  }
0x296: {  	[spmem:s2] =	stream.indirect.scatter.add.f32 [tilespmem:s11], [sflag:$0x3], $0x80, s18, s9, $0xb8;
	[tilespmem:$0x1D000] =	vst v63  }
0x297: {  	_ =	swait.ge [sflag:s5], $0x4000  }
0x298: {  	[sflag:s5] =	ssyncset.done $0x0  }
0x299: {  	[sflag:s5] =	ssyncadd.s32 $0xFFFFC000  }
0x29a: {  	[tilespmem:s10], [sflag:$0x1] =	stream.indirect.gather [hbm4b:s4+s9], $0x80, s14, s9, $0xb8;
	[tilespmem:$0x1D000] =	vst v63  }
0x29b: {  	s20 =	simm.s32 $0x380  }
0x29c: {  	[tilespmem:s11], [sflag:$0x2] =	stream.indirect.gather [hbm4b:s4+s9], $0x80, s20, s9, $0xb8;
	[tilespmem:$0x1D000] =	vst v63  }
0x29d: {  	_ =	swait.ge [sflag:s12], $0x4000  }
0x29e: {  	[sflag:s12] =	ssyncset.done $0x0  }
0x29f: {  	[sflag:s12] =	ssyncadd.s32 $0xFFFFC000  }
0x2a0: {  	[spmem:s2] =	stream.indirect.scatter.add.f32 [tilespmem:s10], [sflag:$0x3], $0x80, s15, s9, $0xb8;
	[tilespmem:$0x1D000] =	vst v63  }
0x2a1: {  	_ =	swait.ge [sflag:s5], $0x4000  }
0x2a2: {  	[sflag:s5] =	ssyncset.done $0x0  }
0x2a3: {  	[sflag:s5] =	ssyncadd.s32 $0xFFFFC000  }
0x2a4: {  	_ =	swait.ge [sflag:s13], $0x4000  }
0x2a5: {  	[sflag:s13] =	ssyncset.done $0x0  }
0x2a6: {  	s23 =	simm.s32 $0xB80;
	[sflag:s13] =	ssyncadd.s32 $0xFFFFC000  }
0x2a7: {  	[spmem:s2] =	stream.indirect.scatter.add.f32 [tilespmem:s11], [sflag:$0x3], $0x80, s23, s9, $0xb8;
	[tilespmem:$0x1D000] =	vst v63  }
0x2a8: {  	_ =	swait.ge [sflag:s5], $0x4000  }
0x2a9: {  	[sflag:s5] =	ssyncset.done $0x0  }
0x2aa: {  	s24 =	simm.s32 $0x400;
	[sflag:s5] =	ssyncadd.s32 $0xFFFFC000  }
0x2ab: {  	[tilespmem:s10], [sflag:$0x1] =	stream.indirect.gather [hbm4b:s4+s9], $0x80, s24, s9, $0xb8;
	[tilespmem:$0x1D000] =	vst v63  }
0x2ac: {  	s25 =	simm.s32 $0x480  }
0x2ad: {  	[tilespmem:s11], [sflag:$0x2] =	stream.indirect.gather [hbm4b:s4+s9], $0x80, s25, s9, $0xb8;
	[tilespmem:$0x1D000] =	vst v63  }
0x2ae: {  	_ =	swait.ge [sflag:s12], $0x4000  }
0x2af: {  	[sflag:s12] =	ssyncset.done $0x0  }
0x2b0: {  	s26 =	simm.s32 $0xC00;
	[sflag:s12] =	ssyncadd.s32 $0xFFFFC000  }
0x2b1: {  	[spmem:s2] =	stream.indirect.scatter.add.f32 [tilespmem:s10], [sflag:$0x3], $0x80, s26, s9, $0xb8;
	[tilespmem:$0x1D000] =	vst v63  }
0x2b2: {  	_ =	swait.ge [sflag:s5], $0x4000  }
0x2b3: {  	[sflag:s5] =	ssyncset.done $0x0  }
0x2b4: {  	[sflag:s5] =	ssyncadd.s32 $0xFFFFC000  }
0x2b5: {  	_ =	swait.ge [sflag:s13], $0x4000  }
0x2b6: {  	[sflag:s13] =	ssyncset.done $0x0  }
0x2b7: {  	s28 =	simm.s32 $0xC80;
	[sflag:s13] =	ssyncadd.s32 $0xFFFFC000  }
0x2b8: {  	[spmem:s2] =	stream.indirect.scatter.add.f32 [tilespmem:s11], [sflag:$0x3], $0x80, s28, s9, $0xb8;
	[tilespmem:$0x1D000] =	vst v63  }
0x2b9: {  	_ =	swait.ge [sflag:s5], $0x4000  }
0x2ba: {  	[sflag:s5] =	ssyncset.done $0x0  }
0x2bb: {  	s29 =	simm.s32 $0x500;
	[sflag:s5] =	ssyncadd.s32 $0xFFFFC000  }
0x2bc: {  	[tilespmem:s10], [sflag:$0x1] =	stream.indirect.gather [hbm4b:s4+s9], $0x80, s29, s9, $0xb8;
	[tilespmem:$0x1D000] =	vst v63  }
0x2bd: {  	s30 =	simm.s32 $0x580  }
0x2be: {  	[tilespmem:s11], [sflag:$0x2] =	stream.indirect.gather [hbm4b:s4+s9], $0x80, s30, s9, $0xb8;
	[tilespmem:$0x1D000] =	vst v63  }
0x2bf: {  	_ =	swait.ge [sflag:s12], $0x4000  }
0x2c0: {  	[sflag:s12] =	ssyncset.done $0x0  }
0x2c1: {  	s31 =	simm.s32 $0xD00;
	[sflag:s12] =	ssyncadd.s32 $0xFFFFC000  }
0x2c2: {  	[spmem:s2] =	stream.indirect.scatter.add.f32 [tilespmem:s10], [sflag:$0x3], $0x80, s31, s9, $0xb8;
	[tilespmem:$0x1D000] =	vst v63  }
0x2c3: {  	_ =	swait.ge [sflag:s5], $0x4000  }
0x2c4: {  	[sflag:s5] =	ssyncset.done $0x0  }
0x2c5: {  	[sflag:s5] =	ssyncadd.s32 $0xFFFFC000  }
0x2c6: {  	_ =	swait.ge [sflag:s13], $0x4000  }
0x2c7: {  	[sflag:s13] =	ssyncset.done $0x0  }
0x2c8: {  	s17 =	simm.s32 $0xD80;
	[sflag:s13] =	ssyncadd.s32 $0xFFFFC000  }
0x2c9: {  	[spmem:s2] =	stream.indirect.scatter.add.f32 [tilespmem:s11], [sflag:$0x3], $0x80, s17, s9, $0xb8;
	[tilespmem:$0x1D000] =	vst v63  }
0x2ca: {  	_ =	swait.ge [sflag:s5], $0x4000  }
0x2cb: {  	[sflag:s5] =	ssyncset.done $0x0  }
0x2cc: {  	s18 =	simm.s32 $0x600;
	[sflag:s5] =	ssyncadd.s32 $0xFFFFC000  }
0x2cd: {  	[tilespmem:s10], [sflag:$0x1] =	stream.indirect.gather [hbm4b:s4+s9], $0x80, s18, s9, $0xb8;
	[tilespmem:$0x1D000] =	vst v63  }
0x2ce: {  	s19 =	simm.s32 $0x680  }
0x2cf: {  	[tilespmem:s11], [sflag:$0x2] =	stream.indirect.gather [hbm4b:s4+s9], $0x80, s19, s9, $0xb8;
	[tilespmem:$0x1D000] =	vst v63  }
0x2d0: {  	_ =	swait.ge [sflag:s12], $0x4000  }
0x2d1: {  	[sflag:s12] =	ssyncset.done $0x0  }
0x2d2: {  	s20 =	simm.s32 $0xE00;
	[sflag:s12] =	ssyncadd.s32 $0xFFFFC000  }
0x2d3: {  	[spmem:s2] =	stream.indirect.scatter.add.f32 [tilespmem:s10], [sflag:$0x3], $0x80, s20, s9, $0xb8;
	[tilespmem:$0x1D000] =	vst v63  }
0x2d4: {  	_ =	swait.ge [sflag:s5], $0x4000  }
0x2d5: {  	[sflag:s5] =	ssyncset.done $0x0  }
0x2d6: {  	[sflag:s5] =	ssyncadd.s32 $0xFFFFC000  }
0x2d7: {  	_ =	swait.ge [sflag:s13], $0x4000  }
0x2d8: {  	[sflag:s13] =	ssyncset.done $0x0  }
0x2d9: {  	s21 =	simm.s32 $0xE80;
	[sflag:s13] =	ssyncadd.s32 $0xFFFFC000  }
0x2da: {  	[spmem:s2] =	stream.indirect.scatter.add.f32 [tilespmem:s11], [sflag:$0x3], $0x80, s21, s9, $0xb8;
	[tilespmem:$0x1D000] =	vst v63  }
0x2db: {  	_ =	swait.ge [sflag:s5], $0x4000  }
0x2dc: {  	[sflag:s5] =	ssyncset.done $0x0  }
0x2dd: {  	s22 =	simm.s32 $0x700;
	[sflag:s5] =	ssyncadd.s32 $0xFFFFC000  }
0x2de: {  	[tilespmem:s10], [sflag:$0x1] =	stream.indirect.gather [hbm4b:s4+s9], $0x80, s22, s9, $0xb8;
	[tilespmem:$0x1D000] =	vst v63  }
0x2df: {  	s23 =	simm.s32 $0x780  }
0x2e0: {  	[tilespmem:s11], [sflag:$0x2] =	stream.indirect.gather [hbm4b:s4+s9], $0x80, s23, s9, $0xb8;
	[tilespmem:$0x1D000] =	vst v63  }
0x2e1: {  	_ =	swait.ge [sflag:s12], $0x4000  }
0x2e2: {  	[sflag:s12] =	ssyncset.done $0x0  }
0x2e3: {  	s24 =	simm.s32 $0xF00;
	[sflag:s12] =	ssyncadd.s32 $0xFFFFC000  }
0x2e4: {  	[spmem:s2] =	stream.indirect.scatter.add.f32 [tilespmem:s10], [sflag:$0x3], $0x80, s24, s9, $0xb8;
	[tilespmem:$0x1D000] =	vst v63  }
0x2e5: {  	_ =	swait.ge [sflag:s5], $0x4000  }
0x2e6: {  	[sflag:s5] =	ssyncset.done $0x0  }
0x2e7: {  	[sflag:s5] =	ssyncadd.s32 $0xFFFFC000  }
0x2e8: {  	_ =	swait.ge [sflag:s13], $0x4000  }
0x2e9: {  	[sflag:s13] =	ssyncset.done $0x0  }
0x2ea: {  	s25 =	simm.s32 $0xF80;
	[sflag:s13] =	ssyncadd.s32 $0xFFFFC000  }
0x2eb: {  	[spmem:s2] =	stream.indirect.scatter.add.f32 [tilespmem:s11], [sflag:$0x3], $0x80, s25, s9, $0xb8;
	[tilespmem:$0x1D000] =	vst v63  }
0x2ec: {  	_ =	swait.ge [sflag:s5], $0x4000  }
0x2ed: {  	[sflag:s5] =	ssyncset.done $0x0  }
0x2ee: {  	[sflag:s5] =	ssyncadd.s32 $0xFFFFC000  }
0x2ef: {  	[bflag:$0x0] =	sbarrier.arrive $0xFFFF  }
0x2f0: {  	s26 =	rddreg [dreg:$0x12]  }
0x2f1: {  	s0 =	ssub.s32 $0x2, s26  }
0x2f2: {  	s29 =	sshrl.u32 s0, $0x1  }
0x2f3: {  	s22 =	ssub.s32 s0, s29  }
0x2f4: {  	s22 =	smax.u32 s22, $0x1  }
0x2f5: {  	p0 =	sne.s32 s22, $0x1  }
.Ltmp0:
0x2f6: {  	s28 =	rddreg [dreg:$0xe];
	(pc) =	sbr.rel @!p0 .LBB2_2-.Ltmp0, $4  }
0x2f7: {  	s30 =	rddreg [dreg:$0x10]  }
0x2f8: {  	s31 =	rddreg [dreg:$0x11]  }
0x2f9: {  	[hbm:s28], [sflag:s30] =	dma.local [spmem:s31], $0x2800  }
0x2fa: {  	_ =	swait.ge [sflag:s5], $0x2800;
	s22 =	sadd.s32 $0xFFFFFFFF, s22  }
.LBB2_1:
0x2fb: {  	s23 =	rddreg [dreg:$0xf]  }
0x2fc: {  	[sflag:s5] =	ssyncset.done $0x0;
	s0 =	rddreg [dreg:$0x10]  }
0x2fd: {  	s1 =	rddreg [dreg:$0x11];
	[sflag:s5] =	ssyncadd.s32 $0xFFFFD800  }
0x2fe: {  	[spmem:s1], [sflag:s0] =	dma.local [hbm:s23], $0x2800  }
0x2ff: {  	_ =	swait.ge [sflag:s5], $0x2800  }
0x300: {  	[sflag:s5] =	ssyncset.done $0x0  }
0x301: {  	[sflag:s5] =	ssyncadd.s32 $0xFFFFD800  }
0x302: {  	[bflag:$0x0] =	sbarrier.arrive $0xFFFF  }
0x303: {  	s25 =	rddreg [dreg:$0x4]  }
0x304: {  	[tilespmem:s8], [sflag:$0x3] =	stream.linear.gather [hbm4b:s25+s8], $0x800, $0x38;
	[tilespmem:$0x1D000] =	vst v63  }
0x305: {  	_ =	swait.ge [sflag:s5], $0x800  }
0x306: {  	[sflag:s5] =	ssyncset.done $0x0  }
0x307: {  	s0 =	simm.s32 $0x800;
	s26 =	rddreg [dreg:$0x5];
	[sflag:s5] =	ssyncadd.s32 $0xFFFFF800  }
0x308: {  	[tilespmem:s0], [sflag:$0x3] =	stream.linear.gather [hbm4b:s26+s8], $0x800, $0x38;
	[tilespmem:$0x1D000] =	vst v63  }
0x309: {  	_ =	swait.ge [sflag:s5], $0x800  }
0x30a: {  	[sflag:s5] =	ssyncset.done $0x0  }
0x30b: {  	[sflag:s5] =	ssyncadd.s32 $0xFFFFF800  }
0x30c: {  	[tilespmem:s10], [sflag:$0x1] =	stream.indirect.gather [hbm4b:s4+s9], $0x80, s8, s9, $0xb8;
	[tilespmem:$0x1D000] =	vst v63  }
0x30d: {  	_ = 	snop  }
0x30e: {  	[tilespmem:s11], [sflag:$0x2] =	stream.indirect.gather [hbm4b:s4+s9], $0x80, s9, s9, $0xb8;
	[tilespmem:$0x1D000] =	vst v63  }
0x30f: {  	_ =	swait.ge [sflag:s12], $0x4000  }
0x310: {  	[sflag:s12] =	ssyncset.done $0x0  }
0x311: {  	[sflag:s12] =	ssyncadd.s32 $0xFFFFC000  }
0x312: {  	[spmem:s2] =	stream.indirect.scatter.add.f32 [tilespmem:s10], [sflag:$0x3], $0x80, s0, s9, $0xb8;
	[tilespmem:$0x1D000] =	vst v63  }
0x313: {  	_ =	swait.ge [sflag:s5], $0x4000  }
0x314: {  	[sflag:s5] =	ssyncset.done $0x0  }
0x315: {  	[sflag:s5] =	ssyncadd.s32 $0xFFFFC000  }
0x316: {  	_ =	swait.ge [sflag:s13], $0x4000  }
0x317: {  	[sflag:s13] =	ssyncset.done $0x0  }
0x318: {  	s28 =	simm.s32 $0x880;
	[sflag:s13] =	ssyncadd.s32 $0xFFFFC000  }
0x319: {  	[spmem:s2] =	stream.indirect.scatter.add.f32 [tilespmem:s11], [sflag:$0x3], $0x80, s28, s9, $0xb8;
	[tilespmem:$0x1D000] =	vst v63  }
0x31a: {  	_ =	swait.ge [sflag:s5], $0x4000  }
0x31b: {  	[sflag:s5] =	ssyncset.done $0x0  }
0x31c: {  	s29 =	simm.s32 $0x100;
	[sflag:s5] =	ssyncadd.s32 $0xFFFFC000  }
0x31d: {  	[tilespmem:s10], [sflag:$0x1] =	stream.indirect.gather [hbm4b:s4+s9], $0x80, s29, s9, $0xb8;
	[tilespmem:$0x1D000] =	vst v63  }
0x31e: {  	s30 =	simm.s32 $0x180  }
0x31f: {  	[tilespmem:s11], [sflag:$0x2] =	stream.indirect.gather [hbm4b:s4+s9], $0x80, s30, s9, $0xb8;
	[tilespmem:$0x1D000] =	vst v63  }
0x320: {  	_ =	swait.ge [sflag:s12], $0x4000  }
0x321: {  	[sflag:s12] =	ssyncset.done $0x0  }
0x322: {  	s31 =	simm.s32 $0x900;
	[sflag:s12] =	ssyncadd.s32 $0xFFFFC000  }
0x323: {  	[spmem:s2] =	stream.indirect.scatter.add.f32 [tilespmem:s10], [sflag:$0x3], $0x80, s31, s9, $0xb8;
	[tilespmem:$0x1D000] =	vst v63  }
0x324: {  	_ =	swait.ge [sflag:s5], $0x4000  }
0x325: {  	[sflag:s5] =	ssyncset.done $0x0  }
0x326: {  	[sflag:s5] =	ssyncadd.s32 $0xFFFFC000  }
0x327: {  	_ =	swait.ge [sflag:s13], $0x4000  }
0x328: {  	[sflag:s13] =	ssyncset.done $0x0  }
0x329: {  	s3 =	simm.s32 $0x980;
	[sflag:s13] =	ssyncadd.s32 $0xFFFFC000  }
0x32a: {  	[spmem:s2] =	stream.indirect.scatter.add.f32 [tilespmem:s11], [sflag:$0x3], $0x80, s3, s9, $0xb8;
	[tilespmem:$0x1D000] =	vst v63  }
0x32b: {  	_ =	swait.ge [sflag:s5], $0x4000  }
0x32c: {  	[sflag:s5] =	ssyncset.done $0x0  }
0x32d: {  	s6 =	simm.s32 $0x200;
	[sflag:s5] =	ssyncadd.s32 $0xFFFFC000  }
0x32e: {  	[tilespmem:s10], [sflag:$0x1] =	stream.indirect.gather [hbm4b:s4+s9], $0x80, s6, s9, $0xb8;
	[tilespmem:$0x1D000] =	vst v63  }
0x32f: {  	s6 =	simm.s32 $0x280  }
0x330: {  	[tilespmem:s11], [sflag:$0x2] =	stream.indirect.gather [hbm4b:s4+s9], $0x80, s6, s9, $0xb8;
	[tilespmem:$0x1D000] =	vst v63  }
0x331: {  	_ =	swait.ge [sflag:s12], $0x4000  }
0x332: {  	[sflag:s12] =	ssyncset.done $0x0  }
0x333: {  	s14 =	simm.s32 $0xA00;
	[sflag:s12] =	ssyncadd.s32 $0xFFFFC000  }
0x334: {  	[spmem:s2] =	stream.indirect.scatter.add.f32 [tilespmem:s10], [sflag:$0x3], $0x80, s14, s9, $0xb8;
	[tilespmem:$0x1D000] =	vst v63  }
0x335: {  	_ =	swait.ge [sflag:s5], $0x4000  }
0x336: {  	[sflag:s5] =	ssyncset.done $0x0  }
0x337: {  	[sflag:s5] =	ssyncadd.s32 $0xFFFFC000  }
0x338: {  	_ =	swait.ge [sflag:s13], $0x4000  }
0x339: {  	[sflag:s13] =	ssyncset.done $0x0  }
0x33a: {  	s15 =	simm.s32 $0xA80;
	[sflag:s13] =	ssyncadd.s32 $0xFFFFC000  }
0x33b: {  	[spmem:s2] =	stream.indirect.scatter.add.f32 [tilespmem:s11], [sflag:$0x3], $0x80, s15, s9, $0xb8;
	[tilespmem:$0x1D000] =	vst v63  }
0x33c: {  	_ =	swait.ge [sflag:s5], $0x4000  }
0x33d: {  	[sflag:s5] =	ssyncset.done $0x0  }
0x33e: {  	s16 =	simm.s32 $0x300;
	[sflag:s5] =	ssyncadd.s32 $0xFFFFC000  }
0x33f: {  	[tilespmem:s10], [sflag:$0x1] =	stream.indirect.gather [hbm4b:s4+s9], $0x80, s16, s9, $0xb8;
	[tilespmem:$0x1D000] =	vst v63  }
0x340: {  	s17 =	simm.s32 $0x380  }
0x341: {  	[tilespmem:s11], [sflag:$0x2] =	stream.indirect.gather [hbm4b:s4+s9], $0x80, s17, s9, $0xb8;
	[tilespmem:$0x1D000] =	vst v63  }
0x342: {  	_ =	swait.ge [sflag:s12], $0x4000  }
0x343: {  	[sflag:s12] =	ssyncset.done $0x0  }
0x344: {  	s18 =	simm.s32 $0xB00;
	[sflag:s12] =	ssyncadd.s32 $0xFFFFC000  }
0x345: {  	[spmem:s2] =	stream.indirect.scatter.add.f32 [tilespmem:s10], [sflag:$0x3], $0x80, s18, s9, $0xb8;
	[tilespmem:$0x1D000] =	vst v63  }
0x346: {  	_ =	swait.ge [sflag:s5], $0x4000  }
0x347: {  	[sflag:s5] =	ssyncset.done $0x0  }
0x348: {  	[sflag:s5] =	ssyncadd.s32 $0xFFFFC000  }
0x349: {  	_ =	swait.ge [sflag:s13], $0x4000  }
0x34a: {  	[sflag:s13] =	ssyncset.done $0x0  }
0x34b: {  	s19 =	simm.s32 $0xB80;
	[sflag:s13] =	ssyncadd.s32 $0xFFFFC000  }
0x34c: {  	[spmem:s2] =	stream.indirect.scatter.add.f32 [tilespmem:s11], [sflag:$0x3], $0x80, s19, s9, $0xb8;
	[tilespmem:$0x1D000] =	vst v63  }
0x34d: {  	_ =	swait.ge [sflag:s5], $0x4000  }
0x34e: {  	[sflag:s5] =	ssyncset.done $0x0  }
0x34f: {  	s23 =	simm.s32 $0x400;
	[sflag:s5] =	ssyncadd.s32 $0xFFFFC000  }
0x350: {  	[tilespmem:s10], [sflag:$0x1] =	stream.indirect.gather [hbm4b:s4+s9], $0x80, s23, s9, $0xb8;
	[tilespmem:$0x1D000] =	vst v63  }
0x351: {  	s28 =	simm.s32 $0x480  }
0x352: {  	[tilespmem:s11], [sflag:$0x2] =	stream.indirect.gather [hbm4b:s4+s9], $0x80, s28, s9, $0xb8;
	[tilespmem:$0x1D000] =	vst v63  }
0x353: {  	_ =	swait.ge [sflag:s12], $0x4000  }
0x354: {  	[sflag:s12] =	ssyncset.done $0x0  }
0x355: {  	s3 =	simm.s32 $0xC00;
	[sflag:s12] =	ssyncadd.s32 $0xFFFFC000  }
0x356: {  	[spmem:s2] =	stream.indirect.scatter.add.f32 [tilespmem:s10], [sflag:$0x3], $0x80, s3, s9, $0xb8;
	[tilespmem:$0x1D000] =	vst v63  }
0x357: {  	_ =	swait.ge [sflag:s5], $0x4000  }
0x358: {  	[sflag:s5] =	ssyncset.done $0x0  }
0x359: {  	[sflag:s5] =	ssyncadd.s32 $0xFFFFC000  }
0x35a: {  	_ =	swait.ge [sflag:s13], $0x4000  }
0x35b: {  	[sflag:s13] =	ssyncset.done $0x0  }
0x35c: {  	s29 =	simm.s32 $0xC80;
	[sflag:s13] =	ssyncadd.s32 $0xFFFFC000  }
0x35d: {  	[spmem:s2] =	stream.indirect.scatter.add.f32 [tilespmem:s11], [sflag:$0x3], $0x80, s29, s9, $0xb8;
	[tilespmem:$0x1D000] =	vst v63  }
0x35e: {  	_ =	swait.ge [sflag:s5], $0x4000  }
0x35f: {  	[sflag:s5] =	ssyncset.done $0x0  }
0x360: {  	s30 =	simm.s32 $0x500;
	[sflag:s5] =	ssyncadd.s32 $0xFFFFC000  }
0x361: {  	[tilespmem:s10], [sflag:$0x1] =	stream.indirect.gather [hbm4b:s4+s9], $0x80, s30, s9, $0xb8;
	[tilespmem:$0x1D000] =	vst v63  }
0x362: {  	s31 =	simm.s32 $0x580  }
0x363: {  	[tilespmem:s11], [sflag:$0x2] =	stream.indirect.gather [hbm4b:s4+s9], $0x80, s31, s9, $0xb8;
	[tilespmem:$0x1D000] =	vst v63  }
0x364: {  	_ =	swait.ge [sflag:s12], $0x4000  }
0x365: {  	[sflag:s12] =	ssyncset.done $0x0  }
0x366: {  	s6 =	simm.s32 $0xD00;
	[sflag:s12] =	ssyncadd.s32 $0xFFFFC000  }
0x367: {  	[spmem:s2] =	stream.indirect.scatter.add.f32 [tilespmem:s10], [sflag:$0x3], $0x80, s6, s9, $0xb8;
	[tilespmem:$0x1D000] =	vst v63  }
0x368: {  	_ =	swait.ge [sflag:s5], $0x4000  }
0x369: {  	[sflag:s5] =	ssyncset.done $0x0  }
0x36a: {  	[sflag:s5] =	ssyncadd.s32 $0xFFFFC000  }
0x36b: {  	_ =	swait.ge [sflag:s13], $0x4000  }
0x36c: {  	[sflag:s13] =	ssyncset.done $0x0  }
0x36d: {  	s14 =	simm.s32 $0xD80;
	[sflag:s13] =	ssyncadd.s32 $0xFFFFC000  }
0x36e: {  	[spmem:s2] =	stream.indirect.scatter.add.f32 [tilespmem:s11], [sflag:$0x3], $0x80, s14, s9, $0xb8;
	[tilespmem:$0x1D000] =	vst v63  }
0x36f: {  	_ =	swait.ge [sflag:s5], $0x4000  }
0x370: {  	[sflag:s5] =	ssyncset.done $0x0  }
0x371: {  	s15 =	simm.s32 $0x600;
	[sflag:s5] =	ssyncadd.s32 $0xFFFFC000  }
0x372: {  	[tilespmem:s10], [sflag:$0x1] =	stream.indirect.gather [hbm4b:s4+s9], $0x80, s15, s9, $0xb8;
	[tilespmem:$0x1D000] =	vst v63  }
0x373: {  	s16 =	simm.s32 $0x680  }
0x374: {  	[tilespmem:s11], [sflag:$0x2] =	stream.indirect.gather [hbm4b:s4+s9], $0x80, s16, s9, $0xb8;
	[tilespmem:$0x1D000] =	vst v63  }
0x375: {  	_ =	swait.ge [sflag:s12], $0x4000  }
0x376: {  	[sflag:s12] =	ssyncset.done $0x0  }
0x377: {  	s17 =	simm.s32 $0xE00;
	[sflag:s12] =	ssyncadd.s32 $0xFFFFC000  }
0x378: {  	[spmem:s2] =	stream.indirect.scatter.add.f32 [tilespmem:s10], [sflag:$0x3], $0x80, s17, s9, $0xb8;
	[tilespmem:$0x1D000] =	vst v63  }
0x379: {  	_ =	swait.ge [sflag:s5], $0x4000  }
0x37a: {  	[sflag:s5] =	ssyncset.done $0x0  }
0x37b: {  	[sflag:s5] =	ssyncadd.s32 $0xFFFFC000  }
0x37c: {  	_ =	swait.ge [sflag:s13], $0x4000  }
0x37d: {  	[sflag:s13] =	ssyncset.done $0x0  }
0x37e: {  	s18 =	simm.s32 $0xE80;
	[sflag:s13] =	ssyncadd.s32 $0xFFFFC000  }
0x37f: {  	[spmem:s2] =	stream.indirect.scatter.add.f32 [tilespmem:s11], [sflag:$0x3], $0x80, s18, s9, $0xb8;
	[tilespmem:$0x1D000] =	vst v63  }
0x380: {  	_ =	swait.ge [sflag:s5], $0x4000  }
0x381: {  	[sflag:s5] =	ssyncset.done $0x0  }
0x382: {  	s19 =	simm.s32 $0x700;
	[sflag:s5] =	ssyncadd.s32 $0xFFFFC000  }
0x383: {  	[tilespmem:s10], [sflag:$0x1] =	stream.indirect.gather [hbm4b:s4+s9], $0x80, s19, s9, $0xb8;
	[tilespmem:$0x1D000] =	vst v63  }
0x384: {  	s28 =	simm.s32 $0x780  }
0x385: {  	[tilespmem:s11], [sflag:$0x2] =	stream.indirect.gather [hbm4b:s4+s9], $0x80, s28, s9, $0xb8;
	[tilespmem:$0x1D000] =	vst v63  }
0x386: {  	_ =	swait.ge [sflag:s12], $0x4000  }
0x387: {  	[sflag:s12] =	ssyncset.done $0x0  }
0x388: {  	s29 =	simm.s32 $0xF00;
	[sflag:s12] =	ssyncadd.s32 $0xFFFFC000  }
0x389: {  	[spmem:s2] =	stream.indirect.scatter.add.f32 [tilespmem:s10], [sflag:$0x3], $0x80, s29, s9, $0xb8;
	[tilespmem:$0x1D000] =	vst v63  }
0x38a: {  	_ =	swait.ge [sflag:s5], $0x4000  }
0x38b: {  	[sflag:s5] =	ssyncset.done $0x0  }
0x38c: {  	[sflag:s5] =	ssyncadd.s32 $0xFFFFC000  }
0x38d: {  	_ =	swait.ge [sflag:s13], $0x4000  }
0x38e: {  	[sflag:s13] =	ssyncset.done $0x0  }
0x38f: {  	s30 =	simm.s32 $0xF80;
	[sflag:s13] =	ssyncadd.s32 $0xFFFFC000  }
0x390: {  	[spmem:s2] =	stream.indirect.scatter.add.f32 [tilespmem:s11], [sflag:$0x3], $0x80, s30, s9, $0xb8;
	[tilespmem:$0x1D000] =	vst v63  }
0x391: {  	_ =	swait.ge [sflag:s5], $0x4000  }
0x392: {  	[sflag:s5] =	ssyncset.done $0x0  }
0x393: {  	s31 =	rddreg [dreg:$0x6];
	[sflag:s5] =	ssyncadd.s32 $0xFFFFC000  }
0x394: {  	[tilespmem:s8], [sflag:$0x3] =	stream.linear.gather [hbm4b:s31+s8], $0x800, $0x38;
	[tilespmem:$0x1D000] =	vst v63  }
0x395: {  	_ =	swait.ge [sflag:s5], $0x800  }
0x396: {  	[sflag:s5] =	ssyncset.done $0x0  }
0x397: {  	s3 =	rddreg [dreg:$0x7];
	[sflag:s5] =	ssyncadd.s32 $0xFFFFF800  }
0x398: {  	[tilespmem:s0], [sflag:$0x3] =	stream.linear.gather [hbm4b:s3+s8], $0x800, $0x38;
	[tilespmem:$0x1D000] =	vst v63  }
0x399: {  	_ =	swait.ge [sflag:s5], $0x800  }
0x39a: {  	[sflag:s5] =	ssyncset.done $0x0  }
0x39b: {  	[sflag:s5] =	ssyncadd.s32 $0xFFFFF800  }
0x39c: {  	[tilespmem:s10], [sflag:$0x1] =	stream.indirect.gather [hbm4b:s4+s9], $0x80, s8, s9, $0xb8;
	[tilespmem:$0x1D000] =	vst v63  }
0x39d: {  	_ = 	snop  }
0x39e: {  	[tilespmem:s11], [sflag:$0x2] =	stream.indirect.gather [hbm4b:s4+s9], $0x80, s9, s9, $0xb8;
	[tilespmem:$0x1D000] =	vst v63  }
0x39f: {  	_ =	swait.ge [sflag:s12], $0x4000  }
0x3a0: {  	[sflag:s12] =	ssyncset.done $0x0  }
0x3a1: {  	[sflag:s12] =	ssyncadd.s32 $0xFFFFC000  }
0x3a2: {  	[spmem:s2] =	stream.indirect.scatter.add.f32 [tilespmem:s10], [sflag:$0x3], $0x80, s0, s9, $0xb8;
	[tilespmem:$0x1D000] =	vst v63  }
0x3a3: {  	_ =	swait.ge [sflag:s5], $0x4000  }
0x3a4: {  	[sflag:s5] =	ssyncset.done $0x0  }
0x3a5: {  	[sflag:s5] =	ssyncadd.s32 $0xFFFFC000  }
0x3a6: {  	_ =	swait.ge [sflag:s13], $0x4000  }
0x3a7: {  	[sflag:s13] =	ssyncset.done $0x0  }
0x3a8: {  	s7 =	simm.s32 $0x880;
	[sflag:s13] =	ssyncadd.s32 $0xFFFFC000  }
0x3a9: {  	[spmem:s2] =	stream.indirect.scatter.add.f32 [tilespmem:s11], [sflag:$0x3], $0x80, s7, s9, $0xb8;
	[tilespmem:$0x1D000] =	vst v63  }
0x3aa: {  	_ =	swait.ge [sflag:s5], $0x4000  }
0x3ab: {  	[sflag:s5] =	ssyncset.done $0x0  }
0x3ac: {  	s20 =	simm.s32 $0x100;
	[sflag:s5] =	ssyncadd.s32 $0xFFFFC000  }
0x3ad: {  	[tilespmem:s10], [sflag:$0x1] =	stream.indirect.gather [hbm4b:s4+s9], $0x80, s20, s9, $0xb8;
	[tilespmem:$0x1D000] =	vst v63  }
0x3ae: {  	s21 =	simm.s32 $0x180  }
0x3af: {  	[tilespmem:s11], [sflag:$0x2] =	stream.indirect.gather [hbm4b:s4+s9], $0x80, s21, s9, $0xb8;
	[tilespmem:$0x1D000] =	vst v63  }
0x3b0: {  	_ =	swait.ge [sflag:s12], $0x4000  }
0x3b1: {  	[sflag:s12] =	ssyncset.done $0x0  }
0x3b2: {  	s25 =	simm.s32 $0x900;
	[sflag:s12] =	ssyncadd.s32 $0xFFFFC000  }
0x3b3: {  	[spmem:s2] =	stream.indirect.scatter.add.f32 [tilespmem:s10], [sflag:$0x3], $0x80, s25, s9, $0xb8;
	[tilespmem:$0x1D000] =	vst v63  }
0x3b4: {  	_ =	swait.ge [sflag:s5], $0x4000  }
0x3b5: {  	[sflag:s5] =	ssyncset.done $0x0  }
0x3b6: {  	[sflag:s5] =	ssyncadd.s32 $0xFFFFC000  }
0x3b7: {  	_ =	swait.ge [sflag:s13], $0x4000  }
0x3b8: {  	[sflag:s13] =	ssyncset.done $0x0  }
0x3b9: {  	s26 =	simm.s32 $0x980;
	[sflag:s13] =	ssyncadd.s32 $0xFFFFC000  }
0x3ba: {  	[spmem:s2] =	stream.indirect.scatter.add.f32 [tilespmem:s11], [sflag:$0x3], $0x80, s26, s9, $0xb8;
	[tilespmem:$0x1D000] =	vst v63  }
0x3bb: {  	_ =	swait.ge [sflag:s5], $0x4000  }
0x3bc: {  	[sflag:s5] =	ssyncset.done $0x0  }
0x3bd: {  	s1 =	simm.s32 $0x200;
	[sflag:s5] =	ssyncadd.s32 $0xFFFFC000  }
0x3be: {  	[tilespmem:s10], [sflag:$0x1] =	stream.indirect.gather [hbm4b:s4+s9], $0x80, s1, s9, $0xb8;
	[tilespmem:$0x1D000] =	vst v63  }
0x3bf: {  	s3 =	simm.s32 $0x280  }
0x3c0: {  	[tilespmem:s11], [sflag:$0x2] =	stream.indirect.gather [hbm4b:s4+s9], $0x80, s3, s9, $0xb8;
	[tilespmem:$0x1D000] =	vst v63  }
0x3c1: {  	_ =	swait.ge [sflag:s12], $0x4000  }
0x3c2: {  	[sflag:s12] =	ssyncset.done $0x0  }
0x3c3: {  	s20 =	simm.s32 $0xA00;
	[sflag:s12] =	ssyncadd.s32 $0xFFFFC000  }
0x3c4: {  	[spmem:s2] =	stream.indirect.scatter.add.f32 [tilespmem:s10], [sflag:$0x3], $0x80, s20, s9, $0xb8;
	[tilespmem:$0x1D000] =	vst v63  }
0x3c5: {  	_ =	swait.ge [sflag:s5], $0x4000  }
0x3c6: {  	[sflag:s5] =	ssyncset.done $0x0  }
0x3c7: {  	[sflag:s5] =	ssyncadd.s32 $0xFFFFC000  }
0x3c8: {  	_ =	swait.ge [sflag:s13], $0x4000  }
0x3c9: {  	[sflag:s13] =	ssyncset.done $0x0  }
0x3ca: {  	s21 =	simm.s32 $0xA80;
	[sflag:s13] =	ssyncadd.s32 $0xFFFFC000  }
0x3cb: {  	[spmem:s2] =	stream.indirect.scatter.add.f32 [tilespmem:s11], [sflag:$0x3], $0x80, s21, s9, $0xb8;
	[tilespmem:$0x1D000] =	vst v63  }
0x3cc: {  	_ =	swait.ge [sflag:s5], $0x4000  }
0x3cd: {  	[sflag:s5] =	ssyncset.done $0x0  }
0x3ce: {  	s24 =	simm.s32 $0x300;
	[sflag:s5] =	ssyncadd.s32 $0xFFFFC000  }
0x3cf: {  	[tilespmem:s10], [sflag:$0x1] =	stream.indirect.gather [hbm4b:s4+s9], $0x80, s24, s9, $0xb8;
	[tilespmem:$0x1D000] =	vst v63  }
0x3d0: {  	s1 =	simm.s32 $0x380  }
0x3d1: {  	[tilespmem:s11], [sflag:$0x2] =	stream.indirect.gather [hbm4b:s4+s9], $0x80, s1, s9, $0xb8;
	[tilespmem:$0x1D000] =	vst v63  }
0x3d2: {  	_ =	swait.ge [sflag:s12], $0x4000  }
0x3d3: {  	[sflag:s12] =	ssyncset.done $0x0  }
0x3d4: {  	s25 =	simm.s32 $0xB00;
	[sflag:s12] =	ssyncadd.s32 $0xFFFFC000  }
0x3d5: {  	[spmem:s2] =	stream.indirect.scatter.add.f32 [tilespmem:s10], [sflag:$0x3], $0x80, s25, s9, $0xb8;
	[tilespmem:$0x1D000] =	vst v63  }
0x3d6: {  	_ =	swait.ge [sflag:s5], $0x4000  }
0x3d7: {  	[sflag:s5] =	ssyncset.done $0x0  }
0x3d8: {  	[sflag:s5] =	ssyncadd.s32 $0xFFFFC000  }
0x3d9: {  	_ =	swait.ge [sflag:s13], $0x4000  }
0x3da: {  	[sflag:s13] =	ssyncset.done $0x0  }
0x3db: {  	s26 =	simm.s32 $0xB80;
	[sflag:s13] =	ssyncadd.s32 $0xFFFFC000  }
0x3dc: {  	[spmem:s2] =	stream.indirect.scatter.add.f32 [tilespmem:s11], [sflag:$0x3], $0x80, s26, s9, $0xb8;
	[tilespmem:$0x1D000] =	vst v63  }
0x3dd: {  	_ =	swait.ge [sflag:s5], $0x4000  }
0x3de: {  	[sflag:s5] =	ssyncset.done $0x0  }
0x3df: {  	s28 =	simm.s32 $0x400;
	[sflag:s5] =	ssyncadd.s32 $0xFFFFC000  }
0x3e0: {  	[tilespmem:s10], [sflag:$0x1] =	stream.indirect.gather [hbm4b:s4+s9], $0x80, s28, s9, $0xb8;
	[tilespmem:$0x1D000] =	vst v63  }
0x3e1: {  	s29 =	simm.s32 $0x480  }
0x3e2: {  	[tilespmem:s11], [sflag:$0x2] =	stream.indirect.gather [hbm4b:s4+s9], $0x80, s29, s9, $0xb8;
	[tilespmem:$0x1D000] =	vst v63  }
0x3e3: {  	_ =	swait.ge [sflag:s12], $0x4000  }
0x3e4: {  	[sflag:s12] =	ssyncset.done $0x0  }
0x3e5: {  	s30 =	simm.s32 $0xC00;
	[sflag:s12] =	ssyncadd.s32 $0xFFFFC000  }
0x3e6: {  	[spmem:s2] =	stream.indirect.scatter.add.f32 [tilespmem:s10], [sflag:$0x3], $0x80, s30, s9, $0xb8;
	[tilespmem:$0x1D000] =	vst v63  }
0x3e7: {  	_ =	swait.ge [sflag:s5], $0x4000  }
0x3e8: {  	[sflag:s5] =	ssyncset.done $0x0  }
0x3e9: {  	[sflag:s5] =	ssyncadd.s32 $0xFFFFC000  }
0x3ea: {  	_ =	swait.ge [sflag:s13], $0x4000  }
0x3eb: {  	[sflag:s13] =	ssyncset.done $0x0  }
0x3ec: {  	s31 =	simm.s32 $0xC80;
	[sflag:s13] =	ssyncadd.s32 $0xFFFFC000  }
0x3ed: {  	[spmem:s2] =	stream.indirect.scatter.add.f32 [tilespmem:s11], [sflag:$0x3], $0x80, s31, s9, $0xb8;
	[tilespmem:$0x1D000] =	vst v63  }
0x3ee: {  	_ =	swait.ge [sflag:s5], $0x4000  }
0x3ef: {  	[sflag:s5] =	ssyncset.done $0x0  }
0x3f0: {  	s24 =	simm.s32 $0x500;
	[sflag:s5] =	ssyncadd.s32 $0xFFFFC000  }
0x3f1: {  	[tilespmem:s10], [sflag:$0x1] =	stream.indirect.gather [hbm4b:s4+s9], $0x80, s24, s9, $0xb8;
	[tilespmem:$0x1D000] =	vst v63  }
0x3f2: {  	s7 =	simm.s32 $0x580  }
0x3f3: {  	[tilespmem:s11], [sflag:$0x2] =	stream.indirect.gather [hbm4b:s4+s9], $0x80, s7, s9, $0xb8;
	[tilespmem:$0x1D000] =	vst v63  }
0x3f4: {  	_ =	swait.ge [sflag:s12], $0x4000  }
0x3f5: {  	[sflag:s12] =	ssyncset.done $0x0  }
0x3f6: {  	s23 =	simm.s32 $0xD00;
	[sflag:s12] =	ssyncadd.s32 $0xFFFFC000  }
0x3f7: {  	[spmem:s2] =	stream.indirect.scatter.add.f32 [tilespmem:s10], [sflag:$0x3], $0x80, s23, s9, $0xb8;
	[tilespmem:$0x1D000] =	vst v63  }
0x3f8: {  	_ =	swait.ge [sflag:s5], $0x4000  }
0x3f9: {  	[sflag:s5] =	ssyncset.done $0x0  }
0x3fa: {  	[sflag:s5] =	ssyncadd.s32 $0xFFFFC000  }
0x3fb: {  	_ =	swait.ge [sflag:s13], $0x4000  }
0x3fc: {  	[sflag:s13] =	ssyncset.done $0x0  }
0x3fd: {  	s6 =	simm.s32 $0xD80;
	[sflag:s13] =	ssyncadd.s32 $0xFFFFC000  }
0x3fe: {  	[spmem:s2] =	stream.indirect.scatter.add.f32 [tilespmem:s11], [sflag:$0x3], $0x80, s6, s9, $0xb8;
	[tilespmem:$0x1D000] =	vst v63  }
0x3ff: {  	_ =	swait.ge [sflag:s5], $0x4000  }
0x400: {  	[sflag:s5] =	ssyncset.done $0x0  }
0x401: {  	s23 =	simm.s32 $0x600;
	[sflag:s5] =	ssyncadd.s32 $0xFFFFC000  }
0x402: {  	[tilespmem:s10], [sflag:$0x1] =	stream.indirect.gather [hbm4b:s4+s9], $0x80, s23, s9, $0xb8;
	[tilespmem:$0x1D000] =	vst v63  }
0x403: {  	s23 =	simm.s32 $0x680  }
0x404: {  	[tilespmem:s11], [sflag:$0x2] =	stream.indirect.gather [hbm4b:s4+s9], $0x80, s23, s9, $0xb8;
	[tilespmem:$0x1D000] =	vst v63  }
0x405: {  	_ =	swait.ge [sflag:s12], $0x4000  }
0x406: {  	[sflag:s12] =	ssyncset.done $0x0  }
0x407: {  	s14 =	simm.s32 $0xE00;
	[sflag:s12] =	ssyncadd.s32 $0xFFFFC000  }
0x408: {  	[spmem:s2] =	stream.indirect.scatter.add.f32 [tilespmem:s10], [sflag:$0x3], $0x80, s14, s9, $0xb8;
	[tilespmem:$0x1D000] =	vst v63  }
0x409: {  	_ =	swait.ge [sflag:s5], $0x4000  }
0x40a: {  	[sflag:s5] =	ssyncset.done $0x0  }
0x40b: {  	[sflag:s5] =	ssyncadd.s32 $0xFFFFC000  }
0x40c: {  	_ =	swait.ge [sflag:s13], $0x4000  }
0x40d: {  	[sflag:s13] =	ssyncset.done $0x0  }
0x40e: {  	s15 =	simm.s32 $0xE80;
	[sflag:s13] =	ssyncadd.s32 $0xFFFFC000  }
0x40f: {  	[spmem:s2] =	stream.indirect.scatter.add.f32 [tilespmem:s11], [sflag:$0x3], $0x80, s15, s9, $0xb8;
	[tilespmem:$0x1D000] =	vst v63  }
0x410: {  	_ =	swait.ge [sflag:s5], $0x4000  }
0x411: {  	[sflag:s5] =	ssyncset.done $0x0  }
0x412: {  	s16 =	simm.s32 $0x700;
	[sflag:s5] =	ssyncadd.s32 $0xFFFFC000  }
0x413: {  	[tilespmem:s10], [sflag:$0x1] =	stream.indirect.gather [hbm4b:s4+s9], $0x80, s16, s9, $0xb8;
	[tilespmem:$0x1D000] =	vst v63  }
0x414: {  	s17 =	simm.s32 $0x780  }
0x415: {  	[tilespmem:s11], [sflag:$0x2] =	stream.indirect.gather [hbm4b:s4+s9], $0x80, s17, s9, $0xb8;
	[tilespmem:$0x1D000] =	vst v63  }
0x416: {  	_ =	swait.ge [sflag:s12], $0x4000  }
0x417: {  	[sflag:s12] =	ssyncset.done $0x0  }
0x418: {  	s18 =	simm.s32 $0xF00;
	[sflag:s12] =	ssyncadd.s32 $0xFFFFC000  }
0x419: {  	[spmem:s2] =	stream.indirect.scatter.add.f32 [tilespmem:s10], [sflag:$0x3], $0x80, s18, s9, $0xb8;
	[tilespmem:$0x1D000] =	vst v63  }
0x41a: {  	_ =	swait.ge [sflag:s5], $0x4000  }
0x41b: {  	[sflag:s5] =	ssyncset.done $0x0  }
0x41c: {  	[sflag:s5] =	ssyncadd.s32 $0xFFFFC000  }
0x41d: {  	_ =	swait.ge [sflag:s13], $0x4000  }
0x41e: {  	[sflag:s13] =	ssyncset.done $0x0  }
0x41f: {  	s19 =	simm.s32 $0xF80;
	[sflag:s13] =	ssyncadd.s32 $0xFFFFC000  }
0x420: {  	[spmem:s2] =	stream.indirect.scatter.add.f32 [tilespmem:s11], [sflag:$0x3], $0x80, s19, s9, $0xb8;
	[tilespmem:$0x1D000] =	vst v63  }
0x421: {  	_ =	swait.ge [sflag:s5], $0x4000  }
0x422: {  	[sflag:s5] =	ssyncset.done $0x0  }
0x423: {  	s23 =	rddreg [dreg:$0x8];
	[sflag:s5] =	ssyncadd.s32 $0xFFFFC000  }
0x424: {  	[tilespmem:s8], [sflag:$0x3] =	stream.linear.gather [hbm4b:s23+s8], $0x800, $0x38;
	[tilespmem:$0x1D000] =	vst v63  }
0x425: {  	_ =	swait.ge [sflag:s5], $0x800  }
0x426: {  	[sflag:s5] =	ssyncset.done $0x0  }
0x427: {  	s23 =	rddreg [dreg:$0x9];
	[sflag:s5] =	ssyncadd.s32 $0xFFFFF800  }
0x428: {  	[tilespmem:s0], [sflag:$0x3] =	stream.linear.gather [hbm4b:s23+s8], $0x800, $0x38;
	[tilespmem:$0x1D000] =	vst v63  }
0x429: {  	_ =	swait.ge [sflag:s5], $0x800  }
0x42a: {  	[sflag:s5] =	ssyncset.done $0x0  }
0x42b: {  	[sflag:s5] =	ssyncadd.s32 $0xFFFFF800  }
0x42c: {  	[tilespmem:s10], [sflag:$0x1] =	stream.indirect.gather [hbm4b:s4+s9], $0x80, s8, s9, $0xb8;
	[tilespmem:$0x1D000] =	vst v63  }
0x42d: {  	_ = 	snop  }
0x42e: {  	[tilespmem:s11], [sflag:$0x2] =	stream.indirect.gather [hbm4b:s4+s9], $0x80, s9, s9, $0xb8;
	[tilespmem:$0x1D000] =	vst v63  }
0x42f: {  	_ =	swait.ge [sflag:s12], $0x4000  }
0x430: {  	[sflag:s12] =	ssyncset.done $0x0  }
0x431: {  	[sflag:s12] =	ssyncadd.s32 $0xFFFFC000  }
0x432: {  	[spmem:s2] =	stream.indirect.scatter.add.f32 [tilespmem:s10], [sflag:$0x3], $0x80, s0, s9, $0xb8;
	[tilespmem:$0x1D000] =	vst v63  }
0x433: {  	_ =	swait.ge [sflag:s5], $0x4000  }
0x434: {  	[sflag:s5] =	ssyncset.done $0x0  }
0x435: {  	[sflag:s5] =	ssyncadd.s32 $0xFFFFC000  }
0x436: {  	_ =	swait.ge [sflag:s13], $0x4000  }
0x437: {  	[sflag:s13] =	ssyncset.done $0x0  }
0x438: {  	s23 =	simm.s32 $0x880;
	[sflag:s13] =	ssyncadd.s32 $0xFFFFC000  }
0x439: {  	[spmem:s2] =	stream.indirect.scatter.add.f32 [tilespmem:s11], [sflag:$0x3], $0x80, s23, s9, $0xb8;
	[tilespmem:$0x1D000] =	vst v63  }
0x43a: {  	_ =	swait.ge [sflag:s5], $0x4000  }
0x43b: {  	[sflag:s5] =	ssyncset.done $0x0  }
0x43c: {  	s23 =	simm.s32 $0x100;
	[sflag:s5] =	ssyncadd.s32 $0xFFFFC000  }
0x43d: {  	[tilespmem:s10], [sflag:$0x1] =	stream.indirect.gather [hbm4b:s4+s9], $0x80, s23, s9, $0xb8;
	[tilespmem:$0x1D000] =	vst v63  }
0x43e: {  	s23 =	simm.s32 $0x180  }
0x43f: {  	[tilespmem:s11], [sflag:$0x2] =	stream.indirect.gather [hbm4b:s4+s9], $0x80, s23, s9, $0xb8;
	[tilespmem:$0x1D000] =	vst v63  }
0x440: {  	_ =	swait.ge [sflag:s12], $0x4000  }
0x441: {  	[sflag:s12] =	ssyncset.done $0x0  }
0x442: {  	s23 =	simm.s32 $0x900;
	[sflag:s12] =	ssyncadd.s32 $0xFFFFC000  }
0x443: {  	[spmem:s2] =	stream.indirect.scatter.add.f32 [tilespmem:s10], [sflag:$0x3], $0x80, s23, s9, $0xb8;
	[tilespmem:$0x1D000] =	vst v63  }
0x444: {  	_ =	swait.ge [sflag:s5], $0x4000  }
0x445: {  	[sflag:s5] =	ssyncset.done $0x0  }
0x446: {  	[sflag:s5] =	ssyncadd.s32 $0xFFFFC000  }
0x447: {  	_ =	swait.ge [sflag:s13], $0x4000  }
0x448: {  	[sflag:s13] =	ssyncset.done $0x0  }
0x449: {  	s23 =	simm.s32 $0x980;
	[sflag:s13] =	ssyncadd.s32 $0xFFFFC000  }
0x44a: {  	[spmem:s2] =	stream.indirect.scatter.add.f32 [tilespmem:s11], [sflag:$0x3], $0x80, s23, s9, $0xb8;
	[tilespmem:$0x1D000] =	vst v63  }
0x44b: {  	_ =	swait.ge [sflag:s5], $0x4000  }
0x44c: {  	[sflag:s5] =	ssyncset.done $0x0  }
0x44d: {  	s23 =	simm.s32 $0x200;
	[sflag:s5] =	ssyncadd.s32 $0xFFFFC000  }
0x44e: {  	[tilespmem:s10], [sflag:$0x1] =	stream.indirect.gather [hbm4b:s4+s9], $0x80, s23, s9, $0xb8;
	[tilespmem:$0x1D000] =	vst v63  }
0x44f: {  	_ = 	snop  }
0x450: {  	[tilespmem:s11], [sflag:$0x2] =	stream.indirect.gather [hbm4b:s4+s9], $0x80, s3, s9, $0xb8;
	[tilespmem:$0x1D000] =	vst v63  }
0x451: {  	_ =	swait.ge [sflag:s12], $0x4000  }
0x452: {  	[sflag:s12] =	ssyncset.done $0x0  }
0x453: {  	[sflag:s12] =	ssyncadd.s32 $0xFFFFC000  }
0x454: {  	[spmem:s2] =	stream.indirect.scatter.add.f32 [tilespmem:s10], [sflag:$0x3], $0x80, s20, s9, $0xb8;
	[tilespmem:$0x1D000] =	vst v63  }
0x455: {  	_ =	swait.ge [sflag:s5], $0x4000  }
0x456: {  	[sflag:s5] =	ssyncset.done $0x0  }
0x457: {  	[sflag:s5] =	ssyncadd.s32 $0xFFFFC000  }
0x458: {  	_ =	swait.ge [sflag:s13], $0x4000  }
0x459: {  	[sflag:s13] =	ssyncset.done $0x0  }
0x45a: {  	[sflag:s13] =	ssyncadd.s32 $0xFFFFC000  }
0x45b: {  	[spmem:s2] =	stream.indirect.scatter.add.f32 [tilespmem:s11], [sflag:$0x3], $0x80, s21, s9, $0xb8;
	[tilespmem:$0x1D000] =	vst v63  }
0x45c: {  	_ =	swait.ge [sflag:s5], $0x4000  }
0x45d: {  	[sflag:s5] =	ssyncset.done $0x0  }
0x45e: {  	s23 =	simm.s32 $0x300;
	[sflag:s5] =	ssyncadd.s32 $0xFFFFC000  }
0x45f: {  	[tilespmem:s10], [sflag:$0x1] =	stream.indirect.gather [hbm4b:s4+s9], $0x80, s23, s9, $0xb8;
	[tilespmem:$0x1D000] =	vst v63  }
0x460: {  	_ = 	snop  }
0x461: {  	[tilespmem:s11], [sflag:$0x2] =	stream.indirect.gather [hbm4b:s4+s9], $0x80, s1, s9, $0xb8;
	[tilespmem:$0x1D000] =	vst v63  }
0x462: {  	_ =	swait.ge [sflag:s12], $0x4000  }
0x463: {  	[sflag:s12] =	ssyncset.done $0x0  }
0x464: {  	[sflag:s12] =	ssyncadd.s32 $0xFFFFC000  }
0x465: {  	[spmem:s2] =	stream.indirect.scatter.add.f32 [tilespmem:s10], [sflag:$0x3], $0x80, s25, s9, $0xb8;
	[tilespmem:$0x1D000] =	vst v63  }
0x466: {  	_ =	swait.ge [sflag:s5], $0x4000  }
0x467: {  	[sflag:s5] =	ssyncset.done $0x0  }
0x468: {  	[sflag:s5] =	ssyncadd.s32 $0xFFFFC000  }
0x469: {  	_ =	swait.ge [sflag:s13], $0x4000  }
0x46a: {  	[sflag:s13] =	ssyncset.done $0x0  }
0x46b: {  	[sflag:s13] =	ssyncadd.s32 $0xFFFFC000  }
0x46c: {  	[spmem:s2] =	stream.indirect.scatter.add.f32 [tilespmem:s11], [sflag:$0x3], $0x80, s26, s9, $0xb8;
	[tilespmem:$0x1D000] =	vst v63  }
0x46d: {  	_ =	swait.ge [sflag:s5], $0x4000  }
0x46e: {  	[sflag:s5] =	ssyncset.done $0x0  }
0x46f: {  	[sflag:s5] =	ssyncadd.s32 $0xFFFFC000  }
0x470: {  	[tilespmem:s10], [sflag:$0x1] =	stream.indirect.gather [hbm4b:s4+s9], $0x80, s28, s9, $0xb8;
	[tilespmem:$0x1D000] =	vst v63  }
0x471: {  	_ = 	snop  }
0x472: {  	[tilespmem:s11], [sflag:$0x2] =	stream.indirect.gather [hbm4b:s4+s9], $0x80, s29, s9, $0xb8;
	[tilespmem:$0x1D000] =	vst v63  }
0x473: {  	_ =	swait.ge [sflag:s12], $0x4000  }
0x474: {  	[sflag:s12] =	ssyncset.done $0x0  }
0x475: {  	[sflag:s12] =	ssyncadd.s32 $0xFFFFC000  }
0x476: {  	[spmem:s2] =	stream.indirect.scatter.add.f32 [tilespmem:s10], [sflag:$0x3], $0x80, s30, s9, $0xb8;
	[tilespmem:$0x1D000] =	vst v63  }
0x477: {  	_ =	swait.ge [sflag:s5], $0x4000  }
0x478: {  	[sflag:s5] =	ssyncset.done $0x0  }
0x479: {  	[sflag:s5] =	ssyncadd.s32 $0xFFFFC000  }
0x47a: {  	_ =	swait.ge [sflag:s13], $0x4000  }
0x47b: {  	[sflag:s13] =	ssyncset.done $0x0  }
0x47c: {  	[sflag:s13] =	ssyncadd.s32 $0xFFFFC000  }
0x47d: {  	[spmem:s2] =	stream.indirect.scatter.add.f32 [tilespmem:s11], [sflag:$0x3], $0x80, s31, s9, $0xb8;
	[tilespmem:$0x1D000] =	vst v63  }
0x47e: {  	_ =	swait.ge [sflag:s5], $0x4000  }
0x47f: {  	[sflag:s5] =	ssyncset.done $0x0  }
0x480: {  	[sflag:s5] =	ssyncadd.s32 $0xFFFFC000  }
0x481: {  	[tilespmem:s10], [sflag:$0x1] =	stream.indirect.gather [hbm4b:s4+s9], $0x80, s24, s9, $0xb8;
	[tilespmem:$0x1D000] =	vst v63  }
0x482: {  	_ = 	snop  }
0x483: {  	[tilespmem:s11], [sflag:$0x2] =	stream.indirect.gather [hbm4b:s4+s9], $0x80, s7, s9, $0xb8;
	[tilespmem:$0x1D000] =	vst v63  }
0x484: {  	_ =	swait.ge [sflag:s12], $0x4000  }
0x485: {  	[sflag:s12] =	ssyncset.done $0x0  }
0x486: {  	s24 =	simm.s32 $0xD00;
	[sflag:s12] =	ssyncadd.s32 $0xFFFFC000  }
0x487: {  	[spmem:s2] =	stream.indirect.scatter.add.f32 [tilespmem:s10], [sflag:$0x3], $0x80, s24, s9, $0xb8;
	[tilespmem:$0x1D000] =	vst v63  }
0x488: {  	_ =	swait.ge [sflag:s5], $0x4000  }
0x489: {  	[sflag:s5] =	ssyncset.done $0x0  }
0x48a: {  	[sflag:s5] =	ssyncadd.s32 $0xFFFFC000  }
0x48b: {  	_ =	swait.ge [sflag:s13], $0x4000  }
0x48c: {  	[sflag:s13] =	ssyncset.done $0x0  }
0x48d: {  	s6 =	simm.s32 $0xD80;
	[sflag:s13] =	ssyncadd.s32 $0xFFFFC000  }
0x48e: {  	[spmem:s2] =	stream.indirect.scatter.add.f32 [tilespmem:s11], [sflag:$0x3], $0x80, s6, s9, $0xb8;
	[tilespmem:$0x1D000] =	vst v63  }
0x48f: {  	_ =	swait.ge [sflag:s5], $0x4000  }
0x490: {  	[sflag:s5] =	ssyncset.done $0x0  }
0x491: {  	s23 =	simm.s32 $0x600;
	[sflag:s5] =	ssyncadd.s32 $0xFFFFC000  }
0x492: {  	[tilespmem:s10], [sflag:$0x1] =	stream.indirect.gather [hbm4b:s4+s9], $0x80, s23, s9, $0xb8;
	[tilespmem:$0x1D000] =	vst v63  }
0x493: {  	s7 =	simm.s32 $0x680  }
0x494: {  	[tilespmem:s11], [sflag:$0x2] =	stream.indirect.gather [hbm4b:s4+s9], $0x80, s7, s9, $0xb8;
	[tilespmem:$0x1D000] =	vst v63  }
0x495: {  	_ =	swait.ge [sflag:s12], $0x4000  }
0x496: {  	[sflag:s12] =	ssyncset.done $0x0  }
0x497: {  	s14 =	simm.s32 $0xE00;
	[sflag:s12] =	ssyncadd.s32 $0xFFFFC000  }
0x498: {  	[spmem:s2] =	stream.indirect.scatter.add.f32 [tilespmem:s10], [sflag:$0x3], $0x80, s14, s9, $0xb8;
	[tilespmem:$0x1D000] =	vst v63  }
0x499: {  	_ =	swait.ge [sflag:s5], $0x4000  }
0x49a: {  	[sflag:s5] =	ssyncset.done $0x0  }
0x49b: {  	[sflag:s5] =	ssyncadd.s32 $0xFFFFC000  }
0x49c: {  	_ =	swait.ge [sflag:s13], $0x4000  }
0x49d: {  	[sflag:s13] =	ssyncset.done $0x0  }
0x49e: {  	s15 =	simm.s32 $0xE80;
	[sflag:s13] =	ssyncadd.s32 $0xFFFFC000  }
0x49f: {  	[spmem:s2] =	stream.indirect.scatter.add.f32 [tilespmem:s11], [sflag:$0x3], $0x80, s15, s9, $0xb8;
	[tilespmem:$0x1D000] =	vst v63  }
0x4a0: {  	_ =	swait.ge [sflag:s5], $0x4000  }
0x4a1: {  	[sflag:s5] =	ssyncset.done $0x0  }
0x4a2: {  	s16 =	simm.s32 $0x700;
	[sflag:s5] =	ssyncadd.s32 $0xFFFFC000  }
0x4a3: {  	[tilespmem:s10], [sflag:$0x1] =	stream.indirect.gather [hbm4b:s4+s9], $0x80, s16, s9, $0xb8;
	[tilespmem:$0x1D000] =	vst v63  }
0x4a4: {  	s17 =	simm.s32 $0x780  }
0x4a5: {  	[tilespmem:s11], [sflag:$0x2] =	stream.indirect.gather [hbm4b:s4+s9], $0x80, s17, s9, $0xb8;
	[tilespmem:$0x1D000] =	vst v63  }
0x4a6: {  	_ =	swait.ge [sflag:s12], $0x4000  }
0x4a7: {  	[sflag:s12] =	ssyncset.done $0x0  }
0x4a8: {  	s18 =	simm.s32 $0xF00;
	[sflag:s12] =	ssyncadd.s32 $0xFFFFC000  }
0x4a9: {  	[spmem:s2] =	stream.indirect.scatter.add.f32 [tilespmem:s10], [sflag:$0x3], $0x80, s18, s9, $0xb8;
	[tilespmem:$0x1D000] =	vst v63  }
0x4aa: {  	_ =	swait.ge [sflag:s5], $0x4000  }
0x4ab: {  	[sflag:s5] =	ssyncset.done $0x0  }
0x4ac: {  	[sflag:s5] =	ssyncadd.s32 $0xFFFFC000  }
0x4ad: {  	_ =	swait.ge [sflag:s13], $0x4000  }
0x4ae: {  	[sflag:s13] =	ssyncset.done $0x0  }
0x4af: {  	s19 =	simm.s32 $0xF80;
	[sflag:s13] =	ssyncadd.s32 $0xFFFFC000  }
0x4b0: {  	[spmem:s2] =	stream.indirect.scatter.add.f32 [tilespmem:s11], [sflag:$0x3], $0x80, s19, s9, $0xb8;
	[tilespmem:$0x1D000] =	vst v63  }
0x4b1: {  	_ =	swait.ge [sflag:s5], $0x4000  }
0x4b2: {  	[sflag:s5] =	ssyncset.done $0x0  }
0x4b3: {  	s16 =	rddreg [dreg:$0xa];
	[sflag:s5] =	ssyncadd.s32 $0xFFFFC000  }
0x4b4: {  	[tilespmem:s8], [sflag:$0x3] =	stream.linear.gather [hbm4b:s16+s8], $0x800, $0x38;
	[tilespmem:$0x1D000] =	vst v63  }
0x4b5: {  	_ =	swait.ge [sflag:s5], $0x800  }
0x4b6: {  	[sflag:s5] =	ssyncset.done $0x0  }
0x4b7: {  	s17 =	rddreg [dreg:$0xb];
	[sflag:s5] =	ssyncadd.s32 $0xFFFFF800  }
0x4b8: {  	[tilespmem:s0], [sflag:$0x3] =	stream.linear.gather [hbm4b:s17+s8], $0x800, $0x38;
	[tilespmem:$0x1D000] =	vst v63  }
0x4b9: {  	_ =	swait.ge [sflag:s5], $0x800  }
0x4ba: {  	[sflag:s5] =	ssyncset.done $0x0  }
0x4bb: {  	[sflag:s5] =	ssyncadd.s32 $0xFFFFF800  }
0x4bc: {  	[tilespmem:s10], [sflag:$0x1] =	stream.indirect.gather [hbm4b:s4+s9], $0x80, s8, s9, $0xb8;
	[tilespmem:$0x1D000] =	vst v63  }
0x4bd: {  	_ = 	snop  }
0x4be: {  	[tilespmem:s11], [sflag:$0x2] =	stream.indirect.gather [hbm4b:s4+s9], $0x80, s9, s9, $0xb8;
	[tilespmem:$0x1D000] =	vst v63  }
0x4bf: {  	_ =	swait.ge [sflag:s12], $0x4000  }
0x4c0: {  	[sflag:s12] =	ssyncset.done $0x0  }
0x4c1: {  	[sflag:s12] =	ssyncadd.s32 $0xFFFFC000  }
0x4c2: {  	[spmem:s2] =	stream.indirect.scatter.add.f32 [tilespmem:s10], [sflag:$0x3], $0x80, s0, s9, $0xb8;
	[tilespmem:$0x1D000] =	vst v63  }
0x4c3: {  	_ =	swait.ge [sflag:s5], $0x4000  }
0x4c4: {  	[sflag:s5] =	ssyncset.done $0x0  }
0x4c5: {  	[sflag:s5] =	ssyncadd.s32 $0xFFFFC000  }
0x4c6: {  	_ =	swait.ge [sflag:s13], $0x4000  }
0x4c7: {  	[sflag:s13] =	ssyncset.done $0x0  }
0x4c8: {  	s18 =	simm.s32 $0x880;
	[sflag:s13] =	ssyncadd.s32 $0xFFFFC000  }
0x4c9: {  	[spmem:s2] =	stream.indirect.scatter.add.f32 [tilespmem:s11], [sflag:$0x3], $0x80, s18, s9, $0xb8;
	[tilespmem:$0x1D000] =	vst v63  }
0x4ca: {  	_ =	swait.ge [sflag:s5], $0x4000  }
0x4cb: {  	[sflag:s5] =	ssyncset.done $0x0  }
0x4cc: {  	s19 =	simm.s32 $0x100;
	[sflag:s5] =	ssyncadd.s32 $0xFFFFC000  }
0x4cd: {  	[tilespmem:s10], [sflag:$0x1] =	stream.indirect.gather [hbm4b:s4+s9], $0x80, s19, s9, $0xb8;
	[tilespmem:$0x1D000] =	vst v63  }
0x4ce: {  	s23 =	simm.s32 $0x180  }
0x4cf: {  	[tilespmem:s11], [sflag:$0x2] =	stream.indirect.gather [hbm4b:s4+s9], $0x80, s23, s9, $0xb8;
	[tilespmem:$0x1D000] =	vst v63  }
0x4d0: {  	_ =	swait.ge [sflag:s12], $0x4000  }
0x4d1: {  	[sflag:s12] =	ssyncset.done $0x0  }
0x4d2: {  	s7 =	simm.s32 $0x900;
	[sflag:s12] =	ssyncadd.s32 $0xFFFFC000  }
0x4d3: {  	[spmem:s2] =	stream.indirect.scatter.add.f32 [tilespmem:s10], [sflag:$0x3], $0x80, s7, s9, $0xb8;
	[tilespmem:$0x1D000] =	vst v63  }
0x4d4: {  	_ =	swait.ge [sflag:s5], $0x4000  }
0x4d5: {  	[sflag:s5] =	ssyncset.done $0x0  }
0x4d6: {  	[sflag:s5] =	ssyncadd.s32 $0xFFFFC000  }
0x4d7: {  	_ =	swait.ge [sflag:s13], $0x4000  }
0x4d8: {  	[sflag:s13] =	ssyncset.done $0x0  }
0x4d9: {  	s14 =	simm.s32 $0x980;
	[sflag:s13] =	ssyncadd.s32 $0xFFFFC000  }
0x4da: {  	[spmem:s2] =	stream.indirect.scatter.add.f32 [tilespmem:s11], [sflag:$0x3], $0x80, s14, s9, $0xb8;
	[tilespmem:$0x1D000] =	vst v63  }
0x4db: {  	_ =	swait.ge [sflag:s5], $0x4000  }
0x4dc: {  	[sflag:s5] =	ssyncset.done $0x0  }
0x4dd: {  	s15 =	simm.s32 $0x200;
	[sflag:s5] =	ssyncadd.s32 $0xFFFFC000  }
0x4de: {  	[tilespmem:s10], [sflag:$0x1] =	stream.indirect.gather [hbm4b:s4+s9], $0x80, s15, s9, $0xb8;
	[tilespmem:$0x1D000] =	vst v63  }
0x4df: {  	s3 =	simm.s32 $0x280  }
0x4e0: {  	[tilespmem:s11], [sflag:$0x2] =	stream.indirect.gather [hbm4b:s4+s9], $0x80, s3, s9, $0xb8;
	[tilespmem:$0x1D000] =	vst v63  }
0x4e1: {  	_ =	swait.ge [sflag:s12], $0x4000  }
0x4e2: {  	[sflag:s12] =	ssyncset.done $0x0  }
0x4e3: {  	s20 =	simm.s32 $0xA00;
	[sflag:s12] =	ssyncadd.s32 $0xFFFFC000  }
0x4e4: {  	[spmem:s2] =	stream.indirect.scatter.add.f32 [tilespmem:s10], [sflag:$0x3], $0x80, s20, s9, $0xb8;
	[tilespmem:$0x1D000] =	vst v63  }
0x4e5: {  	_ =	swait.ge [sflag:s5], $0x4000  }
0x4e6: {  	[sflag:s5] =	ssyncset.done $0x0  }
0x4e7: {  	[sflag:s5] =	ssyncadd.s32 $0xFFFFC000  }
0x4e8: {  	_ =	swait.ge [sflag:s13], $0x4000  }
0x4e9: {  	[sflag:s13] =	ssyncset.done $0x0  }
0x4ea: {  	s21 =	simm.s32 $0xA80;
	[sflag:s13] =	ssyncadd.s32 $0xFFFFC000  }
0x4eb: {  	[spmem:s2] =	stream.indirect.scatter.add.f32 [tilespmem:s11], [sflag:$0x3], $0x80, s21, s9, $0xb8;
	[tilespmem:$0x1D000] =	vst v63  }
0x4ec: {  	_ =	swait.ge [sflag:s5], $0x4000  }
0x4ed: {  	[sflag:s5] =	ssyncset.done $0x0  }
0x4ee: {  	s16 =	simm.s32 $0x300;
	[sflag:s5] =	ssyncadd.s32 $0xFFFFC000  }
0x4ef: {  	[tilespmem:s10], [sflag:$0x1] =	stream.indirect.gather [hbm4b:s4+s9], $0x80, s16, s9, $0xb8;
	[tilespmem:$0x1D000] =	vst v63  }
0x4f0: {  	s17 =	simm.s32 $0x380  }
0x4f1: {  	[tilespmem:s11], [sflag:$0x2] =	stream.indirect.gather [hbm4b:s4+s9], $0x80, s17, s9, $0xb8;
	[tilespmem:$0x1D000] =	vst v63  }
0x4f2: {  	_ =	swait.ge [sflag:s12], $0x4000  }
0x4f3: {  	[sflag:s12] =	ssyncset.done $0x0  }
0x4f4: {  	s25 =	simm.s32 $0xB00;
	[sflag:s12] =	ssyncadd.s32 $0xFFFFC000  }
0x4f5: {  	[spmem:s2] =	stream.indirect.scatter.add.f32 [tilespmem:s10], [sflag:$0x3], $0x80, s25, s9, $0xb8;
	[tilespmem:$0x1D000] =	vst v63  }
0x4f6: {  	_ =	swait.ge [sflag:s5], $0x4000  }
0x4f7: {  	[sflag:s5] =	ssyncset.done $0x0  }
0x4f8: {  	[sflag:s5] =	ssyncadd.s32 $0xFFFFC000  }
0x4f9: {  	_ =	swait.ge [sflag:s13], $0x4000  }
0x4fa: {  	[sflag:s13] =	ssyncset.done $0x0  }
0x4fb: {  	s26 =	simm.s32 $0xB80;
	[sflag:s13] =	ssyncadd.s32 $0xFFFFC000  }
0x4fc: {  	[spmem:s2] =	stream.indirect.scatter.add.f32 [tilespmem:s11], [sflag:$0x3], $0x80, s26, s9, $0xb8;
	[tilespmem:$0x1D000] =	vst v63  }
0x4fd: {  	_ =	swait.ge [sflag:s5], $0x4000  }
0x4fe: {  	[sflag:s5] =	ssyncset.done $0x0  }
0x4ff: {  	s28 =	simm.s32 $0x400;
	[sflag:s5] =	ssyncadd.s32 $0xFFFFC000  }
0x500: {  	[tilespmem:s10], [sflag:$0x1] =	stream.indirect.gather [hbm4b:s4+s9], $0x80, s28, s9, $0xb8;
	[tilespmem:$0x1D000] =	vst v63  }
0x501: {  	s29 =	simm.s32 $0x480  }
0x502: {  	[tilespmem:s11], [sflag:$0x2] =	stream.indirect.gather [hbm4b:s4+s9], $0x80, s29, s9, $0xb8;
	[tilespmem:$0x1D000] =	vst v63  }
0x503: {  	_ =	swait.ge [sflag:s12], $0x4000  }
0x504: {  	[sflag:s12] =	ssyncset.done $0x0  }
0x505: {  	s30 =	simm.s32 $0xC00;
	[sflag:s12] =	ssyncadd.s32 $0xFFFFC000  }
0x506: {  	[spmem:s2] =	stream.indirect.scatter.add.f32 [tilespmem:s10], [sflag:$0x3], $0x80, s30, s9, $0xb8;
	[tilespmem:$0x1D000] =	vst v63  }
0x507: {  	_ =	swait.ge [sflag:s5], $0x4000  }
0x508: {  	[sflag:s5] =	ssyncset.done $0x0  }
0x509: {  	[sflag:s5] =	ssyncadd.s32 $0xFFFFC000  }
0x50a: {  	_ =	swait.ge [sflag:s13], $0x4000  }
0x50b: {  	[sflag:s13] =	ssyncset.done $0x0  }
0x50c: {  	s31 =	simm.s32 $0xC80;
	[sflag:s13] =	ssyncadd.s32 $0xFFFFC000  }
0x50d: {  	[spmem:s2] =	stream.indirect.scatter.add.f32 [tilespmem:s11], [sflag:$0x3], $0x80, s31, s9, $0xb8;
	[tilespmem:$0x1D000] =	vst v63  }
0x50e: {  	_ =	swait.ge [sflag:s5], $0x4000  }
0x50f: {  	[sflag:s5] =	ssyncset.done $0x0  }
0x510: {  	s1 =	simm.s32 $0x500;
	[sflag:s5] =	ssyncadd.s32 $0xFFFFC000  }
0x511: {  	[tilespmem:s10], [sflag:$0x1] =	stream.indirect.gather [hbm4b:s4+s9], $0x80, s1, s9, $0xb8;
	[tilespmem:$0x1D000] =	vst v63  }
0x512: {  	s18 =	simm.s32 $0x580  }
0x513: {  	[tilespmem:s11], [sflag:$0x2] =	stream.indirect.gather [hbm4b:s4+s9], $0x80, s18, s9, $0xb8;
	[tilespmem:$0x1D000] =	vst v63  }
0x514: {  	_ =	swait.ge [sflag:s12], $0x4000  }
0x515: {  	[sflag:s12] =	ssyncset.done $0x0  }
0x516: {  	s23 =	simm.s32 $0xD00;
	[sflag:s12] =	ssyncadd.s32 $0xFFFFC000  }
0x517: {  	[spmem:s2] =	stream.indirect.scatter.add.f32 [tilespmem:s10], [sflag:$0x3], $0x80, s23, s9, $0xb8;
	[tilespmem:$0x1D000] =	vst v63  }
0x518: {  	_ =	swait.ge [sflag:s5], $0x4000  }
0x519: {  	[sflag:s5] =	ssyncset.done $0x0  }
0x51a: {  	[sflag:s5] =	ssyncadd.s32 $0xFFFFC000  }
0x51b: {  	_ =	swait.ge [sflag:s13], $0x4000  }
0x51c: {  	[sflag:s13] =	ssyncset.done $0x0  }
0x51d: {  	s24 =	simm.s32 $0xD80;
	[sflag:s13] =	ssyncadd.s32 $0xFFFFC000  }
0x51e: {  	[spmem:s2] =	stream.indirect.scatter.add.f32 [tilespmem:s11], [sflag:$0x3], $0x80, s24, s9, $0xb8;
	[tilespmem:$0x1D000] =	vst v63  }
0x51f: {  	_ =	swait.ge [sflag:s5], $0x4000  }
0x520: {  	[sflag:s5] =	ssyncset.done $0x0  }
0x521: {  	s15 =	simm.s32 $0x600;
	[sflag:s5] =	ssyncadd.s32 $0xFFFFC000  }
0x522: {  	[tilespmem:s10], [sflag:$0x1] =	stream.indirect.gather [hbm4b:s4+s9], $0x80, s15, s9, $0xb8;
	[tilespmem:$0x1D000] =	vst v63  }
0x523: {  	s16 =	simm.s32 $0x680  }
0x524: {  	[tilespmem:s11], [sflag:$0x2] =	stream.indirect.gather [hbm4b:s4+s9], $0x80, s16, s9, $0xb8;
	[tilespmem:$0x1D000] =	vst v63  }
0x525: {  	_ =	swait.ge [sflag:s12], $0x4000  }
0x526: {  	[sflag:s12] =	ssyncset.done $0x0  }
0x527: {  	s17 =	simm.s32 $0xE00;
	[sflag:s12] =	ssyncadd.s32 $0xFFFFC000  }
0x528: {  	[spmem:s2] =	stream.indirect.scatter.add.f32 [tilespmem:s10], [sflag:$0x3], $0x80, s17, s9, $0xb8;
	[tilespmem:$0x1D000] =	vst v63  }
0x529: {  	_ =	swait.ge [sflag:s5], $0x4000  }
0x52a: {  	[sflag:s5] =	ssyncset.done $0x0  }
0x52b: {  	[sflag:s5] =	ssyncadd.s32 $0xFFFFC000  }
0x52c: {  	_ =	swait.ge [sflag:s13], $0x4000  }
0x52d: {  	[sflag:s13] =	ssyncset.done $0x0  }
0x52e: {  	s18 =	simm.s32 $0xE80;
	[sflag:s13] =	ssyncadd.s32 $0xFFFFC000  }
0x52f: {  	[spmem:s2] =	stream.indirect.scatter.add.f32 [tilespmem:s11], [sflag:$0x3], $0x80, s18, s9, $0xb8;
	[tilespmem:$0x1D000] =	vst v63  }
0x530: {  	_ =	swait.ge [sflag:s5], $0x4000  }
0x531: {  	[sflag:s5] =	ssyncset.done $0x0  }
0x532: {  	s23 =	simm.s32 $0x700;
	[sflag:s5] =	ssyncadd.s32 $0xFFFFC000  }
0x533: {  	[tilespmem:s10], [sflag:$0x1] =	stream.indirect.gather [hbm4b:s4+s9], $0x80, s23, s9, $0xb8;
	[tilespmem:$0x1D000] =	vst v63  }
0x534: {  	s23 =	simm.s32 $0x780  }
0x535: {  	[tilespmem:s11], [sflag:$0x2] =	stream.indirect.gather [hbm4b:s4+s9], $0x80, s23, s9, $0xb8;
	[tilespmem:$0x1D000] =	vst v63  }
0x536: {  	_ =	swait.ge [sflag:s12], $0x4000  }
0x537: {  	[sflag:s12] =	ssyncset.done $0x0  }
0x538: {  	s23 =	simm.s32 $0xF00;
	[sflag:s12] =	ssyncadd.s32 $0xFFFFC000  }
0x539: {  	[spmem:s2] =	stream.indirect.scatter.add.f32 [tilespmem:s10], [sflag:$0x3], $0x80, s23, s9, $0xb8;
	[tilespmem:$0x1D000] =	vst v63  }
0x53a: {  	_ =	swait.ge [sflag:s5], $0x4000  }
0x53b: {  	[sflag:s5] =	ssyncset.done $0x0  }
0x53c: {  	[sflag:s5] =	ssyncadd.s32 $0xFFFFC000  }
0x53d: {  	_ =	swait.ge [sflag:s13], $0x4000  }
0x53e: {  	[sflag:s13] =	ssyncset.done $0x0  }
0x53f: {  	s23 =	simm.s32 $0xF80;
	[sflag:s13] =	ssyncadd.s32 $0xFFFFC000  }
0x540: {  	[spmem:s2] =	stream.indirect.scatter.add.f32 [tilespmem:s11], [sflag:$0x3], $0x80, s23, s9, $0xb8;
	[tilespmem:$0x1D000] =	vst v63  }
0x541: {  	_ =	swait.ge [sflag:s5], $0x4000  }
0x542: {  	[sflag:s5] =	ssyncset.done $0x0  }
0x543: {  	s23 =	rddreg [dreg:$0xc];
	[sflag:s5] =	ssyncadd.s32 $0xFFFFC000  }
0x544: {  	[tilespmem:s8], [sflag:$0x3] =	stream.linear.gather [hbm4b:s23+s8], $0x800, $0x38;
	[tilespmem:$0x1D000] =	vst v63  }
0x545: {  	_ =	swait.ge [sflag:s5], $0x800  }
0x546: {  	[sflag:s5] =	ssyncset.done $0x0  }
0x547: {  	s23 =	rddreg [dreg:$0xd];
	[sflag:s5] =	ssyncadd.s32 $0xFFFFF800  }
0x548: {  	[tilespmem:s0], [sflag:$0x3] =	stream.linear.gather [hbm4b:s23+s8], $0x800, $0x38;
	[tilespmem:$0x1D000] =	vst v63  }
0x549: {  	_ =	swait.ge [sflag:s5], $0x800  }
0x54a: {  	[sflag:s5] =	ssyncset.done $0x0  }
0x54b: {  	[sflag:s5] =	ssyncadd.s32 $0xFFFFF800  }
0x54c: {  	[tilespmem:s10], [sflag:$0x1] =	stream.indirect.gather [hbm4b:s4+s9], $0x80, s8, s9, $0xb8;
	[tilespmem:$0x1D000] =	vst v63  }
0x54d: {  	_ = 	snop  }
0x54e: {  	[tilespmem:s11], [sflag:$0x2] =	stream.indirect.gather [hbm4b:s4+s9], $0x80, s9, s9, $0xb8;
	[tilespmem:$0x1D000] =	vst v63  }
0x54f: {  	_ =	swait.ge [sflag:s12], $0x4000  }
0x550: {  	[sflag:s12] =	ssyncset.done $0x0  }
0x551: {  	[sflag:s12] =	ssyncadd.s32 $0xFFFFC000  }
0x552: {  	[spmem:s2] =	stream.indirect.scatter.add.f32 [tilespmem:s10], [sflag:$0x3], $0x80, s0, s9, $0xb8;
	[tilespmem:$0x1D000] =	vst v63  }
0x553: {  	_ =	swait.ge [sflag:s5], $0x4000  }
0x554: {  	[sflag:s5] =	ssyncset.done $0x0  }
0x555: {  	[sflag:s5] =	ssyncadd.s32 $0xFFFFC000  }
0x556: {  	_ =	swait.ge [sflag:s13], $0x4000  }
0x557: {  	[sflag:s13] =	ssyncset.done $0x0  }
0x558: {  	s23 =	simm.s32 $0x880;
	[sflag:s13] =	ssyncadd.s32 $0xFFFFC000  }
0x559: {  	[spmem:s2] =	stream.indirect.scatter.add.f32 [tilespmem:s11], [sflag:$0x3], $0x80, s23, s9, $0xb8;
	[tilespmem:$0x1D000] =	vst v63  }
0x55a: {  	_ =	swait.ge [sflag:s5], $0x4000  }
0x55b: {  	[sflag:s5] =	ssyncset.done $0x0  }
0x55c: {  	s23 =	simm.s32 $0x100;
	[sflag:s5] =	ssyncadd.s32 $0xFFFFC000  }
0x55d: {  	[tilespmem:s10], [sflag:$0x1] =	stream.indirect.gather [hbm4b:s4+s9], $0x80, s23, s9, $0xb8;
	[tilespmem:$0x1D000] =	vst v63  }
0x55e: {  	s23 =	simm.s32 $0x180  }
0x55f: {  	[tilespmem:s11], [sflag:$0x2] =	stream.indirect.gather [hbm4b:s4+s9], $0x80, s23, s9, $0xb8;
	[tilespmem:$0x1D000] =	vst v63  }
0x560: {  	_ =	swait.ge [sflag:s12], $0x4000  }
0x561: {  	[sflag:s12] =	ssyncset.done $0x0  }
0x562: {  	s23 =	simm.s32 $0x900;
	[sflag:s12] =	ssyncadd.s32 $0xFFFFC000  }
0x563: {  	[spmem:s2] =	stream.indirect.scatter.add.f32 [tilespmem:s10], [sflag:$0x3], $0x80, s23, s9, $0xb8;
	[tilespmem:$0x1D000] =	vst v63  }
0x564: {  	_ =	swait.ge [sflag:s5], $0x4000  }
0x565: {  	[sflag:s5] =	ssyncset.done $0x0  }
0x566: {  	[sflag:s5] =	ssyncadd.s32 $0xFFFFC000  }
0x567: {  	_ =	swait.ge [sflag:s13], $0x4000  }
0x568: {  	[sflag:s13] =	ssyncset.done $0x0  }
0x569: {  	s23 =	simm.s32 $0x980;
	[sflag:s13] =	ssyncadd.s32 $0xFFFFC000  }
0x56a: {  	[spmem:s2] =	stream.indirect.scatter.add.f32 [tilespmem:s11], [sflag:$0x3], $0x80, s23, s9, $0xb8;
	[tilespmem:$0x1D000] =	vst v63  }
0x56b: {  	_ =	swait.ge [sflag:s5], $0x4000  }
0x56c: {  	[sflag:s5] =	ssyncset.done $0x0  }
0x56d: {  	s14 =	simm.s32 $0x200;
	[sflag:s5] =	ssyncadd.s32 $0xFFFFC000  }
0x56e: {  	[tilespmem:s10], [sflag:$0x1] =	stream.indirect.gather [hbm4b:s4+s9], $0x80, s14, s9, $0xb8;
	[tilespmem:$0x1D000] =	vst v63  }
0x56f: {  	s19 =	simm.s32 $0x280  }
0x570: {  	[tilespmem:s11], [sflag:$0x2] =	stream.indirect.gather [hbm4b:s4+s9], $0x80, s19, s9, $0xb8;
	[tilespmem:$0x1D000] =	vst v63  }
0x571: {  	_ =	swait.ge [sflag:s12], $0x4000  }
0x572: {  	[sflag:s12] =	ssyncset.done $0x0  }
0x573: {  	s3 =	simm.s32 $0xA00;
	[sflag:s12] =	ssyncadd.s32 $0xFFFFC000  }
0x574: {  	[spmem:s2] =	stream.indirect.scatter.add.f32 [tilespmem:s10], [sflag:$0x3], $0x80, s3, s9, $0xb8;
	[tilespmem:$0x1D000] =	vst v63  }
0x575: {  	_ =	swait.ge [sflag:s5], $0x4000  }
0x576: {  	[sflag:s5] =	ssyncset.done $0x0  }
0x577: {  	[sflag:s5] =	ssyncadd.s32 $0xFFFFC000  }
0x578: {  	_ =	swait.ge [sflag:s13], $0x4000  }
0x579: {  	[sflag:s13] =	ssyncset.done $0x0  }
0x57a: {  	s20 =	simm.s32 $0xA80;
	[sflag:s13] =	ssyncadd.s32 $0xFFFFC000  }
0x57b: {  	[spmem:s2] =	stream.indirect.scatter.add.f32 [tilespmem:s11], [sflag:$0x3], $0x80, s20, s9, $0xb8;
	[tilespmem:$0x1D000] =	vst v63  }
0x57c: {  	_ =	swait.ge [sflag:s5], $0x4000  }
0x57d: {  	[sflag:s5] =	ssyncset.done $0x0  }
0x57e: {  	s20 =	simm.s32 $0x300;
	[sflag:s5] =	ssyncadd.s32 $0xFFFFC000  }
0x57f: {  	[tilespmem:s10], [sflag:$0x1] =	stream.indirect.gather [hbm4b:s4+s9], $0x80, s20, s9, $0xb8;
	[tilespmem:$0x1D000] =	vst v63  }
0x580: {  	s6 =	simm.s32 $0x380  }
0x581: {  	[tilespmem:s11], [sflag:$0x2] =	stream.indirect.gather [hbm4b:s4+s9], $0x80, s6, s9, $0xb8;
	[tilespmem:$0x1D000] =	vst v63  }
0x582: {  	_ =	swait.ge [sflag:s12], $0x4000  }
0x583: {  	[sflag:s12] =	ssyncset.done $0x0  }
0x584: {  	s7 =	simm.s32 $0xB00;
	[sflag:s12] =	ssyncadd.s32 $0xFFFFC000  }
0x585: {  	[spmem:s2] =	stream.indirect.scatter.add.f32 [tilespmem:s10], [sflag:$0x3], $0x80, s7, s9, $0xb8;
	[tilespmem:$0x1D000] =	vst v63  }
0x586: {  	_ =	swait.ge [sflag:s5], $0x4000  }
0x587: {  	[sflag:s5] =	ssyncset.done $0x0  }
0x588: {  	[sflag:s5] =	ssyncadd.s32 $0xFFFFC000  }
0x589: {  	_ =	swait.ge [sflag:s13], $0x4000  }
0x58a: {  	[sflag:s13] =	ssyncset.done $0x0  }
0x58b: {  	s25 =	simm.s32 $0xB80;
	[sflag:s13] =	ssyncadd.s32 $0xFFFFC000  }
0x58c: {  	[spmem:s2] =	stream.indirect.scatter.add.f32 [tilespmem:s11], [sflag:$0x3], $0x80, s25, s9, $0xb8;
	[tilespmem:$0x1D000] =	vst v63  }
0x58d: {  	_ =	swait.ge [sflag:s5], $0x4000  }
0x58e: {  	[sflag:s5] =	ssyncset.done $0x0  }
0x58f: {  	s26 =	simm.s32 $0x400;
	[sflag:s5] =	ssyncadd.s32 $0xFFFFC000  }
0x590: {  	[tilespmem:s10], [sflag:$0x1] =	stream.indirect.gather [hbm4b:s4+s9], $0x80, s26, s9, $0xb8;
	[tilespmem:$0x1D000] =	vst v63  }
0x591: {  	s28 =	simm.s32 $0x480  }
0x592: {  	[tilespmem:s11], [sflag:$0x2] =	stream.indirect.gather [hbm4b:s4+s9], $0x80, s28, s9, $0xb8;
	[tilespmem:$0x1D000] =	vst v63  }
0x593: {  	_ =	swait.ge [sflag:s12], $0x4000  }
0x594: {  	[sflag:s12] =	ssyncset.done $0x0  }
0x595: {  	s29 =	simm.s32 $0xC00;
	[sflag:s12] =	ssyncadd.s32 $0xFFFFC000  }
0x596: {  	[spmem:s2] =	stream.indirect.scatter.add.f32 [tilespmem:s10], [sflag:$0x3], $0x80, s29, s9, $0xb8;
	[tilespmem:$0x1D000] =	vst v63  }
0x597: {  	_ =	swait.ge [sflag:s5], $0x4000  }
0x598: {  	[sflag:s5] =	ssyncset.done $0x0  }
0x599: {  	[sflag:s5] =	ssyncadd.s32 $0xFFFFC000  }
0x59a: {  	_ =	swait.ge [sflag:s13], $0x4000  }
0x59b: {  	[sflag:s13] =	ssyncset.done $0x0  }
0x59c: {  	s30 =	simm.s32 $0xC80;
	[sflag:s13] =	ssyncadd.s32 $0xFFFFC000  }
0x59d: {  	[spmem:s2] =	stream.indirect.scatter.add.f32 [tilespmem:s11], [sflag:$0x3], $0x80, s30, s9, $0xb8;
	[tilespmem:$0x1D000] =	vst v63  }
0x59e: {  	_ =	swait.ge [sflag:s5], $0x4000  }
0x59f: {  	[sflag:s5] =	ssyncset.done $0x0  }
0x5a0: {  	s21 =	simm.s32 $0x500;
	[sflag:s5] =	ssyncadd.s32 $0xFFFFC000  }
0x5a1: {  	[tilespmem:s10], [sflag:$0x1] =	stream.indirect.gather [hbm4b:s4+s9], $0x80, s21, s9, $0xb8;
	[tilespmem:$0x1D000] =	vst v63  }
0x5a2: {  	s31 =	simm.s32 $0x580  }
0x5a3: {  	[tilespmem:s11], [sflag:$0x2] =	stream.indirect.gather [hbm4b:s4+s9], $0x80, s31, s9, $0xb8;
	[tilespmem:$0x1D000] =	vst v63  }
0x5a4: {  	_ =	swait.ge [sflag:s12], $0x4000  }
0x5a5: {  	[sflag:s12] =	ssyncset.done $0x0  }
0x5a6: {  	s23 =	simm.s32 $0xD00;
	[sflag:s12] =	ssyncadd.s32 $0xFFFFC000  }
0x5a7: {  	[spmem:s2] =	stream.indirect.scatter.add.f32 [tilespmem:s10], [sflag:$0x3], $0x80, s23, s9, $0xb8;
	[tilespmem:$0x1D000] =	vst v63  }
0x5a8: {  	_ =	swait.ge [sflag:s5], $0x4000  }
0x5a9: {  	[sflag:s5] =	ssyncset.done $0x0  }
0x5aa: {  	[sflag:s5] =	ssyncadd.s32 $0xFFFFC000  }
0x5ab: {  	_ =	swait.ge [sflag:s13], $0x4000  }
0x5ac: {  	[sflag:s13] =	ssyncset.done $0x0  }
0x5ad: {  	s1 =	simm.s32 $0xD80;
	[sflag:s13] =	ssyncadd.s32 $0xFFFFC000  }
0x5ae: {  	[spmem:s2] =	stream.indirect.scatter.add.f32 [tilespmem:s11], [sflag:$0x3], $0x80, s1, s9, $0xb8;
	[tilespmem:$0x1D000] =	vst v63  }
0x5af: {  	_ =	swait.ge [sflag:s5], $0x4000  }
0x5b0: {  	[sflag:s5] =	ssyncset.done $0x0  }
0x5b1: {  	s24 =	simm.s32 $0x600;
	[sflag:s5] =	ssyncadd.s32 $0xFFFFC000  }
0x5b2: {  	[tilespmem:s10], [sflag:$0x1] =	stream.indirect.gather [hbm4b:s4+s9], $0x80, s24, s9, $0xb8;
	[tilespmem:$0x1D000] =	vst v63  }
0x5b3: {  	s15 =	simm.s32 $0x680  }
0x5b4: {  	[tilespmem:s11], [sflag:$0x2] =	stream.indirect.gather [hbm4b:s4+s9], $0x80, s15, s9, $0xb8;
	[tilespmem:$0x1D000] =	vst v63  }
0x5b5: {  	_ =	swait.ge [sflag:s12], $0x4000  }
0x5b6: {  	[sflag:s12] =	ssyncset.done $0x0  }
0x5b7: {  	s16 =	simm.s32 $0xE00;
	[sflag:s12] =	ssyncadd.s32 $0xFFFFC000  }
0x5b8: {  	[spmem:s2] =	stream.indirect.scatter.add.f32 [tilespmem:s10], [sflag:$0x3], $0x80, s16, s9, $0xb8;
	[tilespmem:$0x1D000] =	vst v63  }
0x5b9: {  	_ =	swait.ge [sflag:s5], $0x4000  }
0x5ba: {  	[sflag:s5] =	ssyncset.done $0x0  }
0x5bb: {  	[sflag:s5] =	ssyncadd.s32 $0xFFFFC000  }
0x5bc: {  	_ =	swait.ge [sflag:s13], $0x4000  }
0x5bd: {  	[sflag:s13] =	ssyncset.done $0x0  }
0x5be: {  	s17 =	simm.s32 $0xE80;
	[sflag:s13] =	ssyncadd.s32 $0xFFFFC000  }
0x5bf: {  	[spmem:s2] =	stream.indirect.scatter.add.f32 [tilespmem:s11], [sflag:$0x3], $0x80, s17, s9, $0xb8;
	[tilespmem:$0x1D000] =	vst v63  }
0x5c0: {  	_ =	swait.ge [sflag:s5], $0x4000  }
0x5c1: {  	[sflag:s5] =	ssyncset.done $0x0  }
0x5c2: {  	s18 =	simm.s32 $0x700;
	[sflag:s5] =	ssyncadd.s32 $0xFFFFC000  }
0x5c3: {  	[tilespmem:s10], [sflag:$0x1] =	stream.indirect.gather [hbm4b:s4+s9], $0x80, s18, s9, $0xb8;
	[tilespmem:$0x1D000] =	vst v63  }
0x5c4: {  	s25 =	simm.s32 $0x780  }
0x5c5: {  	[tilespmem:s11], [sflag:$0x2] =	stream.indirect.gather [hbm4b:s4+s9], $0x80, s25, s9, $0xb8;
	[tilespmem:$0x1D000] =	vst v63  }
0x5c6: {  	_ =	swait.ge [sflag:s12], $0x4000  }
0x5c7: {  	[sflag:s12] =	ssyncset.done $0x0  }
0x5c8: {  	s26 =	simm.s32 $0xF00;
	[sflag:s12] =	ssyncadd.s32 $0xFFFFC000  }
0x5c9: {  	[spmem:s2] =	stream.indirect.scatter.add.f32 [tilespmem:s10], [sflag:$0x3], $0x80, s26, s9, $0xb8;
	[tilespmem:$0x1D000] =	vst v63  }
0x5ca: {  	_ =	swait.ge [sflag:s5], $0x4000  }
0x5cb: {  	[sflag:s5] =	ssyncset.done $0x0  }
0x5cc: {  	[sflag:s5] =	ssyncadd.s32 $0xFFFFC000  }
0x5cd: {  	_ =	swait.ge [sflag:s13], $0x4000  }
0x5ce: {  	[sflag:s13] =	ssyncset.done $0x0  }
0x5cf: {  	s28 =	simm.s32 $0xF80;
	[sflag:s13] =	ssyncadd.s32 $0xFFFFC000  }
0x5d0: {  	[spmem:s2] =	stream.indirect.scatter.add.f32 [tilespmem:s11], [sflag:$0x3], $0x80, s28, s9, $0xb8;
	[tilespmem:$0x1D000] =	vst v63  }
0x5d1: {  	_ =	swait.ge [sflag:s5], $0x4000  }
0x5d2: {  	[sflag:s5] =	ssyncset.done $0x0  }
0x5d3: {  	[sflag:s5] =	ssyncadd.s32 $0xFFFFC000  }
0x5d4: {  	p0 =	sne.s32 s22, $0x1;
	[bflag:$0x0] =	sbarrier.arrive $0xFFFF  }
.Ltmp1:
0x5d5: {  	s29 =	rddreg [dreg:$0xe];
	(pc) =	sbr.rel @p0 .LBB2_1-.Ltmp1, $4  }
0x5d6: {  	s30 =	rddreg [dreg:$0x11]  }
0x5d7: {  	s31 =	rddreg [dreg:$0x10]  }
0x5d8: {  	[hbm:s29], [sflag:s31] =	dma.local [spmem:s30], $0x2800  }
0x5d9: {  	s22 =	sadd.s32 $0xFFFFFFFF, s22;
	_ =	swait.ge [sflag:s5], $0x2800  }
.LBB2_2:
0x5da: {  	[sflag:s5] =	ssyncset.done $0x0  }
0x5db: {  	[sflag:s5] =	ssyncadd.s32 $0xFFFFD800  }
0x5dc: {  	_ =	sfence.sel $0x180000  }
0x5dd: {  	[bflag:$0x0] =	sbarrier.arrive $0xFFFF  }
0x5de: {  	_ =	strace $0x9000004A  }
0x5df: {  	s0 =	stileid.u32;
	[bflag:$0x2] =	sbarrier.arrive $0xFFFF  }
0x5e0: {  	p0 =	sne.s32 s0, $0x0;
	s0 =	rddreg [dreg:$0x3]  }
0x5e1: {  	s0 =	sadd.s32 @!p0 $0x100000, s0  }
0x5e2: {  	[sflag:s0] =	ssyncadd.tile.s32 @!p0 $0x1;
	_ =	shalt  }
.Lfunc_end2:
_tile_overlayer_lowered:
.L_overlay_start_2:
0x5e3: {  	(tag) =	ssettag $0x2  }
0x5e4: {  	s0 =	rddreg [dreg:$0x0];
	s2 =	stileid.u32  }
0x5e5: {  	s1 =	rddreg [dreg:$0x1];
	p0 =	sne.s32 s2, $0x0  }
0x5e6: {  	s3 =	rddreg [dreg:$0x2];
	[bflag:$0x3] =	sbarrier.arrive $0xFFFF;
	s2 =	simm.s32 @!p0 $0x1C03  }
0x5e7: {  	[timem:s3], [sflag:s2] =	dma.local @!p0 [hbm:s0], s1  }
0x5e8: {  	s0 =	simm.s32 @!p0 $0x3  }
0x5e9: {  	_ =	swait.ge @!p0 [sflag:s0], s1  }
0x5ea: {  	s1 =	ssub.s32 @!p0 $0x0, s1;
	[sflag:s0] =	ssyncset.done @!p0 $0x0  }
0x5eb: {  	[sflag:s0] =	ssyncadd.s32 @!p0 s1  }
0x5ec: {  	[bflag:$0x3] =	sbarrier.arrive $0xFFFF  }
0x5ed: {  	_ =	shalt  }

// kernel: kernel.7.cloned.1.call-start
scs
__scs_entry_jumppad:
0x0: {  	(pc) =	sbr.rel $0x88, $3  }
0x1: {  	(tag) =	ssettag $0x0;
	lr =	simm.s32 $0x1  }
0x2: {  	[smem:$0x3F9B] =	sst lr;
	_ =	strace $0xD0000000  }
0x3: {  	_ = 	snop  }
0x4: {  	_ = 	snop  }
0x5: {  	_ = 	snop  }
0x6: {  	_ = 	snop  }
0x7: {  	_ = 	snop  }
__scs_overlays_trampoline_lowered:
0x8: {  	[smem:$0x3FAA] =	sst s0  }
0x9: {  	[smem:$0x3FAB] =	sst s1  }
0xa: {  	[smem:$0x3FAC] =	sst s2  }
0xb: {  	[smem:$0x3FAD] =	sst s3  }
0xc: {  	[smem:$0x3FAE] =	sst s4  }
0xd: {  	[smem:$0x3FAF] =	sst s5  }
0xe: {  	[smem:$0x3FB0] =	sst s6  }
0xf: {  	[smem:$0x3FB1] =	sst s7  }
0x10: {  	[smem:$0x3FB2] =	sst s8  }
0x11: {  	[smem:$0x3FB3] =	sst s9;
	s0 =	simm.s32 @!p0 $0x0  }
0x12: {  	s1 =	sld [smem:$0x3F99];
	s0 =	simm.s32 @p0 $0x1  }
0x13: {  	[smem:$0x3FB4] =	sst s0;
	s0 =	simm.s32 @!p1 $0x0  }
0x14: {  	s2 =	sld [smem:$0x3F98];
	s0 =	simm.s32 @p1 $0x1  }
0x15: {  	[smem:$0x3FB5] =	sst s0;
	s0 =	simm.s32 @!p2 $0x0  }
0x16: {  	s3 =	sld [smem:$0x3FDB];
	s0 =	simm.s32 @p2 $0x1  }
0x17: {  	s4 =	simm.s32 $0x1BF5;
	[smem:$0x3FB7] =	sst s0  }
0x18: {  	s0 =	sld [smem:$0x3F9A];
	_ =	swait.ge [sflag:s4], $0x0  }
0x19: {  	s7 =	sld [smem:$0x3F9B]  }
0x1a: {  	s8 =	sadd.s32 $0xFFFFE003, lr  }
0x1b: {  	s9 =	sadd.s32 $0xFFFFFEF7, lr;
	s5 =	simm.s32 $0xFFFFFFFF;
	p2 =	slt.u32 s8, $0xFFFFF086  }
0x1c: {  	p1 =	slt.u32 s9, $0xF7A;
	s5 =	simm.s32 @!p2 $0x0  }
0x1d: {  	s5 =	simm.s32 @p1 $0x1;
	p0 =	seq.s32 s7, s2  }
0x1e: {  	s7 =	smul.u32 @!p0 $0xF7A, s2;
	p2 =	seq.s32 @!p0 s5, $0x0  }
0x1f: {  	s9 =	smul.u32 $0xF7A, s1;
	s8 =	simm.s32 @!p0 $0x1BF5;
	p2 =	por !p2, p0  }
0x20: {  	[sflag:s8] =	ssyncset.s32 @!p0 $0xFFFFF086;
	s6 =	sadd.s32 @!p0 s3, s7;
	s7 =	simm.s32 @!p0 $0x108  }
0x21: {  	s3 =	sadd.s32 s3, s9;
	s6 =	sadd.s32 @!p0 $0x88, s6;
	s7 =	simm.s32 @p2 $0x1082  }
0x22: {  	[simem:s7], [sflag:s8] =	dma.local @!p0 [hbm:s6], $0xF7A  }
0x23: {  	s9 =	sor.u32 $0xD0000000, s2;
	s6 =	simm.s32 $0x108;
	_ =	swait.ge @!p0 [sflag:s8], $0x0  }
0x24: {  	s3 =	sadd.s32 $0x88, s3;
	s6 =	simm.s32 @!p1 $0x1082;
	[sflag:s4] =	ssyncset.s32 $0xFFFFF086  }
0x25: {  	[simem:s6], [sflag:s4] =	dma.local [hbm:s3], $0xF7A  }
0x26: {  	[smem:$0x3F9B] =	sst s1;
	(tag) =	ssettag s2;
	_ =	strace s9  }
0x27: {  	s1 =	sld [smem:$0x3FAB]  }
0x28: {  	s2 =	sld [smem:$0x3FAC]  }
0x29: {  	s4 =	sld [smem:$0x3FAE]  }
0x2a: {  	p0 =	seq.s32 s5, $0x0;
	s5 =	sld [smem:$0x3FAF]  }
0x2b: {  	s6 =	sld [smem:$0x3FB0]  }
0x2c: {  	s7 =	sld [smem:$0x3FB1]  }
0x2d: {  	s3 =	simm.s32 $0x108;
	s8 =	sld [smem:$0x3FB2]  }
0x2e: {  	s3 =	simm.s32 @!p0 $0x1082;
	s9 =	sld [smem:$0x3FB3]  }
0x2f: {  	lr =	sadd.s32 s0, s3;
	s0 =	sld [smem:$0x3FAA]  }
0x30: {  	s3 =	sld [smem:$0x3FAD]  }
0x31: {  	[smem:$0x3FB6] =	sst s10  }
0x32: {  	s10 =	sld [smem:$0x3FB4];
	_ =	sdelay $0x3  }
0x33: {  	p0 =	seq.s32 s10, $0x1;
	s10 =	sld [smem:$0x3FB6];
	_ =	sdelay $0x3  }
0x34: {  	[smem:$0x3FB6] =	sst s10  }
0x35: {  	s10 =	sld [smem:$0x3FB5];
	_ =	sdelay $0x3  }
0x36: {  	p1 =	seq.s32 s10, $0x1;
	s10 =	sld [smem:$0x3FB6];
	_ =	sdelay $0x3  }
0x37: {  	[smem:$0x3FB6] =	sst s10  }
0x38: {  	s10 =	sld [smem:$0x3FB7]  }
0x39: {  	_ = 	snop;
	(pc) =	sbr.ind lr, $3  }
0x3a: {  	_ = 	snop  }
0x3b: {  	_ = 	snop  }
0x3c: {  	p2 =	seq.s32 s10, $0x1;
	s10 =	sld [smem:$0x3FB6]  }
0x3d: {  	_ =	shalt  }
0x3e: {  	_ =	shalt  }
0x3f: {  	_ =	shalt  }
0x40: {  	_ =	shalt  }
0x41: {  	_ =	shalt  }
0x42: {  	_ =	shalt  }
0x43: {  	_ =	shalt  }
0x44: {  	_ =	shalt  }
0x45: {  	_ =	shalt  }
0x46: {  	_ =	shalt  }
0x47: {  	_ =	shalt  }
0x48: {  	_ =	shalt  }
0x49: {  	_ =	shalt  }
0x4a: {  	_ =	shalt  }
0x4b: {  	_ =	shalt  }
0x4c: {  	_ =	shalt  }
0x4d: {  	_ =	shalt  }
0x4e: {  	_ =	shalt  }
0x4f: {  	_ =	shalt  }
0x50: {  	_ =	shalt  }
0x51: {  	_ =	shalt  }
0x52: {  	_ =	shalt  }
0x53: {  	_ =	shalt  }
0x54: {  	_ =	shalt  }
0x55: {  	_ =	shalt  }
0x56: {  	_ =	shalt  }
0x57: {  	_ =	shalt  }
0x58: {  	_ =	shalt  }
0x59: {  	_ =	shalt  }
0x5a: {  	_ =	shalt  }
0x5b: {  	_ =	shalt  }
0x5c: {  	_ =	shalt  }
0x5d: {  	_ =	shalt  }
0x5e: {  	_ =	shalt  }
0x5f: {  	_ =	shalt  }
0x60: {  	_ =	shalt  }
0x61: {  	_ =	shalt  }
0x62: {  	_ =	shalt  }
0x63: {  	_ =	shalt  }
0x64: {  	_ =	shalt  }
0x65: {  	_ =	shalt  }
0x66: {  	_ =	shalt  }
0x67: {  	_ =	shalt  }
0x68: {  	_ =	shalt  }
0x69: {  	_ =	shalt  }
0x6a: {  	_ =	shalt  }
0x6b: {  	_ =	shalt  }
0x6c: {  	_ =	shalt  }
0x6d: {  	_ =	shalt  }
0x6e: {  	_ =	shalt  }
0x6f: {  	_ =	shalt  }
0x70: {  	_ =	shalt  }
0x71: {  	_ =	shalt  }
0x72: {  	_ =	shalt  }
0x73: {  	_ =	shalt  }
0x74: {  	_ =	shalt  }
0x75: {  	_ =	shalt  }
0x76: {  	_ =	shalt  }
0x77: {  	_ =	shalt  }
0x78: {  	_ =	shalt  }
0x79: {  	_ =	shalt  }
0x7a: {  	_ =	shalt  }
0x7b: {  	_ =	shalt  }
0x7c: {  	_ =	shalt  }
0x7d: {  	_ =	shalt  }
0x7e: {  	_ =	shalt  }
0x7f: {  	_ =	shalt  }
0x80: {  	_ =	shalt  }
0x81: {  	_ =	shalt  }
0x82: {  	_ =	shalt  }
0x83: {  	_ =	shalt  }
0x84: {  	_ =	shalt  }
0x85: {  	_ =	shalt  }
0x86: {  	_ =	shalt  }
0x87: {  	_ =	shalt  }
.Lfunc_end0:
.L_simem_size_0:
called_computation_lowered:
.L_overlay_start_0:
0x88: {  	s2 =	sld [smem:$0x3FD9]  }
0x89: {  	s3 =	sld [smem:$0x3FFE];
	_ =	sdelay $0x1  }
0x8a: {  	s1 =	srdreg.scid  }
0x8b: {  	s0 =	sand.u32 $0x1, s1  }
0x8c: {  	s16 =	sshll.u32 s0, $0xA;
	s2 =	sadd.s32 s3, s2  }
0x8d: {  	s2 =	sadd.s32 s2, s16  }
0x8e: {  	[smem:$0x3FC2] =	sst s2  }
0x8f: {  	_ = 	snop  }
0x90: {  	(tm) =	ssettm $0x1  }
0x91: {  	s17 =	sld [smem:$0x3FFB];
	_ =	sdelay $0x3  }
0x92: {  	_ =	strace s17  }
0x93: {  	s2 =	sld [smem:$0x3FFC];
	_ =	sdelay $0x3  }
0x94: {  	_ =	strace s2  }
0x95: {  	s2 =	sld [smem:$0x3FFD];
	_ =	sdelay $0x3  }
0x96: {  	_ =	strace s2  }
0x97: {  	_ =	strace $0x8FFFFFFF  }
0x98: {  	s18 =	sld [smem:$0x3FDB];
	_ =	sdelay $0x1  }
0x99: {  	s19 =	simm.s32 $_scs_section_size  }
0x9a: {  	s4 =	simm.s32 $_size__tile_overlayer_lowered;
	s5 =	simm.s32 $_tile_overlayer_lowered  }
0x9b: {  	s22 =	simm.s32 $0x1BFF;
	s21 =	sshll.u32 s5, $0x1;
	s2 =	sadd.s32 s19, s18  }
0x9c: {  	s6 =	simm.s32 $0x0;
	s20 =	sshll.u32 s4, $0x1;
	s4 =	sadd.s32 s21, s2  }
0x9d: {  	[timem:s6], [sflag:s22] =	dma.local [hbm:s4], s20  }
0x9e: {  	_ =	swait.ge [sflag:s22], s20  }
0x9f: {  	s3 =	ssub.s32 $0x0, s20;
	[sflag:s22] =	ssyncset.done $0x0  }
0xa0: {  	[sflag:s22] =	ssyncadd.s32 s3;
	_ =	sdelay $0x1  }
0xa1: {  	s23 =	simm.s32 $0x1B8B  }
0xa2: {  	_ =	swait.ge [sflag:s23], $0x1  }
0xa3: {  	[sflag:s23] =	ssyncset.done $0x0  }
0xa4: {  	s25 =	simm.s32 $0x1B8E;
	s24 =	sld [smem:$0x3FFE];
	[sflag:s23] =	ssyncadd.s32 $0xFFFFFFFF  }
0xa5: {  	s26 =	simm.s32 $execute0_lowered;
	[smem:$0x3FD2] =	sst s25  }
0xa6: {  	s4 =	sshll.u32 s26, $0x1;
	_ =	strace $0x80000046;
	[dreg:$0x1] =	wrdreg $0xFFFFFFFF  }
0xa7: {  	s28 =	simm.s32 $_size_execute0_lowered;
	s2 =	sadd.s32 s2, s4;
	[dreg:$0x0] =	wrdreg $0x0  }
0xa8: {  	s4 =	sshll.u32 s28, $0x1;
	[dreg:$0x2] =	wrdreg s2  }
0xa9: {  	[dreg:$0x3] =	wrdreg s4  }
0xaa: {  	[dreg:$0x4] =	wrdreg $0xC0  }
0xab: {  	_ =	task [dreg:s6], $0x5FFFF  }
0xac: {  	[dreg:$0x1] =	wrdreg $0xFFFFFFFF  }
0xad: {  	[dreg:$0x0] =	wrdreg $0x60  }
0xae: {  	[dreg:$0x2] =	wrdreg s24  }
0xaf: {  	[dreg:$0x3] =	wrdreg $0x9  }
0xb0: {  	_ =	task.clear_ibuf [dreg:s6], $0x4FFFF;
	_ =	strace $0x90000046  }
0xb1: {  	s29 =	simm.s32 $0x9;
	_ =	strace $0x80000048  }
0xb2: {  	_ =	swait.ge [sflag:s29], $0x1  }
0xb3: {  	[sflag:s29] =	ssyncadd.s32 $0xFFFFFFFF  }
0xb4: {  	_ =	strace $0x90000048  }
0xb5: {  	_ =	sfence  }
0xb6: {  	s30 =	sld [smem:$0x0];
	_ =	sdelay $0x2  }
0xb7: {  	s31 =	sshll.u32 s1, $0xD;
	s1 =	sshrl.u32 s1, $0x2  }
0xb8: {  	s3 =	sand.u32 $0x4000, s31;
	s1 =	sadd.s32 s1, s30  }
0xb9: {  	s0 =	sor.u32 s3, s0;
	s1 =	sshll.u32 s1, $0x11  }
0xba: {  	s0 =	sor.u32 s1, s0  }
0xbb: {  	s0 =	sadd.s32 $0x8F2B, s0  }
0xbc: {  	[sflag:s0] =	ssyncadd.remote.s32 $0x1  }
0xbd: {  	_ =	sfence.sel $0xFFFF  }
0xbe: {  	[dreg:$0x0] =	wrdreg $0xFFFFFFFF;
	(pc) =	sbr.abs _section_cstart, $3  }
0xbf: {  	[dreg:$0x1] =	wrdreg $0xFFFFFFFF  }
0xc0: {  	_ =	task.clear_ibuf [dreg:s6], $0x2FFFF;
	_ =	strace $0x9FFFFFFF  }
0xc1: {  	(tm) =	ssettm $0x7FFFFFFF  }
tec
execute0_lowered:
.L_overlay_start_1:
0x0: {  	(tag) =	ssettag $0x1  }
0x1: {  	s0 =	srdreg.scid  }
0x2: {  	s4 =	sand.u32 $0x1, s0  }
0x3: {  	s0 =	stileid.u32;
	s1 =	sshll.u32 s4, $0x4  }
0x4: {  	s5 =	rddreg [dreg:$0x0];
	s1 =	sor.u32 s0, s1  }
0x5: {  	s3 =	simm.s32 $0x0;
	s7 =	ssub.s32 $0x2, s4;
	s2 =	smul.u32 $0x2800, s1  }
0x6: {  	[smem:$0x7FF] =	sst s3;
	s4 =	sadd.s32 $0xB600, s5;
	s8 =	sshrl.u32 s7, $0x1  }
0x7: {  	s1 =	rddreg [dreg:$0x1];
	_ =	strace $0x80000047;
	s6 =	sshrl.u32 s2, $0x3  }
0x8: {  	s7 =	ssub.s32 s7, s8;
	s8 =	simm.s32 $0x0;
	s6 =	sadd.s32 s6, s5  }
0x9: {  	v0 =	vimm.f32 $0.0e+00;
	v1 =	vimm.f32 $1.000000000e+00;
	s5 =	sadd.s32 $0x1600, s6;
	s6 =	smax.u32 s7, $0x1;
	s7 =	simm.s32 $0x1  }
.LBB2_1:
0xa: {  	[tilespmem:s3], [sflag:$0x1] =	stream.linear.gather [hbm4b:s5+s3], $0x2800, $0x38;
	[tilespmem:$0x5000] =	vst v63  }
0xb: {  	_ =	swait.ge [sflag:s7], $0x2800  }
0xc: {  	[sflag:s7] =	ssyncset.done $0x0  }
0xd: {  	s9 =	simm.s32 $0x40;
	s10 =	simm.s32 $0x0;
	[sflag:s7] =	ssyncadd.s32 $0xFFFFD800  }
.LBB2_2:
0xe: {  	p0 =	sne.s32 s9, $0x9FC0;
	[tilespmem:s10+$0x2800] =	vst v0;
	s10 =	smov.u32 s9;
	s9 =	sadd.s32 $0x40, s9  }
.Ltmp0:
0xf: {  	(pc) =	sbr.rel @p0 .LBB2_2-.Ltmp0, $2  }
0x10: {  	_ =	sdelay $0x2  }
0x11: {  	s10 =	sshra.s32 s10, $0x2  }
0x12: {  	[tilespmem:s10+$0x2800] =	vst v0;
	s10 =	simm.s32 $0x0;
	s11 =	simm.s32 $0x0  }
.LBB2_4:
0x13: {  	s12 =	sshra.s32 s11, $0x2  }
0x14: {  	v2 =	vld [tilespmem:s12+$0x0];
	_ =	sdelay $0x6  }
0x15: {  	s9 =	simm.s32 $0x2800  }
0x16: {  	[tilespmem:v2+s9+$0x0] =	vst.idx.add.f32.msk $0xffff, v1  }
0x17: {  	v2 =	vld [tilespmem:s12+$0x10];
	_ =	sdelay $0x7  }
0x18: {  	[tilespmem:v2+s9+$0x0] =	vst.idx.add.f32.msk $0xffff, v1  }
0x19: {  	v2 =	vld [tilespmem:s12+$0x20];
	_ =	sdelay $0x7  }
0x1a: {  	[tilespmem:v2+s9+$0x0] =	vst.idx.add.f32.msk $0xffff, v1  }
0x1b: {  	v2 =	vld [tilespmem:s12+$0x30];
	_ =	sdelay $0x7  }
0x1c: {  	[tilespmem:v2+s9+$0x0] =	vst.idx.add.f32.msk $0xffff, v1  }
0x1d: {  	v2 =	vld [tilespmem:s12+$0x40];
	_ =	sdelay $0x7  }
0x1e: {  	[tilespmem:v2+s9+$0x0] =	vst.idx.add.f32.msk $0xffff, v1  }
0x1f: {  	v2 =	vld [tilespmem:s12+$0x50];
	_ =	sdelay $0x7  }
0x20: {  	[tilespmem:v2+s9+$0x0] =	vst.idx.add.f32.msk $0xffff, v1  }
0x21: {  	v2 =	vld [tilespmem:s12+$0x60];
	_ =	sdelay $0x7  }
0x22: {  	[tilespmem:v2+s9+$0x0] =	vst.idx.add.f32.msk $0xffff, v1  }
0x23: {  	v2 =	vld [tilespmem:s12+$0x70];
	_ =	sdelay $0x2  }
0x24: {  	p0 =	sne.s32 s11, $0x9E00  }
.Ltmp1:
0x25: {  	_ = 	snop;
	(pc) =	sbr.rel @p0 .LBB2_4-.Ltmp1, $2  }
0x26: {  	_ =	sdelay $0x2  }
0x27: {  	s11 =	sadd.s32 $0x200, s11;
	[tilespmem:v2+s9+$0x0] =	vst.idx.add.f32.msk $0xffff, v1  }
0x28: {  	s11 =	sand.u32 $0x3C00, s10  }
0x29: {  	s12 =	sand.u32 $0x380, s10;
	s11 =	sadd.s32 s2, s11  }
0x2a: {  	s28 =	sadd.s32 $0x80, s10;
	s11 =	sor.u32 s12, s11  }
0x2b: {  	s29 =	sand.u32 $0x3C00, s28;
	s11 =	sshrl.u32 s11, $0x3  }
0x2c: {  	s31 =	sand.u32 $0x380, s28;
	s30 =	sadd.s32 s2, s29;
	s11 =	sadd.s32 s4, s11  }
0x2d: {  	[hbm4b:s11+s3] =	stream.linear.scatter [tilespmem:s9], [sflag:$0x1], $0x80, $0x38;
	[tilespmem:$0x5000] =	vst v63  }
0x2e: {  	s10 =	sadd.s32 $0x80, s28;
	s11 =	sor.u32 s31, s30;
	_ =	swait.ge [sflag:s7], $0x80  }
0x2f: {  	s9 =	sadd.s32 $0x80, s9;
	s11 =	sshrl.u32 s11, $0x3;
	[sflag:s7] =	ssyncset.done $0x0  }
.LBB2_6:
0x30: {  	s12 =	sand.u32 $0x3C00, s10  }
0x31: {  	s11 =	sadd.s32 s4, s11;
	[sflag:s7] =	ssyncadd.s32 $0xFFFFFF80;
	p0 =	sne.s32 s10, $0x2780  }
0x32: {  	[hbm4b:s11+s3] =	stream.linear.scatter [tilespmem:s9], [sflag:$0x1], $0x80, $0x38;
	[tilespmem:$0x5000] =	vst v63  }
.Ltmp2:
0x33: {  	_ = 	snop;
	(pc) =	sbr.rel @p0 .LBB2_6-.Ltmp2, $4  }
0x34: {  	s11 =	sadd.s32 s2, s12;
	s12 =	sand.u32 $0x380, s10  }
0x35: {  	s11 =	sor.u32 s12, s11  }
0x36: {  	s9 =	sadd.s32 $0x80, s9;
	s11 =	sshrl.u32 s11, $0x3;
	_ =	swait.ge [sflag:s7], $0x80  }
0x37: {  	s10 =	sadd.s32 $0x80, s10;
	[sflag:s7] =	ssyncset.done $0x0  }
0x38: {  	s8 =	sadd.s32 $0x1, s8  }
0x39: {  	p0 =	sne.s32 s8, s6  }
.Ltmp3:
0x3a: {  	s10 =	sadd.s32 s4, s11;
	[sflag:s7] =	ssyncadd.s32 $0xFFFFFF80;
	(pc) =	sbr.rel @p0 .LBB2_1-.Ltmp3, $4  }
0x3b: {  	[hbm4b:s10+s3] =	stream.linear.scatter [tilespmem:s9], [sflag:$0x1], $0x80, $0x38;
	[tilespmem:$0x5000] =	vst v63  }
0x3c: {  	_ =	swait.ge [sflag:s7], $0x80  }
0x3d: {  	[sflag:s7] =	ssyncset.done $0x0  }
0x3e: {  	[sflag:s7] =	ssyncadd.s32 $0xFFFFFF80  }
0x3f: {  	_ =	sfence.sel $0x180000  }
0x40: {  	[bflag:$0x0] =	sbarrier.arrive $0xFFFF  }
0x41: {  	p0 =	sne.s32 s0, $0x0;
	_ =	strace $0x90000047  }
0x42: {  	s0 =	sadd.s32 @!p0 $0x100000, s1;
	[bflag:$0x2] =	sbarrier.arrive $0xFFFF  }
0x43: {  	[sflag:s0] =	ssyncadd.tile.s32 @!p0 $0x1;
	_ =	shalt  }
.Lfunc_end2:
_tile_overlayer_lowered:
.L_overlay_start_2:
0x44: {  	(tag) =	ssettag $0x2  }
0x45: {  	s0 =	rddreg [dreg:$0x0];
	s2 =	stileid.u32  }
0x46: {  	s1 =	rddreg [dreg:$0x1];
	p0 =	sne.s32 s2, $0x0  }
0x47: {  	s3 =	rddreg [dreg:$0x2];
	[bflag:$0x3] =	sbarrier.arrive $0xFFFF;
	s2 =	simm.s32 @!p0 $0x1C01  }
0x48: {  	[timem:s3], [sflag:s2] =	dma.local @!p0 [hbm:s0], s1  }
0x49: {  	s0 =	simm.s32 @!p0 $0x1  }
0x4a: {  	_ =	swait.ge @!p0 [sflag:s0], s1  }
0x4b: {  	s1 =	ssub.s32 @!p0 $0x0, s1;
	[sflag:s0] =	ssyncset.done @!p0 $0x0  }
0x4c: {  	[sflag:s0] =	ssyncadd.s32 @!p0 s1  }
0x4d: {  	[bflag:$0x3] =	sbarrier.arrive $0xFFFF  }
0x4e: {  	_ =	shalt  }

</sc_bundles>
